<compile_context>
chip_gen: v7x
topology: tpu7x:2x2x1
jax: 0.10.2.dev20260603
libtpu: 0.0.44.dev20260713+nightly
codegen_flags: <defaults>
</compile_context>

<pallas_src>
import functools

import jax
import jax.numpy as jnp
from jax import lax
from jax.experimental import pallas as pl
from jax.experimental.pallas import tpu as pltpu
from jax.experimental.pallas import tpu_sc as plsc

BATCH = 16384
NUM_FIELDS = 26
EMBED_DIM = 32
VOCAB = 1000000
TOTAL = BATCH * NUM_FIELDS
NC = 2
NS = 16
NW = NC * NS

_mesh = plsc.VectorSubcoreMesh(core_axis_name="c", subcore_axis_name="s")


CH = 512
C_PER_W = 61
V_MAIN = NW * C_PER_W * CH
NBUF_T = 4


@functools.partial(
    pl.kernel,
    out_type=jax.ShapeDtypeStruct((VOCAB // 4, 128), jnp.float32),
    mesh=_mesh,
    scratch_types=[
        pltpu.VMEM((NBUF_T, 4, 32, 128), jnp.float32),
        pltpu.VMEM((2, 128, 128), jnp.float32),
        pltpu.SemaphoreType.DMA,
        pltpu.SemaphoreType.DMA,
    ],
    compiler_params=pltpu.CompilerParams(
        use_tc_tiling_on_sc=True, needs_layout_passes=False
    ),
)
def _table_transpose(tt_hbm, tail_hbm, tp_hbm, src, dst, rsem, wsem):
    wid = lax.axis_index("s") * NC + lax.axis_index("c")
    c0 = wid * C_PER_W

    iota = lax.iota(jnp.int32, 16)

    def rd(ci, b):
        v0 = pl.multiple_of(ci * CH, 128)
        for s in range(4):
            pltpu.async_copy(
                tt_hbm.at[:, pl.ds(v0 + 128 * s, 128)], src.at[b, s], rsem
            )

    def drain_rd():
        for s in range(4):
            pltpu.make_async_copy(
                tt_hbm.at[:, pl.ds(0, 128)], src.at[0, s], rsem
            ).wait()

    def wr(ci, db):
        return pltpu.async_copy(
            dst.at[db],
            tp_hbm.at[pl.ds(pl.multiple_of(ci * (CH // 4), 8), CH // 4)],
            wsem,
        )

    idx_d01 = [iota, iota + 16]

    def transpose_many(src_sss, dst_b, rbs):
        def tbody(t, _):
            pv = (iota + t) & 15
            rowp = lax.shift_right_logical(pv, 2)
            lanep = lax.shift_left(pv & 3, 5) + iota
            lanes = [lanep, lanep + 16]
            idx_vs = [pv + 16 * k for k in range(8)]
            for src_ss, rb in zip(src_sss, rbs):
                rows = [rowp + (rb + 4 * k) for k in range(8)]
                for db in range(2):
                    for k in range(8):
                        g = plsc.load_gather(
                            src_ss, [idx_d01[db], idx_vs[k]]
                        )
                        plsc.store_scatter(dst_b, [rows[k], lanes[db]], g)
            return 0

        lax.fori_loop(0, 16, tbody, 0)

    for k in range(NBUF_T - 1):
        rd(c0 + k, k)

    def body(i, _):
        b = lax.rem(i, NBUF_T)
        db = lax.rem(i, 2)

        @pl.when(i + NBUF_T - 1 < C_PER_W)
        def _():
            rd(c0 + i + NBUF_T - 1, lax.rem(i + NBUF_T - 1, NBUF_T))

        drain_rd()

        @pl.when(i >= 2)
        def _():
            pltpu.make_async_copy(
                dst.at[db], tp_hbm.at[pl.ds(0, CH // 4)], wsem
            ).wait()

        transpose_many(
            [src.at[b, s] for s in range(4)],
            dst.at[db],
            [32 * s for s in range(4)],
        )
        wr(c0 + i, db)
        return 0

    lax.fori_loop(0, C_PER_W, body, 0)
    for j in range(2):
        pltpu.make_async_copy(
            dst.at[j], tp_hbm.at[pl.ds(0, CH // 4)], wsem
        ).wait()

    @pl.when(wid < 4)
    def _():
        v0e = pl.multiple_of(V_MAIN + wid * 128, 128)
        pltpu.async_copy(tt_hbm.at[:, pl.ds(v0e, 128)], src.at[0, 0], rsem)
        pltpu.make_async_copy(
            tt_hbm.at[:, pl.ds(0, 128)], src.at[0, 0], rsem
        ).wait()
        transpose_many([src.at[0, 0]], dst.at[0], [0])
        pltpu.async_copy(
            dst.at[0, pl.ds(0, 32)],
            tp_hbm.at[pl.ds(pl.multiple_of(v0e // 4, 8), 32)],
            wsem,
        ).wait()

    @pl.when(wid == 4)
    def _():
        pltpu.sync_copy(tail_hbm, src.at[0, 0, pl.ds(0, 16)])
        pltpu.sync_copy(
            src.at[0, 0, pl.ds(0, 16)], tp_hbm.at[pl.ds(999936 // 4, 16)]
        )



B_PER_W = TOTAL // NW
U_PER_W = B_PER_W // 128


@functools.partial(
    pl.kernel,
    out_type=jax.ShapeDtypeStruct((NUM_FIELDS, EMBED_DIM, BATCH), jnp.float32),
    mesh=_mesh,
    scratch_types=[
        pltpu.VMEM((B_PER_W,), jnp.int32),
        pltpu.VMEM((B_PER_W,), jnp.int32),
        pltpu.VMEM((2, 128, 128), jnp.float32),
        pltpu.VMEM((2, EMBED_DIM, 128), jnp.float32),
        pltpu.SemaphoreType.DMA,
        pltpu.SemaphoreType.DMA,
    ],
    compiler_params=pltpu.CompilerParams(
        use_tc_tiling_on_sc=True, needs_layout_passes=False
    ),
)
def _gather_format(r4_hbm, st_hbm, tp_hbm, out_hbm, r4_v, st_v, rows_v, dst,
                   gsem, wsem):
    wid = lax.axis_index("s") * NC + lax.axis_index("c")
    base = wid * B_PER_W
    pltpu.sync_copy(r4_hbm.at[pl.ds(base, B_PER_W)], r4_v)
    pltpu.sync_copy(st_hbm.at[pl.ds(base, B_PER_W)], st_v)

    iota = lax.iota(jnp.int32, 16)
    u0 = base // 128

    def gth(u, b):
        pltpu.async_copy(
            tp_hbm.at[r4_v.at[pl.ds(u * 128, 128)]], rows_v.at[b], gsem
        )

    gth(0, 0)

    def body(u, _):
        b = lax.rem(u, 2)
        gu = u0 + u
        f = gu // 128
        bc = lax.rem(gu, 128)

        @pl.when(u + 1 < U_PER_W)
        def _():
            gth(u + 1, 1 - b)

        pltpu.make_async_copy(
            tp_hbm.at[r4_v.at[pl.ds(0, 128)]], rows_v.at[b], gsem
        ).wait()

        @pl.when(u >= 2)
        def _():
            pltpu.make_async_copy(
                dst.at[b], out_hbm.at[0, :, pl.ds(0, 128)], wsem
            ).wait()

        rows_b = rows_v.at[b]
        dst_b = dst.at[b]
        st_sl = [st_v[pl.ds(u * 128 + 16 * lg, 16)] for lg in range(8)]
        lvec = [16 * lg + iota for lg in range(8)]

        def tbody(t, _):
            dv = (iota + t) & 15
            for db in range(2):
                dvec = dv + 16 * db
                for lg in range(8):
                    g = plsc.load_gather(rows_b, [lvec[lg], st_sl[lg] + dvec])
                    plsc.store_scatter(dst_b, [dvec, lvec[lg]], g)
            return 0

        lax.fori_loop(0, 16, tbody, 0)
        pltpu.async_copy(
            dst.at[b],
            out_hbm.at[f, :, pl.ds(pl.multiple_of(bc * 128, 128), 128)],
            wsem,
        )
        return 0

    lax.fori_loop(0, U_PER_W, body, 0)
    for j in range(2):
        pltpu.make_async_copy(
            dst.at[j], out_hbm.at[0, :, pl.ds(0, 128)], wsem
        ).wait()


def kernel(x, table):
    tt = table.T
    tail16 = lax.slice(table, (999936, 0), (VOCAB, EMBED_DIM)).reshape(16, 128)
    tp = _table_transpose(tt, tail16)
    xt = x.T.reshape(TOTAL).astype(jnp.int32)
    r4 = xt // 4
    st = (xt % 4) * EMBED_DIM
    out26 = _gather_format(r4, st, tp)
    return jnp.transpose(out26, (2, 0, 1))

# --- scband reference (transcript-rebuilt; emitter-appended) ---
"""Pipeline reference for scband-features-embedding-18468359372826 (READ-ONLY COPY).

The authoritative reference and input builder live on the scoring server;
editing this copy changes nothing except your own understanding.
"""

import jax, jax.numpy as jnp
import numpy as np

VOCAB = 1000000
EMBED_DIM = 32
BATCH = 16384
NUM_FIELDS = 26


def setup_inputs(seed: int = 0) -> dict:
    key = jax.random.key(seed)
    k_idx, k_w = jax.random.split(key)
    x = jax.random.randint(k_idx, (BATCH, NUM_FIELDS), 0, VOCAB, dtype=jnp.int64 if jax.config.read('jax_enable_x64') else jnp.int32)
    # xavier_uniform init: bound = sqrt(6 / (fan_in + fan_out))
    bound = float(np.sqrt(6.0 / (VOCAB + EMBED_DIM)))
    table = jax.random.uniform(k_w, (VOCAB, EMBED_DIM), dtype=jnp.float32, minval=-bound, maxval=bound)
    return {"x": x, "table": table}


def reference(x, table):
    # FeaturesEmbedding.forward: embedding lookup
    # x: int[batch, num_fields] -> float32[batch, num_fields, embed_dim]
    return jnp.take(table, x, axis=0)

if __name__ == "__main__":
    import jax
    _d = setup_inputs()
    print(jax.jit(kernel)(*tuple(_d.values())))

</pallas_src>

<mosaic_0001>
#map = affine_map<(d0, d1) -> (0, 0)>
module attributes {stable_mosaic.version = 14 : i64} {
  func.func @_table_transpose(%arg0: i32, %arg1: i32, %arg2: memref<32x1000000xf32, #tpu.memory_space<hbm>>, %arg3: memref<16x128xf32, #tpu.memory_space<hbm>>, %arg4: memref<250000x128xf32, #tpu.memory_space<hbm>>, %arg5: memref<4x4x32x128xf32, #tpu.memory_space<vmem>>, %arg6: memref<2x128x128xf32, #tpu.memory_space<vmem>>, %arg7: memref<!tpu.dma_semaphore, #tpu.memory_space<semaphore_mem>>, %arg8: memref<!tpu.dma_semaphore, #tpu.memory_space<semaphore_mem>>) attributes {dimension_semantics = [#tpu.dimension_semantics<core_parallel>, #tpu.dimension_semantics<subcore_parallel>], iteration_bounds = array<i64: 2, 16>, scalar_prefetch = 0 : i64, scratch_operands = 4 : i64, tpu.core_type = #tpu.core_type<sc_vector_subcore>, window_params = [{transform_indices = #map}, {transform_indices = #map}, {transform_indices = #map}]} {
    %mul3A = arith.constant 2 : i32
    %mul3A_0 = arith.muli %arg1, %mul3A : i32
    %add3A = arith.addi %mul3A_0, %arg0 : i32
    %mul3A_1 = arith.constant 61 : i32
    %mul3A_2 = arith.muli %add3A, %mul3A_1 : i32
    %iota3A = tpu.iota {dimensions = array<i32: 0>} : vector<16xi32>
    %add3A_3 = arith.constant 16 : i32
    %add3A_4 = vector.broadcast %add3A_3 : i32 to vector<16xi32>
    %add3A_5 = arith.addi %iota3A, %add3A_4 : vector<16xi32>
    %add3A_6 = arith.constant 0 : i32
    %add3A_7 = arith.addi %mul3A_2, %add3A_6 : i32
    %mul3A_8 = arith.constant 512 : i32
    %mul3A_9 = arith.muli %add3A_7, %mul3A_8 : i32
    %multiple_of3A = tpu.assume_multiple %mul3A_9, 128 : i32
    %add3A_10 = arith.constant 0 : i32
    %add3A_11 = arith.addi %multiple_of3A, %add3A_10 : i32
    %dma_start3A = arith.constant 0 : i32
    %dma_start3A_12 = arith.constant 0 : i32
    %dma_start3A_13 = arith.constant 0 : i32
    %dma_start3A_14 = arith.constant 0 : i32
    %dma_start3A_15 = tpu.memref_slice %arg5[%dma_start3A, %dma_start3A_12, %dma_start3A_13, %dma_start3A_14] : memref<4x4x32x128xf32, #tpu.memory_space<vmem>> -> memref<1x1x32x128xf32, #tpu.memory_space<vmem>>
    %dma_start3A_16 = tpu.memref_squeeze %dma_start3A_15 : memref<1x1x32x128xf32, #tpu.memory_space<vmem>> -> memref<32x128xf32, #tpu.memory_space<vmem>>
    %dma_start3A_17 = arith.constant 0 : i32
    %dma_start3A_18 = tpu.memref_slice %arg2[%dma_start3A_17, %add3A_11] : memref<32x1000000xf32, #tpu.memory_space<hbm>> -> memref<32x128xf32, #tpu.memory_space<hbm>>
    %dma_start3A_19 = arith.constant 0 : i32
    %dma_start3A_20 = arith.constant 0 : i32
    %dma_start3A_21 = tpu.memref_slice %arg5[%dma_start3A, %dma_start3A_12, %dma_start3A_19, %dma_start3A_20] : memref<4x4x32x128xf32, #tpu.memory_space<vmem>> -> memref<1x1x32x128xf32, #tpu.memory_space<vmem>>
    %dma_start3A_22 = tpu.memref_squeeze %dma_start3A_21 : memref<1x1x32x128xf32, #tpu.memory_space<vmem>> -> memref<32x128xf32, #tpu.memory_space<vmem>>
    %dma_start3A_23 = arith.constant 0 : i32
    %dma_start3A_24 = tpu.memref_slice %arg2[%dma_start3A_23, %add3A_11] : memref<32x1000000xf32, #tpu.memory_space<hbm>> -> memref<32x128xf32, #tpu.memory_space<hbm>>
    tpu.enqueue_dma source(%dma_start3A_24 : memref<32x128xf32, #tpu.memory_space<hbm>>) target(%dma_start3A_22 : memref<32x128xf32, #tpu.memory_space<vmem>>) target_semaphore(%arg7 : memref<!tpu.dma_semaphore, #tpu.memory_space<semaphore_mem>>)
    %add3A_25 = arith.constant 128 : i32
    %add3A_26 = arith.addi %multiple_of3A, %add3A_25 : i32
    %dma_start3A_27 = arith.constant 0 : i32
    %dma_start3A_28 = arith.constant 1 : i32
    %dma_start3A_29 = arith.constant 0 : i32
    %dma_start3A_30 = arith.constant 0 : i32
    %dma_start3A_31 = tpu.memref_slice %arg5[%dma_start3A_27, %dma_start3A_28, %dma_start3A_29, %dma_start3A_30] : memref<4x4x32x128xf32, #tpu.memory_space<vmem>> -> memref<1x1x32x128xf32, #tpu.memory_space<vmem>>
    %dma_start3A_32 = tpu.memref_squeeze %dma_start3A_31 : memref<1x1x32x128xf32, #tpu.memory_space<vmem>> -> memref<32x128xf32, #tpu.memory_space<vmem>>
    %dma_start3A_33 = arith.constant 0 : i32
    %dma_start3A_34 = tpu.memref_slice %arg2[%dma_start3A_33, %add3A_26] : memref<32x1000000xf32, #tpu.memory_space<hbm>> -> memref<32x128xf32, #tpu.memory_space<hbm>>
    %dma_start3A_35 = arith.constant 0 : i32
    %dma_start3A_36 = arith.constant 0 : i32
    %dma_start3A_37 = tpu.memref_slice %arg5[%dma_start3A_27, %dma_start3A_28, %dma_start3A_35, %dma_start3A_36] : memref<4x4x32x128xf32, #tpu.memory_space<vmem>> -> memref<1x1x32x128xf32, #tpu.memory_space<vmem>>
    %dma_start3A_38 = tpu.memref_squeeze %dma_start3A_37 : memref<1x1x32x128xf32, #tpu.memory_space<vmem>> -> memref<32x128xf32, #tpu.memory_space<vmem>>
    %dma_start3A_39 = arith.constant 0 : i32
    %dma_start3A_40 = tpu.memref_slice %arg2[%dma_start3A_39, %add3A_26] : memref<32x1000000xf32, #tpu.memory_space<hbm>> -> memref<32x128xf32, #tpu.memory_space<hbm>>
    tpu.enqueue_dma source(%dma_start3A_40 : memref<32x128xf32, #tpu.memory_space<hbm>>) target(%dma_start3A_38 : memref<32x128xf32, #tpu.memory_space<vmem>>) target_semaphore(%arg7 : memref<!tpu.dma_semaphore, #tpu.memory_space<semaphore_mem>>)
    %add3A_41 = arith.constant 256 : i32
    %add3A_42 = arith.addi %multiple_of3A, %add3A_41 : i32
    %dma_start3A_43 = arith.constant 0 : i32
    %dma_start3A_44 = arith.constant 2 : i32
    %dma_start3A_45 = arith.constant 0 : i32
    %dma_start3A_46 = arith.constant 0 : i32
    %dma_start3A_47 = tpu.memref_slice %arg5[%dma_start3A_43, %dma_start3A_44, %dma_start3A_45, %dma_start3A_46] : memref<4x4x32x128xf32, #tpu.memory_space<vmem>> -> memref<1x1x32x128xf32, #tpu.memory_space<vmem>>
    %dma_start3A_48 = tpu.memref_squeeze %dma_start3A_47 : memref<1x1x32x128xf32, #tpu.memory_space<vmem>> -> memref<32x128xf32, #tpu.memory_space<vmem>>
    %dma_start3A_49 = arith.constant 0 : i32
    %dma_start3A_50 = tpu.memref_slice %arg2[%dma_start3A_49, %add3A_42] : memref<32x1000000xf32, #tpu.memory_space<hbm>> -> memref<32x128xf32, #tpu.memory_space<hbm>>
    %dma_start3A_51 = arith.constant 0 : i32
    %dma_start3A_52 = arith.constant 0 : i32
    %dma_start3A_53 = tpu.memref_slice %arg5[%dma_start3A_43, %dma_start3A_44, %dma_start3A_51, %dma_start3A_52] : memref<4x4x32x128xf32, #tpu.memory_space<vmem>> -> memref<1x1x32x128xf32, #tpu.memory_space<vmem>>
    %dma_start3A_54 = tpu.memref_squeeze %dma_start3A_53 : memref<1x1x32x128xf32, #tpu.memory_space<vmem>> -> memref<32x128xf32, #tpu.memory_space<vmem>>
    %dma_start3A_55 = arith.constant 0 : i32
    %dma_start3A_56 = tpu.memref_slice %arg2[%dma_start3A_55, %add3A_42] : memref<32x1000000xf32, #tpu.memory_space<hbm>> -> memref<32x128xf32, #tpu.memory_space<hbm>>
    tpu.enqueue_dma source(%dma_start3A_56 : memref<32x128xf32, #tpu.memory_space<hbm>>) target(%dma_start3A_54 : memref<32x128xf32, #tpu.memory_space<vmem>>) target_semaphore(%arg7 : memref<!tpu.dma_semaphore, #tpu.memory_space<semaphore_mem>>)
    %add3A_57 = arith.constant 384 : i32
    %add3A_58 = arith.addi %multiple_of3A, %add3A_57 : i32
    %dma_start3A_59 = arith.constant 0 : i32
    %dma_start3A_60 = arith.constant 3 : i32
    %dma_start3A_61 = arith.constant 0 : i32
    %dma_start3A_62 = arith.constant 0 : i32
    %dma_start3A_63 = tpu.memref_slice %arg5[%dma_start3A_59, %dma_start3A_60, %dma_start3A_61, %dma_start3A_62] : memref<4x4x32x128xf32, #tpu.memory_space<vmem>> -> memref<1x1x32x128xf32, #tpu.memory_space<vmem>>
    %dma_start3A_64 = tpu.memref_squeeze %dma_start3A_63 : memref<1x1x32x128xf32, #tpu.memory_space<vmem>> -> memref<32x128xf32, #tpu.memory_space<vmem>>
    %dma_start3A_65 = arith.constant 0 : i32
    %dma_start3A_66 = tpu.memref_slice %arg2[%dma_start3A_65, %add3A_58] : memref<32x1000000xf32, #tpu.memory_space<hbm>> -> memref<32x128xf32, #tpu.memory_space<hbm>>
    %dma_start3A_67 = arith.constant 0 : i32
    %dma_start3A_68 = arith.constant 0 : i32
    %dma_start3A_69 = tpu.memref_slice %arg5[%dma_start3A_59, %dma_start3A_60, %dma_start3A_67, %dma_start3A_68] : memref<4x4x32x128xf32, #tpu.memory_space<vmem>> -> memref<1x1x32x128xf32, #tpu.memory_space<vmem>>
    %dma_start3A_70 = tpu.memref_squeeze %dma_start3A_69 : memref<1x1x32x128xf32, #tpu.memory_space<vmem>> -> memref<32x128xf32, #tpu.memory_space<vmem>>
    %dma_start3A_71 = arith.constant 0 : i32
    %dma_start3A_72 = tpu.memref_slice %arg2[%dma_start3A_71, %add3A_58] : memref<32x1000000xf32, #tpu.memory_space<hbm>> -> memref<32x128xf32, #tpu.memory_space<hbm>>
    tpu.enqueue_dma source(%dma_start3A_72 : memref<32x128xf32, #tpu.memory_space<hbm>>) target(%dma_start3A_70 : memref<32x128xf32, #tpu.memory_space<vmem>>) target_semaphore(%arg7 : memref<!tpu.dma_semaphore, #tpu.memory_space<semaphore_mem>>)
    %add3A_73 = arith.constant 1 : i32
    %add3A_74 = arith.addi %mul3A_2, %add3A_73 : i32
    %mul3A_75 = arith.constant 512 : i32
    %mul3A_76 = arith.muli %add3A_74, %mul3A_75 : i32
    %multiple_of3A_77 = tpu.assume_multiple %mul3A_76, 128 : i32
    %add3A_78 = arith.constant 0 : i32
    %add3A_79 = arith.addi %multiple_of3A_77, %add3A_78 : i32
    %dma_start3A_80 = arith.constant 1 : i32
    %dma_start3A_81 = arith.constant 0 : i32
    %dma_start3A_82 = arith.constant 0 : i32
    %dma_start3A_83 = arith.constant 0 : i32
    %dma_start3A_84 = tpu.memref_slice %arg5[%dma_start3A_80, %dma_start3A_81, %dma_start3A_82, %dma_start3A_83] : memref<4x4x32x128xf32, #tpu.memory_space<vmem>> -> memref<1x1x32x128xf32, #tpu.memory_space<vmem>>
    %dma_start3A_85 = tpu.memref_squeeze %dma_start3A_84 : memref<1x1x32x128xf32, #tpu.memory_space<vmem>> -> memref<32x128xf32, #tpu.memory_space<vmem>>
    %dma_start3A_86 = arith.constant 0 : i32
    %dma_start3A_87 = tpu.memref_slice %arg2[%dma_start3A_86, %add3A_79] : memref<32x1000000xf32, #tpu.memory_space<hbm>> -> memref<32x128xf32, #tpu.memory_space<hbm>>
    %dma_start3A_88 = arith.constant 0 : i32
    %dma_start3A_89 = arith.constant 0 : i32
    %dma_start3A_90 = tpu.memref_slice %arg5[%dma_start3A_80, %dma_start3A_81, %dma_start3A_88, %dma_start3A_89] : memref<4x4x32x128xf32, #tpu.memory_space<vmem>> -> memref<1x1x32x128xf32, #tpu.memory_space<vmem>>
    %dma_start3A_91 = tpu.memref_squeeze %dma_start3A_90 : memref<1x1x32x128xf32, #tpu.memory_space<vmem>> -> memref<32x128xf32, #tpu.memory_space<vmem>>
    %dma_start3A_92 = arith.constant 0 : i32
    %dma_start3A_93 = tpu.memref_slice %arg2[%dma_start3A_92, %add3A_79] : memref<32x1000000xf32, #tpu.memory_space<hbm>> -> memref<32x128xf32, #tpu.memory_space<hbm>>
    tpu.enqueue_dma source(%dma_start3A_93 : memref<32x128xf32, #tpu.memory_space<hbm>>) target(%dma_start3A_91 : memref<32x128xf32, #tpu.memory_space<vmem>>) target_semaphore(%arg7 : memref<!tpu.dma_semaphore, #tpu.memory_space<semaphore_mem>>)
    %add3A_94 = arith.constant 128 : i32
    %add3A_95 = arith.addi %multiple_of3A_77, %add3A_94 : i32
    %dma_start3A_96 = arith.constant 1 : i32
    %dma_start3A_97 = arith.constant 1 : i32
    %dma_start3A_98 = arith.constant 0 : i32
    %dma_start3A_99 = arith.constant 0 : i32
    %dma_start3A_100 = tpu.memref_slice %arg5[%dma_start3A_96, %dma_start3A_97, %dma_start3A_98, %dma_start3A_99] : memref<4x4x32x128xf32, #tpu.memory_space<vmem>> -> memref<1x1x32x128xf32, #tpu.memory_space<vmem>>
    %dma_start3A_101 = tpu.memref_squeeze %dma_start3A_100 : memref<1x1x32x128xf32, #tpu.memory_space<vmem>> -> memref<32x128xf32, #tpu.memory_space<vmem>>
    %dma_start3A_102 = arith.constant 0 : i32
    %dma_start3A_103 = tpu.memref_slice %arg2[%dma_start3A_102, %add3A_95] : memref<32x1000000xf32, #tpu.memory_space<hbm>> -> memref<32x128xf32, #tpu.memory_space<hbm>>
    %dma_start3A_104 = arith.constant 0 : i32
    %dma_start3A_105 = arith.constant 0 : i32
    %dma_start3A_106 = tpu.memref_slice %arg5[%dma_start3A_96, %dma_start3A_97, %dma_start3A_104, %dma_start3A_105] : memref<4x4x32x128xf32, #tpu.memory_space<vmem>> -> memref<1x1x32x128xf32, #tpu.memory_space<vmem>>
    %dma_start3A_107 = tpu.memref_squeeze %dma_start3A_106 : memref<1x1x32x128xf32, #tpu.memory_space<vmem>> -> memref<32x128xf32, #tpu.memory_space<vmem>>
    %dma_start3A_108 = arith.constant 0 : i32
    %dma_start3A_109 = tpu.memref_slice %arg2[%dma_start3A_108, %add3A_95] : memref<32x1000000xf32, #tpu.memory_space<hbm>> -> memref<32x128xf32, #tpu.memory_space<hbm>>
    tpu.enqueue_dma source(%dma_start3A_109 : memref<32x128xf32, #tpu.memory_space<hbm>>) target(%dma_start3A_107 : memref<32x128xf32, #tpu.memory_space<vmem>>) target_semaphore(%arg7 : memref<!tpu.dma_semaphore, #tpu.memory_space<semaphore_mem>>)
    %add3A_110 = arith.constant 256 : i32
    %add3A_111 = arith.addi %multiple_of3A_77, %add3A_110 : i32
    %dma_start3A_112 = arith.constant 1 : i32
    %dma_start3A_113 = arith.constant 2 : i32
    %dma_start3A_114 = arith.constant 0 : i32
    %dma_start3A_115 = arith.constant 0 : i32
    %dma_start3A_116 = tpu.memref_slice %arg5[%dma_start3A_112, %dma_start3A_113, %dma_start3A_114, %dma_start3A_115] : memref<4x4x32x128xf32, #tpu.memory_space<vmem>> -> memref<1x1x32x128xf32, #tpu.memory_space<vmem>>
    %dma_start3A_117 = tpu.memref_squeeze %dma_start3A_116 : memref<1x1x32x128xf32, #tpu.memory_space<vmem>> -> memref<32x128xf32, #tpu.memory_space<vmem>>
    %dma_start3A_118 = arith.constant 0 : i32
    %dma_start3A_119 = tpu.memref_slice %arg2[%dma_start3A_118, %add3A_111] : memref<32x1000000xf32, #tpu.memory_space<hbm>> -> memref<32x128xf32, #tpu.memory_space<hbm>>
    %dma_start3A_120 = arith.constant 0 : i32
    %dma_start3A_121 = arith.constant 0 : i32
    %dma_start3A_122 = tpu.memref_slice %arg5[%dma_start3A_112, %dma_start3A_113, %dma_start3A_120, %dma_start3A_121] : memref<4x4x32x128xf32, #tpu.memory_space<vmem>> -> memref<1x1x32x128xf32, #tpu.memory_space<vmem>>
    %dma_start3A_123 = tpu.memref_squeeze %dma_start3A_122 : memref<1x1x32x128xf32, #tpu.memory_space<vmem>> -> memref<32x128xf32, #tpu.memory_space<vmem>>
    %dma_start3A_124 = arith.constant 0 : i32
    %dma_start3A_125 = tpu.memref_slice %arg2[%dma_start3A_124, %add3A_111] : memref<32x1000000xf32, #tpu.memory_space<hbm>> -> memref<32x128xf32, #tpu.memory_space<hbm>>
    tpu.enqueue_dma source(%dma_start3A_125 : memref<32x128xf32, #tpu.memory_space<hbm>>) target(%dma_start3A_123 : memref<32x128xf32, #tpu.memory_space<vmem>>) target_semaphore(%arg7 : memref<!tpu.dma_semaphore, #tpu.memory_space<semaphore_mem>>)
    %add3A_126 = arith.constant 384 : i32
    %add3A_127 = arith.addi %multiple_of3A_77, %add3A_126 : i32
    %dma_start3A_128 = arith.constant 1 : i32
    %dma_start3A_129 = arith.constant 3 : i32
    %dma_start3A_130 = arith.constant 0 : i32
    %dma_start3A_131 = arith.constant 0 : i32
    %dma_start3A_132 = tpu.memref_slice %arg5[%dma_start3A_128, %dma_start3A_129, %dma_start3A_130, %dma_start3A_131] : memref<4x4x32x128xf32, #tpu.memory_space<vmem>> -> memref<1x1x32x128xf32, #tpu.memory_space<vmem>>
    %dma_start3A_133 = tpu.memref_squeeze %dma_start3A_132 : memref<1x1x32x128xf32, #tpu.memory_space<vmem>> -> memref<32x128xf32, #tpu.memory_space<vmem>>
    %dma_start3A_134 = arith.constant 0 : i32
    %dma_start3A_135 = tpu.memref_slice %arg2[%dma_start3A_134, %add3A_127] : memref<32x1000000xf32, #tpu.memory_space<hbm>> -> memref<32x128xf32, #tpu.memory_space<hbm>>
    %dma_start3A_136 = arith.constant 0 : i32
    %dma_start3A_137 = arith.constant 0 : i32
    %dma_start3A_138 = tpu.memref_slice %arg5[%dma_start3A_128, %dma_start3A_129, %dma_start3A_136, %dma_start3A_137] : memref<4x4x32x128xf32, #tpu.memory_space<vmem>> -> memref<1x1x32x128xf32, #tpu.memory_space<vmem>>
    %dma_start3A_139 = tpu.memref_squeeze %dma_start3A_138 : memref<1x1x32x128xf32, #tpu.memory_space<vmem>> -> memref<32x128xf32, #tpu.memory_space<vmem>>
    %dma_start3A_140 = arith.constant 0 : i32
    %dma_start3A_141 = tpu.memref_slice %arg2[%dma_start3A_140, %add3A_127] : memref<32x1000000xf32, #tpu.memory_space<hbm>> -> memref<32x128xf32, #tpu.memory_space<hbm>>
    tpu.enqueue_dma source(%dma_start3A_141 : memref<32x128xf32, #tpu.memory_space<hbm>>) target(%dma_start3A_139 : memref<32x128xf32, #tpu.memory_space<vmem>>) target_semaphore(%arg7 : memref<!tpu.dma_semaphore, #tpu.memory_space<semaphore_mem>>)
    %add3A_142 = arith.constant 2 : i32
    %add3A_143 = arith.addi %mul3A_2, %add3A_142 : i32
    %mul3A_144 = arith.constant 512 : i32
    %mul3A_145 = arith.muli %add3A_143, %mul3A_144 : i32
    %multiple_of3A_146 = tpu.assume_multiple %mul3A_145, 128 : i32
    %add3A_147 = arith.constant 0 : i32
    %add3A_148 = arith.addi %multiple_of3A_146, %add3A_147 : i32
    %dma_start3A_149 = arith.constant 2 : i32
    %dma_start3A_150 = arith.constant 0 : i32
    %dma_start3A_151 = arith.constant 0 : i32
    %dma_start3A_152 = arith.constant 0 : i32
    %dma_start3A_153 = tpu.memref_slice %arg5[%dma_start3A_149, %dma_start3A_150, %dma_start3A_151, %dma_start3A_152] : memref<4x4x32x128xf32, #tpu.memory_space<vmem>> -> memref<1x1x32x128xf32, #tpu.memory_space<vmem>>
    %dma_start3A_154 = tpu.memref_squeeze %dma_start3A_153 : memref<1x1x32x128xf32, #tpu.memory_space<vmem>> -> memref<32x128xf32, #tpu.memory_space<vmem>>
    %dma_start3A_155 = arith.constant 0 : i32
    %dma_start3A_156 = tpu.memref_slice %arg2[%dma_start3A_155, %add3A_148] : memref<32x1000000xf32, #tpu.memory_space<hbm>> -> memref<32x128xf32, #tpu.memory_space<hbm>>
    %dma_start3A_157 = arith.constant 0 : i32
    %dma_start3A_158 = arith.constant 0 : i32
    %dma_start3A_159 = tpu.memref_slice %arg5[%dma_start3A_149, %dma_start3A_150, %dma_start3A_157, %dma_start3A_158] : memref<4x4x32x128xf32, #tpu.memory_space<vmem>> -> memref<1x1x32x128xf32, #tpu.memory_space<vmem>>
    %dma_start3A_160 = tpu.memref_squeeze %dma_start3A_159 : memref<1x1x32x128xf32, #tpu.memory_space<vmem>> -> memref<32x128xf32, #tpu.memory_space<vmem>>
    %dma_start3A_161 = arith.constant 0 : i32
    %dma_start3A_162 = tpu.memref_slice %arg2[%dma_start3A_161, %add3A_148] : memref<32x1000000xf32, #tpu.memory_space<hbm>> -> memref<32x128xf32, #tpu.memory_space<hbm>>
    tpu.enqueue_dma source(%dma_start3A_162 : memref<32x128xf32, #tpu.memory_space<hbm>>) target(%dma_start3A_160 : memref<32x128xf32, #tpu.memory_space<vmem>>) target_semaphore(%arg7 : memref<!tpu.dma_semaphore, #tpu.memory_space<semaphore_mem>>)
    %add3A_163 = arith.constant 128 : i32
    %add3A_164 = arith.addi %multiple_of3A_146, %add3A_163 : i32
    %dma_start3A_165 = arith.constant 2 : i32
    %dma_start3A_166 = arith.constant 1 : i32
    %dma_start3A_167 = arith.constant 0 : i32
    %dma_start3A_168 = arith.constant 0 : i32
    %dma_start3A_169 = tpu.memref_slice %arg5[%dma_start3A_165, %dma_start3A_166, %dma_start3A_167, %dma_start3A_168] : memref<4x4x32x128xf32, #tpu.memory_space<vmem>> -> memref<1x1x32x128xf32, #tpu.memory_space<vmem>>
    %dma_start3A_170 = tpu.memref_squeeze %dma_start3A_169 : memref<1x1x32x128xf32, #tpu.memory_space<vmem>> -> memref<32x128xf32, #tpu.memory_space<vmem>>
    %dma_start3A_171 = arith.constant 0 : i32
    %dma_start3A_172 = tpu.memref_slice %arg2[%dma_start3A_171, %add3A_164] : memref<32x1000000xf32, #tpu.memory_space<hbm>> -> memref<32x128xf32, #tpu.memory_space<hbm>>
    %dma_start3A_173 = arith.constant 0 : i32
    %dma_start3A_174 = arith.constant 0 : i32
    %dma_start3A_175 = tpu.memref_slice %arg5[%dma_start3A_165, %dma_start3A_166, %dma_start3A_173, %dma_start3A_174] : memref<4x4x32x128xf32, #tpu.memory_space<vmem>> -> memref<1x1x32x128xf32, #tpu.memory_space<vmem>>
    %dma_start3A_176 = tpu.memref_squeeze %dma_start3A_175 : memref<1x1x32x128xf32, #tpu.memory_space<vmem>> -> memref<32x128xf32, #tpu.memory_space<vmem>>
    %dma_start3A_177 = arith.constant 0 : i32
    %dma_start3A_178 = tpu.memref_slice %arg2[%dma_start3A_177, %add3A_164] : memref<32x1000000xf32, #tpu.memory_space<hbm>> -> memref<32x128xf32, #tpu.memory_space<hbm>>
    tpu.enqueue_dma source(%dma_start3A_178 : memref<32x128xf32, #tpu.memory_space<hbm>>) target(%dma_start3A_176 : memref<32x128xf32, #tpu.memory_space<vmem>>) target_semaphore(%arg7 : memref<!tpu.dma_semaphore, #tpu.memory_space<semaphore_mem>>)
    %add3A_179 = arith.constant 256 : i32
    %add3A_180 = arith.addi %multiple_of3A_146, %add3A_179 : i32
    %dma_start3A_181 = arith.constant 2 : i32
    %dma_start3A_182 = arith.constant 2 : i32
    %dma_start3A_183 = arith.constant 0 : i32
    %dma_start3A_184 = arith.constant 0 : i32
    %dma_start3A_185 = tpu.memref_slice %arg5[%dma_start3A_181, %dma_start3A_182, %dma_start3A_183, %dma_start3A_184] : memref<4x4x32x128xf32, #tpu.memory_space<vmem>> -> memref<1x1x32x128xf32, #tpu.memory_space<vmem>>
    %dma_start3A_186 = tpu.memref_squeeze %dma_start3A_185 : memref<1x1x32x128xf32, #tpu.memory_space<vmem>> -> memref<32x128xf32, #tpu.memory_space<vmem>>
    %dma_start3A_187 = arith.constant 0 : i32
    %dma_start3A_188 = tpu.memref_slice %arg2[%dma_start3A_187, %add3A_180] : memref<32x1000000xf32, #tpu.memory_space<hbm>> -> memref<32x128xf32, #tpu.memory_space<hbm>>
    %dma_start3A_189 = arith.constant 0 : i32
    %dma_start3A_190 = arith.constant 0 : i32
    %dma_start3A_191 = tpu.memref_slice %arg5[%dma_start3A_181, %dma_start3A_182, %dma_start3A_189, %dma_start3A_190] : memref<4x4x32x128xf32, #tpu.memory_space<vmem>> -> memref<1x1x32x128xf32, #tpu.memory_space<vmem>>
    %dma_start3A_192 = tpu.memref_squeeze %dma_start3A_191 : memref<1x1x32x128xf32, #tpu.memory_space<vmem>> -> memref<32x128xf32, #tpu.memory_space<vmem>>
    %dma_start3A_193 = arith.constant 0 : i32
    %dma_start3A_194 = tpu.memref_slice %arg2[%dma_start3A_193, %add3A_180] : memref<32x1000000xf32, #tpu.memory_space<hbm>> -> memref<32x128xf32, #tpu.memory_space<hbm>>
    tpu.enqueue_dma source(%dma_start3A_194 : memref<32x128xf32, #tpu.memory_space<hbm>>) target(%dma_start3A_192 : memref<32x128xf32, #tpu.memory_space<vmem>>) target_semaphore(%arg7 : memref<!tpu.dma_semaphore, #tpu.memory_space<semaphore_mem>>)
    %add3A_195 = arith.constant 384 : i32
    %add3A_196 = arith.addi %multiple_of3A_146, %add3A_195 : i32
    %dma_start3A_197 = arith.constant 2 : i32
    %dma_start3A_198 = arith.constant 3 : i32
    %dma_start3A_199 = arith.constant 0 : i32
    %dma_start3A_200 = arith.constant 0 : i32
    %dma_start3A_201 = tpu.memref_slice %arg5[%dma_start3A_197, %dma_start3A_198, %dma_start3A_199, %dma_start3A_200] : memref<4x4x32x128xf32, #tpu.memory_space<vmem>> -> memref<1x1x32x128xf32, #tpu.memory_space<vmem>>
    %dma_start3A_202 = tpu.memref_squeeze %dma_start3A_201 : memref<1x1x32x128xf32, #tpu.memory_space<vmem>> -> memref<32x128xf32, #tpu.memory_space<vmem>>
    %dma_start3A_203 = arith.constant 0 : i32
    %dma_start3A_204 = tpu.memref_slice %arg2[%dma_start3A_203, %add3A_196] : memref<32x1000000xf32, #tpu.memory_space<hbm>> -> memref<32x128xf32, #tpu.memory_space<hbm>>
    %dma_start3A_205 = arith.constant 0 : i32
    %dma_start3A_206 = arith.constant 0 : i32
    %dma_start3A_207 = tpu.memref_slice %arg5[%dma_start3A_197, %dma_start3A_198, %dma_start3A_205, %dma_start3A_206] : memref<4x4x32x128xf32, #tpu.memory_space<vmem>> -> memref<1x1x32x128xf32, #tpu.memory_space<vmem>>
    %dma_start3A_208 = tpu.memref_squeeze %dma_start3A_207 : memref<1x1x32x128xf32, #tpu.memory_space<vmem>> -> memref<32x128xf32, #tpu.memory_space<vmem>>
    %dma_start3A_209 = arith.constant 0 : i32
    %dma_start3A_210 = tpu.memref_slice %arg2[%dma_start3A_209, %add3A_196] : memref<32x1000000xf32, #tpu.memory_space<hbm>> -> memref<32x128xf32, #tpu.memory_space<hbm>>
    tpu.enqueue_dma source(%dma_start3A_210 : memref<32x128xf32, #tpu.memory_space<hbm>>) target(%dma_start3A_208 : memref<32x128xf32, #tpu.memory_space<vmem>>) target_semaphore(%arg7 : memref<!tpu.dma_semaphore, #tpu.memory_space<semaphore_mem>>)
    %scan3A = arith.constant 0 : i32
    %scan3A_211 = arith.constant 0 : i32
    %scan3A_212 = arith.constant 61 : i32
    %scan3A_213 = arith.addi %scan3A_211, %scan3A_212 : i32
    %scan3A_214 = arith.constant 1 : i32
    %scan3A_215 = scf.for %scan3A_252 = %scan3A_211 to %scan3A_213 step %scan3A_214 iter_args(%scan3A_253 = %scan3A) -> (i32)  : i32 {
      %rem3A = arith.constant 4 : i32
      %rem3A_254 = arith.remsi %scan3A_252, %rem3A : i32
      %rem3A_255 = arith.constant 2 : i32
      %rem3A_256 = arith.remsi %scan3A_252, %rem3A_255 : i32
      %add3A_257 = arith.constant 4 : i32
      %add3A_258 = arith.addi %scan3A_252, %add3A_257 : i32
      %sub3A = arith.constant 1 : i32
      %sub3A_259 = arith.subi %add3A_258, %sub3A : i32
      %lt3A_260 = arith.constant 61 : i32
      %lt3A_261 = arith.cmpi slt, %sub3A_259, %lt3A_260 : i32
      %convert_element_type3A_262 = arith.extui %lt3A_261 : i1 to i32
      %cond3A_263 = arith.constant 0 : i32
      %cond3A_264 = arith.cmpi ne, %convert_element_type3A_262, %cond3A_263 : i32
      scf.if %cond3A_264 {
        %add3A_361 = arith.addi %mul3A_2, %scan3A_252 : i32
        %add3A_362 = arith.constant 4 : i32
        %add3A_363 = arith.addi %add3A_361, %add3A_362 : i32
        %sub3A_364 = arith.constant 1 : i32
        %sub3A_365 = arith.subi %add3A_363, %sub3A_364 : i32
        %add3A_366 = arith.constant 4 : i32
        %add3A_367 = arith.addi %scan3A_252, %add3A_366 : i32
        %sub3A_368 = arith.constant 1 : i32
        %sub3A_369 = arith.subi %add3A_367, %sub3A_368 : i32
        %rem3A_370 = arith.constant 4 : i32
        %rem3A_371 = arith.remsi %sub3A_369, %rem3A_370 : i32
        %mul3A_372 = arith.constant 512 : i32
        %mul3A_373 = arith.muli %sub3A_365, %mul3A_372 : i32
        %multiple_of3A_374 = tpu.assume_multiple %mul3A_373, 128 : i32
        %add3A_375 = arith.constant 0 : i32
        %add3A_376 = arith.addi %multiple_of3A_374, %add3A_375 : i32
        %dma_start3A_377 = arith.constant 0 : i32
        %dma_start3A_378 = arith.constant 0 : i32
        %dma_start3A_379 = arith.constant 0 : i32
        %dma_start3A_380 = tpu.memref_slice %arg5[%rem3A_371, %dma_start3A_377, %dma_start3A_378, %dma_start3A_379] : memref<4x4x32x128xf32, #tpu.memory_space<vmem>> -> memref<1x1x32x128xf32, #tpu.memory_space<vmem>>
        %dma_start3A_381 = tpu.memref_squeeze %dma_start3A_380 : memref<1x1x32x128xf32, #tpu.memory_space<vmem>> -> memref<32x128xf32, #tpu.memory_space<vmem>>
        %dma_start3A_382 = arith.constant 0 : i32
        %dma_start3A_383 = tpu.memref_slice %arg2[%dma_start3A_382, %add3A_376] : memref<32x1000000xf32, #tpu.memory_space<hbm>> -> memref<32x128xf32, #tpu.memory_space<hbm>>
        %dma_start3A_384 = arith.constant 0 : i32
        %dma_start3A_385 = arith.constant 0 : i32
        %dma_start3A_386 = tpu.memref_slice %arg5[%rem3A_371, %dma_start3A_377, %dma_start3A_384, %dma_start3A_385] : memref<4x4x32x128xf32, #tpu.memory_space<vmem>> -> memref<1x1x32x128xf32, #tpu.memory_space<vmem>>
        %dma_start3A_387 = tpu.memref_squeeze %dma_start3A_386 : memref<1x1x32x128xf32, #tpu.memory_space<vmem>> -> memref<32x128xf32, #tpu.memory_space<vmem>>
        %dma_start3A_388 = arith.constant 0 : i32
        %dma_start3A_389 = tpu.memref_slice %arg2[%dma_start3A_388, %add3A_376] : memref<32x1000000xf32, #tpu.memory_space<hbm>> -> memref<32x128xf32, #tpu.memory_space<hbm>>
        tpu.enqueue_dma source(%dma_start3A_389 : memref<32x128xf32, #tpu.memory_space<hbm>>) target(%dma_start3A_387 : memref<32x128xf32, #tpu.memory_space<vmem>>) target_semaphore(%arg7 : memref<!tpu.dma_semaphore, #tpu.memory_space<semaphore_mem>>)
        %add3A_390 = arith.constant 128 : i32
        %add3A_391 = arith.addi %multiple_of3A_374, %add3A_390 : i32
        %dma_start3A_392 = arith.constant 1 : i32
        %dma_start3A_393 = arith.constant 0 : i32
        %dma_start3A_394 = arith.constant 0 : i32
        %dma_start3A_395 = tpu.memref_slice %arg5[%rem3A_371, %dma_start3A_392, %dma_start3A_393, %dma_start3A_394] : memref<4x4x32x128xf32, #tpu.memory_space<vmem>> -> memref<1x1x32x128xf32, #tpu.memory_space<vmem>>
        %dma_start3A_396 = tpu.memref_squeeze %dma_start3A_395 : memref<1x1x32x128xf32, #tpu.memory_space<vmem>> -> memref<32x128xf32, #tpu.memory_space<vmem>>
        %dma_start3A_397 = arith.constant 0 : i32
        %dma_start3A_398 = tpu.memref_slice %arg2[%dma_start3A_397, %add3A_391] : memref<32x1000000xf32, #tpu.memory_space<hbm>> -> memref<32x128xf32, #tpu.memory_space<hbm>>
        %dma_start3A_399 = arith.constant 0 : i32
        %dma_start3A_400 = arith.constant 0 : i32
        %dma_start3A_401 = tpu.memref_slice %arg5[%rem3A_371, %dma_start3A_392, %dma_start3A_399, %dma_start3A_400] : memref<4x4x32x128xf32, #tpu.memory_space<vmem>> -> memref<1x1x32x128xf32, #tpu.memory_space<vmem>>
        %dma_start3A_402 = tpu.memref_squeeze %dma_start3A_401 : memref<1x1x32x128xf32, #tpu.memory_space<vmem>> -> memref<32x128xf32, #tpu.memory_space<vmem>>
        %dma_start3A_403 = arith.constant 0 : i32
        %dma_start3A_404 = tpu.memref_slice %arg2[%dma_start3A_403, %add3A_391] : memref<32x1000000xf32, #tpu.memory_space<hbm>> -> memref<32x128xf32, #tpu.memory_space<hbm>>
        tpu.enqueue_dma source(%dma_start3A_404 : memref<32x128xf32, #tpu.memory_space<hbm>>) target(%dma_start3A_402 : memref<32x128xf32, #tpu.memory_space<vmem>>) target_semaphore(%arg7 : memref<!tpu.dma_semaphore, #tpu.memory_space<semaphore_mem>>)
        %add3A_405 = arith.constant 256 : i32
        %add3A_406 = arith.addi %multiple_of3A_374, %add3A_405 : i32
        %dma_start3A_407 = arith.constant 2 : i32
        %dma_start3A_408 = arith.constant 0 : i32
        %dma_start3A_409 = arith.constant 0 : i32
        %dma_start3A_410 = tpu.memref_slice %arg5[%rem3A_371, %dma_start3A_407, %dma_start3A_408, %dma_start3A_409] : memref<4x4x32x128xf32, #tpu.memory_space<vmem>> -> memref<1x1x32x128xf32, #tpu.memory_space<vmem>>
        %dma_start3A_411 = tpu.memref_squeeze %dma_start3A_410 : memref<1x1x32x128xf32, #tpu.memory_space<vmem>> -> memref<32x128xf32, #tpu.memory_space<vmem>>
        %dma_start3A_412 = arith.constant 0 : i32
        %dma_start3A_413 = tpu.memref_slice %arg2[%dma_start3A_412, %add3A_406] : memref<32x1000000xf32, #tpu.memory_space<hbm>> -> memref<32x128xf32, #tpu.memory_space<hbm>>
        %dma_start3A_414 = arith.constant 0 : i32
        %dma_start3A_415 = arith.constant 0 : i32
        %dma_start3A_416 = tpu.memref_slice %arg5[%rem3A_371, %dma_start3A_407, %dma_start3A_414, %dma_start3A_415] : memref<4x4x32x128xf32, #tpu.memory_space<vmem>> -> memref<1x1x32x128xf32, #tpu.memory_space<vmem>>
        %dma_start3A_417 = tpu.memref_squeeze %dma_start3A_416 : memref<1x1x32x128xf32, #tpu.memory_space<vmem>> -> memref<32x128xf32, #tpu.memory_space<vmem>>
        %dma_start3A_418 = arith.constant 0 : i32
        %dma_start3A_419 = tpu.memref_slice %arg2[%dma_start3A_418, %add3A_406] : memref<32x1000000xf32, #tpu.memory_space<hbm>> -> memref<32x128xf32, #tpu.memory_space<hbm>>
        tpu.enqueue_dma source(%dma_start3A_419 : memref<32x128xf32, #tpu.memory_space<hbm>>) target(%dma_start3A_417 : memref<32x128xf32, #tpu.memory_space<vmem>>) target_semaphore(%arg7 : memref<!tpu.dma_semaphore, #tpu.memory_space<semaphore_mem>>)
        %add3A_420 = arith.constant 384 : i32
        %add3A_421 = arith.addi %multiple_of3A_374, %add3A_420 : i32
        %dma_start3A_422 = arith.constant 3 : i32
        %dma_start3A_423 = arith.constant 0 : i32
        %dma_start3A_424 = arith.constant 0 : i32
        %dma_start3A_425 = tpu.memref_slice %arg5[%rem3A_371, %dma_start3A_422, %dma_start3A_423, %dma_start3A_424] : memref<4x4x32x128xf32, #tpu.memory_space<vmem>> -> memref<1x1x32x128xf32, #tpu.memory_space<vmem>>
        %dma_start3A_426 = tpu.memref_squeeze %dma_start3A_425 : memref<1x1x32x128xf32, #tpu.memory_space<vmem>> -> memref<32x128xf32, #tpu.memory_space<vmem>>
        %dma_start3A_427 = arith.constant 0 : i32
        %dma_start3A_428 = tpu.memref_slice %arg2[%dma_start3A_427, %add3A_421] : memref<32x1000000xf32, #tpu.memory_space<hbm>> -> memref<32x128xf32, #tpu.memory_space<hbm>>
        %dma_start3A_429 = arith.constant 0 : i32
        %dma_start3A_430 = arith.constant 0 : i32
        %dma_start3A_431 = tpu.memref_slice %arg5[%rem3A_371, %dma_start3A_422, %dma_start3A_429, %dma_start3A_430] : memref<4x4x32x128xf32, #tpu.memory_space<vmem>> -> memref<1x1x32x128xf32, #tpu.memory_space<vmem>>
        %dma_start3A_432 = tpu.memref_squeeze %dma_start3A_431 : memref<1x1x32x128xf32, #tpu.memory_space<vmem>> -> memref<32x128xf32, #tpu.memory_space<vmem>>
        %dma_start3A_433 = arith.constant 0 : i32
        %dma_start3A_434 = tpu.memref_slice %arg2[%dma_start3A_433, %add3A_421] : memref<32x1000000xf32, #tpu.memory_space<hbm>> -> memref<32x128xf32, #tpu.memory_space<hbm>>
        tpu.enqueue_dma source(%dma_start3A_434 : memref<32x128xf32, #tpu.memory_space<hbm>>) target(%dma_start3A_432 : memref<32x128xf32, #tpu.memory_space<vmem>>) target_semaphore(%arg7 : memref<!tpu.dma_semaphore, #tpu.memory_space<semaphore_mem>>)
      } else {
      }
      %dma_wait3A_265 = arith.constant 0 : i32
      %dma_wait3A_266 = arith.constant 0 : i32
      %dma_wait3A_267 = arith.constant 0 : i32
      %dma_wait3A_268 = arith.constant 0 : i32
      %dma_wait3A_269 = tpu.memref_slice %arg5[%dma_wait3A_265, %dma_wait3A_266, %dma_wait3A_267, %dma_wait3A_268] : memref<4x4x32x128xf32, #tpu.memory_space<vmem>> -> memref<1x1x32x128xf32, #tpu.memory_space<vmem>>
      %dma_wait3A_270 = tpu.memref_squeeze %dma_wait3A_269 : memref<1x1x32x128xf32, #tpu.memory_space<vmem>> -> memref<32x128xf32, #tpu.memory_space<vmem>>
      %dma_wait3A_271 = arith.constant 0 : i32
      %dma_wait3A_272 = arith.constant 0 : i32
      %dma_wait3A_273 = tpu.memref_slice %arg2[%dma_wait3A_271, %dma_wait3A_272] : memref<32x1000000xf32, #tpu.memory_space<hbm>> -> memref<32x128xf32, #tpu.memory_space<hbm>>
      %dma_wait3A_274 = arith.constant 0 : i32
      %dma_wait3A_275 = arith.constant 0 : i32
      %dma_wait3A_276 = tpu.memref_slice %arg5[%dma_wait3A_265, %dma_wait3A_266, %dma_wait3A_274, %dma_wait3A_275] : memref<4x4x32x128xf32, #tpu.memory_space<vmem>> -> memref<1x1x32x128xf32, #tpu.memory_space<vmem>>
      %dma_wait3A_277 = tpu.memref_squeeze %dma_wait3A_276 : memref<1x1x32x128xf32, #tpu.memory_space<vmem>> -> memref<32x128xf32, #tpu.memory_space<vmem>>
      %dma_wait3A_278 = arith.constant 0 : i32
      %dma_wait3A_279 = arith.constant 0 : i32
      %dma_wait3A_280 = tpu.memref_slice %arg2[%dma_wait3A_278, %dma_wait3A_279] : memref<32x1000000xf32, #tpu.memory_space<hbm>> -> memref<32x128xf32, #tpu.memory_space<hbm>>
      tpu.wait_dma2 semaphore(%arg7 : memref<!tpu.dma_semaphore, #tpu.memory_space<semaphore_mem>>) src(%dma_wait3A_280 : memref<32x128xf32, #tpu.memory_space<hbm>>) dst(%dma_wait3A_277 : memref<32x128xf32, #tpu.memory_space<vmem>>)
      %dma_wait3A_281 = arith.constant 0 : i32
      %dma_wait3A_282 = arith.constant 1 : i32
      %dma_wait3A_283 = arith.constant 0 : i32
      %dma_wait3A_284 = arith.constant 0 : i32
      %dma_wait3A_285 = tpu.memref_slice %arg5[%dma_wait3A_281, %dma_wait3A_282, %dma_wait3A_283, %dma_wait3A_284] : memref<4x4x32x128xf32, #tpu.memory_space<vmem>> -> memref<1x1x32x128xf32, #tpu.memory_space<vmem>>
      %dma_wait3A_286 = tpu.memref_squeeze %dma_wait3A_285 : memref<1x1x32x128xf32, #tpu.memory_space<vmem>> -> memref<32x128xf32, #tpu.memory_space<vmem>>
      %dma_wait3A_287 = arith.constant 0 : i32
      %dma_wait3A_288 = arith.constant 0 : i32
      %dma_wait3A_289 = tpu.memref_slice %arg2[%dma_wait3A_287, %dma_wait3A_288] : memref<32x1000000xf32, #tpu.memory_space<hbm>> -> memref<32x128xf32, #tpu.memory_space<hbm>>
      %dma_wait3A_290 = arith.constant 0 : i32
      %dma_wait3A_291 = arith.constant 0 : i32
      %dma_wait3A_292 = tpu.memref_slice %arg5[%dma_wait3A_281, %dma_wait3A_282, %dma_wait3A_290, %dma_wait3A_291] : memref<4x4x32x128xf32, #tpu.memory_space<vmem>> -> memref<1x1x32x128xf32, #tpu.memory_space<vmem>>
      %dma_wait3A_293 = tpu.memref_squeeze %dma_wait3A_292 : memref<1x1x32x128xf32, #tpu.memory_space<vmem>> -> memref<32x128xf32, #tpu.memory_space<vmem>>
      %dma_wait3A_294 = arith.constant 0 : i32
      %dma_wait3A_295 = arith.constant 0 : i32
      %dma_wait3A_296 = tpu.memref_slice %arg2[%dma_wait3A_294, %dma_wait3A_295] : memref<32x1000000xf32, #tpu.memory_space<hbm>> -> memref<32x128xf32, #tpu.memory_space<hbm>>
      tpu.wait_dma2 semaphore(%arg7 : memref<!tpu.dma_semaphore, #tpu.memory_space<semaphore_mem>>) src(%dma_wait3A_296 : memref<32x128xf32, #tpu.memory_space<hbm>>) dst(%dma_wait3A_293 : memref<32x128xf32, #tpu.memory_space<vmem>>)
      %dma_wait3A_297 = arith.constant 0 : i32
      %dma_wait3A_298 = arith.constant 2 : i32
      %dma_wait3A_299 = arith.constant 0 : i32
      %dma_wait3A_300 = arith.constant 0 : i32
      %dma_wait3A_301 = tpu.memref_slice %arg5[%dma_wait3A_297, %dma_wait3A_298, %dma_wait3A_299, %dma_wait3A_300] : memref<4x4x32x128xf32, #tpu.memory_space<vmem>> -> memref<1x1x32x128xf32, #tpu.memory_space<vmem>>
      %dma_wait3A_302 = tpu.memref_squeeze %dma_wait3A_301 : memref<1x1x32x128xf32, #tpu.memory_space<vmem>> -> memref<32x128xf32, #tpu.memory_space<vmem>>
      %dma_wait3A_303 = arith.constant 0 : i32
      %dma_wait3A_304 = arith.constant 0 : i32
      %dma_wait3A_305 = tpu.memref_slice %arg2[%dma_wait3A_303, %dma_wait3A_304] : memref<32x1000000xf32, #tpu.memory_space<hbm>> -> memref<32x128xf32, #tpu.memory_space<hbm>>
      %dma_wait3A_306 = arith.constant 0 : i32
      %dma_wait3A_307 = arith.constant 0 : i32
      %dma_wait3A_308 = tpu.memref_slice %arg5[%dma_wait3A_297, %dma_wait3A_298, %dma_wait3A_306, %dma_wait3A_307] : memref<4x4x32x128xf32, #tpu.memory_space<vmem>> -> memref<1x1x32x128xf32, #tpu.memory_space<vmem>>
      %dma_wait3A_309 = tpu.memref_squeeze %dma_wait3A_308 : memref<1x1x32x128xf32, #tpu.memory_space<vmem>> -> memref<32x128xf32, #tpu.memory_space<vmem>>
      %dma_wait3A_310 = arith.constant 0 : i32
      %dma_wait3A_311 = arith.constant 0 : i32
      %dma_wait3A_312 = tpu.memref_slice %arg2[%dma_wait3A_310, %dma_wait3A_311] : memref<32x1000000xf32, #tpu.memory_space<hbm>> -> memref<32x128xf32, #tpu.memory_space<hbm>>
      tpu.wait_dma2 semaphore(%arg7 : memref<!tpu.dma_semaphore, #tpu.memory_space<semaphore_mem>>) src(%dma_wait3A_312 : memref<32x128xf32, #tpu.memory_space<hbm>>) dst(%dma_wait3A_309 : memref<32x128xf32, #tpu.memory_space<vmem>>)
      %dma_wait3A_313 = arith.constant 0 : i32
      %dma_wait3A_314 = arith.constant 3 : i32
      %dma_wait3A_315 = arith.constant 0 : i32
      %dma_wait3A_316 = arith.constant 0 : i32
      %dma_wait3A_317 = tpu.memref_slice %arg5[%dma_wait3A_313, %dma_wait3A_314, %dma_wait3A_315, %dma_wait3A_316] : memref<4x4x32x128xf32, #tpu.memory_space<vmem>> -> memref<1x1x32x128xf32, #tpu.memory_space<vmem>>
      %dma_wait3A_318 = tpu.memref_squeeze %dma_wait3A_317 : memref<1x1x32x128xf32, #tpu.memory_space<vmem>> -> memref<32x128xf32, #tpu.memory_space<vmem>>
      %dma_wait3A_319 = arith.constant 0 : i32
      %dma_wait3A_320 = arith.constant 0 : i32
      %dma_wait3A_321 = tpu.memref_slice %arg2[%dma_wait3A_319, %dma_wait3A_320] : memref<32x1000000xf32, #tpu.memory_space<hbm>> -> memref<32x128xf32, #tpu.memory_space<hbm>>
      %dma_wait3A_322 = arith.constant 0 : i32
      %dma_wait3A_323 = arith.constant 0 : i32
      %dma_wait3A_324 = tpu.memref_slice %arg5[%dma_wait3A_313, %dma_wait3A_314, %dma_wait3A_322, %dma_wait3A_323] : memref<4x4x32x128xf32, #tpu.memory_space<vmem>> -> memref<1x1x32x128xf32, #tpu.memory_space<vmem>>
      %dma_wait3A_325 = tpu.memref_squeeze %dma_wait3A_324 : memref<1x1x32x128xf32, #tpu.memory_space<vmem>> -> memref<32x128xf32, #tpu.memory_space<vmem>>
      %dma_wait3A_326 = arith.constant 0 : i32
      %dma_wait3A_327 = arith.constant 0 : i32
      %dma_wait3A_328 = tpu.memref_slice %arg2[%dma_wait3A_326, %dma_wait3A_327] : memref<32x1000000xf32, #tpu.memory_space<hbm>> -> memref<32x128xf32, #tpu.memory_space<hbm>>
      tpu.wait_dma2 semaphore(%arg7 : memref<!tpu.dma_semaphore, #tpu.memory_space<semaphore_mem>>) src(%dma_wait3A_328 : memref<32x128xf32, #tpu.memory_space<hbm>>) dst(%dma_wait3A_325 : memref<32x128xf32, #tpu.memory_space<vmem>>)
      %ge3A = arith.constant 2 : i32
      %ge3A_329 = arith.cmpi sge, %scan3A_252, %ge3A : i32
      %convert_element_type3A_330 = arith.extui %ge3A_329 : i1 to i32
      %cond3A_331 = arith.constant 0 : i32
      %cond3A_332 = arith.cmpi ne, %convert_element_type3A_330, %cond3A_331 : i32
      scf.if %cond3A_332 {
        %dma_wait3A_361 = arith.constant 0 : i32
        %dma_wait3A_362 = arith.constant 0 : i32
        %dma_wait3A_363 = tpu.memref_slice %arg6[%rem3A_256, %dma_wait3A_361, %dma_wait3A_362] : memref<2x128x128xf32, #tpu.memory_space<vmem>> -> memref<1x128x128xf32, #tpu.memory_space<vmem>>
        %dma_wait3A_364 = tpu.memref_squeeze %dma_wait3A_363 : memref<1x128x128xf32, #tpu.memory_space<vmem>> -> memref<128x128xf32, #tpu.memory_space<vmem>>
        %dma_wait3A_365 = arith.constant 0 : i32
        %dma_wait3A_366 = arith.constant 0 : i32
        %dma_wait3A_367 = tpu.memref_slice %arg4[%dma_wait3A_365, %dma_wait3A_366] : memref<250000x128xf32, #tpu.memory_space<hbm>> -> memref<128x128xf32, #tpu.memory_space<hbm>>
        %dma_wait3A_368 = arith.constant 0 : i32
        %dma_wait3A_369 = arith.constant 0 : i32
        %dma_wait3A_370 = tpu.memref_slice %arg4[%dma_wait3A_368, %dma_wait3A_369] : memref<250000x128xf32, #tpu.memory_space<hbm>> -> memref<128x128xf32, #tpu.memory_space<hbm>>
        %dma_wait3A_371 = arith.constant 0 : i32
        %dma_wait3A_372 = arith.constant 0 : i32
        %dma_wait3A_373 = tpu.memref_slice %arg6[%rem3A_256, %dma_wait3A_371, %dma_wait3A_372] : memref<2x128x128xf32, #tpu.memory_space<vmem>> -> memref<1x128x128xf32, #tpu.memory_space<vmem>>
        %dma_wait3A_374 = tpu.memref_squeeze %dma_wait3A_373 : memref<1x128x128xf32, #tpu.memory_space<vmem>> -> memref<128x128xf32, #tpu.memory_space<vmem>>
        tpu.wait_dma2 semaphore(%arg8 : memref<!tpu.dma_semaphore, #tpu.memory_space<semaphore_mem>>) src(%dma_wait3A_374 : memref<128x128xf32, #tpu.memory_space<vmem>>) dst(%dma_wait3A_370 : memref<128x128xf32, #tpu.memory_space<hbm>>)
      } else {
      }
      %scan3A_333 = arith.constant 0 : i32
      %scan3A_334 = arith.constant 1 : i32
      %scan3A_335 = arith.constant 2 : i32
      %scan3A_336 = arith.constant 3 : i32
      %scan3A_337 = arith.constant 0 : i32
      %scan3A_338 = arith.constant 0 : i32
      %scan3A_339 = arith.constant 16 : i32
      %scan3A_340 = arith.addi %scan3A_338, %scan3A_339 : i32
      %scan3A_341 = arith.constant 1 : i32
      %scan3A_342 = scf.for %scan3A_361 = %scan3A_338 to %scan3A_340 step %scan3A_341 iter_args(%scan3A_362 = %scan3A_337) -> (i32)  : i32 {
        %add3A_363 = vector.broadcast %scan3A_361 : i32 to vector<16xi32>
        %add3A_364 = arith.addi %iota3A, %add3A_363 : vector<16xi32>
        %and3A = arith.constant 15 : i32
        %and3A_365 = vector.broadcast %and3A : i32 to vector<16xi32>
        %and3A_366 = arith.andi %add3A_364, %and3A_365 : vector<16xi32>
        %shift_right_logical3A = arith.constant 2 : i32
        %shift_right_logical3A_367 = vector.broadcast %shift_right_logical3A : i32 to vector<16xi32>
        %shift_right_logical3A_368 = arith.shrui %and3A_366, %shift_right_logical3A_367 : vector<16xi32>
        %and3A_369 = arith.constant 3 : i32
        %and3A_370 = vector.broadcast %and3A_369 : i32 to vector<16xi32>
        %and3A_371 = arith.andi %and3A_366, %and3A_370 : vector<16xi32>
        %shift_left3A = arith.constant 5 : i32
        %shift_left3A_372 = vector.broadcast %shift_left3A : i32 to vector<16xi32>
        %shift_left3A_373 = arith.shli %and3A_371, %shift_left3A_372 : vector<16xi32>
        %add3A_374 = arith.addi %shift_left3A_373, %iota3A : vector<16xi32>
        %add3A_375 = arith.constant 16 : i32
        %add3A_376 = vector.broadcast %add3A_375 : i32 to vector<16xi32>
        %add3A_377 = arith.addi %add3A_374, %add3A_376 : vector<16xi32>
        %add3A_378 = arith.constant 0 : i32
        %add3A_379 = vector.broadcast %add3A_378 : i32 to vector<16xi32>
        %add3A_380 = arith.addi %and3A_366, %add3A_379 : vector<16xi32>
        %add3A_381 = arith.constant 16 : i32
        %add3A_382 = vector.broadcast %add3A_381 : i32 to vector<16xi32>
        %add3A_383 = arith.addi %and3A_366, %add3A_382 : vector<16xi32>
        %add3A_384 = arith.constant 32 : i32
        %add3A_385 = vector.broadcast %add3A_384 : i32 to vector<16xi32>
        %add3A_386 = arith.addi %and3A_366, %add3A_385 : vector<16xi32>
        %add3A_387 = arith.constant 48 : i32
        %add3A_388 = vector.broadcast %add3A_387 : i32 to vector<16xi32>
        %add3A_389 = arith.addi %and3A_366, %add3A_388 : vector<16xi32>
        %add3A_390 = arith.constant 64 : i32
        %add3A_391 = vector.broadcast %add3A_390 : i32 to vector<16xi32>
        %add3A_392 = arith.addi %and3A_366, %add3A_391 : vector<16xi32>
        %add3A_393 = arith.constant 80 : i32
        %add3A_394 = vector.broadcast %add3A_393 : i32 to vector<16xi32>
        %add3A_395 = arith.addi %and3A_366, %add3A_394 : vector<16xi32>
        %add3A_396 = arith.constant 96 : i32
        %add3A_397 = vector.broadcast %add3A_396 : i32 to vector<16xi32>
        %add3A_398 = arith.addi %and3A_366, %add3A_397 : vector<16xi32>
        %add3A_399 = arith.constant 112 : i32
        %add3A_400 = vector.broadcast %add3A_399 : i32 to vector<16xi32>
        %add3A_401 = arith.addi %and3A_366, %add3A_400 : vector<16xi32>
        %add3A_402 = arith.constant 0 : i32
        %add3A_403 = vector.broadcast %add3A_402 : i32 to vector<16xi32>
        %add3A_404 = arith.addi %shift_right_logical3A_368, %add3A_403 : vector<16xi32>
        %add3A_405 = arith.constant 4 : i32
        %add3A_406 = vector.broadcast %add3A_405 : i32 to vector<16xi32>
        %add3A_407 = arith.addi %shift_right_logical3A_368, %add3A_406 : vector<16xi32>
        %add3A_408 = arith.constant 8 : i32
        %add3A_409 = vector.broadcast %add3A_408 : i32 to vector<16xi32>
        %add3A_410 = arith.addi %shift_right_logical3A_368, %add3A_409 : vector<16xi32>
        %add3A_411 = arith.constant 12 : i32
        %add3A_412 = vector.broadcast %add3A_411 : i32 to vector<16xi32>
        %add3A_413 = arith.addi %shift_right_logical3A_368, %add3A_412 : vector<16xi32>
        %add3A_414 = arith.constant 16 : i32
        %add3A_415 = vector.broadcast %add3A_414 : i32 to vector<16xi32>
        %add3A_416 = arith.addi %shift_right_logical3A_368, %add3A_415 : vector<16xi32>
        %add3A_417 = arith.constant 20 : i32
        %add3A_418 = vector.broadcast %add3A_417 : i32 to vector<16xi32>
        %add3A_419 = arith.addi %shift_right_logical3A_368, %add3A_418 : vector<16xi32>
        %add3A_420 = arith.constant 24 : i32
        %add3A_421 = vector.broadcast %add3A_420 : i32 to vector<16xi32>
        %add3A_422 = arith.addi %shift_right_logical3A_368, %add3A_421 : vector<16xi32>
        %add3A_423 = arith.constant 28 : i32
        %add3A_424 = vector.broadcast %add3A_423 : i32 to vector<16xi32>
        %add3A_425 = arith.addi %shift_right_logical3A_368, %add3A_424 : vector<16xi32>
        %gather3A = arith.constant 0 : i32
        %gather3A_426 = arith.constant 0 : i32
        %gather3A_427 = tpu.memref_slice %arg5[%rem3A_254, %scan3A_333, %gather3A, %gather3A_426] : memref<4x4x32x128xf32, #tpu.memory_space<vmem>> -> memref<1x1x32x128xf32, #tpu.memory_space<vmem>>
        %gather3A_428 = tpu.memref_squeeze %gather3A_427 : memref<1x1x32x128xf32, #tpu.memory_space<vmem>> -> memref<32x128xf32, #tpu.memory_space<vmem>>
        %gather3A_429 = tpu.vector_load_idx %gather3A_428[%iota3A, %add3A_380] : memref<32x128xf32, #tpu.memory_space<vmem>>[vector<16xi32>, vector<16xi32>], vector<16xf32>,
        %scatter3A = arith.constant 0 : i32
        %scatter3A_430 = arith.constant 0 : i32
        %scatter3A_431 = tpu.memref_slice %arg6[%rem3A_256, %scatter3A, %scatter3A_430] : memref<2x128x128xf32, #tpu.memory_space<vmem>> -> memref<1x128x128xf32, #tpu.memory_space<vmem>>
        %scatter3A_432 = tpu.memref_squeeze %scatter3A_431 : memref<1x128x128xf32, #tpu.memory_space<vmem>> -> memref<128x128xf32, #tpu.memory_space<vmem>>
        tpu.vector_store_idx %scatter3A_432[%add3A_404, %add3A_374], %gather3A_429 : memref<128x128xf32, #tpu.memory_space<vmem>>[vector<16xi32>, vector<16xi32>], vector<16xf32>,
        %gather3A_433 = arith.constant 0 : i32
        %gather3A_434 = arith.constant 0 : i32
        %gather3A_435 = tpu.memref_slice %arg5[%rem3A_254, %scan3A_333, %gather3A_433, %gather3A_434] : memref<4x4x32x128xf32, #tpu.memory_space<vmem>> -> memref<1x1x32x128xf32, #tpu.memory_space<vmem>>
        %gather3A_436 = tpu.memref_squeeze %gather3A_435 : memref<1x1x32x128xf32, #tpu.memory_space<vmem>> -> memref<32x128xf32, #tpu.memory_space<vmem>>
        %gather3A_437 = tpu.vector_load_idx %gather3A_436[%iota3A, %add3A_383] : memref<32x128xf32, #tpu.memory_space<vmem>>[vector<16xi32>, vector<16xi32>], vector<16xf32>,
        %scatter3A_438 = arith.constant 0 : i32
        %scatter3A_439 = arith.constant 0 : i32
        %scatter3A_440 = tpu.memref_slice %arg6[%rem3A_256, %scatter3A_438, %scatter3A_439] : memref<2x128x128xf32, #tpu.memory_space<vmem>> -> memref<1x128x128xf32, #tpu.memory_space<vmem>>
        %scatter3A_441 = tpu.memref_squeeze %scatter3A_440 : memref<1x128x128xf32, #tpu.memory_space<vmem>> -> memref<128x128xf32, #tpu.memory_space<vmem>>
        tpu.vector_store_idx %scatter3A_441[%add3A_407, %add3A_374], %gather3A_437 : memref<128x128xf32, #tpu.memory_space<vmem>>[vector<16xi32>, vector<16xi32>], vector<16xf32>,
        %gather3A_442 = arith.constant 0 : i32
        %gather3A_443 = arith.constant 0 : i32
        %gather3A_444 = tpu.memref_slice %arg5[%rem3A_254, %scan3A_333, %gather3A_442, %gather3A_443] : memref<4x4x32x128xf32, #tpu.memory_space<vmem>> -> memref<1x1x32x128xf32, #tpu.memory_space<vmem>>
        %gather3A_445 = tpu.memref_squeeze %gather3A_444 : memref<1x1x32x128xf32, #tpu.memory_space<vmem>> -> memref<32x128xf32, #tpu.memory_space<vmem>>
        %gather3A_446 = tpu.vector_load_idx %gather3A_445[%iota3A, %add3A_386] : memref<32x128xf32, #tpu.memory_space<vmem>>[vector<16xi32>, vector<16xi32>], vector<16xf32>,
        %scatter3A_447 = arith.constant 0 : i32
        %scatter3A_448 = arith.constant 0 : i32
        %scatter3A_449 = tpu.memref_slice %arg6[%rem3A_256, %scatter3A_447, %scatter3A_448] : memref<2x128x128xf32, #tpu.memory_space<vmem>> -> memref<1x128x128xf32, #tpu.memory_space<vmem>>
        %scatter3A_450 = tpu.memref_squeeze %scatter3A_449 : memref<1x128x128xf32, #tpu.memory_space<vmem>> -> memref<128x128xf32, #tpu.memory_space<vmem>>
        tpu.vector_store_idx %scatter3A_450[%add3A_410, %add3A_374], %gather3A_446 : memref<128x128xf32, #tpu.memory_space<vmem>>[vector<16xi32>, vector<16xi32>], vector<16xf32>,
        %gather3A_451 = arith.constant 0 : i32
        %gather3A_452 = arith.constant 0 : i32
        %gather3A_453 = tpu.memref_slice %arg5[%rem3A_254, %scan3A_333, %gather3A_451, %gather3A_452] : memref<4x4x32x128xf32, #tpu.memory_space<vmem>> -> memref<1x1x32x128xf32, #tpu.memory_space<vmem>>
        %gather3A_454 = tpu.memref_squeeze %gather3A_453 : memref<1x1x32x128xf32, #tpu.memory_space<vmem>> -> memref<32x128xf32, #tpu.memory_space<vmem>>
        %gather3A_455 = tpu.vector_load_idx %gather3A_454[%iota3A, %add3A_389] : memref<32x128xf32, #tpu.memory_space<vmem>>[vector<16xi32>, vector<16xi32>], vector<16xf32>,
        %scatter3A_456 = arith.constant 0 : i32
        %scatter3A_457 = arith.constant 0 : i32
        %scatter3A_458 = tpu.memref_slice %arg6[%rem3A_256, %scatter3A_456, %scatter3A_457] : memref<2x128x128xf32, #tpu.memory_space<vmem>> -> memref<1x128x128xf32, #tpu.memory_space<vmem>>
        %scatter3A_459 = tpu.memref_squeeze %scatter3A_458 : memref<1x128x128xf32, #tpu.memory_space<vmem>> -> memref<128x128xf32, #tpu.memory_space<vmem>>
        tpu.vector_store_idx %scatter3A_459[%add3A_413, %add3A_374], %gather3A_455 : memref<128x128xf32, #tpu.memory_space<vmem>>[vector<16xi32>, vector<16xi32>], vector<16xf32>,
        %gather3A_460 = arith.constant 0 : i32
        %gather3A_461 = arith.constant 0 : i32
        %gather3A_462 = tpu.memref_slice %arg5[%rem3A_254, %scan3A_333, %gather3A_460, %gather3A_461] : memref<4x4x32x128xf32, #tpu.memory_space<vmem>> -> memref<1x1x32x128xf32, #tpu.memory_space<vmem>>
        %gather3A_463 = tpu.memref_squeeze %gather3A_462 : memref<1x1x32x128xf32, #tpu.memory_space<vmem>> -> memref<32x128xf32, #tpu.memory_space<vmem>>
        %gather3A_464 = tpu.vector_load_idx %gather3A_463[%iota3A, %add3A_392] : memref<32x128xf32, #tpu.memory_space<vmem>>[vector<16xi32>, vector<16xi32>], vector<16xf32>,
        %scatter3A_465 = arith.constant 0 : i32
        %scatter3A_466 = arith.constant 0 : i32
        %scatter3A_467 = tpu.memref_slice %arg6[%rem3A_256, %scatter3A_465, %scatter3A_466] : memref<2x128x128xf32, #tpu.memory_space<vmem>> -> memref<1x128x128xf32, #tpu.memory_space<vmem>>
        %scatter3A_468 = tpu.memref_squeeze %scatter3A_467 : memref<1x128x128xf32, #tpu.memory_space<vmem>> -> memref<128x128xf32, #tpu.memory_space<vmem>>
        tpu.vector_store_idx %scatter3A_468[%add3A_416, %add3A_374], %gather3A_464 : memref<128x128xf32, #tpu.memory_space<vmem>>[vector<16xi32>, vector<16xi32>], vector<16xf32>,
        %gather3A_469 = arith.constant 0 : i32
        %gather3A_470 = arith.constant 0 : i32
        %gather3A_471 = tpu.memref_slice %arg5[%rem3A_254, %scan3A_333, %gather3A_469, %gather3A_470] : memref<4x4x32x128xf32, #tpu.memory_space<vmem>> -> memref<1x1x32x128xf32, #tpu.memory_space<vmem>>
        %gather3A_472 = tpu.memref_squeeze %gather3A_471 : memref<1x1x32x128xf32, #tpu.memory_space<vmem>> -> memref<32x128xf32, #tpu.memory_space<vmem>>
        %gather3A_473 = tpu.vector_load_idx %gather3A_472[%iota3A, %add3A_395] : memref<32x128xf32, #tpu.memory_space<vmem>>[vector<16xi32>, vector<16xi32>], vector<16xf32>,
        %scatter3A_474 = arith.constant 0 : i32
        %scatter3A_475 = arith.constant 0 : i32
        %scatter3A_476 = tpu.memref_slice %arg6[%rem3A_256, %scatter3A_474, %scatter3A_475] : memref<2x128x128xf32, #tpu.memory_space<vmem>> -> memref<1x128x128xf32, #tpu.memory_space<vmem>>
        %scatter3A_477 = tpu.memref_squeeze %scatter3A_476 : memref<1x128x128xf32, #tpu.memory_space<vmem>> -> memref<128x128xf32, #tpu.memory_space<vmem>>
        tpu.vector_store_idx %scatter3A_477[%add3A_419, %add3A_374], %gather3A_473 : memref<128x128xf32, #tpu.memory_space<vmem>>[vector<16xi32>, vector<16xi32>], vector<16xf32>,
        %gather3A_478 = arith.constant 0 : i32
        %gather3A_479 = arith.constant 0 : i32
        %gather3A_480 = tpu.memref_slice %arg5[%rem3A_254, %scan3A_333, %gather3A_478, %gather3A_479] : memref<4x4x32x128xf32, #tpu.memory_space<vmem>> -> memref<1x1x32x128xf32, #tpu.memory_space<vmem>>
        %gather3A_481 = tpu.memref_squeeze %gather3A_480 : memref<1x1x32x128xf32, #tpu.memory_space<vmem>> -> memref<32x128xf32, #tpu.memory_space<vmem>>
        %gather3A_482 = tpu.vector_load_idx %gather3A_481[%iota3A, %add3A_398] : memref<32x128xf32, #tpu.memory_space<vmem>>[vector<16xi32>, vector<16xi32>], vector<16xf32>,
        %scatter3A_483 = arith.constant 0 : i32
        %scatter3A_484 = arith.constant 0 : i32
        %scatter3A_485 = tpu.memref_slice %arg6[%rem3A_256, %scatter3A_483, %scatter3A_484] : memref<2x128x128xf32, #tpu.memory_space<vmem>> -> memref<1x128x128xf32, #tpu.memory_space<vmem>>
        %scatter3A_486 = tpu.memref_squeeze %scatter3A_485 : memref<1x128x128xf32, #tpu.memory_space<vmem>> -> memref<128x128xf32, #tpu.memory_space<vmem>>
        tpu.vector_store_idx %scatter3A_486[%add3A_422, %add3A_374], %gather3A_482 : memref<128x128xf32, #tpu.memory_space<vmem>>[vector<16xi32>, vector<16xi32>], vector<16xf32>,
        %gather3A_487 = arith.constant 0 : i32
        %gather3A_488 = arith.constant 0 : i32
        %gather3A_489 = tpu.memref_slice %arg5[%rem3A_254, %scan3A_333, %gather3A_487, %gather3A_488] : memref<4x4x32x128xf32, #tpu.memory_space<vmem>> -> memref<1x1x32x128xf32, #tpu.memory_space<vmem>>
        %gather3A_490 = tpu.memref_squeeze %gather3A_489 : memref<1x1x32x128xf32, #tpu.memory_space<vmem>> -> memref<32x128xf32, #tpu.memory_space<vmem>>
        %gather3A_491 = tpu.vector_load_idx %gather3A_490[%iota3A, %add3A_401] : memref<32x128xf32, #tpu.memory_space<vmem>>[vector<16xi32>, vector<16xi32>], vector<16xf32>,
        %scatter3A_492 = arith.constant 0 : i32
        %scatter3A_493 = arith.constant 0 : i32
        %scatter3A_494 = tpu.memref_slice %arg6[%rem3A_256, %scatter3A_492, %scatter3A_493] : memref<2x128x128xf32, #tpu.memory_space<vmem>> -> memref<1x128x128xf32, #tpu.memory_space<vmem>>
        %scatter3A_495 = tpu.memref_squeeze %scatter3A_494 : memref<1x128x128xf32, #tpu.memory_space<vmem>> -> memref<128x128xf32, #tpu.memory_space<vmem>>
        tpu.vector_store_idx %scatter3A_495[%add3A_425, %add3A_374], %gather3A_491 : memref<128x128xf32, #tpu.memory_space<vmem>>[vector<16xi32>, vector<16xi32>], vector<16xf32>,
        %gather3A_496 = arith.constant 0 : i32
        %gather3A_497 = arith.constant 0 : i32
        %gather3A_498 = tpu.memref_slice %arg5[%rem3A_254, %scan3A_333, %gather3A_496, %gather3A_497] : memref<4x4x32x128xf32, #tpu.memory_space<vmem>> -> memref<1x1x32x128xf32, #tpu.memory_space<vmem>>
        %gather3A_499 = tpu.memref_squeeze %gather3A_498 : memref<1x1x32x128xf32, #tpu.memory_space<vmem>> -> memref<32x128xf32, #tpu.memory_space<vmem>>
        %gather3A_500 = tpu.vector_load_idx %gather3A_499[%add3A_5, %add3A_380] : memref<32x128xf32, #tpu.memory_space<vmem>>[vector<16xi32>, vector<16xi32>], vector<16xf32>,
        %scatter3A_501 = arith.constant 0 : i32
        %scatter3A_502 = arith.constant 0 : i32
        %scatter3A_503 = tpu.memref_slice %arg6[%rem3A_256, %scatter3A_501, %scatter3A_502] : memref<2x128x128xf32, #tpu.memory_space<vmem>> -> memref<1x128x128xf32, #tpu.memory_space<vmem>>
        %scatter3A_504 = tpu.memref_squeeze %scatter3A_503 : memref<1x128x128xf32, #tpu.memory_space<vmem>> -> memref<128x128xf32, #tpu.memory_space<vmem>>
        tpu.vector_store_idx %scatter3A_504[%add3A_404, %add3A_377], %gather3A_500 : memref<128x128xf32, #tpu.memory_space<vmem>>[vector<16xi32>, vector<16xi32>], vector<16xf32>,
        %gather3A_505 = arith.constant 0 : i32
        %gather3A_506 = arith.constant 0 : i32
        %gather3A_507 = tpu.memref_slice %arg5[%rem3A_254, %scan3A_333, %gather3A_505, %gather3A_506] : memref<4x4x32x128xf32, #tpu.memory_space<vmem>> -> memref<1x1x32x128xf32, #tpu.memory_space<vmem>>
        %gather3A_508 = tpu.memref_squeeze %gather3A_507 : memref<1x1x32x128xf32, #tpu.memory_space<vmem>> -> memref<32x128xf32, #tpu.memory_space<vmem>>
        %gather3A_509 = tpu.vector_load_idx %gather3A_508[%add3A_5, %add3A_383] : memref<32x128xf32, #tpu.memory_space<vmem>>[vector<16xi32>, vector<16xi32>], vector<16xf32>,
        %scatter3A_510 = arith.constant 0 : i32
        %scatter3A_511 = arith.constant 0 : i32
        %scatter3A_512 = tpu.memref_slice %arg6[%rem3A_256, %scatter3A_510, %scatter3A_511] : memref<2x128x128xf32, #tpu.memory_space<vmem>> -> memref<1x128x128xf32, #tpu.memory_space<vmem>>
        %scatter3A_513 = tpu.memref_squeeze %scatter3A_512 : memref<1x128x128xf32, #tpu.memory_space<vmem>> -> memref<128x128xf32, #tpu.memory_space<vmem>>
        tpu.vector_store_idx %scatter3A_513[%add3A_407, %add3A_377], %gather3A_509 : memref<128x128xf32, #tpu.memory_space<vmem>>[vector<16xi32>, vector<16xi32>], vector<16xf32>,
        %gather3A_514 = arith.constant 0 : i32
        %gather3A_515 = arith.constant 0 : i32
        %gather3A_516 = tpu.memref_slice %arg5[%rem3A_254, %scan3A_333, %gather3A_514, %gather3A_515] : memref<4x4x32x128xf32, #tpu.memory_space<vmem>> -> memref<1x1x32x128xf32, #tpu.memory_space<vmem>>
        %gather3A_517 = tpu.memref_squeeze %gather3A_516 : memref<1x1x32x128xf32, #tpu.memory_space<vmem>> -> memref<32x128xf32, #tpu.memory_space<vmem>>
        %gather3A_518 = tpu.vector_load_idx %gather3A_517[%add3A_5, %add3A_386] : memref<32x128xf32, #tpu.memory_space<vmem>>[vector<16xi32>, vector<16xi32>], vector<16xf32>,
        %scatter3A_519 = arith.constant 0 : i32
        %scatter3A_520 = arith.constant 0 : i32
        %scatter3A_521 = tpu.memref_slice %arg6[%rem3A_256, %scatter3A_519, %scatter3A_520] : memref<2x128x128xf32, #tpu.memory_space<vmem>> -> memref<1x128x128xf32, #tpu.memory_space<vmem>>
        %scatter3A_522 = tpu.memref_squeeze %scatter3A_521 : memref<1x128x128xf32, #tpu.memory_space<vmem>> -> memref<128x128xf32, #tpu.memory_space<vmem>>
        tpu.vector_store_idx %scatter3A_522[%add3A_410, %add3A_377], %gather3A_518 : memref<128x128xf32, #tpu.memory_space<vmem>>[vector<16xi32>, vector<16xi32>], vector<16xf32>,
        %gather3A_523 = arith.constant 0 : i32
        %gather3A_524 = arith.constant 0 : i32
        %gather3A_525 = tpu.memref_slice %arg5[%rem3A_254, %scan3A_333, %gather3A_523, %gather3A_524] : memref<4x4x32x128xf32, #tpu.memory_space<vmem>> -> memref<1x1x32x128xf32, #tpu.memory_space<vmem>>
        %gather3A_526 = tpu.memref_squeeze %gather3A_525 : memref<1x1x32x128xf32, #tpu.memory_space<vmem>> -> memref<32x128xf32, #tpu.memory_space<vmem>>
        %gather3A_527 = tpu.vector_load_idx %gather3A_526[%add3A_5, %add3A_389] : memref<32x128xf32, #tpu.memory_space<vmem>>[vector<16xi32>, vector<16xi32>], vector<16xf32>,
        %scatter3A_528 = arith.constant 0 : i32
        %scatter3A_529 = arith.constant 0 : i32
        %scatter3A_530 = tpu.memref_slice %arg6[%rem3A_256, %scatter3A_528, %scatter3A_529] : memref<2x128x128xf32, #tpu.memory_space<vmem>> -> memref<1x128x128xf32, #tpu.memory_space<vmem>>
        %scatter3A_531 = tpu.memref_squeeze %scatter3A_530 : memref<1x128x128xf32, #tpu.memory_space<vmem>> -> memref<128x128xf32, #tpu.memory_space<vmem>>
        tpu.vector_store_idx %scatter3A_531[%add3A_413, %add3A_377], %gather3A_527 : memref<128x128xf32, #tpu.memory_space<vmem>>[vector<16xi32>, vector<16xi32>], vector<16xf32>,
        %gather3A_532 = arith.constant 0 : i32
        %gather3A_533 = arith.constant 0 : i32
        %gather3A_534 = tpu.memref_slice %arg5[%rem3A_254, %scan3A_333, %gather3A_532, %gather3A_533] : memref<4x4x32x128xf32, #tpu.memory_space<vmem>> -> memref<1x1x32x128xf32, #tpu.memory_space<vmem>>
        %gather3A_535 = tpu.memref_squeeze %gather3A_534 : memref<1x1x32x128xf32, #tpu.memory_space<vmem>> -> memref<32x128xf32, #tpu.memory_space<vmem>>
        %gather3A_536 = tpu.vector_load_idx %gather3A_535[%add3A_5, %add3A_392] : memref<32x128xf32, #tpu.memory_space<vmem>>[vector<16xi32>, vector<16xi32>], vector<16xf32>,
        %scatter3A_537 = arith.constant 0 : i32
        %scatter3A_538 = arith.constant 0 : i32
        %scatter3A_539 = tpu.memref_slice %arg6[%rem3A_256, %scatter3A_537, %scatter3A_538] : memref<2x128x128xf32, #tpu.memory_space<vmem>> -> memref<1x128x128xf32, #tpu.memory_space<vmem>>
        %scatter3A_540 = tpu.memref_squeeze %scatter3A_539 : memref<1x128x128xf32, #tpu.memory_space<vmem>> -> memref<128x128xf32, #tpu.memory_space<vmem>>
        tpu.vector_store_idx %scatter3A_540[%add3A_416, %add3A_377], %gather3A_536 : memref<128x128xf32, #tpu.memory_space<vmem>>[vector<16xi32>, vector<16xi32>], vector<16xf32>,
        %gather3A_541 = arith.constant 0 : i32
        %gather3A_542 = arith.constant 0 : i32
        %gather3A_543 = tpu.memref_slice %arg5[%rem3A_254, %scan3A_333, %gather3A_541, %gather3A_542] : memref<4x4x32x128xf32, #tpu.memory_space<vmem>> -> memref<1x1x32x128xf32, #tpu.memory_space<vmem>>
        %gather3A_544 = tpu.memref_squeeze %gather3A_543 : memref<1x1x32x128xf32, #tpu.memory_space<vmem>> -> memref<32x128xf32, #tpu.memory_space<vmem>>
        %gather3A_545 = tpu.vector_load_idx %gather3A_544[%add3A_5, %add3A_395] : memref<32x128xf32, #tpu.memory_space<vmem>>[vector<16xi32>, vector<16xi32>], vector<16xf32>,
        %scatter3A_546 = arith.constant 0 : i32
        %scatter3A_547 = arith.constant 0 : i32
        %scatter3A_548 = tpu.memref_slice %arg6[%rem3A_256, %scatter3A_546, %scatter3A_547] : memref<2x128x128xf32, #tpu.memory_space<vmem>> -> memref<1x128x128xf32, #tpu.memory_space<vmem>>
        %scatter3A_549 = tpu.memref_squeeze %scatter3A_548 : memref<1x128x128xf32, #tpu.memory_space<vmem>> -> memref<128x128xf32, #tpu.memory_space<vmem>>
        tpu.vector_store_idx %scatter3A_549[%add3A_419, %add3A_377], %gather3A_545 : memref<128x128xf32, #tpu.memory_space<vmem>>[vector<16xi32>, vector<16xi32>], vector<16xf32>,
        %gather3A_550 = arith.constant 0 : i32
        %gather3A_551 = arith.constant 0 : i32
        %gather3A_552 = tpu.memref_slice %arg5[%rem3A_254, %scan3A_333, %gather3A_550, %gather3A_551] : memref<4x4x32x128xf32, #tpu.memory_space<vmem>> -> memref<1x1x32x128xf32, #tpu.memory_space<vmem>>
        %gather3A_553 = tpu.memref_squeeze %gather3A_552 : memref<1x1x32x128xf32, #tpu.memory_space<vmem>> -> memref<32x128xf32, #tpu.memory_space<vmem>>
        %gather3A_554 = tpu.vector_load_idx %gather3A_553[%add3A_5, %add3A_398] : memref<32x128xf32, #tpu.memory_space<vmem>>[vector<16xi32>, vector<16xi32>], vector<16xf32>,
        %scatter3A_555 = arith.constant 0 : i32
        %scatter3A_556 = arith.constant 0 : i32
        %scatter3A_557 = tpu.memref_slice %arg6[%rem3A_256, %scatter3A_555, %scatter3A_556] : memref<2x128x128xf32, #tpu.memory_space<vmem>> -> memref<1x128x128xf32, #tpu.memory_space<vmem>>
        %scatter3A_558 = tpu.memref_squeeze %scatter3A_557 : memref<1x128x128xf32, #tpu.memory_space<vmem>> -> memref<128x128xf32, #tpu.memory_space<vmem>>
        tpu.vector_store_idx %scatter3A_558[%add3A_422, %add3A_377], %gather3A_554 : memref<128x128xf32, #tpu.memory_space<vmem>>[vector<16xi32>, vector<16xi32>], vector<16xf32>,
        %gather3A_559 = arith.constant 0 : i32
        %gather3A_560 = arith.constant 0 : i32
        %gather3A_561 = tpu.memref_slice %arg5[%rem3A_254, %scan3A_333, %gather3A_559, %gather3A_560] : memref<4x4x32x128xf32, #tpu.memory_space<vmem>> -> memref<1x1x32x128xf32, #tpu.memory_space<vmem>>
        %gather3A_562 = tpu.memref_squeeze %gather3A_561 : memref<1x1x32x128xf32, #tpu.memory_space<vmem>> -> memref<32x128xf32, #tpu.memory_space<vmem>>
        %gather3A_563 = tpu.vector_load_idx %gather3A_562[%add3A_5, %add3A_401] : memref<32x128xf32, #tpu.memory_space<vmem>>[vector<16xi32>, vector<16xi32>], vector<16xf32>,
        %scatter3A_564 = arith.constant 0 : i32
        %scatter3A_565 = arith.constant 0 : i32
        %scatter3A_566 = tpu.memref_slice %arg6[%rem3A_256, %scatter3A_564, %scatter3A_565] : memref<2x128x128xf32, #tpu.memory_space<vmem>> -> memref<1x128x128xf32, #tpu.memory_space<vmem>>
        %scatter3A_567 = tpu.memref_squeeze %scatter3A_566 : memref<1x128x128xf32, #tpu.memory_space<vmem>> -> memref<128x128xf32, #tpu.memory_space<vmem>>
        tpu.vector_store_idx %scatter3A_567[%add3A_425, %add3A_377], %gather3A_563 : memref<128x128xf32, #tpu.memory_space<vmem>>[vector<16xi32>, vector<16xi32>], vector<16xf32>,
        %add3A_568 = arith.constant 32 : i32
        %add3A_569 = vector.broadcast %add3A_568 : i32 to vector<16xi32>
        %add3A_570 = arith.addi %shift_right_logical3A_368, %add3A_569 : vector<16xi32>
        %add3A_571 = arith.constant 36 : i32
        %add3A_572 = vector.broadcast %add3A_571 : i32 to vector<16xi32>
        %add3A_573 = arith.addi %shift_right_logical3A_368, %add3A_572 : vector<16xi32>
        %add3A_574 = arith.constant 40 : i32
        %add3A_575 = vector.broadcast %add3A_574 : i32 to vector<16xi32>
        %add3A_576 = arith.addi %shift_right_logical3A_368, %add3A_575 : vector<16xi32>
        %add3A_577 = arith.constant 44 : i32
        %add3A_578 = vector.broadcast %add3A_577 : i32 to vector<16xi32>
        %add3A_579 = arith.addi %shift_right_logical3A_368, %add3A_578 : vector<16xi32>
        %add3A_580 = arith.constant 48 : i32
        %add3A_581 = vector.broadcast %add3A_580 : i32 to vector<16xi32>
        %add3A_582 = arith.addi %shift_right_logical3A_368, %add3A_581 : vector<16xi32>
        %add3A_583 = arith.constant 52 : i32
        %add3A_584 = vector.broadcast %add3A_583 : i32 to vector<16xi32>
        %add3A_585 = arith.addi %shift_right_logical3A_368, %add3A_584 : vector<16xi32>
        %add3A_586 = arith.constant 56 : i32
        %add3A_587 = vector.broadcast %add3A_586 : i32 to vector<16xi32>
        %add3A_588 = arith.addi %shift_right_logical3A_368, %add3A_587 : vector<16xi32>
        %add3A_589 = arith.constant 60 : i32
        %add3A_590 = vector.broadcast %add3A_589 : i32 to vector<16xi32>
        %add3A_591 = arith.addi %shift_right_logical3A_368, %add3A_590 : vector<16xi32>
        %gather3A_592 = arith.constant 0 : i32
        %gather3A_593 = arith.constant 0 : i32
        %gather3A_594 = tpu.memref_slice %arg5[%rem3A_254, %scan3A_334, %gather3A_592, %gather3A_593] : memref<4x4x32x128xf32, #tpu.memory_space<vmem>> -> memref<1x1x32x128xf32, #tpu.memory_space<vmem>>
        %gather3A_595 = tpu.memref_squeeze %gather3A_594 : memref<1x1x32x128xf32, #tpu.memory_space<vmem>> -> memref<32x128xf32, #tpu.memory_space<vmem>>
        %gather3A_596 = tpu.vector_load_idx %gather3A_595[%iota3A, %add3A_380] : memref<32x128xf32, #tpu.memory_space<vmem>>[vector<16xi32>, vector<16xi32>], vector<16xf32>,
        %scatter3A_597 = arith.constant 0 : i32
        %scatter3A_598 = arith.constant 0 : i32
        %scatter3A_599 = tpu.memref_slice %arg6[%rem3A_256, %scatter3A_597, %scatter3A_598] : memref<2x128x128xf32, #tpu.memory_space<vmem>> -> memref<1x128x128xf32, #tpu.memory_space<vmem>>
        %scatter3A_600 = tpu.memref_squeeze %scatter3A_599 : memref<1x128x128xf32, #tpu.memory_space<vmem>> -> memref<128x128xf32, #tpu.memory_space<vmem>>
        tpu.vector_store_idx %scatter3A_600[%add3A_570, %add3A_374], %gather3A_596 : memref<128x128xf32, #tpu.memory_space<vmem>>[vector<16xi32>, vector<16xi32>], vector<16xf32>,
        %gather3A_601 = arith.constant 0 : i32
        %gather3A_602 = arith.constant 0 : i32
        %gather3A_603 = tpu.memref_slice %arg5[%rem3A_254, %scan3A_334, %gather3A_601, %gather3A_602] : memref<4x4x32x128xf32, #tpu.memory_space<vmem>> -> memref<1x1x32x128xf32, #tpu.memory_space<vmem>>
        %gather3A_604 = tpu.memref_squeeze %gather3A_603 : memref<1x1x32x128xf32, #tpu.memory_space<vmem>> -> memref<32x128xf32, #tpu.memory_space<vmem>>
        %gather3A_605 = tpu.vector_load_idx %gather3A_604[%iota3A, %add3A_383] : memref<32x128xf32, #tpu.memory_space<vmem>>[vector<16xi32>, vector<16xi32>], vector<16xf32>,
        %scatter3A_606 = arith.constant 0 : i32
        %scatter3A_607 = arith.constant 0 : i32
        %scatter3A_608 = tpu.memref_slice %arg6[%rem3A_256, %scatter3A_606, %scatter3A_607] : memref<2x128x128xf32, #tpu.memory_space<vmem>> -> memref<1x128x128xf32, #tpu.memory_space<vmem>>
        %scatter3A_609 = tpu.memref_squeeze %scatter3A_608 : memref<1x128x128xf32, #tpu.memory_space<vmem>> -> memref<128x128xf32, #tpu.memory_space<vmem>>
        tpu.vector_store_idx %scatter3A_609[%add3A_573, %add3A_374], %gather3A_605 : memref<128x128xf32, #tpu.memory_space<vmem>>[vector<16xi32>, vector<16xi32>], vector<16xf32>,
        %gather3A_610 = arith.constant 0 : i32
        %gather3A_611 = arith.constant 0 : i32
        %gather3A_612 = tpu.memref_slice %arg5[%rem3A_254, %scan3A_334, %gather3A_610, %gather3A_611] : memref<4x4x32x128xf32, #tpu.memory_space<vmem>> -> memref<1x1x32x128xf32, #tpu.memory_space<vmem>>
        %gather3A_613 = tpu.memref_squeeze %gather3A_612 : memref<1x1x32x128xf32, #tpu.memory_space<vmem>> -> memref<32x128xf32, #tpu.memory_space<vmem>>
        %gather3A_614 = tpu.vector_load_idx %gather3A_613[%iota3A, %add3A_386] : memref<32x128xf32, #tpu.memory_space<vmem>>[vector<16xi32>, vector<16xi32>], vector<16xf32>,
        %scatter3A_615 = arith.constant 0 : i32
        %scatter3A_616 = arith.constant 0 : i32
        %scatter3A_617 = tpu.memref_slice %arg6[%rem3A_256, %scatter3A_615, %scatter3A_616] : memref<2x128x128xf32, #tpu.memory_space<vmem>> -> memref<1x128x128xf32, #tpu.memory_space<vmem>>
        %scatter3A_618 = tpu.memref_squeeze %scatter3A_617 : memref<1x128x128xf32, #tpu.memory_space<vmem>> -> memref<128x128xf32, #tpu.memory_space<vmem>>
        tpu.vector_store_idx %scatter3A_618[%add3A_576, %add3A_374], %gather3A_614 : memref<128x128xf32, #tpu.memory_space<vmem>>[vector<16xi32>, vector<16xi32>], vector<16xf32>,
        %gather3A_619 = arith.constant 0 : i32
        %gather3A_620 = arith.constant 0 : i32
        %gather3A_621 = tpu.memref_slice %arg5[%rem3A_254, %scan3A_334, %gather3A_619, %gather3A_620] : memref<4x4x32x128xf32, #tpu.memory_space<vmem>> -> memref<1x1x32x128xf32, #tpu.memory_space<vmem>>
        %gather3A_622 = tpu.memref_squeeze %gather3A_621 : memref<1x1x32x128xf32, #tpu.memory_space<vmem>> -> memref<32x128xf32, #tpu.memory_space<vmem>>
        %gather3A_623 = tpu.vector_load_idx %gather3A_622[%iota3A, %add3A_389] : memref<32x128xf32, #tpu.memory_space<vmem>>[vector<16xi32>, vector<16xi32>], vector<16xf32>,
        %scatter3A_624 = arith.constant 0 : i32
        %scatter3A_625 = arith.constant 0 : i32
        %scatter3A_626 = tpu.memref_slice %arg6[%rem3A_256, %scatter3A_624, %scatter3A_625] : memref<2x128x128xf32, #tpu.memory_space<vmem>> -> memref<1x128x128xf32, #tpu.memory_space<vmem>>
        %scatter3A_627 = tpu.memref_squeeze %scatter3A_626 : memref<1x128x128xf32, #tpu.memory_space<vmem>> -> memref<128x128xf32, #tpu.memory_space<vmem>>
        tpu.vector_store_idx %scatter3A_627[%add3A_579, %add3A_374], %gather3A_623 : memref<128x128xf32, #tpu.memory_space<vmem>>[vector<16xi32>, vector<16xi32>], vector<16xf32>,
        %gather3A_628 = arith.constant 0 : i32
        %gather3A_629 = arith.constant 0 : i32
        %gather3A_630 = tpu.memref_slice %arg5[%rem3A_254, %scan3A_334, %gather3A_628, %gather3A_629] : memref<4x4x32x128xf32, #tpu.memory_space<vmem>> -> memref<1x1x32x128xf32, #tpu.memory_space<vmem>>
        %gather3A_631 = tpu.memref_squeeze %gather3A_630 : memref<1x1x32x128xf32, #tpu.memory_space<vmem>> -> memref<32x128xf32, #tpu.memory_space<vmem>>
        %gather3A_632 = tpu.vector_load_idx %gather3A_631[%iota3A, %add3A_392] : memref<32x128xf32, #tpu.memory_space<vmem>>[vector<16xi32>, vector<16xi32>], vector<16xf32>,
        %scatter3A_633 = arith.constant 0 : i32
        %scatter3A_634 = arith.constant 0 : i32
        %scatter3A_635 = tpu.memref_slice %arg6[%rem3A_256, %scatter3A_633, %scatter3A_634] : memref<2x128x128xf32, #tpu.memory_space<vmem>> -> memref<1x128x128xf32, #tpu.memory_space<vmem>>
        %scatter3A_636 = tpu.memref_squeeze %scatter3A_635 : memref<1x128x128xf32, #tpu.memory_space<vmem>> -> memref<128x128xf32, #tpu.memory_space<vmem>>
        tpu.vector_store_idx %scatter3A_636[%add3A_582, %add3A_374], %gather3A_632 : memref<128x128xf32, #tpu.memory_space<vmem>>[vector<16xi32>, vector<16xi32>], vector<16xf32>,
        %gather3A_637 = arith.constant 0 : i32
        %gather3A_638 = arith.constant 0 : i32
        %gather3A_639 = tpu.memref_slice %arg5[%rem3A_254, %scan3A_334, %gather3A_637, %gather3A_638] : memref<4x4x32x128xf32, #tpu.memory_space<vmem>> -> memref<1x1x32x128xf32, #tpu.memory_space<vmem>>
        %gather3A_640 = tpu.memref_squeeze %gather3A_639 : memref<1x1x32x128xf32, #tpu.memory_space<vmem>> -> memref<32x128xf32, #tpu.memory_space<vmem>>
        %gather3A_641 = tpu.vector_load_idx %gather3A_640[%iota3A, %add3A_395] : memref<32x128xf32, #tpu.memory_space<vmem>>[vector<16xi32>, vector<16xi32>], vector<16xf32>,
        %scatter3A_642 = arith.constant 0 : i32
        %scatter3A_643 = arith.constant 0 : i32
        %scatter3A_644 = tpu.memref_slice %arg6[%rem3A_256, %scatter3A_642, %scatter3A_643] : memref<2x128x128xf32, #tpu.memory_space<vmem>> -> memref<1x128x128xf32, #tpu.memory_space<vmem>>
        %scatter3A_645 = tpu.memref_squeeze %scatter3A_644 : memref<1x128x128xf32, #tpu.memory_space<vmem>> -> memref<128x128xf32, #tpu.memory_space<vmem>>
        tpu.vector_store_idx %scatter3A_645[%add3A_585, %add3A_374], %gather3A_641 : memref<128x128xf32, #tpu.memory_space<vmem>>[vector<16xi32>, vector<16xi32>], vector<16xf32>,
        %gather3A_646 = arith.constant 0 : i32
        %gather3A_647 = arith.constant 0 : i32
        %gather3A_648 = tpu.memref_slice %arg5[%rem3A_254, %scan3A_334, %gather3A_646, %gather3A_647] : memref<4x4x32x128xf32, #tpu.memory_space<vmem>> -> memref<1x1x32x128xf32, #tpu.memory_space<vmem>>
        %gather3A_649 = tpu.memref_squeeze %gather3A_648 : memref<1x1x32x128xf32, #tpu.memory_space<vmem>> -> memref<32x128xf32, #tpu.memory_space<vmem>>
        %gather3A_650 = tpu.vector_load_idx %gather3A_649[%iota3A, %add3A_398] : memref<32x128xf32, #tpu.memory_space<vmem>>[vector<16xi32>, vector<16xi32>], vector<16xf32>,
        %scatter3A_651 = arith.constant 0 : i32
        %scatter3A_652 = arith.constant 0 : i32
        %scatter3A_653 = tpu.memref_slice %arg6[%rem3A_256, %scatter3A_651, %scatter3A_652] : memref<2x128x128xf32, #tpu.memory_space<vmem>> -> memref<1x128x128xf32, #tpu.memory_space<vmem>>
        %scatter3A_654 = tpu.memref_squeeze %scatter3A_653 : memref<1x128x128xf32, #tpu.memory_space<vmem>> -> memref<128x128xf32, #tpu.memory_space<vmem>>
        tpu.vector_store_idx %scatter3A_654[%add3A_588, %add3A_374], %gather3A_650 : memref<128x128xf32, #tpu.memory_space<vmem>>[vector<16xi32>, vector<16xi32>], vector<16xf32>,
        %gather3A_655 = arith.constant 0 : i32
        %gather3A_656 = arith.constant 0 : i32
        %gather3A_657 = tpu.memref_slice %arg5[%rem3A_254, %scan3A_334, %gather3A_655, %gather3A_656] : memref<4x4x32x128xf32, #tpu.memory_space<vmem>> -> memref<1x1x32x128xf32, #tpu.memory_space<vmem>>
        %gather3A_658 = tpu.memref_squeeze %gather3A_657 : memref<1x1x32x128xf32, #tpu.memory_space<vmem>> -> memref<32x128xf32, #tpu.memory_space<vmem>>
        %gather3A_659 = tpu.vector_load_idx %gather3A_658[%iota3A, %add3A_401] : memref<32x128xf32, #tpu.memory_space<vmem>>[vector<16xi32>, vector<16xi32>], vector<16xf32>,
        %scatter3A_660 = arith.constant 0 : i32
        %scatter3A_661 = arith.constant 0 : i32
        %scatter3A_662 = tpu.memref_slice %arg6[%rem3A_256, %scatter3A_660, %scatter3A_661] : memref<2x128x128xf32, #tpu.memory_space<vmem>> -> memref<1x128x128xf32, #tpu.memory_space<vmem>>
        %scatter3A_663 = tpu.memref_squeeze %scatter3A_662 : memref<1x128x128xf32, #tpu.memory_space<vmem>> -> memref<128x128xf32, #tpu.memory_space<vmem>>
        tpu.vector_store_idx %scatter3A_663[%add3A_591, %add3A_374], %gather3A_659 : memref<128x128xf32, #tpu.memory_space<vmem>>[vector<16xi32>, vector<16xi32>], vector<16xf32>,
        %gather3A_664 = arith.constant 0 : i32
        %gather3A_665 = arith.constant 0 : i32
        %gather3A_666 = tpu.memref_slice %arg5[%rem3A_254, %scan3A_334, %gather3A_664, %gather3A_665] : memref<4x4x32x128xf32, #tpu.memory_space<vmem>> -> memref<1x1x32x128xf32, #tpu.memory_space<vmem>>
        %gather3A_667 = tpu.memref_squeeze %gather3A_666 : memref<1x1x32x128xf32, #tpu.memory_space<vmem>> -> memref<32x128xf32, #tpu.memory_space<vmem>>
        %gather3A_668 = tpu.vector_load_idx %gather3A_667[%add3A_5, %add3A_380] : memref<32x128xf32, #tpu.memory_space<vmem>>[vector<16xi32>, vector<16xi32>], vector<16xf32>,
        %scatter3A_669 = arith.constant 0 : i32
        %scatter3A_670 = arith.constant 0 : i32
        %scatter3A_671 = tpu.memref_slice %arg6[%rem3A_256, %scatter3A_669, %scatter3A_670] : memref<2x128x128xf32, #tpu.memory_space<vmem>> -> memref<1x128x128xf32, #tpu.memory_space<vmem>>
        %scatter3A_672 = tpu.memref_squeeze %scatter3A_671 : memref<1x128x128xf32, #tpu.memory_space<vmem>> -> memref<128x128xf32, #tpu.memory_space<vmem>>
        tpu.vector_store_idx %scatter3A_672[%add3A_570, %add3A_377], %gather3A_668 : memref<128x128xf32, #tpu.memory_space<vmem>>[vector<16xi32>, vector<16xi32>], vector<16xf32>,
        %gather3A_673 = arith.constant 0 : i32
        %gather3A_674 = arith.constant 0 : i32
        %gather3A_675 = tpu.memref_slice %arg5[%rem3A_254, %scan3A_334, %gather3A_673, %gather3A_674] : memref<4x4x32x128xf32, #tpu.memory_space<vmem>> -> memref<1x1x32x128xf32, #tpu.memory_space<vmem>>
        %gather3A_676 = tpu.memref_squeeze %gather3A_675 : memref<1x1x32x128xf32, #tpu.memory_space<vmem>> -> memref<32x128xf32, #tpu.memory_space<vmem>>
        %gather3A_677 = tpu.vector_load_idx %gather3A_676[%add3A_5, %add3A_383] : memref<32x128xf32, #tpu.memory_space<vmem>>[vector<16xi32>, vector<16xi32>], vector<16xf32>,
        %scatter3A_678 = arith.constant 0 : i32
        %scatter3A_679 = arith.constant 0 : i32
        %scatter3A_680 = tpu.memref_slice %arg6[%rem3A_256, %scatter3A_678, %scatter3A_679] : memref<2x128x128xf32, #tpu.memory_space<vmem>> -> memref<1x128x128xf32, #tpu.memory_space<vmem>>
        %scatter3A_681 = tpu.memref_squeeze %scatter3A_680 : memref<1x128x128xf32, #tpu.memory_space<vmem>> -> memref<128x128xf32, #tpu.memory_space<vmem>>
        tpu.vector_store_idx %scatter3A_681[%add3A_573, %add3A_377], %gather3A_677 : memref<128x128xf32, #tpu.memory_space<vmem>>[vector<16xi32>, vector<16xi32>], vector<16xf32>,
        %gather3A_682 = arith.constant 0 : i32
        %gather3A_683 = arith.constant 0 : i32
        %gather3A_684 = tpu.memref_slice %arg5[%rem3A_254, %scan3A_334, %gather3A_682, %gather3A_683] : memref<4x4x32x128xf32, #tpu.memory_space<vmem>> -> memref<1x1x32x128xf32, #tpu.memory_space<vmem>>
        %gather3A_685 = tpu.memref_squeeze %gather3A_684 : memref<1x1x32x128xf32, #tpu.memory_space<vmem>> -> memref<32x128xf32, #tpu.memory_space<vmem>>
        %gather3A_686 = tpu.vector_load_idx %gather3A_685[%add3A_5, %add3A_386] : memref<32x128xf32, #tpu.memory_space<vmem>>[vector<16xi32>, vector<16xi32>], vector<16xf32>,
        %scatter3A_687 = arith.constant 0 : i32
        %scatter3A_688 = arith.constant 0 : i32
        %scatter3A_689 = tpu.memref_slice %arg6[%rem3A_256, %scatter3A_687, %scatter3A_688] : memref<2x128x128xf32, #tpu.memory_space<vmem>> -> memref<1x128x128xf32, #tpu.memory_space<vmem>>
        %scatter3A_690 = tpu.memref_squeeze %scatter3A_689 : memref<1x128x128xf32, #tpu.memory_space<vmem>> -> memref<128x128xf32, #tpu.memory_space<vmem>>
        tpu.vector_store_idx %scatter3A_690[%add3A_576, %add3A_377], %gather3A_686 : memref<128x128xf32, #tpu.memory_space<vmem>>[vector<16xi32>, vector<16xi32>], vector<16xf32>,
        %gather3A_691 = arith.constant 0 : i32
        %gather3A_692 = arith.constant 0 : i32
        %gather3A_693 = tpu.memref_slice %arg5[%rem3A_254, %scan3A_334, %gather3A_691, %gather3A_692] : memref<4x4x32x128xf32, #tpu.memory_space<vmem>> -> memref<1x1x32x128xf32, #tpu.memory_space<vmem>>
        %gather3A_694 = tpu.memref_squeeze %gather3A_693 : memref<1x1x32x128xf32, #tpu.memory_space<vmem>> -> memref<32x128xf32, #tpu.memory_space<vmem>>
        %gather3A_695 = tpu.vector_load_idx %gather3A_694[%add3A_5, %add3A_389] : memref<32x128xf32, #tpu.memory_space<vmem>>[vector<16xi32>, vector<16xi32>], vector<16xf32>,
        %scatter3A_696 = arith.constant 0 : i32
        %scatter3A_697 = arith.constant 0 : i32
        %scatter3A_698 = tpu.memref_slice %arg6[%rem3A_256, %scatter3A_696, %scatter3A_697] : memref<2x128x128xf32, #tpu.memory_space<vmem>> -> memref<1x128x128xf32, #tpu.memory_space<vmem>>
        %scatter3A_699 = tpu.memref_squeeze %scatter3A_698 : memref<1x128x128xf32, #tpu.memory_space<vmem>> -> memref<128x128xf32, #tpu.memory_space<vmem>>
        tpu.vector_store_idx %scatter3A_699[%add3A_579, %add3A_377], %gather3A_695 : memref<128x128xf32, #tpu.memory_space<vmem>>[vector<16xi32>, vector<16xi32>], vector<16xf32>,
        %gather3A_700 = arith.constant 0 : i32
        %gather3A_701 = arith.constant 0 : i32
        %gather3A_702 = tpu.memref_slice %arg5[%rem3A_254, %scan3A_334, %gather3A_700, %gather3A_701] : memref<4x4x32x128xf32, #tpu.memory_space<vmem>> -> memref<1x1x32x128xf32, #tpu.memory_space<vmem>>
        %gather3A_703 = tpu.memref_squeeze %gather3A_702 : memref<1x1x32x128xf32, #tpu.memory_space<vmem>> -> memref<32x128xf32, #tpu.memory_space<vmem>>
        %gather3A_704 = tpu.vector_load_idx %gather3A_703[%add3A_5, %add3A_392] : memref<32x128xf32, #tpu.memory_space<vmem>>[vector<16xi32>, vector<16xi32>], vector<16xf32>,
        %scatter3A_705 = arith.constant 0 : i32
        %scatter3A_706 = arith.constant 0 : i32
        %scatter3A_707 = tpu.memref_slice %arg6[%rem3A_256, %scatter3A_705, %scatter3A_706] : memref<2x128x128xf32, #tpu.memory_space<vmem>> -> memref<1x128x128xf32, #tpu.memory_space<vmem>>
        %scatter3A_708 = tpu.memref_squeeze %scatter3A_707 : memref<1x128x128xf32, #tpu.memory_space<vmem>> -> memref<128x128xf32, #tpu.memory_space<vmem>>
        tpu.vector_store_idx %scatter3A_708[%add3A_582, %add3A_377], %gather3A_704 : memref<128x128xf32, #tpu.memory_space<vmem>>[vector<16xi32>, vector<16xi32>], vector<16xf32>,
        %gather3A_709 = arith.constant 0 : i32
        %gather3A_710 = arith.constant 0 : i32
        %gather3A_711 = tpu.memref_slice %arg5[%rem3A_254, %scan3A_334, %gather3A_709, %gather3A_710] : memref<4x4x32x128xf32, #tpu.memory_space<vmem>> -> memref<1x1x32x128xf32, #tpu.memory_space<vmem>>
        %gather3A_712 = tpu.memref_squeeze %gather3A_711 : memref<1x1x32x128xf32, #tpu.memory_space<vmem>> -> memref<32x128xf32, #tpu.memory_space<vmem>>
        %gather3A_713 = tpu.vector_load_idx %gather3A_712[%add3A_5, %add3A_395] : memref<32x128xf32, #tpu.memory_space<vmem>>[vector<16xi32>, vector<16xi32>], vector<16xf32>,
        %scatter3A_714 = arith.constant 0 : i32
        %scatter3A_715 = arith.constant 0 : i32
        %scatter3A_716 = tpu.memref_slice %arg6[%rem3A_256, %scatter3A_714, %scatter3A_715] : memref<2x128x128xf32, #tpu.memory_space<vmem>> -> memref<1x128x128xf32, #tpu.memory_space<vmem>>
        %scatter3A_717 = tpu.memref_squeeze %scatter3A_716 : memref<1x128x128xf32, #tpu.memory_space<vmem>> -> memref<128x128xf32, #tpu.memory_space<vmem>>
        tpu.vector_store_idx %scatter3A_717[%add3A_585, %add3A_377], %gather3A_713 : memref<128x128xf32, #tpu.memory_space<vmem>>[vector<16xi32>, vector<16xi32>], vector<16xf32>,
        %gather3A_718 = arith.constant 0 : i32
        %gather3A_719 = arith.constant 0 : i32
        %gather3A_720 = tpu.memref_slice %arg5[%rem3A_254, %scan3A_334, %gather3A_718, %gather3A_719] : memref<4x4x32x128xf32, #tpu.memory_space<vmem>> -> memref<1x1x32x128xf32, #tpu.memory_space<vmem>>
        %gather3A_721 = tpu.memref_squeeze %gather3A_720 : memref<1x1x32x128xf32, #tpu.memory_space<vmem>> -> memref<32x128xf32, #tpu.memory_space<vmem>>
        %gather3A_722 = tpu.vector_load_idx %gather3A_721[%add3A_5, %add3A_398] : memref<32x128xf32, #tpu.memory_space<vmem>>[vector<16xi32>, vector<16xi32>], vector<16xf32>,
        %scatter3A_723 = arith.constant 0 : i32
        %scatter3A_724 = arith.constant 0 : i32
        %scatter3A_725 = tpu.memref_slice %arg6[%rem3A_256, %scatter3A_723, %scatter3A_724] : memref<2x128x128xf32, #tpu.memory_space<vmem>> -> memref<1x128x128xf32, #tpu.memory_space<vmem>>
        %scatter3A_726 = tpu.memref_squeeze %scatter3A_725 : memref<1x128x128xf32, #tpu.memory_space<vmem>> -> memref<128x128xf32, #tpu.memory_space<vmem>>
        tpu.vector_store_idx %scatter3A_726[%add3A_588, %add3A_377], %gather3A_722 : memref<128x128xf32, #tpu.memory_space<vmem>>[vector<16xi32>, vector<16xi32>], vector<16xf32>,
        %gather3A_727 = arith.constant 0 : i32
        %gather3A_728 = arith.constant 0 : i32
        %gather3A_729 = tpu.memref_slice %arg5[%rem3A_254, %scan3A_334, %gather3A_727, %gather3A_728] : memref<4x4x32x128xf32, #tpu.memory_space<vmem>> -> memref<1x1x32x128xf32, #tpu.memory_space<vmem>>
        %gather3A_730 = tpu.memref_squeeze %gather3A_729 : memref<1x1x32x128xf32, #tpu.memory_space<vmem>> -> memref<32x128xf32, #tpu.memory_space<vmem>>
        %gather3A_731 = tpu.vector_load_idx %gather3A_730[%add3A_5, %add3A_401] : memref<32x128xf32, #tpu.memory_space<vmem>>[vector<16xi32>, vector<16xi32>], vector<16xf32>,
        %scatter3A_732 = arith.constant 0 : i32
        %scatter3A_733 = arith.constant 0 : i32
        %scatter3A_734 = tpu.memref_slice %arg6[%rem3A_256, %scatter3A_732, %scatter3A_733] : memref<2x128x128xf32, #tpu.memory_space<vmem>> -> memref<1x128x128xf32, #tpu.memory_space<vmem>>
        %scatter3A_735 = tpu.memref_squeeze %scatter3A_734 : memref<1x128x128xf32, #tpu.memory_space<vmem>> -> memref<128x128xf32, #tpu.memory_space<vmem>>
        tpu.vector_store_idx %scatter3A_735[%add3A_591, %add3A_377], %gather3A_731 : memref<128x128xf32, #tpu.memory_space<vmem>>[vector<16xi32>, vector<16xi32>], vector<16xf32>,
        %add3A_736 = arith.constant 64 : i32
        %add3A_737 = vector.broadcast %add3A_736 : i32 to vector<16xi32>
        %add3A_738 = arith.addi %shift_right_logical3A_368, %add3A_737 : vector<16xi32>
        %add3A_739 = arith.constant 68 : i32
        %add3A_740 = vector.broadcast %add3A_739 : i32 to vector<16xi32>
        %add3A_741 = arith.addi %shift_right_logical3A_368, %add3A_740 : vector<16xi32>
        %add3A_742 = arith.constant 72 : i32
        %add3A_743 = vector.broadcast %add3A_742 : i32 to vector<16xi32>
        %add3A_744 = arith.addi %shift_right_logical3A_368, %add3A_743 : vector<16xi32>
        %add3A_745 = arith.constant 76 : i32
        %add3A_746 = vector.broadcast %add3A_745 : i32 to vector<16xi32>
        %add3A_747 = arith.addi %shift_right_logical3A_368, %add3A_746 : vector<16xi32>
        %add3A_748 = arith.constant 80 : i32
        %add3A_749 = vector.broadcast %add3A_748 : i32 to vector<16xi32>
        %add3A_750 = arith.addi %shift_right_logical3A_368, %add3A_749 : vector<16xi32>
        %add3A_751 = arith.constant 84 : i32
        %add3A_752 = vector.broadcast %add3A_751 : i32 to vector<16xi32>
        %add3A_753 = arith.addi %shift_right_logical3A_368, %add3A_752 : vector<16xi32>
        %add3A_754 = arith.constant 88 : i32
        %add3A_755 = vector.broadcast %add3A_754 : i32 to vector<16xi32>
        %add3A_756 = arith.addi %shift_right_logical3A_368, %add3A_755 : vector<16xi32>
        %add3A_757 = arith.constant 92 : i32
        %add3A_758 = vector.broadcast %add3A_757 : i32 to vector<16xi32>
        %add3A_759 = arith.addi %shift_right_logical3A_368, %add3A_758 : vector<16xi32>
        %gather3A_760 = arith.constant 0 : i32
        %gather3A_761 = arith.constant 0 : i32
        %gather3A_762 = tpu.memref_slice %arg5[%rem3A_254, %scan3A_335, %gather3A_760, %gather3A_761] : memref<4x4x32x128xf32, #tpu.memory_space<vmem>> -> memref<1x1x32x128xf32, #tpu.memory_space<vmem>>
        %gather3A_763 = tpu.memref_squeeze %gather3A_762 : memref<1x1x32x128xf32, #tpu.memory_space<vmem>> -> memref<32x128xf32, #tpu.memory_space<vmem>>
        %gather3A_764 = tpu.vector_load_idx %gather3A_763[%iota3A, %add3A_380] : memref<32x128xf32, #tpu.memory_space<vmem>>[vector<16xi32>, vector<16xi32>], vector<16xf32>,
        %scatter3A_765 = arith.constant 0 : i32
        %scatter3A_766 = arith.constant 0 : i32
        %scatter3A_767 = tpu.memref_slice %arg6[%rem3A_256, %scatter3A_765, %scatter3A_766] : memref<2x128x128xf32, #tpu.memory_space<vmem>> -> memref<1x128x128xf32, #tpu.memory_space<vmem>>
        %scatter3A_768 = tpu.memref_squeeze %scatter3A_767 : memref<1x128x128xf32, #tpu.memory_space<vmem>> -> memref<128x128xf32, #tpu.memory_space<vmem>>
        tpu.vector_store_idx %scatter3A_768[%add3A_738, %add3A_374], %gather3A_764 : memref<128x128xf32, #tpu.memory_space<vmem>>[vector<16xi32>, vector<16xi32>], vector<16xf32>,
        %gather3A_769 = arith.constant 0 : i32
        %gather3A_770 = arith.constant 0 : i32
        %gather3A_771 = tpu.memref_slice %arg5[%rem3A_254, %scan3A_335, %gather3A_769, %gather3A_770] : memref<4x4x32x128xf32, #tpu.memory_space<vmem>> -> memref<1x1x32x128xf32, #tpu.memory_space<vmem>>
        %gather3A_772 = tpu.memref_squeeze %gather3A_771 : memref<1x1x32x128xf32, #tpu.memory_space<vmem>> -> memref<32x128xf32, #tpu.memory_space<vmem>>
        %gather3A_773 = tpu.vector_load_idx %gather3A_772[%iota3A, %add3A_383] : memref<32x128xf32, #tpu.memory_space<vmem>>[vector<16xi32>, vector<16xi32>], vector<16xf32>,
        %scatter3A_774 = arith.constant 0 : i32
        %scatter3A_775 = arith.constant 0 : i32
        %scatter3A_776 = tpu.memref_slice %arg6[%rem3A_256, %scatter3A_774, %scatter3A_775] : memref<2x128x128xf32, #tpu.memory_space<vmem>> -> memref<1x128x128xf32, #tpu.memory_space<vmem>>
        %scatter3A_777 = tpu.memref_squeeze %scatter3A_776 : memref<1x128x128xf32, #tpu.memory_space<vmem>> -> memref<128x128xf32, #tpu.memory_space<vmem>>
        tpu.vector_store_idx %scatter3A_777[%add3A_741, %add3A_374], %gather3A_773 : memref<128x128xf32, #tpu.memory_space<vmem>>[vector<16xi32>, vector<16xi32>], vector<16xf32>,
        %gather3A_778 = arith.constant 0 : i32
        %gather3A_779 = arith.constant 0 : i32
        %gather3A_780 = tpu.memref_slice %arg5[%rem3A_254, %scan3A_335, %gather3A_778, %gather3A_779] : memref<4x4x32x128xf32, #tpu.memory_space<vmem>> -> memref<1x1x32x128xf32, #tpu.memory_space<vmem>>
        %gather3A_781 = tpu.memref_squeeze %gather3A_780 : memref<1x1x32x128xf32, #tpu.memory_space<vmem>> -> memref<32x128xf32, #tpu.memory_space<vmem>>
        %gather3A_782 = tpu.vector_load_idx %gather3A_781[%iota3A, %add3A_386] : memref<32x128xf32, #tpu.memory_space<vmem>>[vector<16xi32>, vector<16xi32>], vector<16xf32>,
        %scatter3A_783 = arith.constant 0 : i32
        %scatter3A_784 = arith.constant 0 : i32
        %scatter3A_785 = tpu.memref_slice %arg6[%rem3A_256, %scatter3A_783, %scatter3A_784] : memref<2x128x128xf32, #tpu.memory_space<vmem>> -> memref<1x128x128xf32, #tpu.memory_space<vmem>>
        %scatter3A_786 = tpu.memref_squeeze %scatter3A_785 : memref<1x128x128xf32, #tpu.memory_space<vmem>> -> memref<128x128xf32, #tpu.memory_space<vmem>>
        tpu.vector_store_idx %scatter3A_786[%add3A_744, %add3A_374], %gather3A_782 : memref<128x128xf32, #tpu.memory_space<vmem>>[vector<16xi32>, vector<16xi32>], vector<16xf32>,
        %gather3A_787 = arith.constant 0 : i32
        %gather3A_788 = arith.constant 0 : i32
        %gather3A_789 = tpu.memref_slice %arg5[%rem3A_254, %scan3A_335, %gather3A_787, %gather3A_788] : memref<4x4x32x128xf32, #tpu.memory_space<vmem>> -> memref<1x1x32x128xf32, #tpu.memory_space<vmem>>
        %gather3A_790 = tpu.memref_squeeze %gather3A_789 : memref<1x1x32x128xf32, #tpu.memory_space<vmem>> -> memref<32x128xf32, #tpu.memory_space<vmem>>
        %gather3A_791 = tpu.vector_load_idx %gather3A_790[%iota3A, %add3A_389] : memref<32x128xf32, #tpu.memory_space<vmem>>[vector<16xi32>, vector<16xi32>], vector<16xf32>,
        %scatter3A_792 = arith.constant 0 : i32
        %scatter3A_793 = arith.constant 0 : i32
        %scatter3A_794 = tpu.memref_slice %arg6[%rem3A_256, %scatter3A_792, %scatter3A_793] : memref<2x128x128xf32, #tpu.memory_space<vmem>> -> memref<1x128x128xf32, #tpu.memory_space<vmem>>
        %scatter3A_795 = tpu.memref_squeeze %scatter3A_794 : memref<1x128x128xf32, #tpu.memory_space<vmem>> -> memref<128x128xf32, #tpu.memory_space<vmem>>
        tpu.vector_store_idx %scatter3A_795[%add3A_747, %add3A_374], %gather3A_791 : memref<128x128xf32, #tpu.memory_space<vmem>>[vector<16xi32>, vector<16xi32>], vector<16xf32>,
        %gather3A_796 = arith.constant 0 : i32
        %gather3A_797 = arith.constant 0 : i32
        %gather3A_798 = tpu.memref_slice %arg5[%rem3A_254, %scan3A_335, %gather3A_796, %gather3A_797] : memref<4x4x32x128xf32, #tpu.memory_space<vmem>> -> memref<1x1x32x128xf32, #tpu.memory_space<vmem>>
        %gather3A_799 = tpu.memref_squeeze %gather3A_798 : memref<1x1x32x128xf32, #tpu.memory_space<vmem>> -> memref<32x128xf32, #tpu.memory_space<vmem>>
        %gather3A_800 = tpu.vector_load_idx %gather3A_799[%iota3A, %add3A_392] : memref<32x128xf32, #tpu.memory_space<vmem>>[vector<16xi32>, vector<16xi32>], vector<16xf32>,
        %scatter3A_801 = arith.constant 0 : i32
        %scatter3A_802 = arith.constant 0 : i32
        %scatter3A_803 = tpu.memref_slice %arg6[%rem3A_256, %scatter3A_801, %scatter3A_802] : memref<2x128x128xf32, #tpu.memory_space<vmem>> -> memref<1x128x128xf32, #tpu.memory_space<vmem>>
        %scatter3A_804 = tpu.memref_squeeze %scatter3A_803 : memref<1x128x128xf32, #tpu.memory_space<vmem>> -> memref<128x128xf32, #tpu.memory_space<vmem>>
        tpu.vector_store_idx %scatter3A_804[%add3A_750, %add3A_374], %gather3A_800 : memref<128x128xf32, #tpu.memory_space<vmem>>[vector<16xi32>, vector<16xi32>], vector<16xf32>,
        %gather3A_805 = arith.constant 0 : i32
        %gather3A_806 = arith.constant 0 : i32
        %gather3A_807 = tpu.memref_slice %arg5[%rem3A_254, %scan3A_335, %gather3A_805, %gather3A_806] : memref<4x4x32x128xf32, #tpu.memory_space<vmem>> -> memref<1x1x32x128xf32, #tpu.memory_space<vmem>>
        %gather3A_808 = tpu.memref_squeeze %gather3A_807 : memref<1x1x32x128xf32, #tpu.memory_space<vmem>> -> memref<32x128xf32, #tpu.memory_space<vmem>>
        %gather3A_809 = tpu.vector_load_idx %gather3A_808[%iota3A, %add3A_395] : memref<32x128xf32, #tpu.memory_space<vmem>>[vector<16xi32>, vector<16xi32>], vector<16xf32>,
        %scatter3A_810 = arith.constant 0 : i32
        %scatter3A_811 = arith.constant 0 : i32
        %scatter3A_812 = tpu.memref_slice %arg6[%rem3A_256, %scatter3A_810, %scatter3A_811] : memref<2x128x128xf32, #tpu.memory_space<vmem>> -> memref<1x128x128xf32, #tpu.memory_space<vmem>>
        %scatter3A_813 = tpu.memref_squeeze %scatter3A_812 : memref<1x128x128xf32, #tpu.memory_space<vmem>> -> memref<128x128xf32, #tpu.memory_space<vmem>>
        tpu.vector_store_idx %scatter3A_813[%add3A_753, %add3A_374], %gather3A_809 : memref<128x128xf32, #tpu.memory_space<vmem>>[vector<16xi32>, vector<16xi32>], vector<16xf32>,
        %gather3A_814 = arith.constant 0 : i32
        %gather3A_815 = arith.constant 0 : i32
        %gather3A_816 = tpu.memref_slice %arg5[%rem3A_254, %scan3A_335, %gather3A_814, %gather3A_815] : memref<4x4x32x128xf32, #tpu.memory_space<vmem>> -> memref<1x1x32x128xf32, #tpu.memory_space<vmem>>
        %gather3A_817 = tpu.memref_squeeze %gather3A_816 : memref<1x1x32x128xf32, #tpu.memory_space<vmem>> -> memref<32x128xf32, #tpu.memory_space<vmem>>
        %gather3A_818 = tpu.vector_load_idx %gather3A_817[%iota3A, %add3A_398] : memref<32x128xf32, #tpu.memory_space<vmem>>[vector<16xi32>, vector<16xi32>], vector<16xf32>,
        %scatter3A_819 = arith.constant 0 : i32
        %scatter3A_820 = arith.constant 0 : i32
        %scatter3A_821 = tpu.memref_slice %arg6[%rem3A_256, %scatter3A_819, %scatter3A_820] : memref<2x128x128xf32, #tpu.memory_space<vmem>> -> memref<1x128x128xf32, #tpu.memory_space<vmem>>
        %scatter3A_822 = tpu.memref_squeeze %scatter3A_821 : memref<1x128x128xf32, #tpu.memory_space<vmem>> -> memref<128x128xf32, #tpu.memory_space<vmem>>
        tpu.vector_store_idx %scatter3A_822[%add3A_756, %add3A_374], %gather3A_818 : memref<128x128xf32, #tpu.memory_space<vmem>>[vector<16xi32>, vector<16xi32>], vector<16xf32>,
        %gather3A_823 = arith.constant 0 : i32
        %gather3A_824 = arith.constant 0 : i32
        %gather3A_825 = tpu.memref_slice %arg5[%rem3A_254, %scan3A_335, %gather3A_823, %gather3A_824] : memref<4x4x32x128xf32, #tpu.memory_space<vmem>> -> memref<1x1x32x128xf32, #tpu.memory_space<vmem>>
        %gather3A_826 = tpu.memref_squeeze %gather3A_825 : memref<1x1x32x128xf32, #tpu.memory_space<vmem>> -> memref<32x128xf32, #tpu.memory_space<vmem>>
        %gather3A_827 = tpu.vector_load_idx %gather3A_826[%iota3A, %add3A_401] : memref<32x128xf32, #tpu.memory_space<vmem>>[vector<16xi32>, vector<16xi32>], vector<16xf32>,
        %scatter3A_828 = arith.constant 0 : i32
        %scatter3A_829 = arith.constant 0 : i32
        %scatter3A_830 = tpu.memref_slice %arg6[%rem3A_256, %scatter3A_828, %scatter3A_829] : memref<2x128x128xf32, #tpu.memory_space<vmem>> -> memref<1x128x128xf32, #tpu.memory_space<vmem>>
        %scatter3A_831 = tpu.memref_squeeze %scatter3A_830 : memref<1x128x128xf32, #tpu.memory_space<vmem>> -> memref<128x128xf32, #tpu.memory_space<vmem>>
        tpu.vector_store_idx %scatter3A_831[%add3A_759, %add3A_374], %gather3A_827 : memref<128x128xf32, #tpu.memory_space<vmem>>[vector<16xi32>, vector<16xi32>], vector<16xf32>,
        %gather3A_832 = arith.constant 0 : i32
        %gather3A_833 = arith.constant 0 : i32
        %gather3A_834 = tpu.memref_slice %arg5[%rem3A_254, %scan3A_335, %gather3A_832, %gather3A_833] : memref<4x4x32x128xf32, #tpu.memory_space<vmem>> -> memref<1x1x32x128xf32, #tpu.memory_space<vmem>>
        %gather3A_835 = tpu.memref_squeeze %gather3A_834 : memref<1x1x32x128xf32, #tpu.memory_space<vmem>> -> memref<32x128xf32, #tpu.memory_space<vmem>>
        %gather3A_836 = tpu.vector_load_idx %gather3A_835[%add3A_5, %add3A_380] : memref<32x128xf32, #tpu.memory_space<vmem>>[vector<16xi32>, vector<16xi32>], vector<16xf32>,
        %scatter3A_837 = arith.constant 0 : i32
        %scatter3A_838 = arith.constant 0 : i32
        %scatter3A_839 = tpu.memref_slice %arg6[%rem3A_256, %scatter3A_837, %scatter3A_838] : memref<2x128x128xf32, #tpu.memory_space<vmem>> -> memref<1x128x128xf32, #tpu.memory_space<vmem>>
        %scatter3A_840 = tpu.memref_squeeze %scatter3A_839 : memref<1x128x128xf32, #tpu.memory_space<vmem>> -> memref<128x128xf32, #tpu.memory_space<vmem>>
        tpu.vector_store_idx %scatter3A_840[%add3A_738, %add3A_377], %gather3A_836 : memref<128x128xf32, #tpu.memory_space<vmem>>[vector<16xi32>, vector<16xi32>], vector<16xf32>,
        %gather3A_841 = arith.constant 0 : i32
        %gather3A_842 = arith.constant 0 : i32
        %gather3A_843 = tpu.memref_slice %arg5[%rem3A_254, %scan3A_335, %gather3A_841, %gather3A_842] : memref<4x4x32x128xf32, #tpu.memory_space<vmem>> -> memref<1x1x32x128xf32, #tpu.memory_space<vmem>>
        %gather3A_844 = tpu.memref_squeeze %gather3A_843 : memref<1x1x32x128xf32, #tpu.memory_space<vmem>> -> memref<32x128xf32, #tpu.memory_space<vmem>>
        %gather3A_845 = tpu.vector_load_idx %gather3A_844[%add3A_5, %add3A_383] : memref<32x128xf32, #tpu.memory_space<vmem>>[vector<16xi32>, vector<16xi32>], vector<16xf32>,
        %scatter3A_846 = arith.constant 0 : i32
        %scatter3A_847 = arith.constant 0 : i32
        %scatter3A_848 = tpu.memref_slice %arg6[%rem3A_256, %scatter3A_846, %scatter3A_847] : memref<2x128x128xf32, #tpu.memory_space<vmem>> -> memref<1x128x128xf32, #tpu.memory_space<vmem>>
        %scatter3A_849 = tpu.memref_squeeze %scatter3A_848 : memref<1x128x128xf32, #tpu.memory_space<vmem>> -> memref<128x128xf32, #tpu.memory_space<vmem>>
        tpu.vector_store_idx %scatter3A_849[%add3A_741, %add3A_377], %gather3A_845 : memref<128x128xf32, #tpu.memory_space<vmem>>[vector<16xi32>, vector<16xi32>], vector<16xf32>,
        %gather3A_850 = arith.constant 0 : i32
        %gather3A_851 = arith.constant 0 : i32
        %gather3A_852 = tpu.memref_slice %arg5[%rem3A_254, %scan3A_335, %gather3A_850, %gather3A_851] : memref<4x4x32x128xf32, #tpu.memory_space<vmem>> -> memref<1x1x32x128xf32, #tpu.memory_space<vmem>>
        %gather3A_853 = tpu.memref_squeeze %gather3A_852 : memref<1x1x32x128xf32, #tpu.memory_space<vmem>> -> memref<32x128xf32, #tpu.memory_space<vmem>>
        %gather3A_854 = tpu.vector_load_idx %gather3A_853[%add3A_5, %add3A_386] : memref<32x128xf32, #tpu.memory_space<vmem>>[vector<16xi32>, vector<16xi32>], vector<16xf32>,
        %scatter3A_855 = arith.constant 0 : i32
        %scatter3A_856 = arith.constant 0 : i32
        %scatter3A_857 = tpu.memref_slice %arg6[%rem3A_256, %scatter3A_855, %scatter3A_856] : memref<2x128x128xf32, #tpu.memory_space<vmem>> -> memref<1x128x128xf32, #tpu.memory_space<vmem>>
        %scatter3A_858 = tpu.memref_squeeze %scatter3A_857 : memref<1x128x128xf32, #tpu.memory_space<vmem>> -> memref<128x128xf32, #tpu.memory_space<vmem>>
        tpu.vector_store_idx %scatter3A_858[%add3A_744, %add3A_377], %gather3A_854 : memref<128x128xf32, #tpu.memory_space<vmem>>[vector<16xi32>, vector<16xi32>], vector<16xf32>,
        %gather3A_859 = arith.constant 0 : i32
        %gather3A_860 = arith.constant 0 : i32
        %gather3A_861 = tpu.memref_slice %arg5[%rem3A_254, %scan3A_335, %gather3A_859, %gather3A_860] : memref<4x4x32x128xf32, #tpu.memory_space<vmem>> -> memref<1x1x32x128xf32, #tpu.memory_space<vmem>>
        %gather3A_862 = tpu.memref_squeeze %gather3A_861 : memref<1x1x32x128xf32, #tpu.memory_space<vmem>> -> memref<32x128xf32, #tpu.memory_space<vmem>>
        %gather3A_863 = tpu.vector_load_idx %gather3A_862[%add3A_5, %add3A_389] : memref<32x128xf32, #tpu.memory_space<vmem>>[vector<16xi32>, vector<16xi32>], vector<16xf32>,
        %scatter3A_864 = arith.constant 0 : i32
        %scatter3A_865 = arith.constant 0 : i32
        %scatter3A_866 = tpu.memref_slice %arg6[%rem3A_256, %scatter3A_864, %scatter3A_865] : memref<2x128x128xf32, #tpu.memory_space<vmem>> -> memref<1x128x128xf32, #tpu.memory_space<vmem>>
        %scatter3A_867 = tpu.memref_squeeze %scatter3A_866 : memref<1x128x128xf32, #tpu.memory_space<vmem>> -> memref<128x128xf32, #tpu.memory_space<vmem>>
        tpu.vector_store_idx %scatter3A_867[%add3A_747, %add3A_377], %gather3A_863 : memref<128x128xf32, #tpu.memory_space<vmem>>[vector<16xi32>, vector<16xi32>], vector<16xf32>,
        %gather3A_868 = arith.constant 0 : i32
        %gather3A_869 = arith.constant 0 : i32
        %gather3A_870 = tpu.memref_slice %arg5[%rem3A_254, %scan3A_335, %gather3A_868, %gather3A_869] : memref<4x4x32x128xf32, #tpu.memory_space<vmem>> -> memref<1x1x32x128xf32, #tpu.memory_space<vmem>>
        %gather3A_871 = tpu.memref_squeeze %gather3A_870 : memref<1x1x32x128xf32, #tpu.memory_space<vmem>> -> memref<32x128xf32, #tpu.memory_space<vmem>>
        %gather3A_872 = tpu.vector_load_idx %gather3A_871[%add3A_5, %add3A_392] : memref<32x128xf32, #tpu.memory_space<vmem>>[vector<16xi32>, vector<16xi32>], vector<16xf32>,
        %scatter3A_873 = arith.constant 0 : i32
        %scatter3A_874 = arith.constant 0 : i32
        %scatter3A_875 = tpu.memref_slice %arg6[%rem3A_256, %scatter3A_873, %scatter3A_874] : memref<2x128x128xf32, #tpu.memory_space<vmem>> -> memref<1x128x128xf32, #tpu.memory_space<vmem>>
        %scatter3A_876 = tpu.memref_squeeze %scatter3A_875 : memref<1x128x128xf32, #tpu.memory_space<vmem>> -> memref<128x128xf32, #tpu.memory_space<vmem>>
        tpu.vector_store_idx %scatter3A_876[%add3A_750, %add3A_377], %gather3A_872 : memref<128x128xf32, #tpu.memory_space<vmem>>[vector<16xi32>, vector<16xi32>], vector<16xf32>,
        %gather3A_877 = arith.constant 0 : i32
        %gather3A_878 = arith.constant 0 : i32
        %gather3A_879 = tpu.memref_slice %arg5[%rem3A_254, %scan3A_335, %gather3A_877, %gather3A_878] : memref<4x4x32x128xf32, #tpu.memory_space<vmem>> -> memref<1x1x32x128xf32, #tpu.memory_space<vmem>>
        %gather3A_880 = tpu.memref_squeeze %gather3A_879 : memref<1x1x32x128xf32, #tpu.memory_space<vmem>> -> memref<32x128xf32, #tpu.memory_space<vmem>>
        %gather3A_881 = tpu.vector_load_idx %gather3A_880[%add3A_5, %add3A_395] : memref<32x128xf32, #tpu.memory_space<vmem>>[vector<16xi32>, vector<16xi32>], vector<16xf32>,
        %scatter3A_882 = arith.constant 0 : i32
        %scatter3A_883 = arith.constant 0 : i32
        %scatter3A_884 = tpu.memref_slice %arg6[%rem3A_256, %scatter3A_882, %scatter3A_883] : memref<2x128x128xf32, #tpu.memory_space<vmem>> -> memref<1x128x128xf32, #tpu.memory_space<vmem>>
        %scatter3A_885 = tpu.memref_squeeze %scatter3A_884 : memref<1x128x128xf32, #tpu.memory_space<vmem>> -> memref<128x128xf32, #tpu.memory_space<vmem>>
        tpu.vector_store_idx %scatter3A_885[%add3A_753, %add3A_377], %gather3A_881 : memref<128x128xf32, #tpu.memory_space<vmem>>[vector<16xi32>, vector<16xi32>], vector<16xf32>,
        %gather3A_886 = arith.constant 0 : i32
        %gather3A_887 = arith.constant 0 : i32
        %gather3A_888 = tpu.memref_slice %arg5[%rem3A_254, %scan3A_335, %gather3A_886, %gather3A_887] : memref<4x4x32x128xf32, #tpu.memory_space<vmem>> -> memref<1x1x32x128xf32, #tpu.memory_space<vmem>>
        %gather3A_889 = tpu.memref_squeeze %gather3A_888 : memref<1x1x32x128xf32, #tpu.memory_space<vmem>> -> memref<32x128xf32, #tpu.memory_space<vmem>>
        %gather3A_890 = tpu.vector_load_idx %gather3A_889[%add3A_5, %add3A_398] : memref<32x128xf32, #tpu.memory_space<vmem>>[vector<16xi32>, vector<16xi32>], vector<16xf32>,
        %scatter3A_891 = arith.constant 0 : i32
        %scatter3A_892 = arith.constant 0 : i32
        %scatter3A_893 = tpu.memref_slice %arg6[%rem3A_256, %scatter3A_891, %scatter3A_892] : memref<2x128x128xf32, #tpu.memory_space<vmem>> -> memref<1x128x128xf32, #tpu.memory_space<vmem>>
        %scatter3A_894 = tpu.memref_squeeze %scatter3A_893 : memref<1x128x128xf32, #tpu.memory_space<vmem>> -> memref<128x128xf32, #tpu.memory_space<vmem>>
        tpu.vector_store_idx %scatter3A_894[%add3A_756, %add3A_377], %gather3A_890 : memref<128x128xf32, #tpu.memory_space<vmem>>[vector<16xi32>, vector<16xi32>], vector<16xf32>,
        %gather3A_895 = arith.constant 0 : i32
        %gather3A_896 = arith.constant 0 : i32
        %gather3A_897 = tpu.memref_slice %arg5[%rem3A_254, %scan3A_335, %gather3A_895, %gather3A_896] : memref<4x4x32x128xf32, #tpu.memory_space<vmem>> -> memref<1x1x32x128xf32, #tpu.memory_space<vmem>>
        %gather3A_898 = tpu.memref_squeeze %gather3A_897 : memref<1x1x32x128xf32, #tpu.memory_space<vmem>> -> memref<32x128xf32, #tpu.memory_space<vmem>>
        %gather3A_899 = tpu.vector_load_idx %gather3A_898[%add3A_5, %add3A_401] : memref<32x128xf32, #tpu.memory_space<vmem>>[vector<16xi32>, vector<16xi32>], vector<16xf32>,
        %scatter3A_900 = arith.constant 0 : i32
        %scatter3A_901 = arith.constant 0 : i32
        %scatter3A_902 = tpu.memref_slice %arg6[%rem3A_256, %scatter3A_900, %scatter3A_901] : memref<2x128x128xf32, #tpu.memory_space<vmem>> -> memref<1x128x128xf32, #tpu.memory_space<vmem>>
        %scatter3A_903 = tpu.memref_squeeze %scatter3A_902 : memref<1x128x128xf32, #tpu.memory_space<vmem>> -> memref<128x128xf32, #tpu.memory_space<vmem>>
        tpu.vector_store_idx %scatter3A_903[%add3A_759, %add3A_377], %gather3A_899 : memref<128x128xf32, #tpu.memory_space<vmem>>[vector<16xi32>, vector<16xi32>], vector<16xf32>,
        %add3A_904 = arith.constant 96 : i32
        %add3A_905 = vector.broadcast %add3A_904 : i32 to vector<16xi32>
        %add3A_906 = arith.addi %shift_right_logical3A_368, %add3A_905 : vector<16xi32>
        %add3A_907 = arith.constant 100 : i32
        %add3A_908 = vector.broadcast %add3A_907 : i32 to vector<16xi32>
        %add3A_909 = arith.addi %shift_right_logical3A_368, %add3A_908 : vector<16xi32>
        %add3A_910 = arith.constant 104 : i32
        %add3A_911 = vector.broadcast %add3A_910 : i32 to vector<16xi32>
        %add3A_912 = arith.addi %shift_right_logical3A_368, %add3A_911 : vector<16xi32>
        %add3A_913 = arith.constant 108 : i32
        %add3A_914 = vector.broadcast %add3A_913 : i32 to vector<16xi32>
        %add3A_915 = arith.addi %shift_right_logical3A_368, %add3A_914 : vector<16xi32>
        %add3A_916 = arith.constant 112 : i32
        %add3A_917 = vector.broadcast %add3A_916 : i32 to vector<16xi32>
        %add3A_918 = arith.addi %shift_right_logical3A_368, %add3A_917 : vector<16xi32>
        %add3A_919 = arith.constant 116 : i32
        %add3A_920 = vector.broadcast %add3A_919 : i32 to vector<16xi32>
        %add3A_921 = arith.addi %shift_right_logical3A_368, %add3A_920 : vector<16xi32>
        %add3A_922 = arith.constant 120 : i32
        %add3A_923 = vector.broadcast %add3A_922 : i32 to vector<16xi32>
        %add3A_924 = arith.addi %shift_right_logical3A_368, %add3A_923 : vector<16xi32>
        %add3A_925 = arith.constant 124 : i32
        %add3A_926 = vector.broadcast %add3A_925 : i32 to vector<16xi32>
        %add3A_927 = arith.addi %shift_right_logical3A_368, %add3A_926 : vector<16xi32>
        %gather3A_928 = arith.constant 0 : i32
        %gather3A_929 = arith.constant 0 : i32
        %gather3A_930 = tpu.memref_slice %arg5[%rem3A_254, %scan3A_336, %gather3A_928, %gather3A_929] : memref<4x4x32x128xf32, #tpu.memory_space<vmem>> -> memref<1x1x32x128xf32, #tpu.memory_space<vmem>>
        %gather3A_931 = tpu.memref_squeeze %gather3A_930 : memref<1x1x32x128xf32, #tpu.memory_space<vmem>> -> memref<32x128xf32, #tpu.memory_space<vmem>>
        %gather3A_932 = tpu.vector_load_idx %gather3A_931[%iota3A, %add3A_380] : memref<32x128xf32, #tpu.memory_space<vmem>>[vector<16xi32>, vector<16xi32>], vector<16xf32>,
        %scatter3A_933 = arith.constant 0 : i32
        %scatter3A_934 = arith.constant 0 : i32
        %scatter3A_935 = tpu.memref_slice %arg6[%rem3A_256, %scatter3A_933, %scatter3A_934] : memref<2x128x128xf32, #tpu.memory_space<vmem>> -> memref<1x128x128xf32, #tpu.memory_space<vmem>>
        %scatter3A_936 = tpu.memref_squeeze %scatter3A_935 : memref<1x128x128xf32, #tpu.memory_space<vmem>> -> memref<128x128xf32, #tpu.memory_space<vmem>>
        tpu.vector_store_idx %scatter3A_936[%add3A_906, %add3A_374], %gather3A_932 : memref<128x128xf32, #tpu.memory_space<vmem>>[vector<16xi32>, vector<16xi32>], vector<16xf32>,
        %gather3A_937 = arith.constant 0 : i32
        %gather3A_938 = arith.constant 0 : i32
        %gather3A_939 = tpu.memref_slice %arg5[%rem3A_254, %scan3A_336, %gather3A_937, %gather3A_938] : memref<4x4x32x128xf32, #tpu.memory_space<vmem>> -> memref<1x1x32x128xf32, #tpu.memory_space<vmem>>
        %gather3A_940 = tpu.memref_squeeze %gather3A_939 : memref<1x1x32x128xf32, #tpu.memory_space<vmem>> -> memref<32x128xf32, #tpu.memory_space<vmem>>
        %gather3A_941 = tpu.vector_load_idx %gather3A_940[%iota3A, %add3A_383] : memref<32x128xf32, #tpu.memory_space<vmem>>[vector<16xi32>, vector<16xi32>], vector<16xf32>,
        %scatter3A_942 = arith.constant 0 : i32
        %scatter3A_943 = arith.constant 0 : i32
        %scatter3A_944 = tpu.memref_slice %arg6[%rem3A_256, %scatter3A_942, %scatter3A_943] : memref<2x128x128xf32, #tpu.memory_space<vmem>> -> memref<1x128x128xf32, #tpu.memory_space<vmem>>
        %scatter3A_945 = tpu.memref_squeeze %scatter3A_944 : memref<1x128x128xf32, #tpu.memory_space<vmem>> -> memref<128x128xf32, #tpu.memory_space<vmem>>
        tpu.vector_store_idx %scatter3A_945[%add3A_909, %add3A_374], %gather3A_941 : memref<128x128xf32, #tpu.memory_space<vmem>>[vector<16xi32>, vector<16xi32>], vector<16xf32>,
        %gather3A_946 = arith.constant 0 : i32
        %gather3A_947 = arith.constant 0 : i32
        %gather3A_948 = tpu.memref_slice %arg5[%rem3A_254, %scan3A_336, %gather3A_946, %gather3A_947] : memref<4x4x32x128xf32, #tpu.memory_space<vmem>> -> memref<1x1x32x128xf32, #tpu.memory_space<vmem>>
        %gather3A_949 = tpu.memref_squeeze %gather3A_948 : memref<1x1x32x128xf32, #tpu.memory_space<vmem>> -> memref<32x128xf32, #tpu.memory_space<vmem>>
        %gather3A_950 = tpu.vector_load_idx %gather3A_949[%iota3A, %add3A_386] : memref<32x128xf32, #tpu.memory_space<vmem>>[vector<16xi32>, vector<16xi32>], vector<16xf32>,
        %scatter3A_951 = arith.constant 0 : i32
        %scatter3A_952 = arith.constant 0 : i32
        %scatter3A_953 = tpu.memref_slice %arg6[%rem3A_256, %scatter3A_951, %scatter3A_952] : memref<2x128x128xf32, #tpu.memory_space<vmem>> -> memref<1x128x128xf32, #tpu.memory_space<vmem>>
        %scatter3A_954 = tpu.memref_squeeze %scatter3A_953 : memref<1x128x128xf32, #tpu.memory_space<vmem>> -> memref<128x128xf32, #tpu.memory_space<vmem>>
        tpu.vector_store_idx %scatter3A_954[%add3A_912, %add3A_374], %gather3A_950 : memref<128x128xf32, #tpu.memory_space<vmem>>[vector<16xi32>, vector<16xi32>], vector<16xf32>,
        %gather3A_955 = arith.constant 0 : i32
        %gather3A_956 = arith.constant 0 : i32
        %gather3A_957 = tpu.memref_slice %arg5[%rem3A_254, %scan3A_336, %gather3A_955, %gather3A_956] : memref<4x4x32x128xf32, #tpu.memory_space<vmem>> -> memref<1x1x32x128xf32, #tpu.memory_space<vmem>>
        %gather3A_958 = tpu.memref_squeeze %gather3A_957 : memref<1x1x32x128xf32, #tpu.memory_space<vmem>> -> memref<32x128xf32, #tpu.memory_space<vmem>>
        %gather3A_959 = tpu.vector_load_idx %gather3A_958[%iota3A, %add3A_389] : memref<32x128xf32, #tpu.memory_space<vmem>>[vector<16xi32>, vector<16xi32>], vector<16xf32>,
        %scatter3A_960 = arith.constant 0 : i32
        %scatter3A_961 = arith.constant 0 : i32
        %scatter3A_962 = tpu.memref_slice %arg6[%rem3A_256, %scatter3A_960, %scatter3A_961] : memref<2x128x128xf32, #tpu.memory_space<vmem>> -> memref<1x128x128xf32, #tpu.memory_space<vmem>>
        %scatter3A_963 = tpu.memref_squeeze %scatter3A_962 : memref<1x128x128xf32, #tpu.memory_space<vmem>> -> memref<128x128xf32, #tpu.memory_space<vmem>>
        tpu.vector_store_idx %scatter3A_963[%add3A_915, %add3A_374], %gather3A_959 : memref<128x128xf32, #tpu.memory_space<vmem>>[vector<16xi32>, vector<16xi32>], vector<16xf32>,
        %gather3A_964 = arith.constant 0 : i32
        %gather3A_965 = arith.constant 0 : i32
        %gather3A_966 = tpu.memref_slice %arg5[%rem3A_254, %scan3A_336, %gather3A_964, %gather3A_965] : memref<4x4x32x128xf32, #tpu.memory_space<vmem>> -> memref<1x1x32x128xf32, #tpu.memory_space<vmem>>
        %gather3A_967 = tpu.memref_squeeze %gather3A_966 : memref<1x1x32x128xf32, #tpu.memory_space<vmem>> -> memref<32x128xf32, #tpu.memory_space<vmem>>
        %gather3A_968 = tpu.vector_load_idx %gather3A_967[%iota3A, %add3A_392] : memref<32x128xf32, #tpu.memory_space<vmem>>[vector<16xi32>, vector<16xi32>], vector<16xf32>,
        %scatter3A_969 = arith.constant 0 : i32
        %scatter3A_970 = arith.constant 0 : i32
        %scatter3A_971 = tpu.memref_slice %arg6[%rem3A_256, %scatter3A_969, %scatter3A_970] : memref<2x128x128xf32, #tpu.memory_space<vmem>> -> memref<1x128x128xf32, #tpu.memory_space<vmem>>
        %scatter3A_972 = tpu.memref_squeeze %scatter3A_971 : memref<1x128x128xf32, #tpu.memory_space<vmem>> -> memref<128x128xf32, #tpu.memory_space<vmem>>
        tpu.vector_store_idx %scatter3A_972[%add3A_918, %add3A_374], %gather3A_968 : memref<128x128xf32, #tpu.memory_space<vmem>>[vector<16xi32>, vector<16xi32>], vector<16xf32>,
        %gather3A_973 = arith.constant 0 : i32
        %gather3A_974 = arith.constant 0 : i32
        %gather3A_975 = tpu.memref_slice %arg5[%rem3A_254, %scan3A_336, %gather3A_973, %gather3A_974] : memref<4x4x32x128xf32, #tpu.memory_space<vmem>> -> memref<1x1x32x128xf32, #tpu.memory_space<vmem>>
        %gather3A_976 = tpu.memref_squeeze %gather3A_975 : memref<1x1x32x128xf32, #tpu.memory_space<vmem>> -> memref<32x128xf32, #tpu.memory_space<vmem>>
        %gather3A_977 = tpu.vector_load_idx %gather3A_976[%iota3A, %add3A_395] : memref<32x128xf32, #tpu.memory_space<vmem>>[vector<16xi32>, vector<16xi32>], vector<16xf32>,
        %scatter3A_978 = arith.constant 0 : i32
        %scatter3A_979 = arith.constant 0 : i32
        %scatter3A_980 = tpu.memref_slice %arg6[%rem3A_256, %scatter3A_978, %scatter3A_979] : memref<2x128x128xf32, #tpu.memory_space<vmem>> -> memref<1x128x128xf32, #tpu.memory_space<vmem>>
        %scatter3A_981 = tpu.memref_squeeze %scatter3A_980 : memref<1x128x128xf32, #tpu.memory_space<vmem>> -> memref<128x128xf32, #tpu.memory_space<vmem>>
        tpu.vector_store_idx %scatter3A_981[%add3A_921, %add3A_374], %gather3A_977 : memref<128x128xf32, #tpu.memory_space<vmem>>[vector<16xi32>, vector<16xi32>], vector<16xf32>,
        %gather3A_982 = arith.constant 0 : i32
        %gather3A_983 = arith.constant 0 : i32
        %gather3A_984 = tpu.memref_slice %arg5[%rem3A_254, %scan3A_336, %gather3A_982, %gather3A_983] : memref<4x4x32x128xf32, #tpu.memory_space<vmem>> -> memref<1x1x32x128xf32, #tpu.memory_space<vmem>>
        %gather3A_985 = tpu.memref_squeeze %gather3A_984 : memref<1x1x32x128xf32, #tpu.memory_space<vmem>> -> memref<32x128xf32, #tpu.memory_space<vmem>>
        %gather3A_986 = tpu.vector_load_idx %gather3A_985[%iota3A, %add3A_398] : memref<32x128xf32, #tpu.memory_space<vmem>>[vector<16xi32>, vector<16xi32>], vector<16xf32>,
        %scatter3A_987 = arith.constant 0 : i32
        %scatter3A_988 = arith.constant 0 : i32
        %scatter3A_989 = tpu.memref_slice %arg6[%rem3A_256, %scatter3A_987, %scatter3A_988] : memref<2x128x128xf32, #tpu.memory_space<vmem>> -> memref<1x128x128xf32, #tpu.memory_space<vmem>>
        %scatter3A_990 = tpu.memref_squeeze %scatter3A_989 : memref<1x128x128xf32, #tpu.memory_space<vmem>> -> memref<128x128xf32, #tpu.memory_space<vmem>>
        tpu.vector_store_idx %scatter3A_990[%add3A_924, %add3A_374], %gather3A_986 : memref<128x128xf32, #tpu.memory_space<vmem>>[vector<16xi32>, vector<16xi32>], vector<16xf32>,
        %gather3A_991 = arith.constant 0 : i32
        %gather3A_992 = arith.constant 0 : i32
        %gather3A_993 = tpu.memref_slice %arg5[%rem3A_254, %scan3A_336, %gather3A_991, %gather3A_992] : memref<4x4x32x128xf32, #tpu.memory_space<vmem>> -> memref<1x1x32x128xf32, #tpu.memory_space<vmem>>
        %gather3A_994 = tpu.memref_squeeze %gather3A_993 : memref<1x1x32x128xf32, #tpu.memory_space<vmem>> -> memref<32x128xf32, #tpu.memory_space<vmem>>
        %gather3A_995 = tpu.vector_load_idx %gather3A_994[%iota3A, %add3A_401] : memref<32x128xf32, #tpu.memory_space<vmem>>[vector<16xi32>, vector<16xi32>], vector<16xf32>,
        %scatter3A_996 = arith.constant 0 : i32
        %scatter3A_997 = arith.constant 0 : i32
        %scatter3A_998 = tpu.memref_slice %arg6[%rem3A_256, %scatter3A_996, %scatter3A_997] : memref<2x128x128xf32, #tpu.memory_space<vmem>> -> memref<1x128x128xf32, #tpu.memory_space<vmem>>
        %scatter3A_999 = tpu.memref_squeeze %scatter3A_998 : memref<1x128x128xf32, #tpu.memory_space<vmem>> -> memref<128x128xf32, #tpu.memory_space<vmem>>
        tpu.vector_store_idx %scatter3A_999[%add3A_927, %add3A_374], %gather3A_995 : memref<128x128xf32, #tpu.memory_space<vmem>>[vector<16xi32>, vector<16xi32>], vector<16xf32>,
        %gather3A_1000 = arith.constant 0 : i32
        %gather3A_1001 = arith.constant 0 : i32
        %gather3A_1002 = tpu.memref_slice %arg5[%rem3A_254, %scan3A_336, %gather3A_1000, %gather3A_1001] : memref<4x4x32x128xf32, #tpu.memory_space<vmem>> -> memref<1x1x32x128xf32, #tpu.memory_space<vmem>>
        %gather3A_1003 = tpu.memref_squeeze %gather3A_1002 : memref<1x1x32x128xf32, #tpu.memory_space<vmem>> -> memref<32x128xf32, #tpu.memory_space<vmem>>
        %gather3A_1004 = tpu.vector_load_idx %gather3A_1003[%add3A_5, %add3A_380] : memref<32x128xf32, #tpu.memory_space<vmem>>[vector<16xi32>, vector<16xi32>], vector<16xf32>,
        %scatter3A_1005 = arith.constant 0 : i32
        %scatter3A_1006 = arith.constant 0 : i32
        %scatter3A_1007 = tpu.memref_slice %arg6[%rem3A_256, %scatter3A_1005, %scatter3A_1006] : memref<2x128x128xf32, #tpu.memory_space<vmem>> -> memref<1x128x128xf32, #tpu.memory_space<vmem>>
        %scatter3A_1008 = tpu.memref_squeeze %scatter3A_1007 : memref<1x128x128xf32, #tpu.memory_space<vmem>> -> memref<128x128xf32, #tpu.memory_space<vmem>>
        tpu.vector_store_idx %scatter3A_1008[%add3A_906, %add3A_377], %gather3A_1004 : memref<128x128xf32, #tpu.memory_space<vmem>>[vector<16xi32>, vector<16xi32>], vector<16xf32>,
        %gather3A_1009 = arith.constant 0 : i32
        %gather3A_1010 = arith.constant 0 : i32
        %gather3A_1011 = tpu.memref_slice %arg5[%rem3A_254, %scan3A_336, %gather3A_1009, %gather3A_1010] : memref<4x4x32x128xf32, #tpu.memory_space<vmem>> -> memref<1x1x32x128xf32, #tpu.memory_space<vmem>>
        %gather3A_1012 = tpu.memref_squeeze %gather3A_1011 : memref<1x1x32x128xf32, #tpu.memory_space<vmem>> -> memref<32x128xf32, #tpu.memory_space<vmem>>
        %gather3A_1013 = tpu.vector_load_idx %gather3A_1012[%add3A_5, %add3A_383] : memref<32x128xf32, #tpu.memory_space<vmem>>[vector<16xi32>, vector<16xi32>], vector<16xf32>,
        %scatter3A_1014 = arith.constant 0 : i32
        %scatter3A_1015 = arith.constant 0 : i32
        %scatter3A_1016 = tpu.memref_slice %arg6[%rem3A_256, %scatter3A_1014, %scatter3A_1015] : memref<2x128x128xf32, #tpu.memory_space<vmem>> -> memref<1x128x128xf32, #tpu.memory_space<vmem>>
        %scatter3A_1017 = tpu.memref_squeeze %scatter3A_1016 : memref<1x128x128xf32, #tpu.memory_space<vmem>> -> memref<128x128xf32, #tpu.memory_space<vmem>>
        tpu.vector_store_idx %scatter3A_1017[%add3A_909, %add3A_377], %gather3A_1013 : memref<128x128xf32, #tpu.memory_space<vmem>>[vector<16xi32>, vector<16xi32>], vector<16xf32>,
        %gather3A_1018 = arith.constant 0 : i32
        %gather3A_1019 = arith.constant 0 : i32
        %gather3A_1020 = tpu.memref_slice %arg5[%rem3A_254, %scan3A_336, %gather3A_1018, %gather3A_1019] : memref<4x4x32x128xf32, #tpu.memory_space<vmem>> -> memref<1x1x32x128xf32, #tpu.memory_space<vmem>>
        %gather3A_1021 = tpu.memref_squeeze %gather3A_1020 : memref<1x1x32x128xf32, #tpu.memory_space<vmem>> -> memref<32x128xf32, #tpu.memory_space<vmem>>
        %gather3A_1022 = tpu.vector_load_idx %gather3A_1021[%add3A_5, %add3A_386] : memref<32x128xf32, #tpu.memory_space<vmem>>[vector<16xi32>, vector<16xi32>], vector<16xf32>,
        %scatter3A_1023 = arith.constant 0 : i32
        %scatter3A_1024 = arith.constant 0 : i32
        %scatter3A_1025 = tpu.memref_slice %arg6[%rem3A_256, %scatter3A_1023, %scatter3A_1024] : memref<2x128x128xf32, #tpu.memory_space<vmem>> -> memref<1x128x128xf32, #tpu.memory_space<vmem>>
        %scatter3A_1026 = tpu.memref_squeeze %scatter3A_1025 : memref<1x128x128xf32, #tpu.memory_space<vmem>> -> memref<128x128xf32, #tpu.memory_space<vmem>>
        tpu.vector_store_idx %scatter3A_1026[%add3A_912, %add3A_377], %gather3A_1022 : memref<128x128xf32, #tpu.memory_space<vmem>>[vector<16xi32>, vector<16xi32>], vector<16xf32>,
        %gather3A_1027 = arith.constant 0 : i32
        %gather3A_1028 = arith.constant 0 : i32
        %gather3A_1029 = tpu.memref_slice %arg5[%rem3A_254, %scan3A_336, %gather3A_1027, %gather3A_1028] : memref<4x4x32x128xf32, #tpu.memory_space<vmem>> -> memref<1x1x32x128xf32, #tpu.memory_space<vmem>>
        %gather3A_1030 = tpu.memref_squeeze %gather3A_1029 : memref<1x1x32x128xf32, #tpu.memory_space<vmem>> -> memref<32x128xf32, #tpu.memory_space<vmem>>
        %gather3A_1031 = tpu.vector_load_idx %gather3A_1030[%add3A_5, %add3A_389] : memref<32x128xf32, #tpu.memory_space<vmem>>[vector<16xi32>, vector<16xi32>], vector<16xf32>,
        %scatter3A_1032 = arith.constant 0 : i32
        %scatter3A_1033 = arith.constant 0 : i32
        %scatter3A_1034 = tpu.memref_slice %arg6[%rem3A_256, %scatter3A_1032, %scatter3A_1033] : memref<2x128x128xf32, #tpu.memory_space<vmem>> -> memref<1x128x128xf32, #tpu.memory_space<vmem>>
        %scatter3A_1035 = tpu.memref_squeeze %scatter3A_1034 : memref<1x128x128xf32, #tpu.memory_space<vmem>> -> memref<128x128xf32, #tpu.memory_space<vmem>>
        tpu.vector_store_idx %scatter3A_1035[%add3A_915, %add3A_377], %gather3A_1031 : memref<128x128xf32, #tpu.memory_space<vmem>>[vector<16xi32>, vector<16xi32>], vector<16xf32>,
        %gather3A_1036 = arith.constant 0 : i32
        %gather3A_1037 = arith.constant 0 : i32
        %gather3A_1038 = tpu.memref_slice %arg5[%rem3A_254, %scan3A_336, %gather3A_1036, %gather3A_1037] : memref<4x4x32x128xf32, #tpu.memory_space<vmem>> -> memref<1x1x32x128xf32, #tpu.memory_space<vmem>>
        %gather3A_1039 = tpu.memref_squeeze %gather3A_1038 : memref<1x1x32x128xf32, #tpu.memory_space<vmem>> -> memref<32x128xf32, #tpu.memory_space<vmem>>
        %gather3A_1040 = tpu.vector_load_idx %gather3A_1039[%add3A_5, %add3A_392] : memref<32x128xf32, #tpu.memory_space<vmem>>[vector<16xi32>, vector<16xi32>], vector<16xf32>,
        %scatter3A_1041 = arith.constant 0 : i32
        %scatter3A_1042 = arith.constant 0 : i32
        %scatter3A_1043 = tpu.memref_slice %arg6[%rem3A_256, %scatter3A_1041, %scatter3A_1042] : memref<2x128x128xf32, #tpu.memory_space<vmem>> -> memref<1x128x128xf32, #tpu.memory_space<vmem>>
        %scatter3A_1044 = tpu.memref_squeeze %scatter3A_1043 : memref<1x128x128xf32, #tpu.memory_space<vmem>> -> memref<128x128xf32, #tpu.memory_space<vmem>>
        tpu.vector_store_idx %scatter3A_1044[%add3A_918, %add3A_377], %gather3A_1040 : memref<128x128xf32, #tpu.memory_space<vmem>>[vector<16xi32>, vector<16xi32>], vector<16xf32>,
        %gather3A_1045 = arith.constant 0 : i32
        %gather3A_1046 = arith.constant 0 : i32
        %gather3A_1047 = tpu.memref_slice %arg5[%rem3A_254, %scan3A_336, %gather3A_1045, %gather3A_1046] : memref<4x4x32x128xf32, #tpu.memory_space<vmem>> -> memref<1x1x32x128xf32, #tpu.memory_space<vmem>>
        %gather3A_1048 = tpu.memref_squeeze %gather3A_1047 : memref<1x1x32x128xf32, #tpu.memory_space<vmem>> -> memref<32x128xf32, #tpu.memory_space<vmem>>
        %gather3A_1049 = tpu.vector_load_idx %gather3A_1048[%add3A_5, %add3A_395] : memref<32x128xf32, #tpu.memory_space<vmem>>[vector<16xi32>, vector<16xi32>], vector<16xf32>,
        %scatter3A_1050 = arith.constant 0 : i32
        %scatter3A_1051 = arith.constant 0 : i32
        %scatter3A_1052 = tpu.memref_slice %arg6[%rem3A_256, %scatter3A_1050, %scatter3A_1051] : memref<2x128x128xf32, #tpu.memory_space<vmem>> -> memref<1x128x128xf32, #tpu.memory_space<vmem>>
        %scatter3A_1053 = tpu.memref_squeeze %scatter3A_1052 : memref<1x128x128xf32, #tpu.memory_space<vmem>> -> memref<128x128xf32, #tpu.memory_space<vmem>>
        tpu.vector_store_idx %scatter3A_1053[%add3A_921, %add3A_377], %gather3A_1049 : memref<128x128xf32, #tpu.memory_space<vmem>>[vector<16xi32>, vector<16xi32>], vector<16xf32>,
        %gather3A_1054 = arith.constant 0 : i32
        %gather3A_1055 = arith.constant 0 : i32
        %gather3A_1056 = tpu.memref_slice %arg5[%rem3A_254, %scan3A_336, %gather3A_1054, %gather3A_1055] : memref<4x4x32x128xf32, #tpu.memory_space<vmem>> -> memref<1x1x32x128xf32, #tpu.memory_space<vmem>>
        %gather3A_1057 = tpu.memref_squeeze %gather3A_1056 : memref<1x1x32x128xf32, #tpu.memory_space<vmem>> -> memref<32x128xf32, #tpu.memory_space<vmem>>
        %gather3A_1058 = tpu.vector_load_idx %gather3A_1057[%add3A_5, %add3A_398] : memref<32x128xf32, #tpu.memory_space<vmem>>[vector<16xi32>, vector<16xi32>], vector<16xf32>,
        %scatter3A_1059 = arith.constant 0 : i32
        %scatter3A_1060 = arith.constant 0 : i32
        %scatter3A_1061 = tpu.memref_slice %arg6[%rem3A_256, %scatter3A_1059, %scatter3A_1060] : memref<2x128x128xf32, #tpu.memory_space<vmem>> -> memref<1x128x128xf32, #tpu.memory_space<vmem>>
        %scatter3A_1062 = tpu.memref_squeeze %scatter3A_1061 : memref<1x128x128xf32, #tpu.memory_space<vmem>> -> memref<128x128xf32, #tpu.memory_space<vmem>>
        tpu.vector_store_idx %scatter3A_1062[%add3A_924, %add3A_377], %gather3A_1058 : memref<128x128xf32, #tpu.memory_space<vmem>>[vector<16xi32>, vector<16xi32>], vector<16xf32>,
        %gather3A_1063 = arith.constant 0 : i32
        %gather3A_1064 = arith.constant 0 : i32
        %gather3A_1065 = tpu.memref_slice %arg5[%rem3A_254, %scan3A_336, %gather3A_1063, %gather3A_1064] : memref<4x4x32x128xf32, #tpu.memory_space<vmem>> -> memref<1x1x32x128xf32, #tpu.memory_space<vmem>>
        %gather3A_1066 = tpu.memref_squeeze %gather3A_1065 : memref<1x1x32x128xf32, #tpu.memory_space<vmem>> -> memref<32x128xf32, #tpu.memory_space<vmem>>
        %gather3A_1067 = tpu.vector_load_idx %gather3A_1066[%add3A_5, %add3A_401] : memref<32x128xf32, #tpu.memory_space<vmem>>[vector<16xi32>, vector<16xi32>], vector<16xf32>,
        %scatter3A_1068 = arith.constant 0 : i32
        %scatter3A_1069 = arith.constant 0 : i32
        %scatter3A_1070 = tpu.memref_slice %arg6[%rem3A_256, %scatter3A_1068, %scatter3A_1069] : memref<2x128x128xf32, #tpu.memory_space<vmem>> -> memref<1x128x128xf32, #tpu.memory_space<vmem>>
        %scatter3A_1071 = tpu.memref_squeeze %scatter3A_1070 : memref<1x128x128xf32, #tpu.memory_space<vmem>> -> memref<128x128xf32, #tpu.memory_space<vmem>>
        tpu.vector_store_idx %scatter3A_1071[%add3A_927, %add3A_377], %gather3A_1067 : memref<128x128xf32, #tpu.memory_space<vmem>>[vector<16xi32>, vector<16xi32>], vector<16xf32>,
        %scan3A_1072 = arith.constant 0 : i32
        scf.yield %scan3A_1072 : i32
      }
      %scan3A_343 = arith.constant 16 : i32
      %add3A_344 = arith.addi %mul3A_2, %scan3A_252 : i32
      %mul3A_345 = arith.constant 128 : i32
      %mul3A_346 = arith.muli %add3A_344, %mul3A_345 : i32
      %multiple_of3A_347 = tpu.assume_multiple %mul3A_346, 8 : i32
      %dma_start3A_348 = arith.constant 0 : i32
      %dma_start3A_349 = arith.constant 0 : i32
      %dma_start3A_350 = tpu.memref_slice %arg6[%rem3A_256, %dma_start3A_348, %dma_start3A_349] : memref<2x128x128xf32, #tpu.memory_space<vmem>> -> memref<1x128x128xf32, #tpu.memory_space<vmem>>
      %dma_start3A_351 = tpu.memref_squeeze %dma_start3A_350 : memref<1x128x128xf32, #tpu.memory_space<vmem>> -> memref<128x128xf32, #tpu.memory_space<vmem>>
      %dma_start3A_352 = arith.constant 0 : i32
      %dma_start3A_353 = tpu.memref_slice %arg4[%multiple_of3A_347, %dma_start3A_352] : memref<250000x128xf32, #tpu.memory_space<hbm>> -> memref<128x128xf32, #tpu.memory_space<hbm>>
      %dma_start3A_354 = arith.constant 0 : i32
      %dma_start3A_355 = tpu.memref_slice %arg4[%multiple_of3A_347, %dma_start3A_354] : memref<250000x128xf32, #tpu.memory_space<hbm>> -> memref<128x128xf32, #tpu.memory_space<hbm>>
      %dma_start3A_356 = arith.constant 0 : i32
      %dma_start3A_357 = arith.constant 0 : i32
      %dma_start3A_358 = tpu.memref_slice %arg6[%rem3A_256, %dma_start3A_356, %dma_start3A_357] : memref<2x128x128xf32, #tpu.memory_space<vmem>> -> memref<1x128x128xf32, #tpu.memory_space<vmem>>
      %dma_start3A_359 = tpu.memref_squeeze %dma_start3A_358 : memref<1x128x128xf32, #tpu.memory_space<vmem>> -> memref<128x128xf32, #tpu.memory_space<vmem>>
      tpu.enqueue_dma source(%dma_start3A_359 : memref<128x128xf32, #tpu.memory_space<vmem>>) target(%dma_start3A_355 : memref<128x128xf32, #tpu.memory_space<hbm>>) target_semaphore(%arg8 : memref<!tpu.dma_semaphore, #tpu.memory_space<semaphore_mem>>)
      %scan3A_360 = arith.constant 0 : i32
      scf.yield %scan3A_360 : i32
    }
    %scan3A_216 = arith.constant 61 : i32
    %dma_wait3A = arith.constant 0 : i32
    %dma_wait3A_217 = arith.constant 0 : i32
    %dma_wait3A_218 = arith.constant 0 : i32
    %dma_wait3A_219 = tpu.memref_slice %arg6[%dma_wait3A, %dma_wait3A_217, %dma_wait3A_218] : memref<2x128x128xf32, #tpu.memory_space<vmem>> -> memref<1x128x128xf32, #tpu.memory_space<vmem>>
    %dma_wait3A_220 = tpu.memref_squeeze %dma_wait3A_219 : memref<1x128x128xf32, #tpu.memory_space<vmem>> -> memref<128x128xf32, #tpu.memory_space<vmem>>
    %dma_wait3A_221 = arith.constant 0 : i32
    %dma_wait3A_222 = arith.constant 0 : i32
    %dma_wait3A_223 = tpu.memref_slice %arg4[%dma_wait3A_221, %dma_wait3A_222] : memref<250000x128xf32, #tpu.memory_space<hbm>> -> memref<128x128xf32, #tpu.memory_space<hbm>>
    %dma_wait3A_224 = arith.constant 0 : i32
    %dma_wait3A_225 = arith.constant 0 : i32
    %dma_wait3A_226 = tpu.memref_slice %arg4[%dma_wait3A_224, %dma_wait3A_225] : memref<250000x128xf32, #tpu.memory_space<hbm>> -> memref<128x128xf32, #tpu.memory_space<hbm>>
    %dma_wait3A_227 = arith.constant 0 : i32
    %dma_wait3A_228 = arith.constant 0 : i32
    %dma_wait3A_229 = tpu.memref_slice %arg6[%dma_wait3A, %dma_wait3A_227, %dma_wait3A_228] : memref<2x128x128xf32, #tpu.memory_space<vmem>> -> memref<1x128x128xf32, #tpu.memory_space<vmem>>
    %dma_wait3A_230 = tpu.memref_squeeze %dma_wait3A_229 : memref<1x128x128xf32, #tpu.memory_space<vmem>> -> memref<128x128xf32, #tpu.memory_space<vmem>>
    tpu.wait_dma2 semaphore(%arg8 : memref<!tpu.dma_semaphore, #tpu.memory_space<semaphore_mem>>) src(%dma_wait3A_230 : memref<128x128xf32, #tpu.memory_space<vmem>>) dst(%dma_wait3A_226 : memref<128x128xf32, #tpu.memory_space<hbm>>)
    %dma_wait3A_231 = arith.constant 1 : i32
    %dma_wait3A_232 = arith.constant 0 : i32
    %dma_wait3A_233 = arith.constant 0 : i32
    %dma_wait3A_234 = tpu.memref_slice %arg6[%dma_wait3A_231, %dma_wait3A_232, %dma_wait3A_233] : memref<2x128x128xf32, #tpu.memory_space<vmem>> -> memref<1x128x128xf32, #tpu.memory_space<vmem>>
    %dma_wait3A_235 = tpu.memref_squeeze %dma_wait3A_234 : memref<1x128x128xf32, #tpu.memory_space<vmem>> -> memref<128x128xf32, #tpu.memory_space<vmem>>
    %dma_wait3A_236 = arith.constant 0 : i32
    %dma_wait3A_237 = arith.constant 0 : i32
    %dma_wait3A_238 = tpu.memref_slice %arg4[%dma_wait3A_236, %dma_wait3A_237] : memref<250000x128xf32, #tpu.memory_space<hbm>> -> memref<128x128xf32, #tpu.memory_space<hbm>>
    %dma_wait3A_239 = arith.constant 0 : i32
    %dma_wait3A_240 = arith.constant 0 : i32
    %dma_wait3A_241 = tpu.memref_slice %arg4[%dma_wait3A_239, %dma_wait3A_240] : memref<250000x128xf32, #tpu.memory_space<hbm>> -> memref<128x128xf32, #tpu.memory_space<hbm>>
    %dma_wait3A_242 = arith.constant 0 : i32
    %dma_wait3A_243 = arith.constant 0 : i32
    %dma_wait3A_244 = tpu.memref_slice %arg6[%dma_wait3A_231, %dma_wait3A_242, %dma_wait3A_243] : memref<2x128x128xf32, #tpu.memory_space<vmem>> -> memref<1x128x128xf32, #tpu.memory_space<vmem>>
    %dma_wait3A_245 = tpu.memref_squeeze %dma_wait3A_244 : memref<1x128x128xf32, #tpu.memory_space<vmem>> -> memref<128x128xf32, #tpu.memory_space<vmem>>
    tpu.wait_dma2 semaphore(%arg8 : memref<!tpu.dma_semaphore, #tpu.memory_space<semaphore_mem>>) src(%dma_wait3A_245 : memref<128x128xf32, #tpu.memory_space<vmem>>) dst(%dma_wait3A_241 : memref<128x128xf32, #tpu.memory_space<hbm>>)
    %lt3A = arith.constant 4 : i32
    %lt3A_246 = arith.cmpi slt, %add3A, %lt3A : i32
    %convert_element_type3A = arith.extui %lt3A_246 : i1 to i32
    %cond3A = arith.constant 0 : i32
    %cond3A_247 = arith.cmpi ne, %convert_element_type3A, %cond3A : i32
    scf.if %cond3A_247 {
      %mul3A_252 = arith.constant 128 : i32
      %mul3A_253 = arith.muli %add3A, %mul3A_252 : i32
      %add3A_254 = arith.constant 999424 : i32
      %add3A_255 = arith.addi %add3A_254, %mul3A_253 : i32
      %multiple_of3A_256 = tpu.assume_multiple %add3A_255, 128 : i32
      %dma_start3A_257 = arith.constant 0 : i32
      %dma_start3A_258 = arith.constant 0 : i32
      %dma_start3A_259 = arith.constant 0 : i32
      %dma_start3A_260 = arith.constant 0 : i32
      %dma_start3A_261 = tpu.memref_slice %arg5[%dma_start3A_257, %dma_start3A_258, %dma_start3A_259, %dma_start3A_260] : memref<4x4x32x128xf32, #tpu.memory_space<vmem>> -> memref<1x1x32x128xf32, #tpu.memory_space<vmem>>
      %dma_start3A_262 = tpu.memref_squeeze %dma_start3A_261 : memref<1x1x32x128xf32, #tpu.memory_space<vmem>> -> memref<32x128xf32, #tpu.memory_space<vmem>>
      %dma_start3A_263 = arith.constant 0 : i32
      %dma_start3A_264 = tpu.memref_slice %arg2[%dma_start3A_263, %multiple_of3A_256] : memref<32x1000000xf32, #tpu.memory_space<hbm>> -> memref<32x128xf32, #tpu.memory_space<hbm>>
      %dma_start3A_265 = arith.constant 0 : i32
      %dma_start3A_266 = arith.constant 0 : i32
      %dma_start3A_267 = tpu.memref_slice %arg5[%dma_start3A_257, %dma_start3A_258, %dma_start3A_265, %dma_start3A_266] : memref<4x4x32x128xf32, #tpu.memory_space<vmem>> -> memref<1x1x32x128xf32, #tpu.memory_space<vmem>>
      %dma_start3A_268 = tpu.memref_squeeze %dma_start3A_267 : memref<1x1x32x128xf32, #tpu.memory_space<vmem>> -> memref<32x128xf32, #tpu.memory_space<vmem>>
      %dma_start3A_269 = arith.constant 0 : i32
      %dma_start3A_270 = tpu.memref_slice %arg2[%dma_start3A_269, %multiple_of3A_256] : memref<32x1000000xf32, #tpu.memory_space<hbm>> -> memref<32x128xf32, #tpu.memory_space<hbm>>
      tpu.enqueue_dma source(%dma_start3A_270 : memref<32x128xf32, #tpu.memory_space<hbm>>) target(%dma_start3A_268 : memref<32x128xf32, #tpu.memory_space<vmem>>) target_semaphore(%arg7 : memref<!tpu.dma_semaphore, #tpu.memory_space<semaphore_mem>>)
      %dma_wait3A_271 = arith.constant 0 : i32
      %dma_wait3A_272 = arith.constant 0 : i32
      %dma_wait3A_273 = arith.constant 0 : i32
      %dma_wait3A_274 = arith.constant 0 : i32
      %dma_wait3A_275 = tpu.memref_slice %arg5[%dma_wait3A_271, %dma_wait3A_272, %dma_wait3A_273, %dma_wait3A_274] : memref<4x4x32x128xf32, #tpu.memory_space<vmem>> -> memref<1x1x32x128xf32, #tpu.memory_space<vmem>>
      %dma_wait3A_276 = tpu.memref_squeeze %dma_wait3A_275 : memref<1x1x32x128xf32, #tpu.memory_space<vmem>> -> memref<32x128xf32, #tpu.memory_space<vmem>>
      %dma_wait3A_277 = arith.constant 0 : i32
      %dma_wait3A_278 = arith.constant 0 : i32
      %dma_wait3A_279 = tpu.memref_slice %arg2[%dma_wait3A_277, %dma_wait3A_278] : memref<32x1000000xf32, #tpu.memory_space<hbm>> -> memref<32x128xf32, #tpu.memory_space<hbm>>
      %dma_wait3A_280 = arith.constant 0 : i32
      %dma_wait3A_281 = arith.constant 0 : i32
      %dma_wait3A_282 = tpu.memref_slice %arg5[%dma_wait3A_271, %dma_wait3A_272, %dma_wait3A_280, %dma_wait3A_281] : memref<4x4x32x128xf32, #tpu.memory_space<vmem>> -> memref<1x1x32x128xf32, #tpu.memory_space<vmem>>
      %dma_wait3A_283 = tpu.memref_squeeze %dma_wait3A_282 : memref<1x1x32x128xf32, #tpu.memory_space<vmem>> -> memref<32x128xf32, #tpu.memory_space<vmem>>
      %dma_wait3A_284 = arith.constant 0 : i32
      %dma_wait3A_285 = arith.constant 0 : i32
      %dma_wait3A_286 = tpu.memref_slice %arg2[%dma_wait3A_284, %dma_wait3A_285] : memref<32x1000000xf32, #tpu.memory_space<hbm>> -> memref<32x128xf32, #tpu.memory_space<hbm>>
      tpu.wait_dma2 semaphore(%arg7 : memref<!tpu.dma_semaphore, #tpu.memory_space<semaphore_mem>>) src(%dma_wait3A_286 : memref<32x128xf32, #tpu.memory_space<hbm>>) dst(%dma_wait3A_283 : memref<32x128xf32, #tpu.memory_space<vmem>>)
      %scan3A_287 = arith.constant 0 : i32
      %scan3A_288 = arith.constant 0 : i32
      %scan3A_289 = arith.constant 0 : i32
      %scan3A_290 = arith.constant 0 : i32
      %scan3A_291 = arith.constant 0 : i32
      %scan3A_292 = arith.constant 16 : i32
      %scan3A_293 = arith.addi %scan3A_291, %scan3A_292 : i32
      %scan3A_294 = arith.constant 1 : i32
      %scan3A_295 = scf.for %scan3A_340 = %scan3A_291 to %scan3A_293 step %scan3A_294 iter_args(%scan3A_341 = %scan3A_290) -> (i32)  : i32 {
        %add3A_342 = vector.broadcast %scan3A_340 : i32 to vector<16xi32>
        %add3A_343 = arith.addi %iota3A, %add3A_342 : vector<16xi32>
        %and3A_344 = arith.constant 15 : i32
        %and3A_345 = vector.broadcast %and3A_344 : i32 to vector<16xi32>
        %and3A_346 = arith.andi %add3A_343, %and3A_345 : vector<16xi32>
        %shift_right_logical3A = arith.constant 2 : i32
        %shift_right_logical3A_347 = vector.broadcast %shift_right_logical3A : i32 to vector<16xi32>
        %shift_right_logical3A_348 = arith.shrui %and3A_346, %shift_right_logical3A_347 : vector<16xi32>
        %and3A_349 = arith.constant 3 : i32
        %and3A_350 = vector.broadcast %and3A_349 : i32 to vector<16xi32>
        %and3A_351 = arith.andi %and3A_346, %and3A_350 : vector<16xi32>
        %shift_left3A = arith.constant 5 : i32
        %shift_left3A_352 = vector.broadcast %shift_left3A : i32 to vector<16xi32>
        %shift_left3A_353 = arith.shli %and3A_351, %shift_left3A_352 : vector<16xi32>
        %add3A_354 = arith.addi %shift_left3A_353, %iota3A : vector<16xi32>
        %add3A_355 = arith.constant 16 : i32
        %add3A_356 = vector.broadcast %add3A_355 : i32 to vector<16xi32>
        %add3A_357 = arith.addi %add3A_354, %add3A_356 : vector<16xi32>
        %add3A_358 = arith.constant 0 : i32
        %add3A_359 = vector.broadcast %add3A_358 : i32 to vector<16xi32>
        %add3A_360 = arith.addi %and3A_346, %add3A_359 : vector<16xi32>
        %add3A_361 = arith.constant 16 : i32
        %add3A_362 = vector.broadcast %add3A_361 : i32 to vector<16xi32>
        %add3A_363 = arith.addi %and3A_346, %add3A_362 : vector<16xi32>
        %add3A_364 = arith.constant 32 : i32
        %add3A_365 = vector.broadcast %add3A_364 : i32 to vector<16xi32>
        %add3A_366 = arith.addi %and3A_346, %add3A_365 : vector<16xi32>
        %add3A_367 = arith.constant 48 : i32
        %add3A_368 = vector.broadcast %add3A_367 : i32 to vector<16xi32>
        %add3A_369 = arith.addi %and3A_346, %add3A_368 : vector<16xi32>
        %add3A_370 = arith.constant 64 : i32
        %add3A_371 = vector.broadcast %add3A_370 : i32 to vector<16xi32>
        %add3A_372 = arith.addi %and3A_346, %add3A_371 : vector<16xi32>
        %add3A_373 = arith.constant 80 : i32
        %add3A_374 = vector.broadcast %add3A_373 : i32 to vector<16xi32>
        %add3A_375 = arith.addi %and3A_346, %add3A_374 : vector<16xi32>
        %add3A_376 = arith.constant 96 : i32
        %add3A_377 = vector.broadcast %add3A_376 : i32 to vector<16xi32>
        %add3A_378 = arith.addi %and3A_346, %add3A_377 : vector<16xi32>
        %add3A_379 = arith.constant 112 : i32
        %add3A_380 = vector.broadcast %add3A_379 : i32 to vector<16xi32>
        %add3A_381 = arith.addi %and3A_346, %add3A_380 : vector<16xi32>
        %add3A_382 = arith.constant 0 : i32
        %add3A_383 = vector.broadcast %add3A_382 : i32 to vector<16xi32>
        %add3A_384 = arith.addi %shift_right_logical3A_348, %add3A_383 : vector<16xi32>
        %add3A_385 = arith.constant 4 : i32
        %add3A_386 = vector.broadcast %add3A_385 : i32 to vector<16xi32>
        %add3A_387 = arith.addi %shift_right_logical3A_348, %add3A_386 : vector<16xi32>
        %add3A_388 = arith.constant 8 : i32
        %add3A_389 = vector.broadcast %add3A_388 : i32 to vector<16xi32>
        %add3A_390 = arith.addi %shift_right_logical3A_348, %add3A_389 : vector<16xi32>
        %add3A_391 = arith.constant 12 : i32
        %add3A_392 = vector.broadcast %add3A_391 : i32 to vector<16xi32>
        %add3A_393 = arith.addi %shift_right_logical3A_348, %add3A_392 : vector<16xi32>
        %add3A_394 = arith.constant 16 : i32
        %add3A_395 = vector.broadcast %add3A_394 : i32 to vector<16xi32>
        %add3A_396 = arith.addi %shift_right_logical3A_348, %add3A_395 : vector<16xi32>
        %add3A_397 = arith.constant 20 : i32
        %add3A_398 = vector.broadcast %add3A_397 : i32 to vector<16xi32>
        %add3A_399 = arith.addi %shift_right_logical3A_348, %add3A_398 : vector<16xi32>
        %add3A_400 = arith.constant 24 : i32
        %add3A_401 = vector.broadcast %add3A_400 : i32 to vector<16xi32>
        %add3A_402 = arith.addi %shift_right_logical3A_348, %add3A_401 : vector<16xi32>
        %add3A_403 = arith.constant 28 : i32
        %add3A_404 = vector.broadcast %add3A_403 : i32 to vector<16xi32>
        %add3A_405 = arith.addi %shift_right_logical3A_348, %add3A_404 : vector<16xi32>
        %gather3A = arith.constant 0 : i32
        %gather3A_406 = arith.constant 0 : i32
        %gather3A_407 = tpu.memref_slice %arg5[%scan3A_287, %scan3A_288, %gather3A, %gather3A_406] : memref<4x4x32x128xf32, #tpu.memory_space<vmem>> -> memref<1x1x32x128xf32, #tpu.memory_space<vmem>>
        %gather3A_408 = tpu.memref_squeeze %gather3A_407 : memref<1x1x32x128xf32, #tpu.memory_space<vmem>> -> memref<32x128xf32, #tpu.memory_space<vmem>>
        %gather3A_409 = tpu.vector_load_idx %gather3A_408[%iota3A, %add3A_360] : memref<32x128xf32, #tpu.memory_space<vmem>>[vector<16xi32>, vector<16xi32>], vector<16xf32>,
        %scatter3A = arith.constant 0 : i32
        %scatter3A_410 = arith.constant 0 : i32
        %scatter3A_411 = tpu.memref_slice %arg6[%scan3A_289, %scatter3A, %scatter3A_410] : memref<2x128x128xf32, #tpu.memory_space<vmem>> -> memref<1x128x128xf32, #tpu.memory_space<vmem>>
        %scatter3A_412 = tpu.memref_squeeze %scatter3A_411 : memref<1x128x128xf32, #tpu.memory_space<vmem>> -> memref<128x128xf32, #tpu.memory_space<vmem>>
        tpu.vector_store_idx %scatter3A_412[%add3A_384, %add3A_354], %gather3A_409 : memref<128x128xf32, #tpu.memory_space<vmem>>[vector<16xi32>, vector<16xi32>], vector<16xf32>,
        %gather3A_413 = arith.constant 0 : i32
        %gather3A_414 = arith.constant 0 : i32
        %gather3A_415 = tpu.memref_slice %arg5[%scan3A_287, %scan3A_288, %gather3A_413, %gather3A_414] : memref<4x4x32x128xf32, #tpu.memory_space<vmem>> -> memref<1x1x32x128xf32, #tpu.memory_space<vmem>>
        %gather3A_416 = tpu.memref_squeeze %gather3A_415 : memref<1x1x32x128xf32, #tpu.memory_space<vmem>> -> memref<32x128xf32, #tpu.memory_space<vmem>>
        %gather3A_417 = tpu.vector_load_idx %gather3A_416[%iota3A, %add3A_363] : memref<32x128xf32, #tpu.memory_space<vmem>>[vector<16xi32>, vector<16xi32>], vector<16xf32>,
        %scatter3A_418 = arith.constant 0 : i32
        %scatter3A_419 = arith.constant 0 : i32
        %scatter3A_420 = tpu.memref_slice %arg6[%scan3A_289, %scatter3A_418, %scatter3A_419] : memref<2x128x128xf32, #tpu.memory_space<vmem>> -> memref<1x128x128xf32, #tpu.memory_space<vmem>>
        %scatter3A_421 = tpu.memref_squeeze %scatter3A_420 : memref<1x128x128xf32, #tpu.memory_space<vmem>> -> memref<128x128xf32, #tpu.memory_space<vmem>>
        tpu.vector_store_idx %scatter3A_421[%add3A_387, %add3A_354], %gather3A_417 : memref<128x128xf32, #tpu.memory_space<vmem>>[vector<16xi32>, vector<16xi32>], vector<16xf32>,
        %gather3A_422 = arith.constant 0 : i32
        %gather3A_423 = arith.constant 0 : i32
        %gather3A_424 = tpu.memref_slice %arg5[%scan3A_287, %scan3A_288, %gather3A_422, %gather3A_423] : memref<4x4x32x128xf32, #tpu.memory_space<vmem>> -> memref<1x1x32x128xf32, #tpu.memory_space<vmem>>
        %gather3A_425 = tpu.memref_squeeze %gather3A_424 : memref<1x1x32x128xf32, #tpu.memory_space<vmem>> -> memref<32x128xf32, #tpu.memory_space<vmem>>
        %gather3A_426 = tpu.vector_load_idx %gather3A_425[%iota3A, %add3A_366] : memref<32x128xf32, #tpu.memory_space<vmem>>[vector<16xi32>, vector<16xi32>], vector<16xf32>,
        %scatter3A_427 = arith.constant 0 : i32
        %scatter3A_428 = arith.constant 0 : i32
        %scatter3A_429 = tpu.memref_slice %arg6[%scan3A_289, %scatter3A_427, %scatter3A_428] : memref<2x128x128xf32, #tpu.memory_space<vmem>> -> memref<1x128x128xf32, #tpu.memory_space<vmem>>
        %scatter3A_430 = tpu.memref_squeeze %scatter3A_429 : memref<1x128x128xf32, #tpu.memory_space<vmem>> -> memref<128x128xf32, #tpu.memory_space<vmem>>
        tpu.vector_store_idx %scatter3A_430[%add3A_390, %add3A_354], %gather3A_426 : memref<128x128xf32, #tpu.memory_space<vmem>>[vector<16xi32>, vector<16xi32>], vector<16xf32>,
        %gather3A_431 = arith.constant 0 : i32
        %gather3A_432 = arith.constant 0 : i32
        %gather3A_433 = tpu.memref_slice %arg5[%scan3A_287, %scan3A_288, %gather3A_431, %gather3A_432] : memref<4x4x32x128xf32, #tpu.memory_space<vmem>> -> memref<1x1x32x128xf32, #tpu.memory_space<vmem>>
        %gather3A_434 = tpu.memref_squeeze %gather3A_433 : memref<1x1x32x128xf32, #tpu.memory_space<vmem>> -> memref<32x128xf32, #tpu.memory_space<vmem>>
        %gather3A_435 = tpu.vector_load_idx %gather3A_434[%iota3A, %add3A_369] : memref<32x128xf32, #tpu.memory_space<vmem>>[vector<16xi32>, vector<16xi32>], vector<16xf32>,
        %scatter3A_436 = arith.constant 0 : i32
        %scatter3A_437 = arith.constant 0 : i32
        %scatter3A_438 = tpu.memref_slice %arg6[%scan3A_289, %scatter3A_436, %scatter3A_437] : memref<2x128x128xf32, #tpu.memory_space<vmem>> -> memref<1x128x128xf32, #tpu.memory_space<vmem>>
        %scatter3A_439 = tpu.memref_squeeze %scatter3A_438 : memref<1x128x128xf32, #tpu.memory_space<vmem>> -> memref<128x128xf32, #tpu.memory_space<vmem>>
        tpu.vector_store_idx %scatter3A_439[%add3A_393, %add3A_354], %gather3A_435 : memref<128x128xf32, #tpu.memory_space<vmem>>[vector<16xi32>, vector<16xi32>], vector<16xf32>,
        %gather3A_440 = arith.constant 0 : i32
        %gather3A_441 = arith.constant 0 : i32
        %gather3A_442 = tpu.memref_slice %arg5[%scan3A_287, %scan3A_288, %gather3A_440, %gather3A_441] : memref<4x4x32x128xf32, #tpu.memory_space<vmem>> -> memref<1x1x32x128xf32, #tpu.memory_space<vmem>>
        %gather3A_443 = tpu.memref_squeeze %gather3A_442 : memref<1x1x32x128xf32, #tpu.memory_space<vmem>> -> memref<32x128xf32, #tpu.memory_space<vmem>>
        %gather3A_444 = tpu.vector_load_idx %gather3A_443[%iota3A, %add3A_372] : memref<32x128xf32, #tpu.memory_space<vmem>>[vector<16xi32>, vector<16xi32>], vector<16xf32>,
        %scatter3A_445 = arith.constant 0 : i32
        %scatter3A_446 = arith.constant 0 : i32
        %scatter3A_447 = tpu.memref_slice %arg6[%scan3A_289, %scatter3A_445, %scatter3A_446] : memref<2x128x128xf32, #tpu.memory_space<vmem>> -> memref<1x128x128xf32, #tpu.memory_space<vmem>>
        %scatter3A_448 = tpu.memref_squeeze %scatter3A_447 : memref<1x128x128xf32, #tpu.memory_space<vmem>> -> memref<128x128xf32, #tpu.memory_space<vmem>>
        tpu.vector_store_idx %scatter3A_448[%add3A_396, %add3A_354], %gather3A_444 : memref<128x128xf32, #tpu.memory_space<vmem>>[vector<16xi32>, vector<16xi32>], vector<16xf32>,
        %gather3A_449 = arith.constant 0 : i32
        %gather3A_450 = arith.constant 0 : i32
        %gather3A_451 = tpu.memref_slice %arg5[%scan3A_287, %scan3A_288, %gather3A_449, %gather3A_450] : memref<4x4x32x128xf32, #tpu.memory_space<vmem>> -> memref<1x1x32x128xf32, #tpu.memory_space<vmem>>
        %gather3A_452 = tpu.memref_squeeze %gather3A_451 : memref<1x1x32x128xf32, #tpu.memory_space<vmem>> -> memref<32x128xf32, #tpu.memory_space<vmem>>
        %gather3A_453 = tpu.vector_load_idx %gather3A_452[%iota3A, %add3A_375] : memref<32x128xf32, #tpu.memory_space<vmem>>[vector<16xi32>, vector<16xi32>], vector<16xf32>,
        %scatter3A_454 = arith.constant 0 : i32
        %scatter3A_455 = arith.constant 0 : i32
        %scatter3A_456 = tpu.memref_slice %arg6[%scan3A_289, %scatter3A_454, %scatter3A_455] : memref<2x128x128xf32, #tpu.memory_space<vmem>> -> memref<1x128x128xf32, #tpu.memory_space<vmem>>
        %scatter3A_457 = tpu.memref_squeeze %scatter3A_456 : memref<1x128x128xf32, #tpu.memory_space<vmem>> -> memref<128x128xf32, #tpu.memory_space<vmem>>
        tpu.vector_store_idx %scatter3A_457[%add3A_399, %add3A_354], %gather3A_453 : memref<128x128xf32, #tpu.memory_space<vmem>>[vector<16xi32>, vector<16xi32>], vector<16xf32>,
        %gather3A_458 = arith.constant 0 : i32
        %gather3A_459 = arith.constant 0 : i32
        %gather3A_460 = tpu.memref_slice %arg5[%scan3A_287, %scan3A_288, %gather3A_458, %gather3A_459] : memref<4x4x32x128xf32, #tpu.memory_space<vmem>> -> memref<1x1x32x128xf32, #tpu.memory_space<vmem>>
        %gather3A_461 = tpu.memref_squeeze %gather3A_460 : memref<1x1x32x128xf32, #tpu.memory_space<vmem>> -> memref<32x128xf32, #tpu.memory_space<vmem>>
        %gather3A_462 = tpu.vector_load_idx %gather3A_461[%iota3A, %add3A_378] : memref<32x128xf32, #tpu.memory_space<vmem>>[vector<16xi32>, vector<16xi32>], vector<16xf32>,
        %scatter3A_463 = arith.constant 0 : i32
        %scatter3A_464 = arith.constant 0 : i32
        %scatter3A_465 = tpu.memref_slice %arg6[%scan3A_289, %scatter3A_463, %scatter3A_464] : memref<2x128x128xf32, #tpu.memory_space<vmem>> -> memref<1x128x128xf32, #tpu.memory_space<vmem>>
        %scatter3A_466 = tpu.memref_squeeze %scatter3A_465 : memref<1x128x128xf32, #tpu.memory_space<vmem>> -> memref<128x128xf32, #tpu.memory_space<vmem>>
        tpu.vector_store_idx %scatter3A_466[%add3A_402, %add3A_354], %gather3A_462 : memref<128x128xf32, #tpu.memory_space<vmem>>[vector<16xi32>, vector<16xi32>], vector<16xf32>,
        %gather3A_467 = arith.constant 0 : i32
        %gather3A_468 = arith.constant 0 : i32
        %gather3A_469 = tpu.memref_slice %arg5[%scan3A_287, %scan3A_288, %gather3A_467, %gather3A_468] : memref<4x4x32x128xf32, #tpu.memory_space<vmem>> -> memref<1x1x32x128xf32, #tpu.memory_space<vmem>>
        %gather3A_470 = tpu.memref_squeeze %gather3A_469 : memref<1x1x32x128xf32, #tpu.memory_space<vmem>> -> memref<32x128xf32, #tpu.memory_space<vmem>>
        %gather3A_471 = tpu.vector_load_idx %gather3A_470[%iota3A, %add3A_381] : memref<32x128xf32, #tpu.memory_space<vmem>>[vector<16xi32>, vector<16xi32>], vector<16xf32>,
        %scatter3A_472 = arith.constant 0 : i32
        %scatter3A_473 = arith.constant 0 : i32
        %scatter3A_474 = tpu.memref_slice %arg6[%scan3A_289, %scatter3A_472, %scatter3A_473] : memref<2x128x128xf32, #tpu.memory_space<vmem>> -> memref<1x128x128xf32, #tpu.memory_space<vmem>>
        %scatter3A_475 = tpu.memref_squeeze %scatter3A_474 : memref<1x128x128xf32, #tpu.memory_space<vmem>> -> memref<128x128xf32, #tpu.memory_space<vmem>>
        tpu.vector_store_idx %scatter3A_475[%add3A_405, %add3A_354], %gather3A_471 : memref<128x128xf32, #tpu.memory_space<vmem>>[vector<16xi32>, vector<16xi32>], vector<16xf32>,
        %gather3A_476 = arith.constant 0 : i32
        %gather3A_477 = arith.constant 0 : i32
        %gather3A_478 = tpu.memref_slice %arg5[%scan3A_287, %scan3A_288, %gather3A_476, %gather3A_477] : memref<4x4x32x128xf32, #tpu.memory_space<vmem>> -> memref<1x1x32x128xf32, #tpu.memory_space<vmem>>
        %gather3A_479 = tpu.memref_squeeze %gather3A_478 : memref<1x1x32x128xf32, #tpu.memory_space<vmem>> -> memref<32x128xf32, #tpu.memory_space<vmem>>
        %gather3A_480 = tpu.vector_load_idx %gather3A_479[%add3A_5, %add3A_360] : memref<32x128xf32, #tpu.memory_space<vmem>>[vector<16xi32>, vector<16xi32>], vector<16xf32>,
        %scatter3A_481 = arith.constant 0 : i32
        %scatter3A_482 = arith.constant 0 : i32
        %scatter3A_483 = tpu.memref_slice %arg6[%scan3A_289, %scatter3A_481, %scatter3A_482] : memref<2x128x128xf32, #tpu.memory_space<vmem>> -> memref<1x128x128xf32, #tpu.memory_space<vmem>>
        %scatter3A_484 = tpu.memref_squeeze %scatter3A_483 : memref<1x128x128xf32, #tpu.memory_space<vmem>> -> memref<128x128xf32, #tpu.memory_space<vmem>>
        tpu.vector_store_idx %scatter3A_484[%add3A_384, %add3A_357], %gather3A_480 : memref<128x128xf32, #tpu.memory_space<vmem>>[vector<16xi32>, vector<16xi32>], vector<16xf32>,
        %gather3A_485 = arith.constant 0 : i32
        %gather3A_486 = arith.constant 0 : i32
        %gather3A_487 = tpu.memref_slice %arg5[%scan3A_287, %scan3A_288, %gather3A_485, %gather3A_486] : memref<4x4x32x128xf32, #tpu.memory_space<vmem>> -> memref<1x1x32x128xf32, #tpu.memory_space<vmem>>
        %gather3A_488 = tpu.memref_squeeze %gather3A_487 : memref<1x1x32x128xf32, #tpu.memory_space<vmem>> -> memref<32x128xf32, #tpu.memory_space<vmem>>
        %gather3A_489 = tpu.vector_load_idx %gather3A_488[%add3A_5, %add3A_363] : memref<32x128xf32, #tpu.memory_space<vmem>>[vector<16xi32>, vector<16xi32>], vector<16xf32>,
        %scatter3A_490 = arith.constant 0 : i32
        %scatter3A_491 = arith.constant 0 : i32
        %scatter3A_492 = tpu.memref_slice %arg6[%scan3A_289, %scatter3A_490, %scatter3A_491] : memref<2x128x128xf32, #tpu.memory_space<vmem>> -> memref<1x128x128xf32, #tpu.memory_space<vmem>>
        %scatter3A_493 = tpu.memref_squeeze %scatter3A_492 : memref<1x128x128xf32, #tpu.memory_space<vmem>> -> memref<128x128xf32, #tpu.memory_space<vmem>>
        tpu.vector_store_idx %scatter3A_493[%add3A_387, %add3A_357], %gather3A_489 : memref<128x128xf32, #tpu.memory_space<vmem>>[vector<16xi32>, vector<16xi32>], vector<16xf32>,
        %gather3A_494 = arith.constant 0 : i32
        %gather3A_495 = arith.constant 0 : i32
        %gather3A_496 = tpu.memref_slice %arg5[%scan3A_287, %scan3A_288, %gather3A_494, %gather3A_495] : memref<4x4x32x128xf32, #tpu.memory_space<vmem>> -> memref<1x1x32x128xf32, #tpu.memory_space<vmem>>
        %gather3A_497 = tpu.memref_squeeze %gather3A_496 : memref<1x1x32x128xf32, #tpu.memory_space<vmem>> -> memref<32x128xf32, #tpu.memory_space<vmem>>
        %gather3A_498 = tpu.vector_load_idx %gather3A_497[%add3A_5, %add3A_366] : memref<32x128xf32, #tpu.memory_space<vmem>>[vector<16xi32>, vector<16xi32>], vector<16xf32>,
        %scatter3A_499 = arith.constant 0 : i32
        %scatter3A_500 = arith.constant 0 : i32
        %scatter3A_501 = tpu.memref_slice %arg6[%scan3A_289, %scatter3A_499, %scatter3A_500] : memref<2x128x128xf32, #tpu.memory_space<vmem>> -> memref<1x128x128xf32, #tpu.memory_space<vmem>>
        %scatter3A_502 = tpu.memref_squeeze %scatter3A_501 : memref<1x128x128xf32, #tpu.memory_space<vmem>> -> memref<128x128xf32, #tpu.memory_space<vmem>>
        tpu.vector_store_idx %scatter3A_502[%add3A_390, %add3A_357], %gather3A_498 : memref<128x128xf32, #tpu.memory_space<vmem>>[vector<16xi32>, vector<16xi32>], vector<16xf32>,
        %gather3A_503 = arith.constant 0 : i32
        %gather3A_504 = arith.constant 0 : i32
        %gather3A_505 = tpu.memref_slice %arg5[%scan3A_287, %scan3A_288, %gather3A_503, %gather3A_504] : memref<4x4x32x128xf32, #tpu.memory_space<vmem>> -> memref<1x1x32x128xf32, #tpu.memory_space<vmem>>
        %gather3A_506 = tpu.memref_squeeze %gather3A_505 : memref<1x1x32x128xf32, #tpu.memory_space<vmem>> -> memref<32x128xf32, #tpu.memory_space<vmem>>
        %gather3A_507 = tpu.vector_load_idx %gather3A_506[%add3A_5, %add3A_369] : memref<32x128xf32, #tpu.memory_space<vmem>>[vector<16xi32>, vector<16xi32>], vector<16xf32>,
        %scatter3A_508 = arith.constant 0 : i32
        %scatter3A_509 = arith.constant 0 : i32
        %scatter3A_510 = tpu.memref_slice %arg6[%scan3A_289, %scatter3A_508, %scatter3A_509] : memref<2x128x128xf32, #tpu.memory_space<vmem>> -> memref<1x128x128xf32, #tpu.memory_space<vmem>>
        %scatter3A_511 = tpu.memref_squeeze %scatter3A_510 : memref<1x128x128xf32, #tpu.memory_space<vmem>> -> memref<128x128xf32, #tpu.memory_space<vmem>>
        tpu.vector_store_idx %scatter3A_511[%add3A_393, %add3A_357], %gather3A_507 : memref<128x128xf32, #tpu.memory_space<vmem>>[vector<16xi32>, vector<16xi32>], vector<16xf32>,
        %gather3A_512 = arith.constant 0 : i32
        %gather3A_513 = arith.constant 0 : i32
        %gather3A_514 = tpu.memref_slice %arg5[%scan3A_287, %scan3A_288, %gather3A_512, %gather3A_513] : memref<4x4x32x128xf32, #tpu.memory_space<vmem>> -> memref<1x1x32x128xf32, #tpu.memory_space<vmem>>
        %gather3A_515 = tpu.memref_squeeze %gather3A_514 : memref<1x1x32x128xf32, #tpu.memory_space<vmem>> -> memref<32x128xf32, #tpu.memory_space<vmem>>
        %gather3A_516 = tpu.vector_load_idx %gather3A_515[%add3A_5, %add3A_372] : memref<32x128xf32, #tpu.memory_space<vmem>>[vector<16xi32>, vector<16xi32>], vector<16xf32>,
        %scatter3A_517 = arith.constant 0 : i32
        %scatter3A_518 = arith.constant 0 : i32
        %scatter3A_519 = tpu.memref_slice %arg6[%scan3A_289, %scatter3A_517, %scatter3A_518] : memref<2x128x128xf32, #tpu.memory_space<vmem>> -> memref<1x128x128xf32, #tpu.memory_space<vmem>>
        %scatter3A_520 = tpu.memref_squeeze %scatter3A_519 : memref<1x128x128xf32, #tpu.memory_space<vmem>> -> memref<128x128xf32, #tpu.memory_space<vmem>>
        tpu.vector_store_idx %scatter3A_520[%add3A_396, %add3A_357], %gather3A_516 : memref<128x128xf32, #tpu.memory_space<vmem>>[vector<16xi32>, vector<16xi32>], vector<16xf32>,
        %gather3A_521 = arith.constant 0 : i32
        %gather3A_522 = arith.constant 0 : i32
        %gather3A_523 = tpu.memref_slice %arg5[%scan3A_287, %scan3A_288, %gather3A_521, %gather3A_522] : memref<4x4x32x128xf32, #tpu.memory_space<vmem>> -> memref<1x1x32x128xf32, #tpu.memory_space<vmem>>
        %gather3A_524 = tpu.memref_squeeze %gather3A_523 : memref<1x1x32x128xf32, #tpu.memory_space<vmem>> -> memref<32x128xf32, #tpu.memory_space<vmem>>
        %gather3A_525 = tpu.vector_load_idx %gather3A_524[%add3A_5, %add3A_375] : memref<32x128xf32, #tpu.memory_space<vmem>>[vector<16xi32>, vector<16xi32>], vector<16xf32>,
        %scatter3A_526 = arith.constant 0 : i32
        %scatter3A_527 = arith.constant 0 : i32
        %scatter3A_528 = tpu.memref_slice %arg6[%scan3A_289, %scatter3A_526, %scatter3A_527] : memref<2x128x128xf32, #tpu.memory_space<vmem>> -> memref<1x128x128xf32, #tpu.memory_space<vmem>>
        %scatter3A_529 = tpu.memref_squeeze %scatter3A_528 : memref<1x128x128xf32, #tpu.memory_space<vmem>> -> memref<128x128xf32, #tpu.memory_space<vmem>>
        tpu.vector_store_idx %scatter3A_529[%add3A_399, %add3A_357], %gather3A_525 : memref<128x128xf32, #tpu.memory_space<vmem>>[vector<16xi32>, vector<16xi32>], vector<16xf32>,
        %gather3A_530 = arith.constant 0 : i32
        %gather3A_531 = arith.constant 0 : i32
        %gather3A_532 = tpu.memref_slice %arg5[%scan3A_287, %scan3A_288, %gather3A_530, %gather3A_531] : memref<4x4x32x128xf32, #tpu.memory_space<vmem>> -> memref<1x1x32x128xf32, #tpu.memory_space<vmem>>
        %gather3A_533 = tpu.memref_squeeze %gather3A_532 : memref<1x1x32x128xf32, #tpu.memory_space<vmem>> -> memref<32x128xf32, #tpu.memory_space<vmem>>
        %gather3A_534 = tpu.vector_load_idx %gather3A_533[%add3A_5, %add3A_378] : memref<32x128xf32, #tpu.memory_space<vmem>>[vector<16xi32>, vector<16xi32>], vector<16xf32>,
        %scatter3A_535 = arith.constant 0 : i32
        %scatter3A_536 = arith.constant 0 : i32
        %scatter3A_537 = tpu.memref_slice %arg6[%scan3A_289, %scatter3A_535, %scatter3A_536] : memref<2x128x128xf32, #tpu.memory_space<vmem>> -> memref<1x128x128xf32, #tpu.memory_space<vmem>>
        %scatter3A_538 = tpu.memref_squeeze %scatter3A_537 : memref<1x128x128xf32, #tpu.memory_space<vmem>> -> memref<128x128xf32, #tpu.memory_space<vmem>>
        tpu.vector_store_idx %scatter3A_538[%add3A_402, %add3A_357], %gather3A_534 : memref<128x128xf32, #tpu.memory_space<vmem>>[vector<16xi32>, vector<16xi32>], vector<16xf32>,
        %gather3A_539 = arith.constant 0 : i32
        %gather3A_540 = arith.constant 0 : i32
        %gather3A_541 = tpu.memref_slice %arg5[%scan3A_287, %scan3A_288, %gather3A_539, %gather3A_540] : memref<4x4x32x128xf32, #tpu.memory_space<vmem>> -> memref<1x1x32x128xf32, #tpu.memory_space<vmem>>
        %gather3A_542 = tpu.memref_squeeze %gather3A_541 : memref<1x1x32x128xf32, #tpu.memory_space<vmem>> -> memref<32x128xf32, #tpu.memory_space<vmem>>
        %gather3A_543 = tpu.vector_load_idx %gather3A_542[%add3A_5, %add3A_381] : memref<32x128xf32, #tpu.memory_space<vmem>>[vector<16xi32>, vector<16xi32>], vector<16xf32>,
        %scatter3A_544 = arith.constant 0 : i32
        %scatter3A_545 = arith.constant 0 : i32
        %scatter3A_546 = tpu.memref_slice %arg6[%scan3A_289, %scatter3A_544, %scatter3A_545] : memref<2x128x128xf32, #tpu.memory_space<vmem>> -> memref<1x128x128xf32, #tpu.memory_space<vmem>>
        %scatter3A_547 = tpu.memref_squeeze %scatter3A_546 : memref<1x128x128xf32, #tpu.memory_space<vmem>> -> memref<128x128xf32, #tpu.memory_space<vmem>>
        tpu.vector_store_idx %scatter3A_547[%add3A_405, %add3A_357], %gather3A_543 : memref<128x128xf32, #tpu.memory_space<vmem>>[vector<16xi32>, vector<16xi32>], vector<16xf32>,
        %scan3A_548 = arith.constant 0 : i32
        scf.yield %scan3A_548 : i32
      }
      %scan3A_296 = arith.constant 16 : i32
      %jit3A = arith.constant 4 : i32
      %div3A = arith.divsi %multiple_of3A_256, %jit3A : i32
      %sign3A = arith.constant 0 : i32
      %sign3A_297 = arith.cmpi sgt, %multiple_of3A_256, %sign3A : i32
      %sign3A_298 = arith.extui %sign3A_297 : i1 to i32
      %sign3A_299 = arith.constant 0 : i32
      %sign3A_300 = arith.cmpi slt, %multiple_of3A_256, %sign3A_299 : i32
      %sign3A_301 = arith.extui %sign3A_300 : i1 to i32
      %sign3A_302 = arith.subi %sign3A_298, %sign3A_301 : i32
      %sign3A_303 = arith.constant 0 : i32
      %sign3A_304 = arith.cmpi sgt, %jit3A, %sign3A_303 : i32
      %sign3A_305 = arith.extui %sign3A_304 : i1 to i32
      %sign3A_306 = arith.constant 0 : i32
      %sign3A_307 = arith.cmpi slt, %jit3A, %sign3A_306 : i32
      %sign3A_308 = arith.extui %sign3A_307 : i1 to i32
      %sign3A_309 = arith.subi %sign3A_305, %sign3A_308 : i32
      %ne3A = arith.cmpi ne, %sign3A_302, %sign3A_309 : i32
      %rem3A = arith.remsi %multiple_of3A_256, %jit3A : i32
      %ne3A_310 = arith.constant 0 : i32
      %ne3A_311 = arith.cmpi ne, %rem3A, %ne3A_310 : i32
      %and3A = arith.andi %ne3A, %ne3A_311 : i1
      %sub3A = arith.constant 1 : i32
      %sub3A_312 = arith.subi %div3A, %sub3A : i32
      %select_n3A = arith.select %and3A, %sub3A_312, %div3A : i32
      %multiple_of3A_313 = tpu.assume_multiple %select_n3A, 8 : i32
      %dma_start3A_314 = arith.constant 0 : i32
      %dma_start3A_315 = arith.constant 0 : i32
      %dma_start3A_316 = arith.constant 0 : i32
      %dma_start3A_317 = tpu.memref_slice %arg6[%dma_start3A_314, %dma_start3A_315, %dma_start3A_316] : memref<2x128x128xf32, #tpu.memory_space<vmem>> -> memref<1x32x128xf32, #tpu.memory_space<vmem>>
      %dma_start3A_318 = tpu.memref_squeeze %dma_start3A_317 : memref<1x32x128xf32, #tpu.memory_space<vmem>> -> memref<32x128xf32, #tpu.memory_space<vmem>>
      %dma_start3A_319 = arith.constant 0 : i32
      %dma_start3A_320 = tpu.memref_slice %arg4[%multiple_of3A_313, %dma_start3A_319] : memref<250000x128xf32, #tpu.memory_space<hbm>> -> memref<32x128xf32, #tpu.memory_space<hbm>>
      %dma_start3A_321 = arith.constant 0 : i32
      %dma_start3A_322 = tpu.memref_slice %arg4[%multiple_of3A_313, %dma_start3A_321] : memref<250000x128xf32, #tpu.memory_space<hbm>> -> memref<32x128xf32, #tpu.memory_space<hbm>>
      %dma_start3A_323 = arith.constant 0 : i32
      %dma_start3A_324 = arith.constant 0 : i32
      %dma_start3A_325 = tpu.memref_slice %arg6[%dma_start3A_314, %dma_start3A_323, %dma_start3A_324] : memref<2x128x128xf32, #tpu.memory_space<vmem>> -> memref<1x32x128xf32, #tpu.memory_space<vmem>>
      %dma_start3A_326 = tpu.memref_squeeze %dma_start3A_325 : memref<1x32x128xf32, #tpu.memory_space<vmem>> -> memref<32x128xf32, #tpu.memory_space<vmem>>
      tpu.enqueue_dma source(%dma_start3A_326 : memref<32x128xf32, #tpu.memory_space<vmem>>) target(%dma_start3A_322 : memref<32x128xf32, #tpu.memory_space<hbm>>) target_semaphore(%arg8 : memref<!tpu.dma_semaphore, #tpu.memory_space<semaphore_mem>>)
      %dma_wait3A_327 = arith.constant 0 : i32
      %dma_wait3A_328 = arith.constant 0 : i32
      %dma_wait3A_329 = arith.constant 0 : i32
      %dma_wait3A_330 = tpu.memref_slice %arg6[%dma_wait3A_327, %dma_wait3A_328, %dma_wait3A_329] : memref<2x128x128xf32, #tpu.memory_space<vmem>> -> memref<1x32x128xf32, #tpu.memory_space<vmem>>
      %dma_wait3A_331 = tpu.memref_squeeze %dma_wait3A_330 : memref<1x32x128xf32, #tpu.memory_space<vmem>> -> memref<32x128xf32, #tpu.memory_space<vmem>>
      %dma_wait3A_332 = arith.constant 0 : i32
      %dma_wait3A_333 = tpu.memref_slice %arg4[%multiple_of3A_313, %dma_wait3A_332] : memref<250000x128xf32, #tpu.memory_space<hbm>> -> memref<32x128xf32, #tpu.memory_space<hbm>>
      %dma_wait3A_334 = arith.constant 0 : i32
      %dma_wait3A_335 = tpu.memref_slice %arg4[%multiple_of3A_313, %dma_wait3A_334] : memref<250000x128xf32, #tpu.memory_space<hbm>> -> memref<32x128xf32, #tpu.memory_space<hbm>>
      %dma_wait3A_336 = arith.constant 0 : i32
      %dma_wait3A_337 = arith.constant 0 : i32
      %dma_wait3A_338 = tpu.memref_slice %arg6[%dma_wait3A_327, %dma_wait3A_336, %dma_wait3A_337] : memref<2x128x128xf32, #tpu.memory_space<vmem>> -> memref<1x32x128xf32, #tpu.memory_space<vmem>>
      %dma_wait3A_339 = tpu.memref_squeeze %dma_wait3A_338 : memref<1x32x128xf32, #tpu.memory_space<vmem>> -> memref<32x128xf32, #tpu.memory_space<vmem>>
      tpu.wait_dma2 semaphore(%arg8 : memref<!tpu.dma_semaphore, #tpu.memory_space<semaphore_mem>>) src(%dma_wait3A_339 : memref<32x128xf32, #tpu.memory_space<vmem>>) dst(%dma_wait3A_335 : memref<32x128xf32, #tpu.memory_space<hbm>>)
    } else {
    }
    %eq3A = arith.constant 4 : i32
    %eq3A_248 = arith.cmpi eq, %add3A, %eq3A : i32
    %convert_element_type3A_249 = arith.extui %eq3A_248 : i1 to i32
    %cond3A_250 = arith.constant 0 : i32
    %cond3A_251 = arith.cmpi ne, %convert_element_type3A_249, %cond3A_250 : i32
    scf.if %cond3A_251 {
      %run_scoped3A = arith.constant 0 : i32
      %run_scoped3A_252 = arith.constant 0 : i32
      "tpu.region"() ({
        %run_scoped3A_255 = tpu.sem_alloc : memref<!tpu.dma_semaphore, #tpu.memory_space<semaphore_mem>>
        %dma_start3A_256 = arith.constant 0 : i32
        %dma_start3A_257 = arith.constant 0 : i32
        %dma_start3A_258 = tpu.memref_slice %arg5[%run_scoped3A, %run_scoped3A_252, %dma_start3A_256, %dma_start3A_257] : memref<4x4x32x128xf32, #tpu.memory_space<vmem>> -> memref<1x1x16x128xf32, #tpu.memory_space<vmem>>
        %dma_start3A_259 = tpu.memref_squeeze %dma_start3A_258 : memref<1x1x16x128xf32, #tpu.memory_space<vmem>> -> memref<16x128xf32, #tpu.memory_space<vmem>>
        %dma_start3A_260 = arith.constant 0 : i32
        %dma_start3A_261 = arith.constant 0 : i32
        %dma_start3A_262 = tpu.memref_slice %arg5[%run_scoped3A, %run_scoped3A_252, %dma_start3A_260, %dma_start3A_261] : memref<4x4x32x128xf32, #tpu.memory_space<vmem>> -> memref<1x1x16x128xf32, #tpu.memory_space<vmem>>
        %dma_start3A_263 = tpu.memref_squeeze %dma_start3A_262 : memref<1x1x16x128xf32, #tpu.memory_space<vmem>> -> memref<16x128xf32, #tpu.memory_space<vmem>>
        tpu.enqueue_dma source(%arg3 : memref<16x128xf32, #tpu.memory_space<hbm>>) target(%dma_start3A_263 : memref<16x128xf32, #tpu.memory_space<vmem>>) target_semaphore(%run_scoped3A_255 : memref<!tpu.dma_semaphore, #tpu.memory_space<semaphore_mem>>)
        %dma_wait3A_264 = arith.constant 0 : i32
        %dma_wait3A_265 = arith.constant 0 : i32
        %dma_wait3A_266 = tpu.memref_slice %arg5[%run_scoped3A, %run_scoped3A_252, %dma_wait3A_264, %dma_wait3A_265] : memref<4x4x32x128xf32, #tpu.memory_space<vmem>> -> memref<1x1x16x128xf32, #tpu.memory_space<vmem>>
        %dma_wait3A_267 = tpu.memref_squeeze %dma_wait3A_266 : memref<1x1x16x128xf32, #tpu.memory_space<vmem>> -> memref<16x128xf32, #tpu.memory_space<vmem>>
        %dma_wait3A_268 = arith.constant 0 : i32
        %dma_wait3A_269 = arith.constant 0 : i32
        %dma_wait3A_270 = tpu.memref_slice %arg5[%run_scoped3A, %run_scoped3A_252, %dma_wait3A_268, %dma_wait3A_269] : memref<4x4x32x128xf32, #tpu.memory_space<vmem>> -> memref<1x1x16x128xf32, #tpu.memory_space<vmem>>
        %dma_wait3A_271 = tpu.memref_squeeze %dma_wait3A_270 : memref<1x1x16x128xf32, #tpu.memory_space<vmem>> -> memref<16x128xf32, #tpu.memory_space<vmem>>
        tpu.wait_dma2 semaphore(%run_scoped3A_255 : memref<!tpu.dma_semaphore, #tpu.memory_space<semaphore_mem>>) src(%arg3 : memref<16x128xf32, #tpu.memory_space<hbm>>) dst(%dma_wait3A_271 : memref<16x128xf32, #tpu.memory_space<vmem>>)
        tpu.yield
      }) : () -> ()
      %run_scoped3A_253 = arith.constant 0 : i32
      %run_scoped3A_254 = arith.constant 0 : i32
      "tpu.region"() ({
        %run_scoped3A_255 = tpu.sem_alloc : memref<!tpu.dma_semaphore, #tpu.memory_space<semaphore_mem>>
        %dma_start3A_256 = arith.constant 0 : i32
        %dma_start3A_257 = arith.constant 0 : i32
        %dma_start3A_258 = tpu.memref_slice %arg5[%run_scoped3A_253, %run_scoped3A_254, %dma_start3A_256, %dma_start3A_257] : memref<4x4x32x128xf32, #tpu.memory_space<vmem>> -> memref<1x1x16x128xf32, #tpu.memory_space<vmem>>
        %dma_start3A_259 = tpu.memref_squeeze %dma_start3A_258 : memref<1x1x16x128xf32, #tpu.memory_space<vmem>> -> memref<16x128xf32, #tpu.memory_space<vmem>>
        %dma_start3A_260 = arith.constant 249984 : i32
        %dma_start3A_261 = arith.constant 0 : i32
        %dma_start3A_262 = tpu.memref_slice %arg4[%dma_start3A_260, %dma_start3A_261] : memref<250000x128xf32, #tpu.memory_space<hbm>> -> memref<16x128xf32, #tpu.memory_space<hbm>>
        %dma_start3A_263 = arith.constant 249984 : i32
        %dma_start3A_264 = arith.constant 0 : i32
        %dma_start3A_265 = tpu.memref_slice %arg4[%dma_start3A_263, %dma_start3A_264] : memref<250000x128xf32, #tpu.memory_space<hbm>> -> memref<16x128xf32, #tpu.memory_space<hbm>>
        %dma_start3A_266 = arith.constant 0 : i32
        %dma_start3A_267 = arith.constant 0 : i32
        %dma_start3A_268 = tpu.memref_slice %arg5[%run_scoped3A_253, %run_scoped3A_254, %dma_start3A_266, %dma_start3A_267] : memref<4x4x32x128xf32, #tpu.memory_space<vmem>> -> memref<1x1x16x128xf32, #tpu.memory_space<vmem>>
        %dma_start3A_269 = tpu.memref_squeeze %dma_start3A_268 : memref<1x1x16x128xf32, #tpu.memory_space<vmem>> -> memref<16x128xf32, #tpu.memory_space<vmem>>
        tpu.enqueue_dma source(%dma_start3A_269 : memref<16x128xf32, #tpu.memory_space<vmem>>) target(%dma_start3A_265 : memref<16x128xf32, #tpu.memory_space<hbm>>) target_semaphore(%run_scoped3A_255 : memref<!tpu.dma_semaphore, #tpu.memory_space<semaphore_mem>>)
        %dma_wait3A_270 = arith.constant 0 : i32
        %dma_wait3A_271 = arith.constant 0 : i32
        %dma_wait3A_272 = tpu.memref_slice %arg5[%run_scoped3A_253, %run_scoped3A_254, %dma_wait3A_270, %dma_wait3A_271] : memref<4x4x32x128xf32, #tpu.memory_space<vmem>> -> memref<1x1x16x128xf32, #tpu.memory_space<vmem>>
        %dma_wait3A_273 = tpu.memref_squeeze %dma_wait3A_272 : memref<1x1x16x128xf32, #tpu.memory_space<vmem>> -> memref<16x128xf32, #tpu.memory_space<vmem>>
        %dma_wait3A_274 = arith.constant 249984 : i32
        %dma_wait3A_275 = arith.constant 0 : i32
        %dma_wait3A_276 = tpu.memref_slice %arg4[%dma_wait3A_274, %dma_wait3A_275] : memref<250000x128xf32, #tpu.memory_space<hbm>> -> memref<16x128xf32, #tpu.memory_space<hbm>>
        %dma_wait3A_277 = arith.constant 249984 : i32
        %dma_wait3A_278 = arith.constant 0 : i32
        %dma_wait3A_279 = tpu.memref_slice %arg4[%dma_wait3A_277, %dma_wait3A_278] : memref<250000x128xf32, #tpu.memory_space<hbm>> -> memref<16x128xf32, #tpu.memory_space<hbm>>
        %dma_wait3A_280 = arith.constant 0 : i32
        %dma_wait3A_281 = arith.constant 0 : i32
        %dma_wait3A_282 = tpu.memref_slice %arg5[%run_scoped3A_253, %run_scoped3A_254, %dma_wait3A_280, %dma_wait3A_281] : memref<4x4x32x128xf32, #tpu.memory_space<vmem>> -> memref<1x1x16x128xf32, #tpu.memory_space<vmem>>
        %dma_wait3A_283 = tpu.memref_squeeze %dma_wait3A_282 : memref<1x1x16x128xf32, #tpu.memory_space<vmem>> -> memref<16x128xf32, #tpu.memory_space<vmem>>
        tpu.wait_dma2 semaphore(%run_scoped3A_255 : memref<!tpu.dma_semaphore, #tpu.memory_space<semaphore_mem>>) src(%dma_wait3A_283 : memref<16x128xf32, #tpu.memory_space<vmem>>) dst(%dma_wait3A_279 : memref<16x128xf32, #tpu.memory_space<hbm>>)
        tpu.yield
      }) : () -> ()
    } else {
    }
    return
  }
}

#map = affine_map<(d0, d1) -> (0)>
#map1 = affine_map<(d0, d1) -> (0, 0)>
#map2 = affine_map<(d0, d1) -> (0, 0, 0)>
module attributes {stable_mosaic.version = 14 : i64} {
  func.func @_gather_format(%arg0: i32, %arg1: i32, %arg2: memref<425984xi32, #tpu.memory_space<hbm>>, %arg3: memref<425984xi32, #tpu.memory_space<hbm>>, %arg4: memref<250000x128xf32, #tpu.memory_space<hbm>>, %arg5: memref<26x32x16384xf32, #tpu.memory_space<hbm>>, %arg6: memref<13312xi32, #tpu.memory_space<vmem>>, %arg7: memref<13312xi32, #tpu.memory_space<vmem>>, %arg8: memref<2x128x128xf32, #tpu.memory_space<vmem>>, %arg9: memref<2x32x128xf32, #tpu.memory_space<vmem>>, %arg10: memref<!tpu.dma_semaphore, #tpu.memory_space<semaphore_mem>>, %arg11: memref<!tpu.dma_semaphore, #tpu.memory_space<semaphore_mem>>) attributes {dimension_semantics = [#tpu.dimension_semantics<core_parallel>, #tpu.dimension_semantics<subcore_parallel>], iteration_bounds = array<i64: 2, 16>, scalar_prefetch = 0 : i64, scratch_operands = 6 : i64, tpu.core_type = #tpu.core_type<sc_vector_subcore>, window_params = [{transform_indices = #map}, {transform_indices = #map}, {transform_indices = #map1}, {transform_indices = #map2}]} {
    %mul3A = arith.constant 2 : i32
    %mul3A_0 = arith.muli %arg1, %mul3A : i32
    %add3A = arith.addi %mul3A_0, %arg0 : i32
    %mul3A_1 = arith.constant 13312 : i32
    %mul3A_2 = arith.muli %add3A, %mul3A_1 : i32
    "tpu.region"() ({
      %run_scoped3A = tpu.sem_alloc : memref<!tpu.dma_semaphore, #tpu.memory_space<semaphore_mem>>
      %dma_start3A_69 = tpu.memref_slice %arg2[%mul3A_2] : memref<425984xi32, #tpu.memory_space<hbm>> -> memref<13312xi32, #tpu.memory_space<hbm>>
      %dma_start3A_70 = tpu.memref_slice %arg2[%mul3A_2] : memref<425984xi32, #tpu.memory_space<hbm>> -> memref<13312xi32, #tpu.memory_space<hbm>>
      tpu.enqueue_dma source(%dma_start3A_70 : memref<13312xi32, #tpu.memory_space<hbm>>) target(%arg6 : memref<13312xi32, #tpu.memory_space<vmem>>) target_semaphore(%run_scoped3A : memref<!tpu.dma_semaphore, #tpu.memory_space<semaphore_mem>>)
      %dma_wait3A_71 = tpu.memref_slice %arg2[%mul3A_2] : memref<425984xi32, #tpu.memory_space<hbm>> -> memref<13312xi32, #tpu.memory_space<hbm>>
      %dma_wait3A_72 = tpu.memref_slice %arg2[%mul3A_2] : memref<425984xi32, #tpu.memory_space<hbm>> -> memref<13312xi32, #tpu.memory_space<hbm>>
      tpu.wait_dma2 semaphore(%run_scoped3A : memref<!tpu.dma_semaphore, #tpu.memory_space<semaphore_mem>>) src(%dma_wait3A_72 : memref<13312xi32, #tpu.memory_space<hbm>>) dst(%arg6 : memref<13312xi32, #tpu.memory_space<vmem>>)
      tpu.yield
    }) : () -> ()
    "tpu.region"() ({
      %run_scoped3A = tpu.sem_alloc : memref<!tpu.dma_semaphore, #tpu.memory_space<semaphore_mem>>
      %dma_start3A_69 = tpu.memref_slice %arg3[%mul3A_2] : memref<425984xi32, #tpu.memory_space<hbm>> -> memref<13312xi32, #tpu.memory_space<hbm>>
      %dma_start3A_70 = tpu.memref_slice %arg3[%mul3A_2] : memref<425984xi32, #tpu.memory_space<hbm>> -> memref<13312xi32, #tpu.memory_space<hbm>>
      tpu.enqueue_dma source(%dma_start3A_70 : memref<13312xi32, #tpu.memory_space<hbm>>) target(%arg7 : memref<13312xi32, #tpu.memory_space<vmem>>) target_semaphore(%run_scoped3A : memref<!tpu.dma_semaphore, #tpu.memory_space<semaphore_mem>>)
      %dma_wait3A_71 = tpu.memref_slice %arg3[%mul3A_2] : memref<425984xi32, #tpu.memory_space<hbm>> -> memref<13312xi32, #tpu.memory_space<hbm>>
      %dma_wait3A_72 = tpu.memref_slice %arg3[%mul3A_2] : memref<425984xi32, #tpu.memory_space<hbm>> -> memref<13312xi32, #tpu.memory_space<hbm>>
      tpu.wait_dma2 semaphore(%run_scoped3A : memref<!tpu.dma_semaphore, #tpu.memory_space<semaphore_mem>>) src(%dma_wait3A_72 : memref<13312xi32, #tpu.memory_space<hbm>>) dst(%arg7 : memref<13312xi32, #tpu.memory_space<vmem>>)
      tpu.yield
    }) : () -> ()
    %iota3A = tpu.iota {dimensions = array<i32: 0>} : vector<16xi32>
    %jit3A = arith.constant 128 : i32
    %div3A = arith.divsi %mul3A_2, %jit3A : i32
    %sign3A = arith.constant 0 : i32
    %sign3A_3 = arith.cmpi sgt, %mul3A_2, %sign3A : i32
    %sign3A_4 = arith.extui %sign3A_3 : i1 to i32
    %sign3A_5 = arith.constant 0 : i32
    %sign3A_6 = arith.cmpi slt, %mul3A_2, %sign3A_5 : i32
    %sign3A_7 = arith.extui %sign3A_6 : i1 to i32
    %sign3A_8 = arith.subi %sign3A_4, %sign3A_7 : i32
    %sign3A_9 = arith.constant 0 : i32
    %sign3A_10 = arith.cmpi sgt, %jit3A, %sign3A_9 : i32
    %sign3A_11 = arith.extui %sign3A_10 : i1 to i32
    %sign3A_12 = arith.constant 0 : i32
    %sign3A_13 = arith.cmpi slt, %jit3A, %sign3A_12 : i32
    %sign3A_14 = arith.extui %sign3A_13 : i1 to i32
    %sign3A_15 = arith.subi %sign3A_11, %sign3A_14 : i32
    %ne3A = arith.cmpi ne, %sign3A_8, %sign3A_15 : i32
    %rem3A = arith.remsi %mul3A_2, %jit3A : i32
    %ne3A_16 = arith.constant 0 : i32
    %ne3A_17 = arith.cmpi ne, %rem3A, %ne3A_16 : i32
    %and3A = arith.andi %ne3A, %ne3A_17 : i1
    %sub3A = arith.constant 1 : i32
    %sub3A_18 = arith.subi %div3A, %sub3A : i32
    %select_n3A = arith.select %and3A, %sub3A_18, %div3A : i32
    %dma_start3A = arith.constant 0 : i32
    %dma_start3A_19 = arith.constant 0 : i32
    %dma_start3A_20 = arith.constant 0 : i32
    %dma_start3A_21 = tpu.memref_slice %arg8[%dma_start3A, %dma_start3A_19, %dma_start3A_20] : memref<2x128x128xf32, #tpu.memory_space<vmem>> -> memref<1x128x128xf32, #tpu.memory_space<vmem>>
    %dma_start3A_22 = tpu.memref_squeeze %dma_start3A_21 : memref<1x128x128xf32, #tpu.memory_space<vmem>> -> memref<128x128xf32, #tpu.memory_space<vmem>>
    %dma_start3A_23 = arith.constant 0 : i32
    %dma_start3A_24 = tpu.memref_slice %arg6[%dma_start3A_23] : memref<13312xi32, #tpu.memory_space<vmem>> -> memref<128xi32, #tpu.memory_space<vmem>>
    %dma_start3A_25 = arith.constant 0 : i32
    %dma_start3A_26 = arith.constant 0 : i32
    %dma_start3A_27 = tpu.memref_slice %arg4[%dma_start3A_25, %dma_start3A_26] : memref<250000x128xf32, #tpu.memory_space<hbm>> -> memref<250000x128xf32, #tpu.memory_space<hbm>>
    tpu.enqueue_indirect_dma source(%dma_start3A_27 : memref<250000x128xf32, #tpu.memory_space<hbm>>) target(%dma_start3A_22 : memref<128x128xf32, #tpu.memory_space<vmem>>) offsets(%dma_start3A_24 : memref<128xi32, #tpu.memory_space<vmem>>) semaphore(%arg10 : memref<!tpu.dma_semaphore, #tpu.memory_space<semaphore_mem>>)
    %scan3A = arith.constant 0 : i32
    %scan3A_28 = arith.constant 0 : i32
    %scan3A_29 = arith.constant 104 : i32
    %scan3A_30 = arith.addi %scan3A_28, %scan3A_29 : i32
    %scan3A_31 = arith.constant 1 : i32
    %scan3A_32 = scf.for %scan3A_69 = %scan3A_28 to %scan3A_30 step %scan3A_31 iter_args(%scan3A_70 = %scan3A) -> (i32)  : i32 {
      %rem3A_71 = arith.constant 2 : i32
      %rem3A_72 = arith.remsi %scan3A_69, %rem3A_71 : i32
      %add3A_73 = arith.addi %select_n3A, %scan3A_69 : i32
      %jit3A_74 = arith.constant 128 : i32
      %div3A_75 = arith.divsi %add3A_73, %jit3A_74 : i32
      %sign3A_76 = arith.constant 0 : i32
      %sign3A_77 = arith.cmpi sgt, %add3A_73, %sign3A_76 : i32
      %sign3A_78 = arith.extui %sign3A_77 : i1 to i32
      %sign3A_79 = arith.constant 0 : i32
      %sign3A_80 = arith.cmpi slt, %add3A_73, %sign3A_79 : i32
      %sign3A_81 = arith.extui %sign3A_80 : i1 to i32
      %sign3A_82 = arith.subi %sign3A_78, %sign3A_81 : i32
      %sign3A_83 = arith.constant 0 : i32
      %sign3A_84 = arith.cmpi sgt, %jit3A_74, %sign3A_83 : i32
      %sign3A_85 = arith.extui %sign3A_84 : i1 to i32
      %sign3A_86 = arith.constant 0 : i32
      %sign3A_87 = arith.cmpi slt, %jit3A_74, %sign3A_86 : i32
      %sign3A_88 = arith.extui %sign3A_87 : i1 to i32
      %sign3A_89 = arith.subi %sign3A_85, %sign3A_88 : i32
      %ne3A_90 = arith.cmpi ne, %sign3A_82, %sign3A_89 : i32
      %rem3A_91 = arith.remsi %add3A_73, %jit3A_74 : i32
      %ne3A_92 = arith.constant 0 : i32
      %ne3A_93 = arith.cmpi ne, %rem3A_91, %ne3A_92 : i32
      %and3A_94 = arith.andi %ne3A_90, %ne3A_93 : i1
      %sub3A_95 = arith.constant 1 : i32
      %sub3A_96 = arith.subi %div3A_75, %sub3A_95 : i32
      %select_n3A_97 = arith.select %and3A_94, %sub3A_96, %div3A_75 : i32
      %rem3A_98 = arith.constant 128 : i32
      %rem3A_99 = arith.remsi %add3A_73, %rem3A_98 : i32
      %add3A_100 = arith.constant 1 : i32
      %add3A_101 = arith.addi %scan3A_69, %add3A_100 : i32
      %lt3A = arith.constant 104 : i32
      %lt3A_102 = arith.cmpi slt, %add3A_101, %lt3A : i32
      %convert_element_type3A = arith.extui %lt3A_102 : i1 to i32
      %cond3A = arith.constant 0 : i32
      %cond3A_103 = arith.cmpi ne, %convert_element_type3A, %cond3A : i32
      scf.if %cond3A_103 {
        %add3A_212 = arith.constant 1 : i32
        %add3A_213 = arith.addi %scan3A_69, %add3A_212 : i32
        %sub3A_214 = arith.constant 1 : i32
        %sub3A_215 = arith.subi %sub3A_214, %rem3A_72 : i32
        %mul3A_216 = arith.constant 128 : i32
        %mul3A_217 = arith.muli %add3A_213, %mul3A_216 : i32
        %dma_start3A_218 = arith.constant 0 : i32
        %dma_start3A_219 = arith.constant 0 : i32
        %dma_start3A_220 = tpu.memref_slice %arg8[%sub3A_215, %dma_start3A_218, %dma_start3A_219] : memref<2x128x128xf32, #tpu.memory_space<vmem>> -> memref<1x128x128xf32, #tpu.memory_space<vmem>>
        %dma_start3A_221 = tpu.memref_squeeze %dma_start3A_220 : memref<1x128x128xf32, #tpu.memory_space<vmem>> -> memref<128x128xf32, #tpu.memory_space<vmem>>
        %dma_start3A_222 = tpu.memref_slice %arg6[%mul3A_217] : memref<13312xi32, #tpu.memory_space<vmem>> -> memref<128xi32, #tpu.memory_space<vmem>>
        %dma_start3A_223 = arith.constant 0 : i32
        %dma_start3A_224 = arith.constant 0 : i32
        %dma_start3A_225 = tpu.memref_slice %arg4[%dma_start3A_223, %dma_start3A_224] : memref<250000x128xf32, #tpu.memory_space<hbm>> -> memref<250000x128xf32, #tpu.memory_space<hbm>>
        tpu.enqueue_indirect_dma source(%dma_start3A_225 : memref<250000x128xf32, #tpu.memory_space<hbm>>) target(%dma_start3A_221 : memref<128x128xf32, #tpu.memory_space<vmem>>) offsets(%dma_start3A_222 : memref<128xi32, #tpu.memory_space<vmem>>) semaphore(%arg10 : memref<!tpu.dma_semaphore, #tpu.memory_space<semaphore_mem>>)
      } else {
      }
      %dma_wait3A_104 = arith.constant 0 : i32
      %dma_wait3A_105 = arith.constant 0 : i32
      %dma_wait3A_106 = tpu.memref_slice %arg8[%rem3A_72, %dma_wait3A_104, %dma_wait3A_105] : memref<2x128x128xf32, #tpu.memory_space<vmem>> -> memref<1x128x128xf32, #tpu.memory_space<vmem>>
      %dma_wait3A_107 = tpu.memref_squeeze %dma_wait3A_106 : memref<1x128x128xf32, #tpu.memory_space<vmem>> -> memref<128x128xf32, #tpu.memory_space<vmem>>
      %dma_wait3A_108 = arith.constant 0 : i32
      %dma_wait3A_109 = tpu.memref_slice %arg6[%dma_wait3A_108] : memref<13312xi32, #tpu.memory_space<vmem>> -> memref<128xi32, #tpu.memory_space<vmem>>
      %dma_wait3A_110 = arith.constant 0 : i32
      %dma_wait3A_111 = arith.constant 0 : i32
      %dma_wait3A_112 = tpu.memref_slice %arg4[%dma_wait3A_110, %dma_wait3A_111] : memref<250000x128xf32, #tpu.memory_space<hbm>> -> memref<250000x128xf32, #tpu.memory_space<hbm>>
      tpu.wait_indirect_dma semaphore(%arg10 : memref<!tpu.dma_semaphore, #tpu.memory_space<semaphore_mem>>) src(%dma_wait3A_112 : memref<250000x128xf32, #tpu.memory_space<hbm>>) dst(%dma_wait3A_107 : memref<128x128xf32, #tpu.memory_space<vmem>>)
      %ge3A = arith.constant 2 : i32
      %ge3A_113 = arith.cmpi sge, %scan3A_69, %ge3A : i32
      %convert_element_type3A_114 = arith.extui %ge3A_113 : i1 to i32
      %cond3A_115 = arith.constant 0 : i32
      %cond3A_116 = arith.cmpi ne, %convert_element_type3A_114, %cond3A_115 : i32
      scf.if %cond3A_116 {
        %dma_wait3A_212 = arith.constant 0 : i32
        %dma_wait3A_213 = arith.constant 0 : i32
        %dma_wait3A_214 = arith.constant 0 : i32
        %dma_wait3A_215 = tpu.memref_slice %arg9[%rem3A_72, %dma_wait3A_213, %dma_wait3A_214] : memref<2x32x128xf32, #tpu.memory_space<vmem>> -> memref<1x32x128xf32, #tpu.memory_space<vmem>>
        %dma_wait3A_216 = tpu.memref_squeeze %dma_wait3A_215 : memref<1x32x128xf32, #tpu.memory_space<vmem>> -> memref<32x128xf32, #tpu.memory_space<vmem>>
        %dma_wait3A_217 = arith.constant 0 : i32
        %dma_wait3A_218 = arith.constant 0 : i32
        %dma_wait3A_219 = tpu.memref_slice %arg5[%dma_wait3A_212, %dma_wait3A_217, %dma_wait3A_218] : memref<26x32x16384xf32, #tpu.memory_space<hbm>> -> memref<1x32x128xf32, #tpu.memory_space<hbm>>
        %dma_wait3A_220 = tpu.memref_squeeze %dma_wait3A_219 : memref<1x32x128xf32, #tpu.memory_space<hbm>> -> memref<32x128xf32, #tpu.memory_space<hbm>>
        %dma_wait3A_221 = arith.constant 0 : i32
        %dma_wait3A_222 = arith.constant 0 : i32
        %dma_wait3A_223 = tpu.memref_slice %arg5[%dma_wait3A_212, %dma_wait3A_221, %dma_wait3A_222] : memref<26x32x16384xf32, #tpu.memory_space<hbm>> -> memref<1x32x128xf32, #tpu.memory_space<hbm>>
        %dma_wait3A_224 = tpu.memref_squeeze %dma_wait3A_223 : memref<1x32x128xf32, #tpu.memory_space<hbm>> -> memref<32x128xf32, #tpu.memory_space<hbm>>
        %dma_wait3A_225 = arith.constant 0 : i32
        %dma_wait3A_226 = arith.constant 0 : i32
        %dma_wait3A_227 = tpu.memref_slice %arg9[%rem3A_72, %dma_wait3A_225, %dma_wait3A_226] : memref<2x32x128xf32, #tpu.memory_space<vmem>> -> memref<1x32x128xf32, #tpu.memory_space<vmem>>
        %dma_wait3A_228 = tpu.memref_squeeze %dma_wait3A_227 : memref<1x32x128xf32, #tpu.memory_space<vmem>> -> memref<32x128xf32, #tpu.memory_space<vmem>>
        tpu.wait_dma2 semaphore(%arg11 : memref<!tpu.dma_semaphore, #tpu.memory_space<semaphore_mem>>) src(%dma_wait3A_228 : memref<32x128xf32, #tpu.memory_space<vmem>>) dst(%dma_wait3A_224 : memref<32x128xf32, #tpu.memory_space<hbm>>)
      } else {
      }
      %mul3A_117 = arith.constant 128 : i32
      %mul3A_118 = arith.muli %scan3A_69, %mul3A_117 : i32
      %add3A_119 = arith.constant 0 : i32
      %add3A_120 = arith.addi %mul3A_118, %add3A_119 : i32
      %get3A = arith.index_cast %add3A_120 : i32 to index
      %get3A_121 = tpu.vector_load %arg7[%get3A] {strides = array<i32>} : memref<13312xi32, #tpu.memory_space<vmem>>, vector<16xi32>,
      %mul3A_122 = arith.constant 128 : i32
      %mul3A_123 = arith.muli %scan3A_69, %mul3A_122 : i32
      %add3A_124 = arith.constant 16 : i32
      %add3A_125 = arith.addi %mul3A_123, %add3A_124 : i32
      %get3A_126 = arith.index_cast %add3A_125 : i32 to index
      %get3A_127 = tpu.vector_load %arg7[%get3A_126] {strides = array<i32>} : memref<13312xi32, #tpu.memory_space<vmem>>, vector<16xi32>,
      %mul3A_128 = arith.constant 128 : i32
      %mul3A_129 = arith.muli %scan3A_69, %mul3A_128 : i32
      %add3A_130 = arith.constant 32 : i32
      %add3A_131 = arith.addi %mul3A_129, %add3A_130 : i32
      %get3A_132 = arith.index_cast %add3A_131 : i32 to index
      %get3A_133 = tpu.vector_load %arg7[%get3A_132] {strides = array<i32>} : memref<13312xi32, #tpu.memory_space<vmem>>, vector<16xi32>,
      %mul3A_134 = arith.constant 128 : i32
      %mul3A_135 = arith.muli %scan3A_69, %mul3A_134 : i32
      %add3A_136 = arith.constant 48 : i32
      %add3A_137 = arith.addi %mul3A_135, %add3A_136 : i32
      %get3A_138 = arith.index_cast %add3A_137 : i32 to index
      %get3A_139 = tpu.vector_load %arg7[%get3A_138] {strides = array<i32>} : memref<13312xi32, #tpu.memory_space<vmem>>, vector<16xi32>,
      %mul3A_140 = arith.constant 128 : i32
      %mul3A_141 = arith.muli %scan3A_69, %mul3A_140 : i32
      %add3A_142 = arith.constant 64 : i32
      %add3A_143 = arith.addi %mul3A_141, %add3A_142 : i32
      %get3A_144 = arith.index_cast %add3A_143 : i32 to index
      %get3A_145 = tpu.vector_load %arg7[%get3A_144] {strides = array<i32>} : memref<13312xi32, #tpu.memory_space<vmem>>, vector<16xi32>,
      %mul3A_146 = arith.constant 128 : i32
      %mul3A_147 = arith.muli %scan3A_69, %mul3A_146 : i32
      %add3A_148 = arith.constant 80 : i32
      %add3A_149 = arith.addi %mul3A_147, %add3A_148 : i32
      %get3A_150 = arith.index_cast %add3A_149 : i32 to index
      %get3A_151 = tpu.vector_load %arg7[%get3A_150] {strides = array<i32>} : memref<13312xi32, #tpu.memory_space<vmem>>, vector<16xi32>,
      %mul3A_152 = arith.constant 128 : i32
      %mul3A_153 = arith.muli %scan3A_69, %mul3A_152 : i32
      %add3A_154 = arith.constant 96 : i32
      %add3A_155 = arith.addi %mul3A_153, %add3A_154 : i32
      %get3A_156 = arith.index_cast %add3A_155 : i32 to index
      %get3A_157 = tpu.vector_load %arg7[%get3A_156] {strides = array<i32>} : memref<13312xi32, #tpu.memory_space<vmem>>, vector<16xi32>,
      %mul3A_158 = arith.constant 128 : i32
      %mul3A_159 = arith.muli %scan3A_69, %mul3A_158 : i32
      %add3A_160 = arith.constant 112 : i32
      %add3A_161 = arith.addi %mul3A_159, %add3A_160 : i32
      %get3A_162 = arith.index_cast %add3A_161 : i32 to index
      %get3A_163 = tpu.vector_load %arg7[%get3A_162] {strides = array<i32>} : memref<13312xi32, #tpu.memory_space<vmem>>, vector<16xi32>,
      %add3A_164 = arith.constant 0 : i32
      %add3A_165 = vector.broadcast %add3A_164 : i32 to vector<16xi32>
      %add3A_166 = arith.addi %add3A_165, %iota3A : vector<16xi32>
      %add3A_167 = arith.constant 16 : i32
      %add3A_168 = vector.broadcast %add3A_167 : i32 to vector<16xi32>
      %add3A_169 = arith.addi %add3A_168, %iota3A : vector<16xi32>
      %add3A_170 = arith.constant 32 : i32
      %add3A_171 = vector.broadcast %add3A_170 : i32 to vector<16xi32>
      %add3A_172 = arith.addi %add3A_171, %iota3A : vector<16xi32>
      %add3A_173 = arith.constant 48 : i32
      %add3A_174 = vector.broadcast %add3A_173 : i32 to vector<16xi32>
      %add3A_175 = arith.addi %add3A_174, %iota3A : vector<16xi32>
      %add3A_176 = arith.constant 64 : i32
      %add3A_177 = vector.broadcast %add3A_176 : i32 to vector<16xi32>
      %add3A_178 = arith.addi %add3A_177, %iota3A : vector<16xi32>
      %add3A_179 = arith.constant 80 : i32
      %add3A_180 = vector.broadcast %add3A_179 : i32 to vector<16xi32>
      %add3A_181 = arith.addi %add3A_180, %iota3A : vector<16xi32>
      %add3A_182 = arith.constant 96 : i32
      %add3A_183 = vector.broadcast %add3A_182 : i32 to vector<16xi32>
      %add3A_184 = arith.addi %add3A_183, %iota3A : vector<16xi32>
      %add3A_185 = arith.constant 112 : i32
      %add3A_186 = vector.broadcast %add3A_185 : i32 to vector<16xi32>
      %add3A_187 = arith.addi %add3A_186, %iota3A : vector<16xi32>
      %scan3A_188 = arith.constant 0 : i32
      %scan3A_189 = arith.constant 0 : i32
      %scan3A_190 = arith.constant 16 : i32
      %scan3A_191 = arith.addi %scan3A_189, %scan3A_190 : i32
      %scan3A_192 = arith.constant 1 : i32
      %scan3A_193 = scf.for %scan3A_212 = %scan3A_189 to %scan3A_191 step %scan3A_192 iter_args(%scan3A_213 = %scan3A_188) -> (i32)  : i32 {
        %add3A_214 = vector.broadcast %scan3A_212 : i32 to vector<16xi32>
        %add3A_215 = arith.addi %iota3A, %add3A_214 : vector<16xi32>
        %and3A_216 = arith.constant 15 : i32
        %and3A_217 = vector.broadcast %and3A_216 : i32 to vector<16xi32>
        %and3A_218 = arith.andi %add3A_215, %and3A_217 : vector<16xi32>
        %add3A_219 = arith.constant 0 : i32
        %add3A_220 = vector.broadcast %add3A_219 : i32 to vector<16xi32>
        %add3A_221 = arith.addi %and3A_218, %add3A_220 : vector<16xi32>
        %add3A_222 = arith.addi %get3A_121, %add3A_221 : vector<16xi32>
        %gather3A = arith.constant 0 : i32
        %gather3A_223 = arith.constant 0 : i32
        %gather3A_224 = tpu.memref_slice %arg8[%rem3A_72, %gather3A, %gather3A_223] : memref<2x128x128xf32, #tpu.memory_space<vmem>> -> memref<1x128x128xf32, #tpu.memory_space<vmem>>
        %gather3A_225 = tpu.memref_squeeze %gather3A_224 : memref<1x128x128xf32, #tpu.memory_space<vmem>> -> memref<128x128xf32, #tpu.memory_space<vmem>>
        %gather3A_226 = tpu.vector_load_idx %gather3A_225[%add3A_166, %add3A_222] : memref<128x128xf32, #tpu.memory_space<vmem>>[vector<16xi32>, vector<16xi32>], vector<16xf32>,
        %scatter3A = arith.constant 0 : i32
        %scatter3A_227 = arith.constant 0 : i32
        %scatter3A_228 = tpu.memref_slice %arg9[%rem3A_72, %scatter3A, %scatter3A_227] : memref<2x32x128xf32, #tpu.memory_space<vmem>> -> memref<1x32x128xf32, #tpu.memory_space<vmem>>
        %scatter3A_229 = tpu.memref_squeeze %scatter3A_228 : memref<1x32x128xf32, #tpu.memory_space<vmem>> -> memref<32x128xf32, #tpu.memory_space<vmem>>
        tpu.vector_store_idx %scatter3A_229[%add3A_221, %add3A_166], %gather3A_226 : memref<32x128xf32, #tpu.memory_space<vmem>>[vector<16xi32>, vector<16xi32>], vector<16xf32>,
        %add3A_230 = arith.addi %get3A_127, %add3A_221 : vector<16xi32>
        %gather3A_231 = arith.constant 0 : i32
        %gather3A_232 = arith.constant 0 : i32
        %gather3A_233 = tpu.memref_slice %arg8[%rem3A_72, %gather3A_231, %gather3A_232] : memref<2x128x128xf32, #tpu.memory_space<vmem>> -> memref<1x128x128xf32, #tpu.memory_space<vmem>>
        %gather3A_234 = tpu.memref_squeeze %gather3A_233 : memref<1x128x128xf32, #tpu.memory_space<vmem>> -> memref<128x128xf32, #tpu.memory_space<vmem>>
        %gather3A_235 = tpu.vector_load_idx %gather3A_234[%add3A_169, %add3A_230] : memref<128x128xf32, #tpu.memory_space<vmem>>[vector<16xi32>, vector<16xi32>], vector<16xf32>,
        %scatter3A_236 = arith.constant 0 : i32
        %scatter3A_237 = arith.constant 0 : i32
        %scatter3A_238 = tpu.memref_slice %arg9[%rem3A_72, %scatter3A_236, %scatter3A_237] : memref<2x32x128xf32, #tpu.memory_space<vmem>> -> memref<1x32x128xf32, #tpu.memory_space<vmem>>
        %scatter3A_239 = tpu.memref_squeeze %scatter3A_238 : memref<1x32x128xf32, #tpu.memory_space<vmem>> -> memref<32x128xf32, #tpu.memory_space<vmem>>
        tpu.vector_store_idx %scatter3A_239[%add3A_221, %add3A_169], %gather3A_235 : memref<32x128xf32, #tpu.memory_space<vmem>>[vector<16xi32>, vector<16xi32>], vector<16xf32>,
        %add3A_240 = arith.addi %get3A_133, %add3A_221 : vector<16xi32>
        %gather3A_241 = arith.constant 0 : i32
        %gather3A_242 = arith.constant 0 : i32
        %gather3A_243 = tpu.memref_slice %arg8[%rem3A_72, %gather3A_241, %gather3A_242] : memref<2x128x128xf32, #tpu.memory_space<vmem>> -> memref<1x128x128xf32, #tpu.memory_space<vmem>>
        %gather3A_244 = tpu.memref_squeeze %gather3A_243 : memref<1x128x128xf32, #tpu.memory_space<vmem>> -> memref<128x128xf32, #tpu.memory_space<vmem>>
        %gather3A_245 = tpu.vector_load_idx %gather3A_244[%add3A_172, %add3A_240] : memref<128x128xf32, #tpu.memory_space<vmem>>[vector<16xi32>, vector<16xi32>], vector<16xf32>,
        %scatter3A_246 = arith.constant 0 : i32
        %scatter3A_247 = arith.constant 0 : i32
        %scatter3A_248 = tpu.memref_slice %arg9[%rem3A_72, %scatter3A_246, %scatter3A_247] : memref<2x32x128xf32, #tpu.memory_space<vmem>> -> memref<1x32x128xf32, #tpu.memory_space<vmem>>
        %scatter3A_249 = tpu.memref_squeeze %scatter3A_248 : memref<1x32x128xf32, #tpu.memory_space<vmem>> -> memref<32x128xf32, #tpu.memory_space<vmem>>
        tpu.vector_store_idx %scatter3A_249[%add3A_221, %add3A_172], %gather3A_245 : memref<32x128xf32, #tpu.memory_space<vmem>>[vector<16xi32>, vector<16xi32>], vector<16xf32>,
        %add3A_250 = arith.addi %get3A_139, %add3A_221 : vector<16xi32>
        %gather3A_251 = arith.constant 0 : i32
        %gather3A_252 = arith.constant 0 : i32
        %gather3A_253 = tpu.memref_slice %arg8[%rem3A_72, %gather3A_251, %gather3A_252] : memref<2x128x128xf32, #tpu.memory_space<vmem>> -> memref<1x128x128xf32, #tpu.memory_space<vmem>>
        %gather3A_254 = tpu.memref_squeeze %gather3A_253 : memref<1x128x128xf32, #tpu.memory_space<vmem>> -> memref<128x128xf32, #tpu.memory_space<vmem>>
        %gather3A_255 = tpu.vector_load_idx %gather3A_254[%add3A_175, %add3A_250] : memref<128x128xf32, #tpu.memory_space<vmem>>[vector<16xi32>, vector<16xi32>], vector<16xf32>,
        %scatter3A_256 = arith.constant 0 : i32
        %scatter3A_257 = arith.constant 0 : i32
        %scatter3A_258 = tpu.memref_slice %arg9[%rem3A_72, %scatter3A_256, %scatter3A_257] : memref<2x32x128xf32, #tpu.memory_space<vmem>> -> memref<1x32x128xf32, #tpu.memory_space<vmem>>
        %scatter3A_259 = tpu.memref_squeeze %scatter3A_258 : memref<1x32x128xf32, #tpu.memory_space<vmem>> -> memref<32x128xf32, #tpu.memory_space<vmem>>
        tpu.vector_store_idx %scatter3A_259[%add3A_221, %add3A_175], %gather3A_255 : memref<32x128xf32, #tpu.memory_space<vmem>>[vector<16xi32>, vector<16xi32>], vector<16xf32>,
        %add3A_260 = arith.addi %get3A_145, %add3A_221 : vector<16xi32>
        %gather3A_261 = arith.constant 0 : i32
        %gather3A_262 = arith.constant 0 : i32
        %gather3A_263 = tpu.memref_slice %arg8[%rem3A_72, %gather3A_261, %gather3A_262] : memref<2x128x128xf32, #tpu.memory_space<vmem>> -> memref<1x128x128xf32, #tpu.memory_space<vmem>>
        %gather3A_264 = tpu.memref_squeeze %gather3A_263 : memref<1x128x128xf32, #tpu.memory_space<vmem>> -> memref<128x128xf32, #tpu.memory_space<vmem>>
        %gather3A_265 = tpu.vector_load_idx %gather3A_264[%add3A_178, %add3A_260] : memref<128x128xf32, #tpu.memory_space<vmem>>[vector<16xi32>, vector<16xi32>], vector<16xf32>,
        %scatter3A_266 = arith.constant 0 : i32
        %scatter3A_267 = arith.constant 0 : i32
        %scatter3A_268 = tpu.memref_slice %arg9[%rem3A_72, %scatter3A_266, %scatter3A_267] : memref<2x32x128xf32, #tpu.memory_space<vmem>> -> memref<1x32x128xf32, #tpu.memory_space<vmem>>
        %scatter3A_269 = tpu.memref_squeeze %scatter3A_268 : memref<1x32x128xf32, #tpu.memory_space<vmem>> -> memref<32x128xf32, #tpu.memory_space<vmem>>
        tpu.vector_store_idx %scatter3A_269[%add3A_221, %add3A_178], %gather3A_265 : memref<32x128xf32, #tpu.memory_space<vmem>>[vector<16xi32>, vector<16xi32>], vector<16xf32>,
        %add3A_270 = arith.addi %get3A_151, %add3A_221 : vector<16xi32>
        %gather3A_271 = arith.constant 0 : i32
        %gather3A_272 = arith.constant 0 : i32
        %gather3A_273 = tpu.memref_slice %arg8[%rem3A_72, %gather3A_271, %gather3A_272] : memref<2x128x128xf32, #tpu.memory_space<vmem>> -> memref<1x128x128xf32, #tpu.memory_space<vmem>>
        %gather3A_274 = tpu.memref_squeeze %gather3A_273 : memref<1x128x128xf32, #tpu.memory_space<vmem>> -> memref<128x128xf32, #tpu.memory_space<vmem>>
        %gather3A_275 = tpu.vector_load_idx %gather3A_274[%add3A_181, %add3A_270] : memref<128x128xf32, #tpu.memory_space<vmem>>[vector<16xi32>, vector<16xi32>], vector<16xf32>,
        %scatter3A_276 = arith.constant 0 : i32
        %scatter3A_277 = arith.constant 0 : i32
        %scatter3A_278 = tpu.memref_slice %arg9[%rem3A_72, %scatter3A_276, %scatter3A_277] : memref<2x32x128xf32, #tpu.memory_space<vmem>> -> memref<1x32x128xf32, #tpu.memory_space<vmem>>
        %scatter3A_279 = tpu.memref_squeeze %scatter3A_278 : memref<1x32x128xf32, #tpu.memory_space<vmem>> -> memref<32x128xf32, #tpu.memory_space<vmem>>
        tpu.vector_store_idx %scatter3A_279[%add3A_221, %add3A_181], %gather3A_275 : memref<32x128xf32, #tpu.memory_space<vmem>>[vector<16xi32>, vector<16xi32>], vector<16xf32>,
        %add3A_280 = arith.addi %get3A_157, %add3A_221 : vector<16xi32>
        %gather3A_281 = arith.constant 0 : i32
        %gather3A_282 = arith.constant 0 : i32
        %gather3A_283 = tpu.memref_slice %arg8[%rem3A_72, %gather3A_281, %gather3A_282] : memref<2x128x128xf32, #tpu.memory_space<vmem>> -> memref<1x128x128xf32, #tpu.memory_space<vmem>>
        %gather3A_284 = tpu.memref_squeeze %gather3A_283 : memref<1x128x128xf32, #tpu.memory_space<vmem>> -> memref<128x128xf32, #tpu.memory_space<vmem>>
        %gather3A_285 = tpu.vector_load_idx %gather3A_284[%add3A_184, %add3A_280] : memref<128x128xf32, #tpu.memory_space<vmem>>[vector<16xi32>, vector<16xi32>], vector<16xf32>,
        %scatter3A_286 = arith.constant 0 : i32
        %scatter3A_287 = arith.constant 0 : i32
        %scatter3A_288 = tpu.memref_slice %arg9[%rem3A_72, %scatter3A_286, %scatter3A_287] : memref<2x32x128xf32, #tpu.memory_space<vmem>> -> memref<1x32x128xf32, #tpu.memory_space<vmem>>
        %scatter3A_289 = tpu.memref_squeeze %scatter3A_288 : memref<1x32x128xf32, #tpu.memory_space<vmem>> -> memref<32x128xf32, #tpu.memory_space<vmem>>
        tpu.vector_store_idx %scatter3A_289[%add3A_221, %add3A_184], %gather3A_285 : memref<32x128xf32, #tpu.memory_space<vmem>>[vector<16xi32>, vector<16xi32>], vector<16xf32>,
        %add3A_290 = arith.addi %get3A_163, %add3A_221 : vector<16xi32>
        %gather3A_291 = arith.constant 0 : i32
        %gather3A_292 = arith.constant 0 : i32
        %gather3A_293 = tpu.memref_slice %arg8[%rem3A_72, %gather3A_291, %gather3A_292] : memref<2x128x128xf32, #tpu.memory_space<vmem>> -> memref<1x128x128xf32, #tpu.memory_space<vmem>>
        %gather3A_294 = tpu.memref_squeeze %gather3A_293 : memref<1x128x128xf32, #tpu.memory_space<vmem>> -> memref<128x128xf32, #tpu.memory_space<vmem>>
        %gather3A_295 = tpu.vector_load_idx %gather3A_294[%add3A_187, %add3A_290] : memref<128x128xf32, #tpu.memory_space<vmem>>[vector<16xi32>, vector<16xi32>], vector<16xf32>,
        %scatter3A_296 = arith.constant 0 : i32
        %scatter3A_297 = arith.constant 0 : i32
        %scatter3A_298 = tpu.memref_slice %arg9[%rem3A_72, %scatter3A_296, %scatter3A_297] : memref<2x32x128xf32, #tpu.memory_space<vmem>> -> memref<1x32x128xf32, #tpu.memory_space<vmem>>
        %scatter3A_299 = tpu.memref_squeeze %scatter3A_298 : memref<1x32x128xf32, #tpu.memory_space<vmem>> -> memref<32x128xf32, #tpu.memory_space<vmem>>
        tpu.vector_store_idx %scatter3A_299[%add3A_221, %add3A_187], %gather3A_295 : memref<32x128xf32, #tpu.memory_space<vmem>>[vector<16xi32>, vector<16xi32>], vector<16xf32>,
        %add3A_300 = arith.constant 16 : i32
        %add3A_301 = vector.broadcast %add3A_300 : i32 to vector<16xi32>
        %add3A_302 = arith.addi %and3A_218, %add3A_301 : vector<16xi32>
        %add3A_303 = arith.addi %get3A_121, %add3A_302 : vector<16xi32>
        %gather3A_304 = arith.constant 0 : i32
        %gather3A_305 = arith.constant 0 : i32
        %gather3A_306 = tpu.memref_slice %arg8[%rem3A_72, %gather3A_304, %gather3A_305] : memref<2x128x128xf32, #tpu.memory_space<vmem>> -> memref<1x128x128xf32, #tpu.memory_space<vmem>>
        %gather3A_307 = tpu.memref_squeeze %gather3A_306 : memref<1x128x128xf32, #tpu.memory_space<vmem>> -> memref<128x128xf32, #tpu.memory_space<vmem>>
        %gather3A_308 = tpu.vector_load_idx %gather3A_307[%add3A_166, %add3A_303] : memref<128x128xf32, #tpu.memory_space<vmem>>[vector<16xi32>, vector<16xi32>], vector<16xf32>,
        %scatter3A_309 = arith.constant 0 : i32
        %scatter3A_310 = arith.constant 0 : i32
        %scatter3A_311 = tpu.memref_slice %arg9[%rem3A_72, %scatter3A_309, %scatter3A_310] : memref<2x32x128xf32, #tpu.memory_space<vmem>> -> memref<1x32x128xf32, #tpu.memory_space<vmem>>
        %scatter3A_312 = tpu.memref_squeeze %scatter3A_311 : memref<1x32x128xf32, #tpu.memory_space<vmem>> -> memref<32x128xf32, #tpu.memory_space<vmem>>
        tpu.vector_store_idx %scatter3A_312[%add3A_302, %add3A_166], %gather3A_308 : memref<32x128xf32, #tpu.memory_space<vmem>>[vector<16xi32>, vector<16xi32>], vector<16xf32>,
        %add3A_313 = arith.addi %get3A_127, %add3A_302 : vector<16xi32>
        %gather3A_314 = arith.constant 0 : i32
        %gather3A_315 = arith.constant 0 : i32
        %gather3A_316 = tpu.memref_slice %arg8[%rem3A_72, %gather3A_314, %gather3A_315] : memref<2x128x128xf32, #tpu.memory_space<vmem>> -> memref<1x128x128xf32, #tpu.memory_space<vmem>>
        %gather3A_317 = tpu.memref_squeeze %gather3A_316 : memref<1x128x128xf32, #tpu.memory_space<vmem>> -> memref<128x128xf32, #tpu.memory_space<vmem>>
        %gather3A_318 = tpu.vector_load_idx %gather3A_317[%add3A_169, %add3A_313] : memref<128x128xf32, #tpu.memory_space<vmem>>[vector<16xi32>, vector<16xi32>], vector<16xf32>,
        %scatter3A_319 = arith.constant 0 : i32
        %scatter3A_320 = arith.constant 0 : i32
        %scatter3A_321 = tpu.memref_slice %arg9[%rem3A_72, %scatter3A_319, %scatter3A_320] : memref<2x32x128xf32, #tpu.memory_space<vmem>> -> memref<1x32x128xf32, #tpu.memory_space<vmem>>
        %scatter3A_322 = tpu.memref_squeeze %scatter3A_321 : memref<1x32x128xf32, #tpu.memory_space<vmem>> -> memref<32x128xf32, #tpu.memory_space<vmem>>
        tpu.vector_store_idx %scatter3A_322[%add3A_302, %add3A_169], %gather3A_318 : memref<32x128xf32, #tpu.memory_space<vmem>>[vector<16xi32>, vector<16xi32>], vector<16xf32>,
        %add3A_323 = arith.addi %get3A_133, %add3A_302 : vector<16xi32>
        %gather3A_324 = arith.constant 0 : i32
        %gather3A_325 = arith.constant 0 : i32
        %gather3A_326 = tpu.memref_slice %arg8[%rem3A_72, %gather3A_324, %gather3A_325] : memref<2x128x128xf32, #tpu.memory_space<vmem>> -> memref<1x128x128xf32, #tpu.memory_space<vmem>>
        %gather3A_327 = tpu.memref_squeeze %gather3A_326 : memref<1x128x128xf32, #tpu.memory_space<vmem>> -> memref<128x128xf32, #tpu.memory_space<vmem>>
        %gather3A_328 = tpu.vector_load_idx %gather3A_327[%add3A_172, %add3A_323] : memref<128x128xf32, #tpu.memory_space<vmem>>[vector<16xi32>, vector<16xi32>], vector<16xf32>,
        %scatter3A_329 = arith.constant 0 : i32
        %scatter3A_330 = arith.constant 0 : i32
        %scatter3A_331 = tpu.memref_slice %arg9[%rem3A_72, %scatter3A_329, %scatter3A_330] : memref<2x32x128xf32, #tpu.memory_space<vmem>> -> memref<1x32x128xf32, #tpu.memory_space<vmem>>
        %scatter3A_332 = tpu.memref_squeeze %scatter3A_331 : memref<1x32x128xf32, #tpu.memory_space<vmem>> -> memref<32x128xf32, #tpu.memory_space<vmem>>
        tpu.vector_store_idx %scatter3A_332[%add3A_302, %add3A_172], %gather3A_328 : memref<32x128xf32, #tpu.memory_space<vmem>>[vector<16xi32>, vector<16xi32>], vector<16xf32>,
        %add3A_333 = arith.addi %get3A_139, %add3A_302 : vector<16xi32>
        %gather3A_334 = arith.constant 0 : i32
        %gather3A_335 = arith.constant 0 : i32
        %gather3A_336 = tpu.memref_slice %arg8[%rem3A_72, %gather3A_334, %gather3A_335] : memref<2x128x128xf32, #tpu.memory_space<vmem>> -> memref<1x128x128xf32, #tpu.memory_space<vmem>>
        %gather3A_337 = tpu.memref_squeeze %gather3A_336 : memref<1x128x128xf32, #tpu.memory_space<vmem>> -> memref<128x128xf32, #tpu.memory_space<vmem>>
        %gather3A_338 = tpu.vector_load_idx %gather3A_337[%add3A_175, %add3A_333] : memref<128x128xf32, #tpu.memory_space<vmem>>[vector<16xi32>, vector<16xi32>], vector<16xf32>,
        %scatter3A_339 = arith.constant 0 : i32
        %scatter3A_340 = arith.constant 0 : i32
        %scatter3A_341 = tpu.memref_slice %arg9[%rem3A_72, %scatter3A_339, %scatter3A_340] : memref<2x32x128xf32, #tpu.memory_space<vmem>> -> memref<1x32x128xf32, #tpu.memory_space<vmem>>
        %scatter3A_342 = tpu.memref_squeeze %scatter3A_341 : memref<1x32x128xf32, #tpu.memory_space<vmem>> -> memref<32x128xf32, #tpu.memory_space<vmem>>
        tpu.vector_store_idx %scatter3A_342[%add3A_302, %add3A_175], %gather3A_338 : memref<32x128xf32, #tpu.memory_space<vmem>>[vector<16xi32>, vector<16xi32>], vector<16xf32>,
        %add3A_343 = arith.addi %get3A_145, %add3A_302 : vector<16xi32>
        %gather3A_344 = arith.constant 0 : i32
        %gather3A_345 = arith.constant 0 : i32
        %gather3A_346 = tpu.memref_slice %arg8[%rem3A_72, %gather3A_344, %gather3A_345] : memref<2x128x128xf32, #tpu.memory_space<vmem>> -> memref<1x128x128xf32, #tpu.memory_space<vmem>>
        %gather3A_347 = tpu.memref_squeeze %gather3A_346 : memref<1x128x128xf32, #tpu.memory_space<vmem>> -> memref<128x128xf32, #tpu.memory_space<vmem>>
        %gather3A_348 = tpu.vector_load_idx %gather3A_347[%add3A_178, %add3A_343] : memref<128x128xf32, #tpu.memory_space<vmem>>[vector<16xi32>, vector<16xi32>], vector<16xf32>,
        %scatter3A_349 = arith.constant 0 : i32
        %scatter3A_350 = arith.constant 0 : i32
        %scatter3A_351 = tpu.memref_slice %arg9[%rem3A_72, %scatter3A_349, %scatter3A_350] : memref<2x32x128xf32, #tpu.memory_space<vmem>> -> memref<1x32x128xf32, #tpu.memory_space<vmem>>
        %scatter3A_352 = tpu.memref_squeeze %scatter3A_351 : memref<1x32x128xf32, #tpu.memory_space<vmem>> -> memref<32x128xf32, #tpu.memory_space<vmem>>
        tpu.vector_store_idx %scatter3A_352[%add3A_302, %add3A_178], %gather3A_348 : memref<32x128xf32, #tpu.memory_space<vmem>>[vector<16xi32>, vector<16xi32>], vector<16xf32>,
        %add3A_353 = arith.addi %get3A_151, %add3A_302 : vector<16xi32>
        %gather3A_354 = arith.constant 0 : i32
        %gather3A_355 = arith.constant 0 : i32
        %gather3A_356 = tpu.memref_slice %arg8[%rem3A_72, %gather3A_354, %gather3A_355] : memref<2x128x128xf32, #tpu.memory_space<vmem>> -> memref<1x128x128xf32, #tpu.memory_space<vmem>>
        %gather3A_357 = tpu.memref_squeeze %gather3A_356 : memref<1x128x128xf32, #tpu.memory_space<vmem>> -> memref<128x128xf32, #tpu.memory_space<vmem>>
        %gather3A_358 = tpu.vector_load_idx %gather3A_357[%add3A_181, %add3A_353] : memref<128x128xf32, #tpu.memory_space<vmem>>[vector<16xi32>, vector<16xi32>], vector<16xf32>,
        %scatter3A_359 = arith.constant 0 : i32
        %scatter3A_360 = arith.constant 0 : i32
        %scatter3A_361 = tpu.memref_slice %arg9[%rem3A_72, %scatter3A_359, %scatter3A_360] : memref<2x32x128xf32, #tpu.memory_space<vmem>> -> memref<1x32x128xf32, #tpu.memory_space<vmem>>
        %scatter3A_362 = tpu.memref_squeeze %scatter3A_361 : memref<1x32x128xf32, #tpu.memory_space<vmem>> -> memref<32x128xf32, #tpu.memory_space<vmem>>
        tpu.vector_store_idx %scatter3A_362[%add3A_302, %add3A_181], %gather3A_358 : memref<32x128xf32, #tpu.memory_space<vmem>>[vector<16xi32>, vector<16xi32>], vector<16xf32>,
        %add3A_363 = arith.addi %get3A_157, %add3A_302 : vector<16xi32>
        %gather3A_364 = arith.constant 0 : i32
        %gather3A_365 = arith.constant 0 : i32
        %gather3A_366 = tpu.memref_slice %arg8[%rem3A_72, %gather3A_364, %gather3A_365] : memref<2x128x128xf32, #tpu.memory_space<vmem>> -> memref<1x128x128xf32, #tpu.memory_space<vmem>>
        %gather3A_367 = tpu.memref_squeeze %gather3A_366 : memref<1x128x128xf32, #tpu.memory_space<vmem>> -> memref<128x128xf32, #tpu.memory_space<vmem>>
        %gather3A_368 = tpu.vector_load_idx %gather3A_367[%add3A_184, %add3A_363] : memref<128x128xf32, #tpu.memory_space<vmem>>[vector<16xi32>, vector<16xi32>], vector<16xf32>,
        %scatter3A_369 = arith.constant 0 : i32
        %scatter3A_370 = arith.constant 0 : i32
        %scatter3A_371 = tpu.memref_slice %arg9[%rem3A_72, %scatter3A_369, %scatter3A_370] : memref<2x32x128xf32, #tpu.memory_space<vmem>> -> memref<1x32x128xf32, #tpu.memory_space<vmem>>
        %scatter3A_372 = tpu.memref_squeeze %scatter3A_371 : memref<1x32x128xf32, #tpu.memory_space<vmem>> -> memref<32x128xf32, #tpu.memory_space<vmem>>
        tpu.vector_store_idx %scatter3A_372[%add3A_302, %add3A_184], %gather3A_368 : memref<32x128xf32, #tpu.memory_space<vmem>>[vector<16xi32>, vector<16xi32>], vector<16xf32>,
        %add3A_373 = arith.addi %get3A_163, %add3A_302 : vector<16xi32>
        %gather3A_374 = arith.constant 0 : i32
        %gather3A_375 = arith.constant 0 : i32
        %gather3A_376 = tpu.memref_slice %arg8[%rem3A_72, %gather3A_374, %gather3A_375] : memref<2x128x128xf32, #tpu.memory_space<vmem>> -> memref<1x128x128xf32, #tpu.memory_space<vmem>>
        %gather3A_377 = tpu.memref_squeeze %gather3A_376 : memref<1x128x128xf32, #tpu.memory_space<vmem>> -> memref<128x128xf32, #tpu.memory_space<vmem>>
        %gather3A_378 = tpu.vector_load_idx %gather3A_377[%add3A_187, %add3A_373] : memref<128x128xf32, #tpu.memory_space<vmem>>[vector<16xi32>, vector<16xi32>], vector<16xf32>,
        %scatter3A_379 = arith.constant 0 : i32
        %scatter3A_380 = arith.constant 0 : i32
        %scatter3A_381 = tpu.memref_slice %arg9[%rem3A_72, %scatter3A_379, %scatter3A_380] : memref<2x32x128xf32, #tpu.memory_space<vmem>> -> memref<1x32x128xf32, #tpu.memory_space<vmem>>
        %scatter3A_382 = tpu.memref_squeeze %scatter3A_381 : memref<1x32x128xf32, #tpu.memory_space<vmem>> -> memref<32x128xf32, #tpu.memory_space<vmem>>
        tpu.vector_store_idx %scatter3A_382[%add3A_302, %add3A_187], %gather3A_378 : memref<32x128xf32, #tpu.memory_space<vmem>>[vector<16xi32>, vector<16xi32>], vector<16xf32>,
        %scan3A_383 = arith.constant 0 : i32
        scf.yield %scan3A_383 : i32
      }
      %scan3A_194 = arith.constant 16 : i32
      %mul3A_195 = arith.constant 128 : i32
      %mul3A_196 = arith.muli %rem3A_99, %mul3A_195 : i32
      %multiple_of3A = tpu.assume_multiple %mul3A_196, 128 : i32
      %dma_start3A_197 = arith.constant 0 : i32
      %dma_start3A_198 = arith.constant 0 : i32
      %dma_start3A_199 = tpu.memref_slice %arg9[%rem3A_72, %dma_start3A_197, %dma_start3A_198] : memref<2x32x128xf32, #tpu.memory_space<vmem>> -> memref<1x32x128xf32, #tpu.memory_space<vmem>>
      %dma_start3A_200 = tpu.memref_squeeze %dma_start3A_199 : memref<1x32x128xf32, #tpu.memory_space<vmem>> -> memref<32x128xf32, #tpu.memory_space<vmem>>
      %dma_start3A_201 = arith.constant 0 : i32
      %dma_start3A_202 = tpu.memref_slice %arg5[%select_n3A_97, %dma_start3A_201, %multiple_of3A] : memref<26x32x16384xf32, #tpu.memory_space<hbm>> -> memref<1x32x128xf32, #tpu.memory_space<hbm>>
      %dma_start3A_203 = tpu.memref_squeeze %dma_start3A_202 : memref<1x32x128xf32, #tpu.memory_space<hbm>> -> memref<32x128xf32, #tpu.memory_space<hbm>>
      %dma_start3A_204 = arith.constant 0 : i32
      %dma_start3A_205 = tpu.memref_slice %arg5[%select_n3A_97, %dma_start3A_204, %multiple_of3A] : memref<26x32x16384xf32, #tpu.memory_space<hbm>> -> memref<1x32x128xf32, #tpu.memory_space<hbm>>
      %dma_start3A_206 = tpu.memref_squeeze %dma_start3A_205 : memref<1x32x128xf32, #tpu.memory_space<hbm>> -> memref<32x128xf32, #tpu.memory_space<hbm>>
      %dma_start3A_207 = arith.constant 0 : i32
      %dma_start3A_208 = arith.constant 0 : i32
      %dma_start3A_209 = tpu.memref_slice %arg9[%rem3A_72, %dma_start3A_207, %dma_start3A_208] : memref<2x32x128xf32, #tpu.memory_space<vmem>> -> memref<1x32x128xf32, #tpu.memory_space<vmem>>
      %dma_start3A_210 = tpu.memref_squeeze %dma_start3A_209 : memref<1x32x128xf32, #tpu.memory_space<vmem>> -> memref<32x128xf32, #tpu.memory_space<vmem>>
      tpu.enqueue_dma source(%dma_start3A_210 : memref<32x128xf32, #tpu.memory_space<vmem>>) target(%dma_start3A_206 : memref<32x128xf32, #tpu.memory_space<hbm>>) target_semaphore(%arg11 : memref<!tpu.dma_semaphore, #tpu.memory_space<semaphore_mem>>)
      %scan3A_211 = arith.constant 0 : i32
      scf.yield %scan3A_211 : i32
    }
    %scan3A_33 = arith.constant 104 : i32
    %dma_wait3A = arith.constant 0 : i32
    %dma_wait3A_34 = arith.constant 0 : i32
    %dma_wait3A_35 = arith.constant 0 : i32
    %dma_wait3A_36 = arith.constant 0 : i32
    %dma_wait3A_37 = tpu.memref_slice %arg9[%dma_wait3A, %dma_wait3A_35, %dma_wait3A_36] : memref<2x32x128xf32, #tpu.memory_space<vmem>> -> memref<1x32x128xf32, #tpu.memory_space<vmem>>
    %dma_wait3A_38 = tpu.memref_squeeze %dma_wait3A_37 : memref<1x32x128xf32, #tpu.memory_space<vmem>> -> memref<32x128xf32, #tpu.memory_space<vmem>>
    %dma_wait3A_39 = arith.constant 0 : i32
    %dma_wait3A_40 = arith.constant 0 : i32
    %dma_wait3A_41 = tpu.memref_slice %arg5[%dma_wait3A_34, %dma_wait3A_39, %dma_wait3A_40] : memref<26x32x16384xf32, #tpu.memory_space<hbm>> -> memref<1x32x128xf32, #tpu.memory_space<hbm>>
    %dma_wait3A_42 = tpu.memref_squeeze %dma_wait3A_41 : memref<1x32x128xf32, #tpu.memory_space<hbm>> -> memref<32x128xf32, #tpu.memory_space<hbm>>
    %dma_wait3A_43 = arith.constant 0 : i32
    %dma_wait3A_44 = arith.constant 0 : i32
    %dma_wait3A_45 = tpu.memref_slice %arg5[%dma_wait3A_34, %dma_wait3A_43, %dma_wait3A_44] : memref<26x32x16384xf32, #tpu.memory_space<hbm>> -> memref<1x32x128xf32, #tpu.memory_space<hbm>>
    %dma_wait3A_46 = tpu.memref_squeeze %dma_wait3A_45 : memref<1x32x128xf32, #tpu.memory_space<hbm>> -> memref<32x128xf32, #tpu.memory_space<hbm>>
    %dma_wait3A_47 = arith.constant 0 : i32
    %dma_wait3A_48 = arith.constant 0 : i32
    %dma_wait3A_49 = tpu.memref_slice %arg9[%dma_wait3A, %dma_wait3A_47, %dma_wait3A_48] : memref<2x32x128xf32, #tpu.memory_space<vmem>> -> memref<1x32x128xf32, #tpu.memory_space<vmem>>
    %dma_wait3A_50 = tpu.memref_squeeze %dma_wait3A_49 : memref<1x32x128xf32, #tpu.memory_space<vmem>> -> memref<32x128xf32, #tpu.memory_space<vmem>>
    tpu.wait_dma2 semaphore(%arg11 : memref<!tpu.dma_semaphore, #tpu.memory_space<semaphore_mem>>) src(%dma_wait3A_50 : memref<32x128xf32, #tpu.memory_space<vmem>>) dst(%dma_wait3A_46 : memref<32x128xf32, #tpu.memory_space<hbm>>)
    %dma_wait3A_51 = arith.constant 1 : i32
    %dma_wait3A_52 = arith.constant 0 : i32
    %dma_wait3A_53 = arith.constant 0 : i32
    %dma_wait3A_54 = arith.constant 0 : i32
    %dma_wait3A_55 = tpu.memref_slice %arg9[%dma_wait3A_51, %dma_wait3A_53, %dma_wait3A_54] : memref<2x32x128xf32, #tpu.memory_space<vmem>> -> memref<1x32x128xf32, #tpu.memory_space<vmem>>
    %dma_wait3A_56 = tpu.memref_squeeze %dma_wait3A_55 : memref<1x32x128xf32, #tpu.memory_space<vmem>> -> memref<32x128xf32, #tpu.memory_space<vmem>>
    %dma_wait3A_57 = arith.constant 0 : i32
    %dma_wait3A_58 = arith.constant 0 : i32
    %dma_wait3A_59 = tpu.memref_slice %arg5[%dma_wait3A_52, %dma_wait3A_57, %dma_wait3A_58] : memref<26x32x16384xf32, #tpu.memory_space<hbm>> -> memref<1x32x128xf32, #tpu.memory_space<hbm>>
    %dma_wait3A_60 = tpu.memref_squeeze %dma_wait3A_59 : memref<1x32x128xf32, #tpu.memory_space<hbm>> -> memref<32x128xf32, #tpu.memory_space<hbm>>
    %dma_wait3A_61 = arith.constant 0 : i32
    %dma_wait3A_62 = arith.constant 0 : i32
    %dma_wait3A_63 = tpu.memref_slice %arg5[%dma_wait3A_52, %dma_wait3A_61, %dma_wait3A_62] : memref<26x32x16384xf32, #tpu.memory_space<hbm>> -> memref<1x32x128xf32, #tpu.memory_space<hbm>>
    %dma_wait3A_64 = tpu.memref_squeeze %dma_wait3A_63 : memref<1x32x128xf32, #tpu.memory_space<hbm>> -> memref<32x128xf32, #tpu.memory_space<hbm>>
    %dma_wait3A_65 = arith.constant 0 : i32
    %dma_wait3A_66 = arith.constant 0 : i32
    %dma_wait3A_67 = tpu.memref_slice %arg9[%dma_wait3A_51, %dma_wait3A_65, %dma_wait3A_66] : memref<2x32x128xf32, #tpu.memory_space<vmem>> -> memref<1x32x128xf32, #tpu.memory_space<vmem>>
    %dma_wait3A_68 = tpu.memref_squeeze %dma_wait3A_67 : memref<1x32x128xf32, #tpu.memory_space<vmem>> -> memref<32x128xf32, #tpu.memory_space<vmem>>
    tpu.wait_dma2 semaphore(%arg11 : memref<!tpu.dma_semaphore, #tpu.memory_space<semaphore_mem>>) src(%dma_wait3A_68 : memref<32x128xf32, #tpu.memory_space<vmem>>) dst(%dma_wait3A_64 : memref<32x128xf32, #tpu.memory_space<hbm>>)
    return
  }
}

</mosaic_0001>

<sc_bundles>
// kernel: kernel.4.cloned.1.call-start
scs
__scs_entry_jumppad:
0x0: {  	(pc) =	sbr.rel $0x88, $3  }
0x1: {  	(tag) =	ssettag $0x0;
	lr =	simm.s32 $0x1  }
0x2: {  	[smem:$0x3F9F] =	sst lr;
	_ =	strace $0xD0000000  }
0x3: {  	_ = 	snop  }
0x4: {  	_ = 	snop  }
0x5: {  	_ = 	snop  }
0x6: {  	_ = 	snop  }
0x7: {  	_ = 	snop  }
__scs_overlays_trampoline_lowered:
0x8: {  	[smem:$0x3FAE] =	sst s0  }
0x9: {  	[smem:$0x3FAF] =	sst s1  }
0xa: {  	[smem:$0x3FB0] =	sst s2  }
0xb: {  	[smem:$0x3FB1] =	sst s3  }
0xc: {  	[smem:$0x3FB2] =	sst s4  }
0xd: {  	[smem:$0x3FB3] =	sst s5  }
0xe: {  	[smem:$0x3FB4] =	sst s6  }
0xf: {  	[smem:$0x3FB5] =	sst s7  }
0x10: {  	[smem:$0x3FB6] =	sst s8  }
0x11: {  	[smem:$0x3FB7] =	sst s9;
	s0 =	simm.s32 @!p0 $0x0  }
0x12: {  	s1 =	sld [smem:$0x3F9D];
	s0 =	simm.s32 @p0 $0x1  }
0x13: {  	[smem:$0x3FB8] =	sst s0;
	s0 =	simm.s32 @!p1 $0x0  }
0x14: {  	s2 =	sld [smem:$0x3F9C];
	s0 =	simm.s32 @p1 $0x1  }
0x15: {  	[smem:$0x3FB9] =	sst s0;
	s0 =	simm.s32 @!p2 $0x0  }
0x16: {  	s3 =	sld [smem:$0x3FDB];
	s0 =	simm.s32 @p2 $0x1  }
0x17: {  	s4 =	simm.s32 $0x1BF5;
	[smem:$0x3FBB] =	sst s0  }
0x18: {  	s0 =	sld [smem:$0x3F9E];
	_ =	swait.ge [sflag:s4], $0x0  }
0x19: {  	s7 =	sld [smem:$0x3F9F]  }
0x1a: {  	s8 =	sadd.s32 $0xFFFFE003, lr  }
0x1b: {  	s9 =	sadd.s32 $0xFFFFFEF7, lr;
	s5 =	simm.s32 $0xFFFFFFFF;
	p2 =	slt.u32 s8, $0xFFFFF086  }
0x1c: {  	p1 =	slt.u32 s9, $0xF7A;
	s5 =	simm.s32 @!p2 $0x0  }
0x1d: {  	s5 =	simm.s32 @p1 $0x1;
	p0 =	seq.s32 s7, s2  }
0x1e: {  	s7 =	smul.u32 @!p0 $0xF7A, s2;
	p2 =	seq.s32 @!p0 s5, $0x0  }
0x1f: {  	s9 =	smul.u32 $0xF7A, s1;
	s8 =	simm.s32 @!p0 $0x1BF5;
	p2 =	por !p2, p0  }
0x20: {  	[sflag:s8] =	ssyncset.s32 @!p0 $0xFFFFF086;
	s6 =	sadd.s32 @!p0 s3, s7;
	s7 =	simm.s32 @!p0 $0x108  }
0x21: {  	s3 =	sadd.s32 s3, s9;
	s6 =	sadd.s32 @!p0 $0x88, s6;
	s7 =	simm.s32 @p2 $0x1082  }
0x22: {  	[simem:s7], [sflag:s8] =	dma.local @!p0 [hbm:s6], $0xF7A  }
0x23: {  	s9 =	sor.u32 $0xD0000000, s2;
	s6 =	simm.s32 $0x108;
	_ =	swait.ge @!p0 [sflag:s8], $0x0  }
0x24: {  	s3 =	sadd.s32 $0x88, s3;
	s6 =	simm.s32 @!p1 $0x1082;
	[sflag:s4] =	ssyncset.s32 $0xFFFFF086  }
0x25: {  	[simem:s6], [sflag:s4] =	dma.local [hbm:s3], $0xF7A  }
0x26: {  	[smem:$0x3F9F] =	sst s1;
	(tag) =	ssettag s2;
	_ =	strace s9  }
0x27: {  	s1 =	sld [smem:$0x3FAF]  }
0x28: {  	s2 =	sld [smem:$0x3FB0]  }
0x29: {  	s4 =	sld [smem:$0x3FB2]  }
0x2a: {  	p0 =	seq.s32 s5, $0x0;
	s5 =	sld [smem:$0x3FB3]  }
0x2b: {  	s6 =	sld [smem:$0x3FB4]  }
0x2c: {  	s7 =	sld [smem:$0x3FB5]  }
0x2d: {  	s3 =	simm.s32 $0x108;
	s8 =	sld [smem:$0x3FB6]  }
0x2e: {  	s3 =	simm.s32 @!p0 $0x1082;
	s9 =	sld [smem:$0x3FB7]  }
0x2f: {  	lr =	sadd.s32 s0, s3;
	s0 =	sld [smem:$0x3FAE]  }
0x30: {  	s3 =	sld [smem:$0x3FB1]  }
0x31: {  	[smem:$0x3FBA] =	sst s10  }
0x32: {  	s10 =	sld [smem:$0x3FB8];
	_ =	sdelay $0x3  }
0x33: {  	p0 =	seq.s32 s10, $0x1;
	s10 =	sld [smem:$0x3FBA];
	_ =	sdelay $0x3  }
0x34: {  	[smem:$0x3FBA] =	sst s10  }
0x35: {  	s10 =	sld [smem:$0x3FB9];
	_ =	sdelay $0x3  }
0x36: {  	p1 =	seq.s32 s10, $0x1;
	s10 =	sld [smem:$0x3FBA];
	_ =	sdelay $0x3  }
0x37: {  	[smem:$0x3FBA] =	sst s10  }
0x38: {  	s10 =	sld [smem:$0x3FBB]  }
0x39: {  	_ = 	snop;
	(pc) =	sbr.ind lr, $3  }
0x3a: {  	_ = 	snop  }
0x3b: {  	_ = 	snop  }
0x3c: {  	p2 =	seq.s32 s10, $0x1;
	s10 =	sld [smem:$0x3FBA]  }
0x3d: {  	_ =	shalt  }
0x3e: {  	_ =	shalt  }
0x3f: {  	_ =	shalt  }
0x40: {  	_ =	shalt  }
0x41: {  	_ =	shalt  }
0x42: {  	_ =	shalt  }
0x43: {  	_ =	shalt  }
0x44: {  	_ =	shalt  }
0x45: {  	_ =	shalt  }
0x46: {  	_ =	shalt  }
0x47: {  	_ =	shalt  }
0x48: {  	_ =	shalt  }
0x49: {  	_ =	shalt  }
0x4a: {  	_ =	shalt  }
0x4b: {  	_ =	shalt  }
0x4c: {  	_ =	shalt  }
0x4d: {  	_ =	shalt  }
0x4e: {  	_ =	shalt  }
0x4f: {  	_ =	shalt  }
0x50: {  	_ =	shalt  }
0x51: {  	_ =	shalt  }
0x52: {  	_ =	shalt  }
0x53: {  	_ =	shalt  }
0x54: {  	_ =	shalt  }
0x55: {  	_ =	shalt  }
0x56: {  	_ =	shalt  }
0x57: {  	_ =	shalt  }
0x58: {  	_ =	shalt  }
0x59: {  	_ =	shalt  }
0x5a: {  	_ =	shalt  }
0x5b: {  	_ =	shalt  }
0x5c: {  	_ =	shalt  }
0x5d: {  	_ =	shalt  }
0x5e: {  	_ =	shalt  }
0x5f: {  	_ =	shalt  }
0x60: {  	_ =	shalt  }
0x61: {  	_ =	shalt  }
0x62: {  	_ =	shalt  }
0x63: {  	_ =	shalt  }
0x64: {  	_ =	shalt  }
0x65: {  	_ =	shalt  }
0x66: {  	_ =	shalt  }
0x67: {  	_ =	shalt  }
0x68: {  	_ =	shalt  }
0x69: {  	_ =	shalt  }
0x6a: {  	_ =	shalt  }
0x6b: {  	_ =	shalt  }
0x6c: {  	_ =	shalt  }
0x6d: {  	_ =	shalt  }
0x6e: {  	_ =	shalt  }
0x6f: {  	_ =	shalt  }
0x70: {  	_ =	shalt  }
0x71: {  	_ =	shalt  }
0x72: {  	_ =	shalt  }
0x73: {  	_ =	shalt  }
0x74: {  	_ =	shalt  }
0x75: {  	_ =	shalt  }
0x76: {  	_ =	shalt  }
0x77: {  	_ =	shalt  }
0x78: {  	_ =	shalt  }
0x79: {  	_ =	shalt  }
0x7a: {  	_ =	shalt  }
0x7b: {  	_ =	shalt  }
0x7c: {  	_ =	shalt  }
0x7d: {  	_ =	shalt  }
0x7e: {  	_ =	shalt  }
0x7f: {  	_ =	shalt  }
0x80: {  	_ =	shalt  }
0x81: {  	_ =	shalt  }
0x82: {  	_ =	shalt  }
0x83: {  	_ =	shalt  }
0x84: {  	_ =	shalt  }
0x85: {  	_ =	shalt  }
0x86: {  	_ =	shalt  }
0x87: {  	_ =	shalt  }
.Lfunc_end0:
.L_simem_size_0:
called_computation_lowered:
.L_overlay_start_0:
0x88: {  	s2 =	sld [smem:$0x3FD9]  }
0x89: {  	s3 =	sld [smem:$0x3FFE];
	_ =	sdelay $0x1  }
0x8a: {  	s1 =	srdreg.scid  }
0x8b: {  	s0 =	sand.u32 $0x1, s1  }
0x8c: {  	s17 =	sshll.u32 s0, $0xA;
	s2 =	sadd.s32 s3, s2  }
0x8d: {  	s2 =	sadd.s32 s2, s17  }
0x8e: {  	[smem:$0x3FC6] =	sst s2  }
0x8f: {  	_ = 	snop  }
0x90: {  	s2 =	sld [smem:$0x3FC8]  }
0x91: {  	s18 =	sld [smem:$0x3FD0];
	(tm) =	ssettm $0x1  }
0x92: {  	s4 =	sld [smem:$0x3FFB];
	_ =	sdelay $0x3  }
0x93: {  	_ =	strace s4  }
0x94: {  	s4 =	sld [smem:$0x3FFC];
	_ =	sdelay $0x3  }
0x95: {  	_ =	strace s4  }
0x96: {  	s4 =	sld [smem:$0x3FFD];
	_ =	sdelay $0x3  }
0x97: {  	_ =	strace s4  }
0x98: {  	_ =	strace $0x8FFFFFFF  }
0x99: {  	s19 =	sld [smem:$0x3FDB];
	_ =	sdelay $0x1  }
0x9a: {  	s5 =	simm.s32 $_scs_section_size  }
0x9b: {  	s6 =	simm.s32 $_size__tile_overlayer_lowered;
	s7 =	simm.s32 $_tile_overlayer_lowered  }
0x9c: {  	s22 =	simm.s32 $0x1BFF;
	s21 =	sshll.u32 s7, $0x1;
	s4 =	sadd.s32 s5, s19  }
0x9d: {  	s8 =	simm.s32 $0x0;
	s20 =	sshll.u32 s6, $0x1;
	s6 =	sadd.s32 s21, s4  }
0x9e: {  	[timem:s8], [sflag:s22] =	dma.local [hbm:s6], s20  }
0x9f: {  	_ =	swait.ge [sflag:s22], s20  }
0xa0: {  	s5 =	ssub.s32 $0x0, s20;
	[sflag:s22] =	ssyncset.done $0x0  }
0xa1: {  	[sflag:s22] =	ssyncadd.s32 s5;
	_ =	sdelay $0x1  }
0xa2: {  	s23 =	simm.s32 $0x1B8B  }
0xa3: {  	_ =	swait.ge [sflag:s23], $0x1  }
0xa4: {  	[sflag:s23] =	ssyncset.done $0x0  }
0xa5: {  	s25 =	simm.s32 $0x1B8E;
	s24 =	sld [smem:$0x3FFE];
	[sflag:s23] =	ssyncadd.s32 $0xFFFFFFFF  }
0xa6: {  	s26 =	simm.s32 $execute0_lowered;
	[smem:$0x3FD2] =	sst s25  }
0xa7: {  	s6 =	sshll.u32 s26, $0x1;
	_ =	strace $0x80000046;
	[dreg:$0x1] =	wrdreg $0xFFFFFFFF  }
0xa8: {  	s28 =	simm.s32 $_size_execute0_lowered;
	s4 =	sadd.s32 s4, s6;
	[dreg:$0x0] =	wrdreg $0x0  }
0xa9: {  	s6 =	sshll.u32 s28, $0x1;
	[dreg:$0x2] =	wrdreg s4  }
0xaa: {  	[dreg:$0x3] =	wrdreg s6  }
0xab: {  	[dreg:$0x4] =	wrdreg $0xC0  }
0xac: {  	_ =	task [dreg:s8], $0x5FFFF  }
0xad: {  	[dreg:$0x1] =	wrdreg $0xFFFFFFFF  }
0xae: {  	[dreg:$0x0] =	wrdreg $0x60  }
0xaf: {  	[dreg:$0x2] =	wrdreg s2  }
0xb0: {  	[dreg:$0x3] =	wrdreg s18  }
0xb1: {  	[dreg:$0x4] =	wrdreg s24  }
0xb2: {  	[dreg:$0x5] =	wrdreg $0x9  }
0xb3: {  	_ =	task.clear_ibuf [dreg:s8], $0x6FFFF;
	_ =	strace $0x90000046  }
0xb4: {  	s29 =	simm.s32 $0x9;
	_ =	strace $0x80000048  }
0xb5: {  	_ =	swait.ge [sflag:s29], $0x1  }
0xb6: {  	[sflag:s29] =	ssyncadd.s32 $0xFFFFFFFF  }
0xb7: {  	_ =	strace $0x90000048  }
0xb8: {  	_ =	sfence  }
0xb9: {  	s30 =	sld [smem:$0x0];
	_ =	sdelay $0x2  }
0xba: {  	s31 =	sshll.u32 s1, $0xD;
	s1 =	sshrl.u32 s1, $0x2  }
0xbb: {  	s3 =	sand.u32 $0x4000, s31;
	s1 =	sadd.s32 s1, s30  }
0xbc: {  	s0 =	sor.u32 s3, s0;
	s1 =	sshll.u32 s1, $0x11  }
0xbd: {  	s0 =	sor.u32 s1, s0  }
0xbe: {  	s0 =	sadd.s32 $0x8F2B, s0  }
0xbf: {  	[sflag:s0] =	ssyncadd.remote.s32 $0x1  }
0xc0: {  	_ =	sfence.sel $0xFFFF  }
0xc1: {  	[dreg:$0x0] =	wrdreg $0xFFFFFFFF;
	(pc) =	sbr.abs _section_cstart, $3  }
0xc2: {  	[dreg:$0x1] =	wrdreg $0xFFFFFFFF  }
0xc3: {  	_ =	task.clear_ibuf [dreg:s8], $0x2FFFF;
	_ =	strace $0x9FFFFFFF  }
0xc4: {  	(tm) =	ssettm $0x7FFFFFFF  }
0xc5: {  	_ =	shalt  }
tec
execute0_lowered:
.L_overlay_start_1:
0x0: {  	(tag) =	ssettag $0x1  }
0x1: {  	s0 =	rddreg [dreg:$0x0];
	s1 =	srdreg.scid  }
0x2: {  	s9 =	stileid.u32;
	s2 =	rddreg [dreg:$0x2];
	s28 =	simm.s32 $0x7A1400  }
0x3: {  	s29 =	simm.s32 $0x2;
	s30 =	simm.s32 $0x10000;
	s31 =	simm.s32 $0x0  }
0x4: {  	s1 =	sand.u32 $0x1, s1;
	s3 =	sshll.u32 s9, $0x1;
	s4 =	sadd.s32 $0xC00, s2  }
0x5: {  	s18 =	sadd.s32 $0x600, s0;
	s19 =	sadd.s32 $0x680, s0;
	s20 =	sadd.s32 $0x700, s0  }
0x6: {  	s21 =	sadd.s32 $0x780, s0;
	p1 =	sgt.u32 s9, $0x1;
	s7 =	sor.u32 s1, s3  }
0x7: {  	s3 =	simm.s32 $0x0;
	s1 =	ssub.s32 $0x2, s1;
	s6 =	smul.u32 $0x7A00, s7  }
0x8: {  	[smem:$0x7FF] =	sst s3;
	s5 =	sshrl.u32 s1, $0x1;
	s8 =	smul.u32 $0x3D000, s7  }
0x9: {  	s25 =	sshll.u32 s7, $0x7;
	p0 =	sne.s32 s7, $0x4;
	s6 =	sadd.s32 s0, s6  }
0xa: {  	_ =	strace $0x80000047;
	s1 =	ssub.s32 s1, s5;
	s10 =	sadd.s32 $0x80, s6  }
0xb: {  	s5 =	smul.u32 $0x3D, s7;
	s23 =	sadd.s32 $0x100, s6;
	[dreg:$0x4] =	wrdreg s10  }
0xc: {  	v0 =	vlaneseq.u32;
	s8 =	sshrl.u32 s8, $0x3;
	s24 =	sadd.s32 $0x180, s6;
	[dreg:$0x5] =	wrdreg s23  }
0xd: {  	v1 =	vmul.u32 $0x80, v0;
	s8 =	sadd.s32 s0, s8;
	s14 =	sadd.s32 $0x400, s6;
	[dreg:$0x6] =	wrdreg s24  }
0xe: {  	v2 =	vor.u32 $0x10, v0;
	s10 =	sadd.s32 $0x200, s6;
	s11 =	sadd.s32 $0x280, s8;
	s12 =	sadd.s32 $0x300, s8  }
.Ltmp0:
0xf: {  	v3 =	vor.u32 $0x10, v1;
	v4 =	vor.u32 $0x20, v1;
	v5 =	vor.u32 $0x30, v1;
	s13 =	sadd.s32 $0x380, s8;
	s15 =	sadd.s32 $0x480, s8;
	(pc) =	sbr.rel .LBB2_1-.Ltmp0, $4  }
0x10: {  	v6 =	vor.u32 $0x40, v1;
	v7 =	vor.u32 $0x50, v1;
	v8 =	vor.u32 $0x60, v1;
	s16 =	sadd.s32 $0x500, s8;
	s17 =	sadd.s32 $0x580, s8;
	s8 =	sor.u32 $0xF4000, s25  }
0x11: {  	v9 =	vor.u32 $0x70, v1;
	v10 =	vor.u32 $0x800, v1;
	v11 =	vor.u32 $0x810, v1;
	s24 =	sadd.s32 $0x3D1400, s2;
	s0 =	sadd.s32 s0, s8;
	s26 =	sshll.u32 s8, $0x2  }
0x12: {  	v12 =	vor.u32 $0x820, v1;
	v13 =	vor.u32 $0x830, v1;
	v14 =	vor.u32 $0x840, v1;
	s25 =	smax.u32 s1, $0x1;
	[dreg:$0x7] =	wrdreg s0;
	s0 =	sadd.s32 s4, s26  }
0x13: {  	v15 =	vor.u32 $0x850, v1;
	v16 =	vor.u32 $0x860, v1;
	v17 =	vor.u32 $0x870, v1;
	s2 =	simm.s32 $0x1;
	s26 =	simm.s32 $0x400;
	[dreg:$0x8] =	wrdreg s0  }
.LBB2_9:
0x14: {  	s0 =	simm.s32 @!p0 $0x0;
	s1 =	rddreg [dreg:$0x1]  }
0x15: {  	[tilespmem:s0], [sflag:$0x3] =	stream.linear.gather @!p0 [hbm4b:s1+s0], $0x800, $0x38;
	[tilespmem:$0x18000] =	vst v63  }
0x16: {  	s1 =	simm.s32 @!p0 $0x3  }
0x17: {  	s31 =	sadd.s32 $0x1, s31;
	_ =	swait.ge @!p0 [sflag:s1], $0x800  }
0x18: {  	p2 =	sne.s32 s31, s25;
	[sflag:s1] =	ssyncset.done @!p0 $0x0  }
.Ltmp1:
0x19: {  	[sflag:s1] =	ssyncadd.s32 @!p0 $0xFFFFF800;
	(pc) =	sbr.rel @!p2 .LBB2_10-.Ltmp1, $4  }
0x1a: {  	[hbm4b:s24+s0] =	stream.linear.scatter @!p0 [tilespmem:s0], [sflag:$0x3], $0x800, $0x38;
	[tilespmem:$0x18000] =	vst v63  }
0x1b: {  	_ =	swait.ge @!p0 [sflag:s1], $0x800  }
0x1c: {  	[sflag:s1] =	ssyncset.done @!p0 $0x0  }
0x1d: {  	[sflag:s1] =	ssyncadd.s32 @!p0 $0xFFFFF800  }
.LBB2_1:
0x1e: {  	[tilespmem:s3], [sflag:$0x1] =	stream.strided.gather [hbm4b:s6+s26], $0x1000, s28, s26, $0x38;
	[tilespmem:$0x18000] =	vst v63  }
0x1f: {  	s0 =	rddreg [dreg:$0x4];
	s1 =	simm.s32 $0x1000  }
0x20: {  	[tilespmem:s1], [sflag:$0x1] =	stream.strided.gather [hbm4b:s0+s26], $0x1000, s28, s26, $0x38;
	[tilespmem:$0x18000] =	vst v63  }
0x21: {  	s7 =	simm.s32 $0x2000;
	s1 =	rddreg [dreg:$0x5]  }
0x22: {  	[tilespmem:s7], [sflag:$0x1] =	stream.strided.gather [hbm4b:s1+s26], $0x1000, s28, s26, $0x38;
	[tilespmem:$0x18000] =	vst v63  }
0x23: {  	s8 =	rddreg [dreg:$0x6];
	s9 =	simm.s32 $0x3000  }
0x24: {  	[tilespmem:s9], [sflag:$0x1] =	stream.strided.gather [hbm4b:s8+s26], $0x1000, s28, s26, $0x38;
	[tilespmem:$0x18000] =	vst v63  }
0x25: {  	s22 =	simm.s32 $0x4000  }
0x26: {  	[tilespmem:s22], [sflag:$0x1] =	stream.strided.gather [hbm4b:s10+s26], $0x1000, s28, s26, $0x38;
	[tilespmem:$0x18000] =	vst v63  }
0x27: {  	s23 =	simm.s32 $0x5000  }
0x28: {  	[tilespmem:s23], [sflag:$0x1] =	stream.strided.gather [hbm4b:s11+s26], $0x1000, s28, s26, $0x38;
	[tilespmem:$0x18000] =	vst v63  }
0x29: {  	s1 =	simm.s32 $0x6000  }
0x2a: {  	[tilespmem:s1], [sflag:$0x1] =	stream.strided.gather [hbm4b:s12+s26], $0x1000, s28, s26, $0x38;
	[tilespmem:$0x18000] =	vst v63  }
0x2b: {  	s7 =	simm.s32 $0x7000  }
0x2c: {  	[tilespmem:s7], [sflag:$0x1] =	stream.strided.gather [hbm4b:s13+s26], $0x1000, s28, s26, $0x38;
	[tilespmem:$0x18000] =	vst v63  }
0x2d: {  	s8 =	simm.s32 $0x8000  }
0x2e: {  	[tilespmem:s8], [sflag:$0x1] =	stream.strided.gather [hbm4b:s14+s26], $0x1000, s28, s26, $0x38;
	[tilespmem:$0x18000] =	vst v63  }
0x2f: {  	s9 =	simm.s32 $0x9000  }
0x30: {  	[tilespmem:s9], [sflag:$0x1] =	stream.strided.gather [hbm4b:s15+s26], $0x1000, s28, s26, $0x38;
	[tilespmem:$0x18000] =	vst v63  }
0x31: {  	s22 =	simm.s32 $0xA000  }
0x32: {  	[tilespmem:s22], [sflag:$0x1] =	stream.strided.gather [hbm4b:s16+s26], $0x1000, s28, s26, $0x38;
	[tilespmem:$0x18000] =	vst v63  }
0x33: {  	s23 =	simm.s32 $0xB000;
	s1 =	simm.s32 $0x0  }
0x34: {  	[tilespmem:s23], [sflag:$0x1] =	stream.strided.gather [hbm4b:s17+s26], $0x1000, s28, s26, $0x38;
	[tilespmem:$0x18000] =	vst v63  }
.LBB2_2:
0x35: {  	p2 =	sgt.u32 s1, $0x39  }
0x36: {  	s0 =	sshll.u32 @!p2 s1, $0xE;
	s7 =	sadd.s32 @!p2 s5, s1  }
0x37: {  	s9 =	simm.s32 @!p2 $0x400;
	s0 =	sadd.s32 @!p2 $0xC000, s0;
	s7 =	sshll.u32 @!p2 s7, $0x9  }
0x38: {  	s22 =	simm.s32 @!p2 $0x7A1400;
	s0 =	sand.u32 @!p2 $0xC000, s0;
	s8 =	sadd.s32 @!p2 s7, s18  }
0x39: {  	[tilespmem:s0], [sflag:$0x1] =	stream.strided.gather @!p2 [hbm4b:s8+s9], $0x1000, s22, s9, $0x38;
	[tilespmem:$0x18000] =	vst v63  }
0x3a: {  	s23 =	sadd.s32 @!p2 s7, s19;
	s8 =	sor.u32 @!p2 $0x1000, s0  }
0x3b: {  	[tilespmem:s8], [sflag:$0x1] =	stream.strided.gather @!p2 [hbm4b:s23+s9], $0x1000, s22, s9, $0x38;
	[tilespmem:$0x18000] =	vst v63  }
0x3c: {  	s8 =	sor.u32 @!p2 $0x2000, s0;
	s23 =	sadd.s32 @!p2 s7, s20  }
0x3d: {  	[tilespmem:s8], [sflag:$0x1] =	stream.strided.gather @!p2 [hbm4b:s23+s9], $0x1000, s22, s9, $0x38;
	[tilespmem:$0x18000] =	vst v63  }
0x3e: {  	s0 =	sor.u32 @!p2 $0x3000, s0;
	s7 =	sadd.s32 @!p2 s7, s21  }
0x3f: {  	[tilespmem:s0], [sflag:$0x1] =	stream.strided.gather @!p2 [hbm4b:s7+s9], $0x1000, s22, s9, $0x38;
	[tilespmem:$0x18000] =	vst v63  }
0x40: {  	_ =	swait.ge [sflag:s2], $0x1000  }
0x41: {  	[sflag:s2] =	ssyncset.done $0x0  }
0x42: {  	[sflag:s2] =	ssyncadd.s32 $0xFFFFF000  }
0x43: {  	_ =	swait.ge [sflag:s2], $0x1000  }
0x44: {  	[sflag:s2] =	ssyncset.done $0x0  }
0x45: {  	[sflag:s2] =	ssyncadd.s32 $0xFFFFF000  }
0x46: {  	_ =	swait.ge [sflag:s2], $0x1000  }
0x47: {  	s8 =	simm.s32 $0x0;
	[sflag:s2] =	ssyncset.done $0x0  }
0x48: {  	v34 =	vadd.s32 s8, v0;
	[sflag:s2] =	ssyncadd.s32 $0xFFFFF000  }
0x49: {  	v36 =	vand.u32 $0xF, v34;
	_ =	swait.ge [sflag:s2], $0x1000  }
0x4a: {  	p2 =	slt.u32 s1, $0x2;
	v21 =	vor.u32 v1, v36;
	[sflag:s2] =	ssyncset.done $0x0  }
0x4b: {  	s0 =	simm.s32 @!p2 $0x2;
	[sflag:s2] =	ssyncadd.s32 $0xFFFFF000  }
0x4c: {  	v18 =	vshll.u32 v34, $0x5;
	_ =	swait.ge @!p2 [sflag:s0], $0x4000  }
0x4d: {  	s9 =	sshll.u32 s1, $0xE;
	v30 =	vand.u32 $0x60, v18;
	[sflag:s0] =	ssyncset.done @!p2 $0x0  }
0x4e: {  	s22 =	sand.u32 $0xC000, s9;
	v20 =	vand.u32 $0x180, v18;
	v19 =	vor.u32 v0, v30;
	[sflag:s0] =	ssyncadd.s32 @!p2 $0xFFFFC000  }
0x4f: {  	v23 =	vor.u32 v20, v19;
	v18 =	vld.idx.msk [tilespmem:v21+s22+$0x0], $0xffff  }
0x50: {  	v22 =	vor.u32 v3, v34;
	_ =	sdelay $0x1  }
0x51: {  	s23 =	sand.u32 $0x4000, s9  }
0x52: {  	s0 =	sor.u32 $0x10000, s23  }
0x53: {  	v31 =	vor.u32 $0x200, v20;
	[tilespmem:v23+s0+$0x0] =	vst.idx.msk $0xffff, v18  }
0x54: {  	v24 =	vor.u32 v19, v31;
	v18 =	vld.idx.msk [tilespmem:v22+s22+$0x0], $0xffff  }
0x55: {  	v23 =	vor.u32 v4, v36;
	_ =	sdelay $0x3  }
0x56: {  	v32 =	vor.u32 $0x400, v20;
	[tilespmem:v24+s0+$0x0] =	vst.idx.msk $0xffff, v18  }
0x57: {  	v25 =	vor.u32 v19, v32;
	v18 =	vld.idx.msk [tilespmem:v23+s22+$0x0], $0xffff  }
0x58: {  	v24 =	vor.u32 v5, v34;
	_ =	sdelay $0x3  }
0x59: {  	v33 =	vor.u32 $0x600, v20;
	[tilespmem:v25+s0+$0x0] =	vst.idx.msk $0xffff, v18  }
0x5a: {  	v26 =	vor.u32 v19, v33;
	v18 =	vld.idx.msk [tilespmem:v24+s22+$0x0], $0xffff  }
0x5b: {  	v25 =	vor.u32 v6, v36;
	_ =	sdelay $0x3  }
0x5c: {  	v35 =	vor.u32 $0x800, v20;
	[tilespmem:v26+s0+$0x0] =	vst.idx.msk $0xffff, v18  }
0x5d: {  	v27 =	vor.u32 v19, v35;
	v18 =	vld.idx.msk [tilespmem:v25+s22+$0x0], $0xffff  }
0x5e: {  	v26 =	vor.u32 v7, v34;
	_ =	sdelay $0x3  }
0x5f: {  	v37 =	vor.u32 $0xA00, v20;
	[tilespmem:v27+s0+$0x0] =	vst.idx.msk $0xffff, v18  }
0x60: {  	v28 =	vor.u32 v19, v37;
	v18 =	vld.idx.msk [tilespmem:v26+s22+$0x0], $0xffff  }
0x61: {  	v27 =	vor.u32 v8, v36;
	_ =	sdelay $0x3  }
0x62: {  	v38 =	vor.u32 $0xC00, v20;
	[tilespmem:v28+s0+$0x0] =	vst.idx.msk $0xffff, v18  }
0x63: {  	v29 =	vor.u32 v19, v38;
	v18 =	vld.idx.msk [tilespmem:v27+s22+$0x0], $0xffff  }
0x64: {  	v28 =	vor.u32 v9, v34;
	_ =	sdelay $0x3  }
0x65: {  	v39 =	vor.u32 $0xE00, v20;
	[tilespmem:v29+s0+$0x0] =	vst.idx.msk $0xffff, v18  }
0x66: {  	v40 =	vor.u32 v19, v39;
	v18 =	vld.idx.msk [tilespmem:v28+s22+$0x0], $0xffff  }
0x67: {  	v29 =	vor.u32 v10, v36;
	_ =	sdelay $0x3  }
0x68: {  	[tilespmem:v40+s0+$0x0] =	vst.idx.msk $0xffff, v18;
	v18 =	vor.u32 v2, v30  }
0x69: {  	v40 =	vld.idx.msk [tilespmem:v29+s22+$0x0], $0xffff;
	v41 =	vor.u32 v20, v18  }
0x6a: {  	v30 =	vor.u32 v11, v34;
	_ =	sdelay $0x3  }
0x6b: {  	[tilespmem:v41+s0+$0x0] =	vst.idx.msk $0xffff, v40  }
0x6c: {  	v47 =	vor.u32 v18, v31;
	v40 =	vld.idx.msk [tilespmem:v30+s22+$0x0], $0xffff  }
0x6d: {  	v31 =	vor.u32 v12, v36;
	_ =	sdelay $0x3  }
0x6e: {  	[tilespmem:v47+s0+$0x0] =	vst.idx.msk $0xffff, v40  }
0x6f: {  	v48 =	vor.u32 v18, v32;
	v40 =	vld.idx.msk [tilespmem:v31+s22+$0x0], $0xffff  }
0x70: {  	v32 =	vor.u32 v13, v34;
	_ =	sdelay $0x3  }
0x71: {  	[tilespmem:v48+s0+$0x0] =	vst.idx.msk $0xffff, v40  }
0x72: {  	v49 =	vor.u32 v18, v33;
	v40 =	vld.idx.msk [tilespmem:v32+s22+$0x0], $0xffff  }
0x73: {  	v33 =	vor.u32 v14, v36;
	_ =	sdelay $0x3  }
0x74: {  	[tilespmem:v49+s0+$0x0] =	vst.idx.msk $0xffff, v40  }
0x75: {  	v50 =	vor.u32 v18, v35;
	v40 =	vld.idx.msk [tilespmem:v33+s22+$0x0], $0xffff  }
0x76: {  	v35 =	vor.u32 v15, v34;
	_ =	sdelay $0x3  }
0x77: {  	[tilespmem:v50+s0+$0x0] =	vst.idx.msk $0xffff, v40  }
0x78: {  	v37 =	vor.u32 v18, v37;
	v40 =	vld.idx.msk [tilespmem:v35+s22+$0x0], $0xffff  }
0x79: {  	v36 =	vor.u32 v16, v36;
	_ =	sdelay $0x3  }
0x7a: {  	[tilespmem:v37+s0+$0x0] =	vst.idx.msk $0xffff, v40  }
0x7b: {  	v38 =	vor.u32 v18, v38;
	v37 =	vld.idx.msk [tilespmem:v36+s22+$0x0], $0xffff  }
0x7c: {  	v34 =	vor.u32 v17, v34;
	_ =	sdelay $0x3  }
0x7d: {  	[tilespmem:v38+s0+$0x0] =	vst.idx.msk $0xffff, v37  }
0x7e: {  	v51 =	vor.u32 v18, v39;
	v37 =	vld.idx.msk [tilespmem:v34+s22+$0x0], $0xffff;
	_ =	sdelay $0x4  }
0x7f: {  	v52 =	vor.u32 $0x1000, v20;
	s23 =	sor.u32 $0x1000, s22;
	[tilespmem:v51+s0+$0x0] =	vst.idx.msk $0xffff, v37  }
0x80: {  	v53 =	vor.u32 v19, v52;
	v38 =	vld.idx.msk [tilespmem:v21+s23+$0x0], $0xffff;
	_ =	sdelay $0x4  }
0x81: {  	v54 =	vor.u32 $0x1200, v20;
	[tilespmem:v53+s0+$0x0] =	vst.idx.msk $0xffff, v38  }
0x82: {  	v55 =	vor.u32 v19, v54;
	v39 =	vld.idx.msk [tilespmem:v22+s23+$0x0], $0xffff;
	_ =	sdelay $0x4  }
0x83: {  	v56 =	vor.u32 $0x1400, v20;
	[tilespmem:v55+s0+$0x0] =	vst.idx.msk $0xffff, v39  }
0x84: {  	v57 =	vor.u32 v19, v56;
	v40 =	vld.idx.msk [tilespmem:v23+s23+$0x0], $0xffff;
	_ =	sdelay $0x4  }
0x85: {  	v58 =	vor.u32 $0x1600, v20;
	[tilespmem:v57+s0+$0x0] =	vst.idx.msk $0xffff, v40  }
0x86: {  	v42 =	vor.u32 v19, v58;
	v41 =	vld.idx.msk [tilespmem:v24+s23+$0x0], $0xffff;
	_ =	sdelay $0x4  }
0x87: {  	v59 =	vor.u32 $0x1800, v20;
	[tilespmem:v42+s0+$0x0] =	vst.idx.msk $0xffff, v41  }
0x88: {  	v43 =	vor.u32 v19, v59;
	v42 =	vld.idx.msk [tilespmem:v25+s23+$0x0], $0xffff;
	_ =	sdelay $0x4  }
0x89: {  	v60 =	vor.u32 $0x1A00, v20;
	[tilespmem:v43+s0+$0x0] =	vst.idx.msk $0xffff, v42  }
0x8a: {  	v44 =	vor.u32 v19, v60;
	v43 =	vld.idx.msk [tilespmem:v26+s23+$0x0], $0xffff;
	_ =	sdelay $0x4  }
0x8b: {  	v61 =	vor.u32 $0x1C00, v20;
	[tilespmem:v44+s0+$0x0] =	vst.idx.msk $0xffff, v43  }
0x8c: {  	v45 =	vor.u32 v19, v61;
	v44 =	vld.idx.msk [tilespmem:v27+s23+$0x0], $0xffff;
	_ =	sdelay $0x4  }
0x8d: {  	v62 =	vor.u32 $0x1E00, v20;
	[tilespmem:v45+s0+$0x0] =	vst.idx.msk $0xffff, v44  }
0x8e: {  	v46 =	vor.u32 v19, v62;
	v45 =	vld.idx.msk [tilespmem:v28+s23+$0x0], $0xffff;
	_ =	sdelay $0x4  }
0x8f: {  	[tilespmem:v46+s0+$0x0] =	vst.idx.msk $0xffff, v45  }
0x90: {  	v37 =	vor.u32 v18, v52;
	v45 =	vld.idx.msk [tilespmem:v29+s23+$0x0], $0xffff;
	_ =	sdelay $0x4  }
0x91: {  	[tilespmem:v37+s0+$0x0] =	vst.idx.msk $0xffff, v45  }
0x92: {  	v38 =	vor.u32 v18, v54;
	v37 =	vld.idx.msk [tilespmem:v30+s23+$0x0], $0xffff;
	_ =	sdelay $0x4  }
0x93: {  	[tilespmem:v38+s0+$0x0] =	vst.idx.msk $0xffff, v37  }
0x94: {  	v63 =	vor.u32 v18, v56;
	v37 =	vld.idx.msk [tilespmem:v31+s23+$0x0], $0xffff;
	_ =	sdelay $0x4  }
0x95: {  	[tilespmem:v63+s0+$0x0] =	vst.idx.msk $0xffff, v37  }
0x96: {  	v40 =	vor.u32 v18, v58;
	v37 =	vld.idx.msk [tilespmem:v32+s23+$0x0], $0xffff;
	_ =	sdelay $0x4  }
0x97: {  	[tilespmem:v40+s0+$0x0] =	vst.idx.msk $0xffff, v37  }
0x98: {  	v41 =	vor.u32 v18, v59;
	v37 =	vld.idx.msk [tilespmem:v33+s23+$0x0], $0xffff;
	_ =	sdelay $0x4  }
0x99: {  	[tilespmem:v41+s0+$0x0] =	vst.idx.msk $0xffff, v37  }
0x9a: {  	v45 =	vor.u32 v18, v60;
	v37 =	vld.idx.msk [tilespmem:v35+s23+$0x0], $0xffff;
	_ =	sdelay $0x4  }
0x9b: {  	[tilespmem:v45+s0+$0x0] =	vst.idx.msk $0xffff, v37  }
0x9c: {  	v46 =	vor.u32 v18, v61;
	v37 =	vld.idx.msk [tilespmem:v36+s23+$0x0], $0xffff;
	_ =	sdelay $0x4  }
0x9d: {  	[tilespmem:v46+s0+$0x0] =	vst.idx.msk $0xffff, v37  }
0x9e: {  	v47 =	vor.u32 v18, v62;
	v37 =	vld.idx.msk [tilespmem:v34+s23+$0x0], $0xffff;
	_ =	sdelay $0x4  }
0x9f: {  	s7 =	sor.u32 $0x2000, s22;
	v48 =	vor.u32 $0x2000, v20;
	[tilespmem:v47+s0+$0x0] =	vst.idx.msk $0xffff, v37  }
0xa0: {  	v49 =	vor.u32 v19, v48;
	v38 =	vld.idx.msk [tilespmem:v21+s7+$0x0], $0xffff;
	_ =	sdelay $0x4  }
0xa1: {  	v50 =	vor.u32 $0x2200, v20;
	[tilespmem:v49+s0+$0x0] =	vst.idx.msk $0xffff, v38  }
0xa2: {  	v51 =	vor.u32 v19, v50;
	v39 =	vld.idx.msk [tilespmem:v22+s7+$0x0], $0xffff;
	_ =	sdelay $0x4  }
0xa3: {  	v52 =	vor.u32 $0x2400, v20;
	[tilespmem:v51+s0+$0x0] =	vst.idx.msk $0xffff, v39  }
0xa4: {  	v53 =	vor.u32 v19, v52;
	v40 =	vld.idx.msk [tilespmem:v23+s7+$0x0], $0xffff;
	_ =	sdelay $0x4  }
0xa5: {  	v54 =	vor.u32 $0x2600, v20;
	[tilespmem:v53+s0+$0x0] =	vst.idx.msk $0xffff, v40  }
0xa6: {  	v55 =	vor.u32 v19, v54;
	v41 =	vld.idx.msk [tilespmem:v24+s7+$0x0], $0xffff;
	_ =	sdelay $0x4  }
0xa7: {  	v56 =	vor.u32 $0x2800, v20;
	[tilespmem:v55+s0+$0x0] =	vst.idx.msk $0xffff, v41  }
0xa8: {  	v57 =	vor.u32 v19, v56;
	v42 =	vld.idx.msk [tilespmem:v25+s7+$0x0], $0xffff;
	_ =	sdelay $0x4  }
0xa9: {  	v58 =	vor.u32 $0x2A00, v20;
	[tilespmem:v57+s0+$0x0] =	vst.idx.msk $0xffff, v42  }
0xaa: {  	v59 =	vor.u32 v19, v58;
	v43 =	vld.idx.msk [tilespmem:v26+s7+$0x0], $0xffff;
	_ =	sdelay $0x4  }
0xab: {  	v60 =	vor.u32 $0x2C00, v20;
	[tilespmem:v59+s0+$0x0] =	vst.idx.msk $0xffff, v43  }
0xac: {  	v61 =	vor.u32 v19, v60;
	v44 =	vld.idx.msk [tilespmem:v27+s7+$0x0], $0xffff;
	_ =	sdelay $0x4  }
0xad: {  	v62 =	vor.u32 $0x2E00, v20;
	[tilespmem:v61+s0+$0x0] =	vst.idx.msk $0xffff, v44  }
0xae: {  	v63 =	vor.u32 v19, v62;
	v45 =	vld.idx.msk [tilespmem:v28+s7+$0x0], $0xffff;
	_ =	sdelay $0x4  }
0xaf: {  	[tilespmem:v63+s0+$0x0] =	vst.idx.msk $0xffff, v45  }
0xb0: {  	v37 =	vor.u32 v18, v48;
	v45 =	vld.idx.msk [tilespmem:v29+s7+$0x0], $0xffff;
	_ =	sdelay $0x4  }
0xb1: {  	[tilespmem:v37+s0+$0x0] =	vst.idx.msk $0xffff, v45  }
0xb2: {  	v38 =	vor.u32 v18, v50;
	v37 =	vld.idx.msk [tilespmem:v30+s7+$0x0], $0xffff;
	_ =	sdelay $0x4  }
0xb3: {  	[tilespmem:v38+s0+$0x0] =	vst.idx.msk $0xffff, v37  }
0xb4: {  	v46 =	vor.u32 v18, v52;
	v37 =	vld.idx.msk [tilespmem:v31+s7+$0x0], $0xffff;
	_ =	sdelay $0x4  }
0xb5: {  	[tilespmem:v46+s0+$0x0] =	vst.idx.msk $0xffff, v37  }
0xb6: {  	v47 =	vor.u32 v18, v54;
	v37 =	vld.idx.msk [tilespmem:v32+s7+$0x0], $0xffff;
	_ =	sdelay $0x4  }
0xb7: {  	[tilespmem:v47+s0+$0x0] =	vst.idx.msk $0xffff, v37  }
0xb8: {  	v48 =	vor.u32 v18, v56;
	v37 =	vld.idx.msk [tilespmem:v33+s7+$0x0], $0xffff;
	_ =	sdelay $0x4  }
0xb9: {  	[tilespmem:v48+s0+$0x0] =	vst.idx.msk $0xffff, v37  }
0xba: {  	v49 =	vor.u32 v18, v58;
	v37 =	vld.idx.msk [tilespmem:v35+s7+$0x0], $0xffff;
	_ =	sdelay $0x4  }
0xbb: {  	[tilespmem:v49+s0+$0x0] =	vst.idx.msk $0xffff, v37  }
0xbc: {  	v50 =	vor.u32 v18, v60;
	v37 =	vld.idx.msk [tilespmem:v36+s7+$0x0], $0xffff;
	_ =	sdelay $0x4  }
0xbd: {  	[tilespmem:v50+s0+$0x0] =	vst.idx.msk $0xffff, v37  }
0xbe: {  	v51 =	vor.u32 v18, v62;
	v37 =	vld.idx.msk [tilespmem:v34+s7+$0x0], $0xffff;
	_ =	sdelay $0x4  }
0xbf: {  	s8 =	sor.u32 $0x3000, s22;
	v52 =	vor.u32 $0x3000, v20;
	[tilespmem:v51+s0+$0x0] =	vst.idx.msk $0xffff, v37  }
0xc0: {  	v53 =	vor.u32 v19, v52;
	v21 =	vld.idx.msk [tilespmem:v21+s8+$0x0], $0xffff;
	_ =	sdelay $0x4  }
0xc1: {  	[tilespmem:v53+s0+$0x0] =	vst.idx.msk $0xffff, v21;
	v21 =	vor.u32 $0x3200, v20  }
0xc2: {  	v22 =	vld.idx.msk [tilespmem:v22+s8+$0x0], $0xffff;
	v54 =	vor.u32 v19, v21;
	_ =	sdelay $0x4  }
0xc3: {  	[tilespmem:v54+s0+$0x0] =	vst.idx.msk $0xffff, v22;
	v22 =	vor.u32 $0x3400, v20  }
0xc4: {  	v23 =	vld.idx.msk [tilespmem:v23+s8+$0x0], $0xffff;
	v55 =	vor.u32 v19, v22;
	_ =	sdelay $0x4  }
0xc5: {  	[tilespmem:v55+s0+$0x0] =	vst.idx.msk $0xffff, v23;
	v23 =	vor.u32 $0x3600, v20  }
0xc6: {  	v24 =	vld.idx.msk [tilespmem:v24+s8+$0x0], $0xffff;
	v56 =	vor.u32 v19, v23;
	_ =	sdelay $0x4  }
0xc7: {  	v57 =	vor.u32 $0x3800, v20;
	[tilespmem:v56+s0+$0x0] =	vst.idx.msk $0xffff, v24  }
0xc8: {  	v58 =	vor.u32 v19, v57;
	v25 =	vld.idx.msk [tilespmem:v25+s8+$0x0], $0xffff;
	_ =	sdelay $0x4  }
0xc9: {  	v59 =	vor.u32 $0x3A00, v20;
	[tilespmem:v58+s0+$0x0] =	vst.idx.msk $0xffff, v25  }
0xca: {  	v60 =	vor.u32 v19, v59;
	v26 =	vld.idx.msk [tilespmem:v26+s8+$0x0], $0xffff;
	_ =	sdelay $0x4  }
0xcb: {  	v61 =	vor.u32 $0x3C00, v20;
	[tilespmem:v60+s0+$0x0] =	vst.idx.msk $0xffff, v26  }
0xcc: {  	v62 =	vor.u32 v19, v61;
	v27 =	vld.idx.msk [tilespmem:v27+s8+$0x0], $0xffff;
	_ =	sdelay $0x4  }
0xcd: {  	v20 =	vor.u32 $0x3E00, v20;
	[tilespmem:v62+s0+$0x0] =	vst.idx.msk $0xffff, v27  }
0xce: {  	v19 =	vor.u32 v19, v20;
	v27 =	vld.idx.msk [tilespmem:v28+s8+$0x0], $0xffff;
	_ =	sdelay $0x4  }
0xcf: {  	[tilespmem:v19+s0+$0x0] =	vst.idx.msk $0xffff, v27  }
0xd0: {  	v63 =	vor.u32 v18, v52;
	v19 =	vld.idx.msk [tilespmem:v29+s8+$0x0], $0xffff;
	_ =	sdelay $0x4  }
0xd1: {  	[tilespmem:v63+s0+$0x0] =	vst.idx.msk $0xffff, v19  }
0xd2: {  	v21 =	vor.u32 v18, v21;
	v19 =	vld.idx.msk [tilespmem:v30+s8+$0x0], $0xffff;
	_ =	sdelay $0x4  }
0xd3: {  	[tilespmem:v21+s0+$0x0] =	vst.idx.msk $0xffff, v19  }
0xd4: {  	v21 =	vor.u32 v18, v22;
	v19 =	vld.idx.msk [tilespmem:v31+s8+$0x0], $0xffff;
	_ =	sdelay $0x4  }
0xd5: {  	[tilespmem:v21+s0+$0x0] =	vst.idx.msk $0xffff, v19  }
0xd6: {  	v21 =	vor.u32 v18, v23;
	v19 =	vld.idx.msk [tilespmem:v32+s8+$0x0], $0xffff;
	_ =	sdelay $0x4  }
0xd7: {  	[tilespmem:v21+s0+$0x0] =	vst.idx.msk $0xffff, v19  }
0xd8: {  	v21 =	vor.u32 v18, v57;
	v19 =	vld.idx.msk [tilespmem:v33+s8+$0x0], $0xffff;
	_ =	sdelay $0x4  }
0xd9: {  	[tilespmem:v21+s0+$0x0] =	vst.idx.msk $0xffff, v19  }
0xda: {  	v21 =	vor.u32 v18, v59;
	v19 =	vld.idx.msk [tilespmem:v35+s8+$0x0], $0xffff;
	_ =	sdelay $0x4  }
0xdb: {  	[tilespmem:v21+s0+$0x0] =	vst.idx.msk $0xffff, v19  }
0xdc: {  	v21 =	vor.u32 v18, v61;
	v19 =	vld.idx.msk [tilespmem:v36+s8+$0x0], $0xffff;
	_ =	sdelay $0x4  }
0xdd: {  	s9 =	simm.s32 $0x1;
	[tilespmem:v21+s0+$0x0] =	vst.idx.msk $0xffff, v19  }
0xde: {  	v37 =	vadd.s32 s9, v0;
	s9 =	simm.s32 $0x2;
	v19 =	vld.idx.msk [tilespmem:v34+s8+$0x0], $0xffff  }
.LBB2_3:
0xdf: {  	p2 =	sne.s32 s9, $0xF;
	v35 =	vand.u32 $0xF, v37;
	v18 =	vor.u32 v18, v20  }
0xe0: {  	v21 =	vor.u32 v1, v35;
	_ =	sdelay $0x2  }
0xe1: {  	v20 =	vshll.u32 v37, $0x5  }
0xe2: {  	v30 =	vand.u32 $0x60, v20;
	[tilespmem:v18+s0+$0x0] =	vst.idx.msk $0xffff, v19  }
0xe3: {  	v20 =	vand.u32 $0x180, v20;
	v19 =	vor.u32 v0, v30;
	v18 =	vld.idx.msk [tilespmem:v21+s22+$0x0], $0xffff  }
0xe4: {  	v23 =	vor.u32 v20, v19  }
0xe5: {  	v22 =	vor.u32 v3, v37;
	_ =	sdelay $0x3  }
0xe6: {  	[tilespmem:v23+s0+$0x0] =	vst.idx.msk $0xffff, v18  }
0xe7: {  	v31 =	vor.u32 $0x200, v20;
	v18 =	vld.idx.msk [tilespmem:v22+s22+$0x0], $0xffff  }
0xe8: {  	v24 =	vor.u32 v19, v31  }
0xe9: {  	v23 =	vor.u32 v4, v35;
	_ =	sdelay $0x3  }
0xea: {  	[tilespmem:v24+s0+$0x0] =	vst.idx.msk $0xffff, v18  }
0xeb: {  	v32 =	vor.u32 $0x400, v20;
	v18 =	vld.idx.msk [tilespmem:v23+s22+$0x0], $0xffff  }
0xec: {  	v25 =	vor.u32 v19, v32  }
0xed: {  	v24 =	vor.u32 v5, v37;
	_ =	sdelay $0x3  }
0xee: {  	[tilespmem:v25+s0+$0x0] =	vst.idx.msk $0xffff, v18  }
0xef: {  	v33 =	vor.u32 $0x600, v20;
	v18 =	vld.idx.msk [tilespmem:v24+s22+$0x0], $0xffff  }
0xf0: {  	v26 =	vor.u32 v19, v33  }
0xf1: {  	v25 =	vor.u32 v6, v35;
	_ =	sdelay $0x3  }
0xf2: {  	[tilespmem:v26+s0+$0x0] =	vst.idx.msk $0xffff, v18  }
0xf3: {  	v34 =	vor.u32 $0x800, v20;
	v18 =	vld.idx.msk [tilespmem:v25+s22+$0x0], $0xffff  }
0xf4: {  	v27 =	vor.u32 v19, v34  }
0xf5: {  	v26 =	vor.u32 v7, v37;
	_ =	sdelay $0x3  }
0xf6: {  	[tilespmem:v27+s0+$0x0] =	vst.idx.msk $0xffff, v18  }
0xf7: {  	v36 =	vor.u32 $0xA00, v20;
	v18 =	vld.idx.msk [tilespmem:v26+s22+$0x0], $0xffff  }
0xf8: {  	v28 =	vor.u32 v19, v36  }
0xf9: {  	v27 =	vor.u32 v8, v35;
	_ =	sdelay $0x3  }
0xfa: {  	[tilespmem:v28+s0+$0x0] =	vst.idx.msk $0xffff, v18  }
0xfb: {  	v38 =	vor.u32 $0xC00, v20;
	v18 =	vld.idx.msk [tilespmem:v27+s22+$0x0], $0xffff  }
0xfc: {  	v29 =	vor.u32 v19, v38  }
0xfd: {  	v28 =	vor.u32 v9, v37;
	_ =	sdelay $0x3  }
0xfe: {  	[tilespmem:v29+s0+$0x0] =	vst.idx.msk $0xffff, v18  }
0xff: {  	v39 =	vor.u32 $0xE00, v20;
	v18 =	vld.idx.msk [tilespmem:v28+s22+$0x0], $0xffff  }
0x100: {  	v40 =	vor.u32 v19, v39  }
0x101: {  	v29 =	vor.u32 v10, v35;
	_ =	sdelay $0x3  }
0x102: {  	[tilespmem:v40+s0+$0x0] =	vst.idx.msk $0xffff, v18  }
0x103: {  	v18 =	vor.u32 v2, v30;
	v40 =	vld.idx.msk [tilespmem:v29+s22+$0x0], $0xffff  }
0x104: {  	v41 =	vor.u32 v20, v18  }
0x105: {  	v30 =	vor.u32 v11, v37;
	_ =	sdelay $0x3  }
0x106: {  	[tilespmem:v41+s0+$0x0] =	vst.idx.msk $0xffff, v40  }
0x107: {  	v40 =	vld.idx.msk [tilespmem:v30+s22+$0x0], $0xffff  }
0x108: {  	v41 =	vor.u32 v18, v31  }
0x109: {  	v31 =	vor.u32 v12, v35;
	_ =	sdelay $0x3  }
0x10a: {  	[tilespmem:v41+s0+$0x0] =	vst.idx.msk $0xffff, v40  }
0x10b: {  	v40 =	vld.idx.msk [tilespmem:v31+s22+$0x0], $0xffff  }
0x10c: {  	v41 =	vor.u32 v18, v32  }
0x10d: {  	v32 =	vor.u32 v13, v37;
	_ =	sdelay $0x3  }
0x10e: {  	[tilespmem:v41+s0+$0x0] =	vst.idx.msk $0xffff, v40  }
0x10f: {  	v40 =	vld.idx.msk [tilespmem:v32+s22+$0x0], $0xffff  }
0x110: {  	v41 =	vor.u32 v18, v33  }
0x111: {  	v33 =	vor.u32 v14, v35;
	_ =	sdelay $0x3  }
0x112: {  	[tilespmem:v41+s0+$0x0] =	vst.idx.msk $0xffff, v40  }
0x113: {  	v40 =	vld.idx.msk [tilespmem:v33+s22+$0x0], $0xffff  }
0x114: {  	v41 =	vor.u32 v18, v34  }
0x115: {  	v34 =	vor.u32 v15, v37;
	_ =	sdelay $0x3  }
0x116: {  	[tilespmem:v41+s0+$0x0] =	vst.idx.msk $0xffff, v40  }
0x117: {  	v40 =	vld.idx.msk [tilespmem:v34+s22+$0x0], $0xffff  }
0x118: {  	v41 =	vor.u32 v18, v36  }
0x119: {  	v36 =	vor.u32 v16, v35;
	_ =	sdelay $0x3  }
0x11a: {  	[tilespmem:v41+s0+$0x0] =	vst.idx.msk $0xffff, v40  }
0x11b: {  	v40 =	vld.idx.msk [tilespmem:v36+s22+$0x0], $0xffff  }
0x11c: {  	v38 =	vor.u32 v18, v38  }
0x11d: {  	v35 =	vor.u32 v17, v37;
	_ =	sdelay $0x3  }
0x11e: {  	[tilespmem:v38+s0+$0x0] =	vst.idx.msk $0xffff, v40  }
0x11f: {  	v37 =	vld.idx.msk [tilespmem:v35+s22+$0x0], $0xffff  }
0x120: {  	v38 =	vor.u32 v18, v39;
	_ =	sdelay $0x4  }
0x121: {  	[tilespmem:v38+s0+$0x0] =	vst.idx.msk $0xffff, v37  }
0x122: {  	v38 =	vor.u32 $0x1000, v20;
	v37 =	vld.idx.msk [tilespmem:v21+s23+$0x0], $0xffff  }
0x123: {  	v39 =	vor.u32 v19, v38;
	_ =	sdelay $0x4  }
0x124: {  	[tilespmem:v39+s0+$0x0] =	vst.idx.msk $0xffff, v37  }
0x125: {  	v39 =	vor.u32 $0x1200, v20;
	v37 =	vld.idx.msk [tilespmem:v22+s23+$0x0], $0xffff  }
0x126: {  	v40 =	vor.u32 v19, v39;
	_ =	sdelay $0x4  }
0x127: {  	[tilespmem:v40+s0+$0x0] =	vst.idx.msk $0xffff, v37  }
0x128: {  	v40 =	vor.u32 $0x1400, v20;
	v37 =	vld.idx.msk [tilespmem:v23+s23+$0x0], $0xffff  }
0x129: {  	v41 =	vor.u32 v19, v40;
	_ =	sdelay $0x4  }
0x12a: {  	[tilespmem:v41+s0+$0x0] =	vst.idx.msk $0xffff, v37  }
0x12b: {  	v41 =	vor.u32 $0x1600, v20;
	v37 =	vld.idx.msk [tilespmem:v24+s23+$0x0], $0xffff  }
0x12c: {  	v42 =	vor.u32 v19, v41;
	_ =	sdelay $0x4  }
0x12d: {  	[tilespmem:v42+s0+$0x0] =	vst.idx.msk $0xffff, v37  }
0x12e: {  	v42 =	vor.u32 $0x1800, v20;
	v37 =	vld.idx.msk [tilespmem:v25+s23+$0x0], $0xffff  }
0x12f: {  	v43 =	vor.u32 v19, v42;
	_ =	sdelay $0x4  }
0x130: {  	[tilespmem:v43+s0+$0x0] =	vst.idx.msk $0xffff, v37  }
0x131: {  	v43 =	vor.u32 $0x1A00, v20;
	v37 =	vld.idx.msk [tilespmem:v26+s23+$0x0], $0xffff  }
0x132: {  	v44 =	vor.u32 v19, v43;
	_ =	sdelay $0x4  }
0x133: {  	[tilespmem:v44+s0+$0x0] =	vst.idx.msk $0xffff, v37  }
0x134: {  	v44 =	vor.u32 $0x1C00, v20;
	v37 =	vld.idx.msk [tilespmem:v27+s23+$0x0], $0xffff  }
0x135: {  	v45 =	vor.u32 v19, v44;
	_ =	sdelay $0x4  }
0x136: {  	[tilespmem:v45+s0+$0x0] =	vst.idx.msk $0xffff, v37  }
0x137: {  	v45 =	vor.u32 $0x1E00, v20;
	v37 =	vld.idx.msk [tilespmem:v28+s23+$0x0], $0xffff  }
0x138: {  	v46 =	vor.u32 v19, v45;
	_ =	sdelay $0x4  }
0x139: {  	[tilespmem:v46+s0+$0x0] =	vst.idx.msk $0xffff, v37  }
0x13a: {  	v37 =	vld.idx.msk [tilespmem:v29+s23+$0x0], $0xffff  }
0x13b: {  	v38 =	vor.u32 v18, v38;
	_ =	sdelay $0x4  }
0x13c: {  	[tilespmem:v38+s0+$0x0] =	vst.idx.msk $0xffff, v37  }
0x13d: {  	v37 =	vld.idx.msk [tilespmem:v30+s23+$0x0], $0xffff  }
0x13e: {  	v38 =	vor.u32 v18, v39;
	_ =	sdelay $0x4  }
0x13f: {  	[tilespmem:v38+s0+$0x0] =	vst.idx.msk $0xffff, v37  }
0x140: {  	v37 =	vld.idx.msk [tilespmem:v31+s23+$0x0], $0xffff  }
0x141: {  	v38 =	vor.u32 v18, v40;
	_ =	sdelay $0x4  }
0x142: {  	[tilespmem:v38+s0+$0x0] =	vst.idx.msk $0xffff, v37  }
0x143: {  	v37 =	vld.idx.msk [tilespmem:v32+s23+$0x0], $0xffff  }
0x144: {  	v38 =	vor.u32 v18, v41;
	_ =	sdelay $0x4  }
0x145: {  	[tilespmem:v38+s0+$0x0] =	vst.idx.msk $0xffff, v37  }
0x146: {  	v37 =	vld.idx.msk [tilespmem:v33+s23+$0x0], $0xffff  }
0x147: {  	v38 =	vor.u32 v18, v42;
	_ =	sdelay $0x4  }
0x148: {  	[tilespmem:v38+s0+$0x0] =	vst.idx.msk $0xffff, v37  }
0x149: {  	v37 =	vld.idx.msk [tilespmem:v34+s23+$0x0], $0xffff  }
0x14a: {  	v38 =	vor.u32 v18, v43;
	_ =	sdelay $0x4  }
0x14b: {  	[tilespmem:v38+s0+$0x0] =	vst.idx.msk $0xffff, v37  }
0x14c: {  	v37 =	vld.idx.msk [tilespmem:v36+s23+$0x0], $0xffff  }
0x14d: {  	v38 =	vor.u32 v18, v44;
	_ =	sdelay $0x4  }
0x14e: {  	[tilespmem:v38+s0+$0x0] =	vst.idx.msk $0xffff, v37  }
0x14f: {  	v37 =	vld.idx.msk [tilespmem:v35+s23+$0x0], $0xffff  }
0x150: {  	v38 =	vor.u32 v18, v45;
	_ =	sdelay $0x4  }
0x151: {  	[tilespmem:v38+s0+$0x0] =	vst.idx.msk $0xffff, v37  }
0x152: {  	v38 =	vor.u32 $0x2000, v20;
	v37 =	vld.idx.msk [tilespmem:v21+s7+$0x0], $0xffff  }
0x153: {  	v39 =	vor.u32 v19, v38;
	_ =	sdelay $0x4  }
0x154: {  	[tilespmem:v39+s0+$0x0] =	vst.idx.msk $0xffff, v37  }
0x155: {  	v39 =	vor.u32 $0x2200, v20;
	v37 =	vld.idx.msk [tilespmem:v22+s7+$0x0], $0xffff  }
0x156: {  	v40 =	vor.u32 v19, v39;
	_ =	sdelay $0x4  }
0x157: {  	[tilespmem:v40+s0+$0x0] =	vst.idx.msk $0xffff, v37  }
0x158: {  	v40 =	vor.u32 $0x2400, v20;
	v37 =	vld.idx.msk [tilespmem:v23+s7+$0x0], $0xffff  }
0x159: {  	v41 =	vor.u32 v19, v40;
	_ =	sdelay $0x4  }
0x15a: {  	[tilespmem:v41+s0+$0x0] =	vst.idx.msk $0xffff, v37  }
0x15b: {  	v41 =	vor.u32 $0x2600, v20;
	v37 =	vld.idx.msk [tilespmem:v24+s7+$0x0], $0xffff  }
0x15c: {  	v42 =	vor.u32 v19, v41;
	_ =	sdelay $0x4  }
0x15d: {  	[tilespmem:v42+s0+$0x0] =	vst.idx.msk $0xffff, v37  }
0x15e: {  	v42 =	vor.u32 $0x2800, v20;
	v37 =	vld.idx.msk [tilespmem:v25+s7+$0x0], $0xffff  }
0x15f: {  	v43 =	vor.u32 v19, v42;
	_ =	sdelay $0x4  }
0x160: {  	[tilespmem:v43+s0+$0x0] =	vst.idx.msk $0xffff, v37  }
0x161: {  	v43 =	vor.u32 $0x2A00, v20;
	v37 =	vld.idx.msk [tilespmem:v26+s7+$0x0], $0xffff  }
0x162: {  	v44 =	vor.u32 v19, v43;
	_ =	sdelay $0x4  }
0x163: {  	[tilespmem:v44+s0+$0x0] =	vst.idx.msk $0xffff, v37  }
0x164: {  	v44 =	vor.u32 $0x2C00, v20;
	v37 =	vld.idx.msk [tilespmem:v27+s7+$0x0], $0xffff  }
0x165: {  	v45 =	vor.u32 v19, v44;
	_ =	sdelay $0x4  }
0x166: {  	[tilespmem:v45+s0+$0x0] =	vst.idx.msk $0xffff, v37  }
0x167: {  	v45 =	vor.u32 $0x2E00, v20;
	v37 =	vld.idx.msk [tilespmem:v28+s7+$0x0], $0xffff  }
0x168: {  	v46 =	vor.u32 v19, v45;
	_ =	sdelay $0x4  }
0x169: {  	[tilespmem:v46+s0+$0x0] =	vst.idx.msk $0xffff, v37  }
0x16a: {  	v37 =	vld.idx.msk [tilespmem:v29+s7+$0x0], $0xffff  }
0x16b: {  	v38 =	vor.u32 v18, v38;
	_ =	sdelay $0x4  }
0x16c: {  	[tilespmem:v38+s0+$0x0] =	vst.idx.msk $0xffff, v37  }
0x16d: {  	v37 =	vld.idx.msk [tilespmem:v30+s7+$0x0], $0xffff  }
0x16e: {  	v38 =	vor.u32 v18, v39;
	_ =	sdelay $0x4  }
0x16f: {  	[tilespmem:v38+s0+$0x0] =	vst.idx.msk $0xffff, v37  }
0x170: {  	v37 =	vld.idx.msk [tilespmem:v31+s7+$0x0], $0xffff  }
0x171: {  	v38 =	vor.u32 v18, v40;
	_ =	sdelay $0x4  }
0x172: {  	[tilespmem:v38+s0+$0x0] =	vst.idx.msk $0xffff, v37  }
0x173: {  	v37 =	vld.idx.msk [tilespmem:v32+s7+$0x0], $0xffff  }
0x174: {  	v38 =	vor.u32 v18, v41;
	_ =	sdelay $0x4  }
0x175: {  	[tilespmem:v38+s0+$0x0] =	vst.idx.msk $0xffff, v37  }
0x176: {  	v37 =	vld.idx.msk [tilespmem:v33+s7+$0x0], $0xffff  }
0x177: {  	v38 =	vor.u32 v18, v42;
	_ =	sdelay $0x4  }
0x178: {  	[tilespmem:v38+s0+$0x0] =	vst.idx.msk $0xffff, v37  }
0x179: {  	v37 =	vld.idx.msk [tilespmem:v34+s7+$0x0], $0xffff  }
0x17a: {  	v38 =	vor.u32 v18, v43;
	_ =	sdelay $0x4  }
0x17b: {  	[tilespmem:v38+s0+$0x0] =	vst.idx.msk $0xffff, v37  }
0x17c: {  	v37 =	vld.idx.msk [tilespmem:v36+s7+$0x0], $0xffff  }
0x17d: {  	v38 =	vor.u32 v18, v44;
	_ =	sdelay $0x4  }
0x17e: {  	[tilespmem:v38+s0+$0x0] =	vst.idx.msk $0xffff, v37  }
0x17f: {  	v37 =	vld.idx.msk [tilespmem:v35+s7+$0x0], $0xffff  }
0x180: {  	v38 =	vor.u32 v18, v45;
	_ =	sdelay $0x4  }
0x181: {  	[tilespmem:v38+s0+$0x0] =	vst.idx.msk $0xffff, v37  }
0x182: {  	v37 =	vor.u32 $0x3000, v20;
	v21 =	vld.idx.msk [tilespmem:v21+s8+$0x0], $0xffff  }
0x183: {  	v38 =	vor.u32 v19, v37;
	_ =	sdelay $0x4  }
0x184: {  	[tilespmem:v38+s0+$0x0] =	vst.idx.msk $0xffff, v21  }
0x185: {  	v21 =	vld.idx.msk [tilespmem:v22+s8+$0x0], $0xffff;
	v22 =	vor.u32 $0x3200, v20  }
0x186: {  	v38 =	vor.u32 v19, v22;
	_ =	sdelay $0x4  }
0x187: {  	[tilespmem:v38+s0+$0x0] =	vst.idx.msk $0xffff, v21  }
0x188: {  	v21 =	vld.idx.msk [tilespmem:v23+s8+$0x0], $0xffff;
	v23 =	vor.u32 $0x3400, v20  }
0x189: {  	v38 =	vor.u32 v19, v23;
	_ =	sdelay $0x4  }
0x18a: {  	[tilespmem:v38+s0+$0x0] =	vst.idx.msk $0xffff, v21  }
0x18b: {  	v21 =	vld.idx.msk [tilespmem:v24+s8+$0x0], $0xffff;
	v24 =	vor.u32 $0x3600, v20  }
0x18c: {  	v38 =	vor.u32 v19, v24;
	_ =	sdelay $0x4  }
0x18d: {  	[tilespmem:v38+s0+$0x0] =	vst.idx.msk $0xffff, v21  }
0x18e: {  	v21 =	vld.idx.msk [tilespmem:v25+s8+$0x0], $0xffff;
	v25 =	vor.u32 $0x3800, v20  }
0x18f: {  	v38 =	vor.u32 v19, v25;
	_ =	sdelay $0x4  }
0x190: {  	[tilespmem:v38+s0+$0x0] =	vst.idx.msk $0xffff, v21  }
0x191: {  	v21 =	vld.idx.msk [tilespmem:v26+s8+$0x0], $0xffff;
	v26 =	vor.u32 $0x3A00, v20  }
0x192: {  	v38 =	vor.u32 v19, v26;
	_ =	sdelay $0x4  }
0x193: {  	[tilespmem:v38+s0+$0x0] =	vst.idx.msk $0xffff, v21  }
0x194: {  	v21 =	vld.idx.msk [tilespmem:v27+s8+$0x0], $0xffff;
	v27 =	vor.u32 $0x3C00, v20  }
0x195: {  	v38 =	vor.u32 v19, v27;
	_ =	sdelay $0x4  }
0x196: {  	[tilespmem:v38+s0+$0x0] =	vst.idx.msk $0xffff, v21  }
0x197: {  	v20 =	vor.u32 $0x3E00, v20;
	v21 =	vld.idx.msk [tilespmem:v28+s8+$0x0], $0xffff  }
0x198: {  	v19 =	vor.u32 v19, v20;
	_ =	sdelay $0x4  }
0x199: {  	[tilespmem:v19+s0+$0x0] =	vst.idx.msk $0xffff, v21  }
0x19a: {  	v19 =	vld.idx.msk [tilespmem:v29+s8+$0x0], $0xffff  }
0x19b: {  	v21 =	vor.u32 v18, v37;
	_ =	sdelay $0x4  }
0x19c: {  	[tilespmem:v21+s0+$0x0] =	vst.idx.msk $0xffff, v19  }
0x19d: {  	v19 =	vld.idx.msk [tilespmem:v30+s8+$0x0], $0xffff  }
0x19e: {  	v21 =	vor.u32 v18, v22;
	_ =	sdelay $0x4  }
0x19f: {  	[tilespmem:v21+s0+$0x0] =	vst.idx.msk $0xffff, v19  }
0x1a0: {  	v19 =	vld.idx.msk [tilespmem:v31+s8+$0x0], $0xffff  }
0x1a1: {  	v21 =	vor.u32 v18, v23;
	_ =	sdelay $0x4  }
0x1a2: {  	[tilespmem:v21+s0+$0x0] =	vst.idx.msk $0xffff, v19  }
0x1a3: {  	v19 =	vld.idx.msk [tilespmem:v32+s8+$0x0], $0xffff  }
0x1a4: {  	v21 =	vor.u32 v18, v24;
	_ =	sdelay $0x4  }
0x1a5: {  	[tilespmem:v21+s0+$0x0] =	vst.idx.msk $0xffff, v19  }
0x1a6: {  	v19 =	vld.idx.msk [tilespmem:v33+s8+$0x0], $0xffff  }
0x1a7: {  	v21 =	vor.u32 v18, v25;
	_ =	sdelay $0x4  }
0x1a8: {  	[tilespmem:v21+s0+$0x0] =	vst.idx.msk $0xffff, v19  }
0x1a9: {  	v19 =	vld.idx.msk [tilespmem:v34+s8+$0x0], $0xffff  }
0x1aa: {  	v21 =	vor.u32 v18, v26;
	_ =	sdelay $0x4  }
0x1ab: {  	[tilespmem:v21+s0+$0x0] =	vst.idx.msk $0xffff, v19  }
0x1ac: {  	v19 =	vld.idx.msk [tilespmem:v36+s8+$0x0], $0xffff  }
0x1ad: {  	v21 =	vor.u32 v18, v27;
	_ =	sdelay $0x1  }
.Ltmp2:
0x1ae: {  	(pc) =	sbr.rel @p2 .LBB2_3-.Ltmp2, $3  }
0x1af: {  	_ =	sdelay $0x1  }
0x1b0: {  	[tilespmem:v21+s0+$0x0] =	vst.idx.msk $0xffff, v19  }
0x1b1: {  	v37 =	vadd.s32 s9, v0;
	s9 =	sadd.s32 $0x1, s9;
	v19 =	vld.idx.msk [tilespmem:v35+s8+$0x0], $0xffff  }
0x1b2: {  	v35 =	vand.u32 $0xF, v37;
	v18 =	vor.u32 v18, v20  }
0x1b3: {  	v21 =	vor.u32 v1, v35;
	_ =	sdelay $0x1  }
0x1b4: {  	v56 =	vshll.u32 v37, $0x5  }
0x1b5: {  	v30 =	vand.u32 $0x60, v56  }
0x1b6: {  	[tilespmem:v18+s0+$0x0] =	vst.idx.msk $0xffff, v19;
	v18 =	vor.u32 v0, v30;
	v19 =	vand.u32 $0x180, v56  }
0x1b7: {  	v57 =	vld.idx.msk [tilespmem:v21+s22+$0x0], $0xffff;
	v23 =	vor.u32 v19, v18  }
0x1b8: {  	v22 =	vor.u32 v3, v37;
	_ =	sdelay $0x3  }
0x1b9: {  	v31 =	vor.u32 $0x200, v19;
	[tilespmem:v23+s0+$0x0] =	vst.idx.msk $0xffff, v57  }
0x1ba: {  	v24 =	vor.u32 v18, v31;
	v20 =	vld.idx.msk [tilespmem:v22+s22+$0x0], $0xffff  }
0x1bb: {  	v23 =	vor.u32 v4, v35;
	_ =	sdelay $0x3  }
0x1bc: {  	v32 =	vor.u32 $0x400, v19;
	[tilespmem:v24+s0+$0x0] =	vst.idx.msk $0xffff, v20  }
0x1bd: {  	v25 =	vor.u32 v18, v32;
	v20 =	vld.idx.msk [tilespmem:v23+s22+$0x0], $0xffff  }
0x1be: {  	v24 =	vor.u32 v5, v37;
	_ =	sdelay $0x3  }
0x1bf: {  	v33 =	vor.u32 $0x600, v19;
	[tilespmem:v25+s0+$0x0] =	vst.idx.msk $0xffff, v20  }
0x1c0: {  	v26 =	vor.u32 v18, v33;
	v20 =	vld.idx.msk [tilespmem:v24+s22+$0x0], $0xffff  }
0x1c1: {  	v25 =	vor.u32 v6, v35;
	_ =	sdelay $0x3  }
0x1c2: {  	v34 =	vor.u32 $0x800, v19;
	[tilespmem:v26+s0+$0x0] =	vst.idx.msk $0xffff, v20  }
0x1c3: {  	v27 =	vor.u32 v18, v34;
	v20 =	vld.idx.msk [tilespmem:v25+s22+$0x0], $0xffff  }
0x1c4: {  	v26 =	vor.u32 v7, v37;
	_ =	sdelay $0x3  }
0x1c5: {  	v36 =	vor.u32 $0xA00, v19;
	[tilespmem:v27+s0+$0x0] =	vst.idx.msk $0xffff, v20  }
0x1c6: {  	v28 =	vor.u32 v18, v36;
	v20 =	vld.idx.msk [tilespmem:v26+s22+$0x0], $0xffff  }
0x1c7: {  	v27 =	vor.u32 v8, v35;
	_ =	sdelay $0x3  }
0x1c8: {  	v38 =	vor.u32 $0xC00, v19;
	[tilespmem:v28+s0+$0x0] =	vst.idx.msk $0xffff, v20  }
0x1c9: {  	v29 =	vor.u32 v18, v38;
	v20 =	vld.idx.msk [tilespmem:v27+s22+$0x0], $0xffff  }
0x1ca: {  	v28 =	vor.u32 v9, v37;
	_ =	sdelay $0x3  }
0x1cb: {  	v39 =	vor.u32 $0xE00, v19;
	[tilespmem:v29+s0+$0x0] =	vst.idx.msk $0xffff, v20  }
0x1cc: {  	v40 =	vor.u32 v18, v39;
	v20 =	vld.idx.msk [tilespmem:v28+s22+$0x0], $0xffff  }
0x1cd: {  	v29 =	vor.u32 v10, v35;
	_ =	sdelay $0x3  }
0x1ce: {  	[tilespmem:v40+s0+$0x0] =	vst.idx.msk $0xffff, v20;
	v20 =	vor.u32 v2, v30  }
0x1cf: {  	v40 =	vld.idx.msk [tilespmem:v29+s22+$0x0], $0xffff;
	v41 =	vor.u32 v19, v20  }
0x1d0: {  	v30 =	vor.u32 v11, v37;
	_ =	sdelay $0x3  }
0x1d1: {  	[tilespmem:v41+s0+$0x0] =	vst.idx.msk $0xffff, v40  }
0x1d2: {  	v58 =	vor.u32 v20, v31;
	v40 =	vld.idx.msk [tilespmem:v30+s22+$0x0], $0xffff  }
0x1d3: {  	v31 =	vor.u32 v12, v35;
	_ =	sdelay $0x3  }
0x1d4: {  	[tilespmem:v58+s0+$0x0] =	vst.idx.msk $0xffff, v40  }
0x1d5: {  	v59 =	vor.u32 v20, v32;
	v40 =	vld.idx.msk [tilespmem:v31+s22+$0x0], $0xffff  }
0x1d6: {  	v32 =	vor.u32 v13, v37;
	_ =	sdelay $0x3  }
0x1d7: {  	[tilespmem:v59+s0+$0x0] =	vst.idx.msk $0xffff, v40  }
0x1d8: {  	v60 =	vor.u32 v20, v33;
	v40 =	vld.idx.msk [tilespmem:v32+s22+$0x0], $0xffff  }
0x1d9: {  	v33 =	vor.u32 v14, v35;
	_ =	sdelay $0x3  }
0x1da: {  	[tilespmem:v60+s0+$0x0] =	vst.idx.msk $0xffff, v40  }
0x1db: {  	v61 =	vor.u32 v20, v34;
	v40 =	vld.idx.msk [tilespmem:v33+s22+$0x0], $0xffff  }
0x1dc: {  	v34 =	vor.u32 v15, v37;
	_ =	sdelay $0x3  }
0x1dd: {  	[tilespmem:v61+s0+$0x0] =	vst.idx.msk $0xffff, v40  }
0x1de: {  	v36 =	vor.u32 v20, v36;
	v40 =	vld.idx.msk [tilespmem:v34+s22+$0x0], $0xffff  }
0x1df: {  	v35 =	vor.u32 v16, v35;
	_ =	sdelay $0x3  }
0x1e0: {  	[tilespmem:v36+s0+$0x0] =	vst.idx.msk $0xffff, v40  }
0x1e1: {  	v38 =	vor.u32 v20, v38;
	v40 =	vld.idx.msk [tilespmem:v35+s22+$0x0], $0xffff  }
0x1e2: {  	v36 =	vor.u32 v17, v37;
	_ =	sdelay $0x3  }
0x1e3: {  	[tilespmem:v38+s0+$0x0] =	vst.idx.msk $0xffff, v40  }
0x1e4: {  	v62 =	vor.u32 v20, v39;
	v37 =	vld.idx.msk [tilespmem:v36+s22+$0x0], $0xffff;
	_ =	sdelay $0x4  }
0x1e5: {  	v63 =	vor.u32 $0x1000, v19;
	[tilespmem:v62+s0+$0x0] =	vst.idx.msk $0xffff, v37  }
0x1e6: {  	v47 =	vor.u32 v18, v63;
	v38 =	vld.idx.msk [tilespmem:v21+s23+$0x0], $0xffff;
	_ =	sdelay $0x4  }
0x1e7: {  	v48 =	vor.u32 $0x1200, v19;
	[tilespmem:v47+s0+$0x0] =	vst.idx.msk $0xffff, v38  }
0x1e8: {  	v49 =	vor.u32 v18, v48;
	v39 =	vld.idx.msk [tilespmem:v22+s23+$0x0], $0xffff;
	_ =	sdelay $0x4  }
0x1e9: {  	v50 =	vor.u32 $0x1400, v19;
	[tilespmem:v49+s0+$0x0] =	vst.idx.msk $0xffff, v39  }
0x1ea: {  	v51 =	vor.u32 v18, v50;
	v40 =	vld.idx.msk [tilespmem:v23+s23+$0x0], $0xffff;
	_ =	sdelay $0x4  }
0x1eb: {  	v52 =	vor.u32 $0x1600, v19;
	[tilespmem:v51+s0+$0x0] =	vst.idx.msk $0xffff, v40  }
0x1ec: {  	v42 =	vor.u32 v18, v52;
	v41 =	vld.idx.msk [tilespmem:v24+s23+$0x0], $0xffff;
	_ =	sdelay $0x4  }
0x1ed: {  	v53 =	vor.u32 $0x1800, v19;
	[tilespmem:v42+s0+$0x0] =	vst.idx.msk $0xffff, v41  }
0x1ee: {  	v43 =	vor.u32 v18, v53;
	v42 =	vld.idx.msk [tilespmem:v25+s23+$0x0], $0xffff;
	_ =	sdelay $0x4  }
0x1ef: {  	v54 =	vor.u32 $0x1A00, v19;
	[tilespmem:v43+s0+$0x0] =	vst.idx.msk $0xffff, v42  }
0x1f0: {  	v44 =	vor.u32 v18, v54;
	v43 =	vld.idx.msk [tilespmem:v26+s23+$0x0], $0xffff;
	_ =	sdelay $0x4  }
0x1f1: {  	v55 =	vor.u32 $0x1C00, v19;
	[tilespmem:v44+s0+$0x0] =	vst.idx.msk $0xffff, v43  }
0x1f2: {  	v45 =	vor.u32 v18, v55;
	v44 =	vld.idx.msk [tilespmem:v27+s23+$0x0], $0xffff;
	_ =	sdelay $0x4  }
0x1f3: {  	v56 =	vor.u32 $0x1E00, v19;
	[tilespmem:v45+s0+$0x0] =	vst.idx.msk $0xffff, v44  }
0x1f4: {  	v46 =	vor.u32 v18, v56;
	v45 =	vld.idx.msk [tilespmem:v28+s23+$0x0], $0xffff;
	_ =	sdelay $0x4  }
0x1f5: {  	[tilespmem:v46+s0+$0x0] =	vst.idx.msk $0xffff, v45  }
0x1f6: {  	v37 =	vor.u32 v20, v63;
	v45 =	vld.idx.msk [tilespmem:v29+s23+$0x0], $0xffff;
	_ =	sdelay $0x4  }
0x1f7: {  	[tilespmem:v37+s0+$0x0] =	vst.idx.msk $0xffff, v45  }
0x1f8: {  	v38 =	vor.u32 v20, v48;
	v37 =	vld.idx.msk [tilespmem:v30+s23+$0x0], $0xffff;
	_ =	sdelay $0x4  }
0x1f9: {  	[tilespmem:v38+s0+$0x0] =	vst.idx.msk $0xffff, v37  }
0x1fa: {  	v57 =	vor.u32 v20, v50;
	v37 =	vld.idx.msk [tilespmem:v31+s23+$0x0], $0xffff;
	_ =	sdelay $0x4  }
0x1fb: {  	[tilespmem:v57+s0+$0x0] =	vst.idx.msk $0xffff, v37  }
0x1fc: {  	v58 =	vor.u32 v20, v52;
	v37 =	vld.idx.msk [tilespmem:v32+s23+$0x0], $0xffff;
	_ =	sdelay $0x4  }
0x1fd: {  	[tilespmem:v58+s0+$0x0] =	vst.idx.msk $0xffff, v37  }
0x1fe: {  	v59 =	vor.u32 v20, v53;
	v37 =	vld.idx.msk [tilespmem:v33+s23+$0x0], $0xffff;
	_ =	sdelay $0x4  }
0x1ff: {  	[tilespmem:v59+s0+$0x0] =	vst.idx.msk $0xffff, v37  }
0x200: {  	v60 =	vor.u32 v20, v54;
	v37 =	vld.idx.msk [tilespmem:v34+s23+$0x0], $0xffff;
	_ =	sdelay $0x4  }
0x201: {  	[tilespmem:v60+s0+$0x0] =	vst.idx.msk $0xffff, v37  }
0x202: {  	v61 =	vor.u32 v20, v55;
	v37 =	vld.idx.msk [tilespmem:v35+s23+$0x0], $0xffff;
	_ =	sdelay $0x4  }
0x203: {  	[tilespmem:v61+s0+$0x0] =	vst.idx.msk $0xffff, v37  }
0x204: {  	v62 =	vor.u32 v20, v56;
	v37 =	vld.idx.msk [tilespmem:v36+s23+$0x0], $0xffff;
	_ =	sdelay $0x4  }
0x205: {  	v63 =	vor.u32 $0x2000, v19;
	[tilespmem:v62+s0+$0x0] =	vst.idx.msk $0xffff, v37  }
0x206: {  	v47 =	vor.u32 v18, v63;
	v38 =	vld.idx.msk [tilespmem:v21+s7+$0x0], $0xffff;
	_ =	sdelay $0x4  }
0x207: {  	v48 =	vor.u32 $0x2200, v19;
	[tilespmem:v47+s0+$0x0] =	vst.idx.msk $0xffff, v38  }
0x208: {  	v49 =	vor.u32 v18, v48;
	v39 =	vld.idx.msk [tilespmem:v22+s7+$0x0], $0xffff;
	_ =	sdelay $0x4  }
0x209: {  	v50 =	vor.u32 $0x2400, v19;
	[tilespmem:v49+s0+$0x0] =	vst.idx.msk $0xffff, v39  }
0x20a: {  	v51 =	vor.u32 v18, v50;
	v40 =	vld.idx.msk [tilespmem:v23+s7+$0x0], $0xffff;
	_ =	sdelay $0x4  }
0x20b: {  	v52 =	vor.u32 $0x2600, v19;
	[tilespmem:v51+s0+$0x0] =	vst.idx.msk $0xffff, v40  }
0x20c: {  	v53 =	vor.u32 v18, v52;
	v41 =	vld.idx.msk [tilespmem:v24+s7+$0x0], $0xffff;
	_ =	sdelay $0x4  }
0x20d: {  	v54 =	vor.u32 $0x2800, v19;
	[tilespmem:v53+s0+$0x0] =	vst.idx.msk $0xffff, v41  }
0x20e: {  	v55 =	vor.u32 v18, v54;
	v42 =	vld.idx.msk [tilespmem:v25+s7+$0x0], $0xffff;
	_ =	sdelay $0x4  }
0x20f: {  	v56 =	vor.u32 $0x2A00, v19;
	[tilespmem:v55+s0+$0x0] =	vst.idx.msk $0xffff, v42  }
0x210: {  	v57 =	vor.u32 v18, v56;
	v43 =	vld.idx.msk [tilespmem:v26+s7+$0x0], $0xffff;
	_ =	sdelay $0x4  }
0x211: {  	v58 =	vor.u32 $0x2C00, v19;
	[tilespmem:v57+s0+$0x0] =	vst.idx.msk $0xffff, v43  }
0x212: {  	v59 =	vor.u32 v18, v58;
	v44 =	vld.idx.msk [tilespmem:v27+s7+$0x0], $0xffff;
	_ =	sdelay $0x4  }
0x213: {  	v60 =	vor.u32 $0x2E00, v19;
	[tilespmem:v59+s0+$0x0] =	vst.idx.msk $0xffff, v44  }
0x214: {  	v61 =	vor.u32 v18, v60;
	v45 =	vld.idx.msk [tilespmem:v28+s7+$0x0], $0xffff;
	_ =	sdelay $0x4  }
0x215: {  	[tilespmem:v61+s0+$0x0] =	vst.idx.msk $0xffff, v45  }
0x216: {  	v37 =	vor.u32 v20, v63;
	v45 =	vld.idx.msk [tilespmem:v29+s7+$0x0], $0xffff;
	_ =	sdelay $0x4  }
0x217: {  	[tilespmem:v37+s0+$0x0] =	vst.idx.msk $0xffff, v45  }
0x218: {  	v38 =	vor.u32 v20, v48;
	v37 =	vld.idx.msk [tilespmem:v30+s7+$0x0], $0xffff;
	_ =	sdelay $0x4  }
0x219: {  	[tilespmem:v38+s0+$0x0] =	vst.idx.msk $0xffff, v37  }
0x21a: {  	v62 =	vor.u32 v20, v50;
	v37 =	vld.idx.msk [tilespmem:v31+s7+$0x0], $0xffff;
	_ =	sdelay $0x4  }
0x21b: {  	[tilespmem:v62+s0+$0x0] =	vst.idx.msk $0xffff, v37  }
0x21c: {  	v63 =	vor.u32 v20, v52;
	v37 =	vld.idx.msk [tilespmem:v32+s7+$0x0], $0xffff;
	_ =	sdelay $0x4  }
0x21d: {  	[tilespmem:v63+s0+$0x0] =	vst.idx.msk $0xffff, v37  }
0x21e: {  	v40 =	vor.u32 v20, v54;
	v37 =	vld.idx.msk [tilespmem:v33+s7+$0x0], $0xffff;
	_ =	sdelay $0x4  }
0x21f: {  	[tilespmem:v40+s0+$0x0] =	vst.idx.msk $0xffff, v37  }
0x220: {  	v41 =	vor.u32 v20, v56;
	v37 =	vld.idx.msk [tilespmem:v34+s7+$0x0], $0xffff;
	_ =	sdelay $0x4  }
0x221: {  	[tilespmem:v41+s0+$0x0] =	vst.idx.msk $0xffff, v37  }
0x222: {  	v42 =	vor.u32 v20, v58;
	v37 =	vld.idx.msk [tilespmem:v35+s7+$0x0], $0xffff;
	_ =	sdelay $0x4  }
0x223: {  	[tilespmem:v42+s0+$0x0] =	vst.idx.msk $0xffff, v37  }
0x224: {  	v43 =	vor.u32 v20, v60;
	v37 =	vld.idx.msk [tilespmem:v36+s7+$0x0], $0xffff;
	_ =	sdelay $0x4  }
0x225: {  	v44 =	vor.u32 $0x3000, v19;
	[tilespmem:v43+s0+$0x0] =	vst.idx.msk $0xffff, v37  }
0x226: {  	v45 =	vor.u32 v18, v44;
	v21 =	vld.idx.msk [tilespmem:v21+s8+$0x0], $0xffff;
	_ =	sdelay $0x4  }
0x227: {  	v46 =	vor.u32 $0x3200, v19;
	[tilespmem:v45+s0+$0x0] =	vst.idx.msk $0xffff, v21  }
0x228: {  	v47 =	vor.u32 v18, v46;
	v22 =	vld.idx.msk [tilespmem:v22+s8+$0x0], $0xffff;
	_ =	sdelay $0x4  }
0x229: {  	v48 =	vor.u32 $0x3400, v19;
	[tilespmem:v47+s0+$0x0] =	vst.idx.msk $0xffff, v22  }
0x22a: {  	v49 =	vor.u32 v18, v48;
	v23 =	vld.idx.msk [tilespmem:v23+s8+$0x0], $0xffff;
	_ =	sdelay $0x4  }
0x22b: {  	v50 =	vor.u32 $0x3600, v19;
	[tilespmem:v49+s0+$0x0] =	vst.idx.msk $0xffff, v23  }
0x22c: {  	v51 =	vor.u32 v18, v50;
	v24 =	vld.idx.msk [tilespmem:v24+s8+$0x0], $0xffff;
	_ =	sdelay $0x4  }
0x22d: {  	v52 =	vor.u32 $0x3800, v19;
	[tilespmem:v51+s0+$0x0] =	vst.idx.msk $0xffff, v24  }
0x22e: {  	v53 =	vor.u32 v18, v52;
	v25 =	vld.idx.msk [tilespmem:v25+s8+$0x0], $0xffff;
	_ =	sdelay $0x4  }
0x22f: {  	v54 =	vor.u32 $0x3A00, v19;
	[tilespmem:v53+s0+$0x0] =	vst.idx.msk $0xffff, v25  }
0x230: {  	v55 =	vor.u32 v18, v54;
	v26 =	vld.idx.msk [tilespmem:v26+s8+$0x0], $0xffff;
	_ =	sdelay $0x4  }
0x231: {  	v56 =	vor.u32 $0x3C00, v19;
	[tilespmem:v55+s0+$0x0] =	vst.idx.msk $0xffff, v26  }
0x232: {  	v57 =	vor.u32 v18, v56;
	v27 =	vld.idx.msk [tilespmem:v27+s8+$0x0], $0xffff;
	_ =	sdelay $0x4  }
0x233: {  	v19 =	vor.u32 $0x3E00, v19;
	[tilespmem:v57+s0+$0x0] =	vst.idx.msk $0xffff, v27  }
0x234: {  	v18 =	vor.u32 v18, v19;
	v27 =	vld.idx.msk [tilespmem:v28+s8+$0x0], $0xffff;
	_ =	sdelay $0x4  }
0x235: {  	[tilespmem:v18+s0+$0x0] =	vst.idx.msk $0xffff, v27  }
0x236: {  	v58 =	vor.u32 v20, v44;
	v18 =	vld.idx.msk [tilespmem:v29+s8+$0x0], $0xffff;
	_ =	sdelay $0x4  }
0x237: {  	[tilespmem:v58+s0+$0x0] =	vst.idx.msk $0xffff, v18  }
0x238: {  	v21 =	vor.u32 v20, v46;
	v18 =	vld.idx.msk [tilespmem:v30+s8+$0x0], $0xffff;
	_ =	sdelay $0x4  }
0x239: {  	[tilespmem:v21+s0+$0x0] =	vst.idx.msk $0xffff, v18  }
0x23a: {  	v59 =	vor.u32 v20, v48;
	v18 =	vld.idx.msk [tilespmem:v31+s8+$0x0], $0xffff;
	_ =	sdelay $0x4  }
0x23b: {  	[tilespmem:v59+s0+$0x0] =	vst.idx.msk $0xffff, v18  }
0x23c: {  	v60 =	vor.u32 v20, v50;
	v18 =	vld.idx.msk [tilespmem:v32+s8+$0x0], $0xffff;
	_ =	sdelay $0x4  }
0x23d: {  	[tilespmem:v60+s0+$0x0] =	vst.idx.msk $0xffff, v18  }
0x23e: {  	v61 =	vor.u32 v20, v52;
	v18 =	vld.idx.msk [tilespmem:v33+s8+$0x0], $0xffff;
	_ =	sdelay $0x4  }
0x23f: {  	[tilespmem:v61+s0+$0x0] =	vst.idx.msk $0xffff, v18  }
0x240: {  	v62 =	vor.u32 v20, v54;
	v18 =	vld.idx.msk [tilespmem:v34+s8+$0x0], $0xffff;
	_ =	sdelay $0x4  }
0x241: {  	[tilespmem:v62+s0+$0x0] =	vst.idx.msk $0xffff, v18  }
0x242: {  	v63 =	vor.u32 v20, v56;
	v18 =	vld.idx.msk [tilespmem:v35+s8+$0x0], $0xffff;
	_ =	sdelay $0x4  }
0x243: {  	[tilespmem:v63+s0+$0x0] =	vst.idx.msk $0xffff, v18  }
0x244: {  	s23 =	sadd.s32 s5, s1;
	s1 =	sadd.s32 $0x1, s1;
	v19 =	vor.u32 v20, v19;
	v18 =	vld.idx.msk [tilespmem:v36+s8+$0x0], $0xffff  }
0x245: {  	p2 =	sne.s32 s1, $0x3D  }
.Ltmp3:
0x246: {  	_ = 	snop;
	(pc) =	sbr.rel @p2 .LBB2_2-.Ltmp3, $4  }
0x247: {  	_ = 	snop  }
0x248: {  	s7 =	sshll.u32 s23, $0xB  }
0x249: {  	s7 =	sadd.s32 s4, s7;
	[tilespmem:v19+s0+$0x0] =	vst.idx.msk $0xffff, v18  }
0x24a: {  	[hbm4b:s7+s3] =	stream.linear.scatter [tilespmem:s0], [sflag:$0x2], $0x4000, $0x38;
	[tilespmem:$0x18000] =	vst v63  }
0x24b: {  	_ =	swait.ge [sflag:s29], $0x4000  }
.Ltmp4:
0x24c: {  	[sflag:s29] =	ssyncset.done $0x0;
	(pc) =	sbr.rel @p1 .LBB2_9-.Ltmp4, $4  }
0x24d: {  	[sflag:s29] =	ssyncadd.s32 $0xFFFFC000  }
0x24e: {  	_ =	swait.ge [sflag:s29], $0x4000  }
0x24f: {  	[sflag:s29] =	ssyncset.done $0x0  }
0x250: {  	[sflag:s29] =	ssyncadd.s32 $0xFFFFC000  }
0x251: {  	s0 =	simm.s32 $0x0  }
0x252: {  	v18 =	vadd.s32 s0, v0  }
0x253: {  	v19 =	vand.u32 $0xF, v18  }
0x254: {  	s1 =	rddreg [dreg:$0x7];
	v20 =	vor.u32 v1, v19  }
0x255: {  	[tilespmem:s0], [sflag:$0x1] =	stream.strided.gather [hbm4b:s1+s26], $0x1000, s28, s26, $0x38;
	[tilespmem:$0x18000] =	vst v63  }
0x256: {  	_ =	swait.ge [sflag:s2], $0x1000;
	v21 =	vshll.u32 v18, $0x5  }
0x257: {  	[sflag:s2] =	ssyncset.done $0x0;
	v22 =	vand.u32 $0x60, v21  }
0x258: {  	v24 =	vand.u32 $0x180, v21;
	[sflag:s2] =	ssyncadd.s32 $0xFFFFF000;
	v23 =	vor.u32 v0, v22  }
0x259: {  	v21 =	vor.u32 v24, v23;
	v20 =	vld.idx.msk [tilespmem:v20+s3+$0x0], $0xffff  }
0x25a: {  	v25 =	vor.u32 v3, v18;
	_ =	sdelay $0x3  }
0x25b: {  	v26 =	vor.u32 $0x200, v24;
	[tilespmem:v21+s30+$0x0] =	vst.idx.msk $0xffff, v20  }
0x25c: {  	v21 =	vor.u32 v23, v26;
	v20 =	vld.idx.msk [tilespmem:v25+s3+$0x0], $0xffff  }
0x25d: {  	v52 =	vor.u32 v4, v19;
	_ =	sdelay $0x3  }
0x25e: {  	v27 =	vor.u32 $0x400, v24;
	[tilespmem:v21+s30+$0x0] =	vst.idx.msk $0xffff, v20  }
0x25f: {  	v21 =	vor.u32 v23, v27;
	v20 =	vld.idx.msk [tilespmem:v52+s3+$0x0], $0xffff  }
0x260: {  	v53 =	vor.u32 v5, v18;
	_ =	sdelay $0x3  }
0x261: {  	v28 =	vor.u32 $0x600, v24;
	[tilespmem:v21+s30+$0x0] =	vst.idx.msk $0xffff, v20  }
0x262: {  	v21 =	vor.u32 v23, v28;
	v20 =	vld.idx.msk [tilespmem:v53+s3+$0x0], $0xffff  }
0x263: {  	v54 =	vor.u32 v6, v19;
	_ =	sdelay $0x3  }
0x264: {  	v29 =	vor.u32 $0x800, v24;
	[tilespmem:v21+s30+$0x0] =	vst.idx.msk $0xffff, v20  }
0x265: {  	v21 =	vor.u32 v23, v29;
	v20 =	vld.idx.msk [tilespmem:v54+s3+$0x0], $0xffff  }
0x266: {  	v55 =	vor.u32 v7, v18;
	_ =	sdelay $0x3  }
0x267: {  	v30 =	vor.u32 $0xA00, v24;
	[tilespmem:v21+s30+$0x0] =	vst.idx.msk $0xffff, v20  }
0x268: {  	v21 =	vor.u32 v23, v30;
	v20 =	vld.idx.msk [tilespmem:v55+s3+$0x0], $0xffff  }
0x269: {  	v56 =	vor.u32 v8, v19;
	_ =	sdelay $0x3  }
0x26a: {  	v31 =	vor.u32 $0xC00, v24;
	[tilespmem:v21+s30+$0x0] =	vst.idx.msk $0xffff, v20  }
0x26b: {  	v21 =	vor.u32 v23, v31;
	v20 =	vld.idx.msk [tilespmem:v56+s3+$0x0], $0xffff  }
0x26c: {  	v57 =	vor.u32 v9, v18;
	_ =	sdelay $0x3  }
0x26d: {  	[tilespmem:v21+s30+$0x0] =	vst.idx.msk $0xffff, v20;
	v20 =	vor.u32 $0xE00, v24  }
0x26e: {  	v21 =	vld.idx.msk [tilespmem:v57+s3+$0x0], $0xffff;
	v23 =	vor.u32 v23, v20  }
0x26f: {  	v58 =	vor.u32 v10, v19;
	_ =	sdelay $0x3  }
0x270: {  	[tilespmem:v23+s30+$0x0] =	vst.idx.msk $0xffff, v21;
	v21 =	vor.u32 v2, v22  }
0x271: {  	v22 =	vld.idx.msk [tilespmem:v58+s3+$0x0], $0xffff;
	v23 =	vor.u32 v24, v21  }
0x272: {  	v59 =	vor.u32 v11, v18;
	_ =	sdelay $0x3  }
0x273: {  	[tilespmem:v23+s30+$0x0] =	vst.idx.msk $0xffff, v22  }
0x274: {  	v23 =	vor.u32 v21, v26;
	v22 =	vld.idx.msk [tilespmem:v59+s3+$0x0], $0xffff  }
0x275: {  	v60 =	vor.u32 v12, v19;
	_ =	sdelay $0x3  }
0x276: {  	[tilespmem:v23+s30+$0x0] =	vst.idx.msk $0xffff, v22  }
0x277: {  	v23 =	vor.u32 v21, v27;
	v22 =	vld.idx.msk [tilespmem:v60+s3+$0x0], $0xffff  }
0x278: {  	v61 =	vor.u32 v13, v18;
	_ =	sdelay $0x3  }
0x279: {  	[tilespmem:v23+s30+$0x0] =	vst.idx.msk $0xffff, v22  }
0x27a: {  	v23 =	vor.u32 v21, v28;
	v22 =	vld.idx.msk [tilespmem:v61+s3+$0x0], $0xffff  }
0x27b: {  	v62 =	vor.u32 v14, v19;
	_ =	sdelay $0x3  }
0x27c: {  	[tilespmem:v23+s30+$0x0] =	vst.idx.msk $0xffff, v22  }
0x27d: {  	v23 =	vor.u32 v21, v29;
	v22 =	vld.idx.msk [tilespmem:v62+s3+$0x0], $0xffff  }
0x27e: {  	v63 =	vor.u32 v15, v18;
	_ =	sdelay $0x3  }
0x27f: {  	[tilespmem:v23+s30+$0x0] =	vst.idx.msk $0xffff, v22  }
0x280: {  	v23 =	vor.u32 v21, v30;
	v22 =	vld.idx.msk [tilespmem:v63+s3+$0x0], $0xffff  }
0x281: {  	v19 =	vor.u32 v16, v19;
	_ =	sdelay $0x3  }
0x282: {  	[tilespmem:v23+s30+$0x0] =	vst.idx.msk $0xffff, v22  }
0x283: {  	v22 =	vor.u32 v21, v31;
	v19 =	vld.idx.msk [tilespmem:v19+s3+$0x0], $0xffff  }
0x284: {  	v23 =	vor.u32 v17, v18;
	_ =	sdelay $0x3  }
0x285: {  	s23 =	simm.s32 $0x1;
	[tilespmem:v22+s30+$0x0] =	vst.idx.msk $0xffff, v19  }
0x286: {  	s0 =	simm.s32 $0x2;
	v18 =	vadd.s32 s23, v0;
	v22 =	vld.idx.msk [tilespmem:v23+s3+$0x0], $0xffff  }
.LBB2_7:
0x287: {  	p2 =	sne.s32 s0, $0xF;
	v19 =	vand.u32 $0xF, v18;
	v20 =	vor.u32 v21, v20  }
0x288: {  	v21 =	vor.u32 v1, v19;
	_ =	sdelay $0x2  }
0x289: {  	v23 =	vshll.u32 v18, $0x5  }
0x28a: {  	v24 =	vand.u32 $0x60, v23;
	[tilespmem:v20+s30+$0x0] =	vst.idx.msk $0xffff, v22  }
0x28b: {  	v23 =	vand.u32 $0x180, v23;
	v22 =	vor.u32 v0, v24;
	v20 =	vld.idx.msk [tilespmem:v21+s3+$0x0], $0xffff  }
0x28c: {  	v21 =	vor.u32 v23, v22  }
0x28d: {  	v25 =	vor.u32 v3, v18;
	_ =	sdelay $0x3  }
0x28e: {  	[tilespmem:v21+s30+$0x0] =	vst.idx.msk $0xffff, v20  }
0x28f: {  	v20 =	vld.idx.msk [tilespmem:v25+s3+$0x0], $0xffff;
	v25 =	vor.u32 $0x200, v23  }
0x290: {  	v21 =	vor.u32 v22, v25  }
0x291: {  	v26 =	vor.u32 v4, v19;
	_ =	sdelay $0x3  }
0x292: {  	[tilespmem:v21+s30+$0x0] =	vst.idx.msk $0xffff, v20  }
0x293: {  	v20 =	vld.idx.msk [tilespmem:v26+s3+$0x0], $0xffff;
	v26 =	vor.u32 $0x400, v23  }
0x294: {  	v21 =	vor.u32 v22, v26  }
0x295: {  	v27 =	vor.u32 v5, v18;
	_ =	sdelay $0x3  }
0x296: {  	[tilespmem:v21+s30+$0x0] =	vst.idx.msk $0xffff, v20  }
0x297: {  	v20 =	vld.idx.msk [tilespmem:v27+s3+$0x0], $0xffff;
	v27 =	vor.u32 $0x600, v23  }
0x298: {  	v21 =	vor.u32 v22, v27  }
0x299: {  	v28 =	vor.u32 v6, v19;
	_ =	sdelay $0x3  }
0x29a: {  	[tilespmem:v21+s30+$0x0] =	vst.idx.msk $0xffff, v20  }
0x29b: {  	v20 =	vld.idx.msk [tilespmem:v28+s3+$0x0], $0xffff;
	v28 =	vor.u32 $0x800, v23  }
0x29c: {  	v21 =	vor.u32 v22, v28  }
0x29d: {  	v29 =	vor.u32 v7, v18;
	_ =	sdelay $0x3  }
0x29e: {  	[tilespmem:v21+s30+$0x0] =	vst.idx.msk $0xffff, v20  }
0x29f: {  	v20 =	vld.idx.msk [tilespmem:v29+s3+$0x0], $0xffff;
	v29 =	vor.u32 $0xA00, v23  }
0x2a0: {  	v21 =	vor.u32 v22, v29  }
0x2a1: {  	v30 =	vor.u32 v8, v19;
	_ =	sdelay $0x3  }
0x2a2: {  	[tilespmem:v21+s30+$0x0] =	vst.idx.msk $0xffff, v20  }
0x2a3: {  	v20 =	vld.idx.msk [tilespmem:v30+s3+$0x0], $0xffff;
	v30 =	vor.u32 $0xC00, v23  }
0x2a4: {  	v21 =	vor.u32 v22, v30  }
0x2a5: {  	v31 =	vor.u32 v9, v18;
	_ =	sdelay $0x3  }
0x2a6: {  	[tilespmem:v21+s30+$0x0] =	vst.idx.msk $0xffff, v20  }
0x2a7: {  	v20 =	vor.u32 $0xE00, v23;
	v21 =	vld.idx.msk [tilespmem:v31+s3+$0x0], $0xffff  }
0x2a8: {  	v22 =	vor.u32 v22, v20  }
0x2a9: {  	v31 =	vor.u32 v10, v19;
	_ =	sdelay $0x3  }
0x2aa: {  	[tilespmem:v22+s30+$0x0] =	vst.idx.msk $0xffff, v21  }
0x2ab: {  	v21 =	vor.u32 v2, v24;
	v22 =	vld.idx.msk [tilespmem:v31+s3+$0x0], $0xffff  }
0x2ac: {  	v23 =	vor.u32 v23, v21  }
0x2ad: {  	v24 =	vor.u32 v11, v18;
	_ =	sdelay $0x3  }
0x2ae: {  	[tilespmem:v23+s30+$0x0] =	vst.idx.msk $0xffff, v22  }
0x2af: {  	v22 =	vld.idx.msk [tilespmem:v24+s3+$0x0], $0xffff  }
0x2b0: {  	v23 =	vor.u32 v21, v25  }
0x2b1: {  	v24 =	vor.u32 v12, v19;
	_ =	sdelay $0x3  }
0x2b2: {  	[tilespmem:v23+s30+$0x0] =	vst.idx.msk $0xffff, v22  }
0x2b3: {  	v22 =	vld.idx.msk [tilespmem:v24+s3+$0x0], $0xffff  }
0x2b4: {  	v23 =	vor.u32 v21, v26  }
0x2b5: {  	v24 =	vor.u32 v13, v18;
	_ =	sdelay $0x3  }
0x2b6: {  	[tilespmem:v23+s30+$0x0] =	vst.idx.msk $0xffff, v22  }
0x2b7: {  	v22 =	vld.idx.msk [tilespmem:v24+s3+$0x0], $0xffff  }
0x2b8: {  	v23 =	vor.u32 v21, v27  }
0x2b9: {  	v24 =	vor.u32 v14, v19;
	_ =	sdelay $0x3  }
0x2ba: {  	[tilespmem:v23+s30+$0x0] =	vst.idx.msk $0xffff, v22  }
0x2bb: {  	v22 =	vld.idx.msk [tilespmem:v24+s3+$0x0], $0xffff  }
0x2bc: {  	v23 =	vor.u32 v21, v28  }
0x2bd: {  	v24 =	vor.u32 v15, v18;
	_ =	sdelay $0x3  }
0x2be: {  	[tilespmem:v23+s30+$0x0] =	vst.idx.msk $0xffff, v22  }
0x2bf: {  	v22 =	vld.idx.msk [tilespmem:v24+s3+$0x0], $0xffff  }
0x2c0: {  	v23 =	vor.u32 v21, v29  }
0x2c1: {  	v19 =	vor.u32 v16, v19;
	_ =	sdelay $0x3  }
0x2c2: {  	[tilespmem:v23+s30+$0x0] =	vst.idx.msk $0xffff, v22  }
0x2c3: {  	v19 =	vld.idx.msk [tilespmem:v19+s3+$0x0], $0xffff  }
0x2c4: {  	v22 =	vor.u32 v21, v30  }
0x2c5: {  	v23 =	vor.u32 v17, v18  }
.Ltmp5:
0x2c6: {  	(pc) =	sbr.rel @p2 .LBB2_7-.Ltmp5, $3  }
0x2c7: {  	_ =	sdelay $0x1  }
0x2c8: {  	[tilespmem:v22+s30+$0x0] =	vst.idx.msk $0xffff, v19  }
0x2c9: {  	v18 =	vadd.s32 s0, v0;
	s0 =	sadd.s32 $0x1, s0;
	v22 =	vld.idx.msk [tilespmem:v23+s3+$0x0], $0xffff  }
0x2ca: {  	v19 =	vand.u32 $0xF, v18;
	v20 =	vor.u32 v21, v20  }
0x2cb: {  	v35 =	vor.u32 v1, v19;
	_ =	sdelay $0x1  }
0x2cc: {  	v23 =	vshll.u32 v18, $0x5  }
0x2cd: {  	v24 =	vand.u32 $0x60, v23  }
0x2ce: {  	v37 =	vand.u32 $0x180, v23;
	v36 =	vor.u32 v0, v24;
	[tilespmem:v20+s30+$0x0] =	vst.idx.msk $0xffff, v22  }
0x2cf: {  	v23 =	vor.u32 v37, v36;
	v21 =	vld.idx.msk [tilespmem:v35+s3+$0x0], $0xffff  }
0x2d0: {  	v25 =	vor.u32 v3, v18;
	_ =	sdelay $0x3  }
0x2d1: {  	v38 =	vor.u32 $0x200, v37;
	[tilespmem:v23+s30+$0x0] =	vst.idx.msk $0xffff, v21  }
0x2d2: {  	v39 =	vor.u32 v36, v38;
	v23 =	vld.idx.msk [tilespmem:v25+s3+$0x0], $0xffff  }
0x2d3: {  	v26 =	vor.u32 v4, v19;
	_ =	sdelay $0x3  }
0x2d4: {  	v40 =	vor.u32 $0x400, v37;
	[tilespmem:v39+s30+$0x0] =	vst.idx.msk $0xffff, v23  }
0x2d5: {  	v41 =	vor.u32 v36, v40;
	v25 =	vld.idx.msk [tilespmem:v26+s3+$0x0], $0xffff  }
0x2d6: {  	v27 =	vor.u32 v5, v18;
	_ =	sdelay $0x3  }
0x2d7: {  	v42 =	vor.u32 $0x600, v37;
	[tilespmem:v41+s30+$0x0] =	vst.idx.msk $0xffff, v25  }
0x2d8: {  	v43 =	vor.u32 v36, v42;
	v26 =	vld.idx.msk [tilespmem:v27+s3+$0x0], $0xffff  }
0x2d9: {  	v28 =	vor.u32 v6, v19;
	_ =	sdelay $0x3  }
0x2da: {  	v44 =	vor.u32 $0x800, v37;
	[tilespmem:v43+s30+$0x0] =	vst.idx.msk $0xffff, v26  }
0x2db: {  	v45 =	vor.u32 v36, v44;
	v27 =	vld.idx.msk [tilespmem:v28+s3+$0x0], $0xffff  }
0x2dc: {  	v29 =	vor.u32 v7, v18;
	_ =	sdelay $0x3  }
0x2dd: {  	v46 =	vor.u32 $0xA00, v37;
	[tilespmem:v45+s30+$0x0] =	vst.idx.msk $0xffff, v27  }
0x2de: {  	v47 =	vor.u32 v36, v46;
	v28 =	vld.idx.msk [tilespmem:v29+s3+$0x0], $0xffff  }
0x2df: {  	v30 =	vor.u32 v8, v19;
	_ =	sdelay $0x3  }
0x2e0: {  	v48 =	vor.u32 $0xC00, v37;
	[tilespmem:v47+s30+$0x0] =	vst.idx.msk $0xffff, v28  }
0x2e1: {  	v49 =	vor.u32 v36, v48;
	v29 =	vld.idx.msk [tilespmem:v30+s3+$0x0], $0xffff  }
0x2e2: {  	v31 =	vor.u32 v9, v18;
	_ =	sdelay $0x3  }
0x2e3: {  	v50 =	vor.u32 $0xE00, v37;
	[tilespmem:v49+s30+$0x0] =	vst.idx.msk $0xffff, v29  }
0x2e4: {  	v20 =	vor.u32 v36, v50;
	v30 =	vld.idx.msk [tilespmem:v31+s3+$0x0], $0xffff  }
0x2e5: {  	v51 =	vor.u32 v10, v19;
	_ =	sdelay $0x3  }
0x2e6: {  	v52 =	vor.u32 v2, v24;
	[tilespmem:v20+s30+$0x0] =	vst.idx.msk $0xffff, v30  }
0x2e7: {  	v22 =	vor.u32 v37, v52;
	v53 =	vld.idx.msk [tilespmem:v51+s3+$0x0], $0xffff  }
0x2e8: {  	v54 =	vor.u32 v11, v18;
	_ =	sdelay $0x3  }
0x2e9: {  	[tilespmem:v22+s30+$0x0] =	vst.idx.msk $0xffff, v53  }
0x2ea: {  	v21 =	vor.u32 v52, v38;
	v22 =	vld.idx.msk [tilespmem:v54+s3+$0x0], $0xffff  }
0x2eb: {  	v55 =	vor.u32 v12, v19;
	_ =	sdelay $0x3  }
0x2ec: {  	[tilespmem:v21+s30+$0x0] =	vst.idx.msk $0xffff, v22  }
0x2ed: {  	v56 =	vor.u32 v52, v40;
	v21 =	vld.idx.msk [tilespmem:v55+s3+$0x0], $0xffff  }
0x2ee: {  	v57 =	vor.u32 v13, v18;
	_ =	sdelay $0x3  }
0x2ef: {  	[tilespmem:v56+s30+$0x0] =	vst.idx.msk $0xffff, v21  }
0x2f0: {  	v58 =	vor.u32 v52, v42;
	v21 =	vld.idx.msk [tilespmem:v57+s3+$0x0], $0xffff  }
0x2f1: {  	v59 =	vor.u32 v14, v19;
	_ =	sdelay $0x3  }
0x2f2: {  	[tilespmem:v58+s30+$0x0] =	vst.idx.msk $0xffff, v21  }
0x2f3: {  	v60 =	vor.u32 v52, v44;
	v21 =	vld.idx.msk [tilespmem:v59+s3+$0x0], $0xffff  }
0x2f4: {  	v61 =	vor.u32 v15, v18;
	_ =	sdelay $0x3  }
0x2f5: {  	[tilespmem:v60+s30+$0x0] =	vst.idx.msk $0xffff, v21  }
0x2f6: {  	v62 =	vor.u32 v52, v46;
	v21 =	vld.idx.msk [tilespmem:v61+s3+$0x0], $0xffff  }
0x2f7: {  	v19 =	vor.u32 v16, v19;
	_ =	sdelay $0x3  }
0x2f8: {  	[tilespmem:v62+s30+$0x0] =	vst.idx.msk $0xffff, v21  }
0x2f9: {  	v63 =	vor.u32 v52, v48;
	v19 =	vld.idx.msk [tilespmem:v19+s3+$0x0], $0xffff  }
0x2fa: {  	v18 =	vor.u32 v17, v18;
	_ =	sdelay $0x3  }
0x2fb: {  	[tilespmem:v63+s30+$0x0] =	vst.idx.msk $0xffff, v19  }
0x2fc: {  	v19 =	vor.u32 v52, v50;
	v18 =	vld.idx.msk [tilespmem:v18+s3+$0x0], $0xffff;
	_ =	sdelay $0x4  }
.Ltmp6:
0x2fd: {  	s0 =	rddreg [dreg:$0x8];
	[tilespmem:v19+s30+$0x0] =	vst.idx.msk $0xffff, v18;
	(pc) =	sbr.rel .LBB2_9-.Ltmp6, $4  }
0x2fe: {  	[hbm4b:s0+s3] =	stream.linear.scatter [tilespmem:s30], [sflag:$0x2], $0x1000, $0x38;
	[tilespmem:$0x18000] =	vst v63  }
0x2ff: {  	_ =	swait.ge [sflag:s29], $0x1000  }
0x300: {  	[sflag:s29] =	ssyncset.done $0x0  }
0x301: {  	[sflag:s29] =	ssyncadd.s32 $0xFFFFF000  }
.LBB2_10:
0x302: {  	_ =	sfence.sel $0x180000  }
0x303: {  	[bflag:$0x0] =	sbarrier.arrive $0xFFFF  }
0x304: {  	_ =	strace $0x90000047  }
0x305: {  	s0 =	stileid.u32;
	[bflag:$0x2] =	sbarrier.arrive $0xFFFF  }
0x306: {  	p0 =	sne.s32 s0, $0x0;
	s0 =	rddreg [dreg:$0x3]  }
0x307: {  	s0 =	sadd.s32 @!p0 $0x100000, s0  }
0x308: {  	[sflag:s0] =	ssyncadd.tile.s32 @!p0 $0x1;
	_ =	shalt  }
.Lfunc_end2:
_tile_overlayer_lowered:
.L_overlay_start_2:
0x309: {  	(tag) =	ssettag $0x2  }
0x30a: {  	s0 =	rddreg [dreg:$0x0];
	s2 =	stileid.u32  }
0x30b: {  	s1 =	rddreg [dreg:$0x1];
	p0 =	sne.s32 s2, $0x0  }
0x30c: {  	s3 =	rddreg [dreg:$0x2];
	[bflag:$0x3] =	sbarrier.arrive $0xFFFF;
	s2 =	simm.s32 @!p0 $0x1C03  }
0x30d: {  	[timem:s3], [sflag:s2] =	dma.local @!p0 [hbm:s0], s1  }
0x30e: {  	s0 =	simm.s32 @!p0 $0x3  }
0x30f: {  	_ =	swait.ge @!p0 [sflag:s0], s1  }
0x310: {  	s1 =	ssub.s32 @!p0 $0x0, s1;
	[sflag:s0] =	ssyncset.done @!p0 $0x0  }
0x311: {  	[sflag:s0] =	ssyncadd.s32 @!p0 s1  }
0x312: {  	[bflag:$0x3] =	sbarrier.arrive $0xFFFF  }
0x313: {  	_ =	shalt  }

// kernel: kernel.7.cloned.1.call-start
scs
__scs_entry_jumppad:
0x0: {  	(pc) =	sbr.rel $0x88, $3  }
0x1: {  	(tag) =	ssettag $0x0;
	lr =	simm.s32 $0x1  }
0x2: {  	[smem:$0x3F9F] =	sst lr;
	_ =	strace $0xD0000000  }
0x3: {  	_ = 	snop  }
0x4: {  	_ = 	snop  }
0x5: {  	_ = 	snop  }
0x6: {  	_ = 	snop  }
0x7: {  	_ = 	snop  }
__scs_overlays_trampoline_lowered:
0x8: {  	[smem:$0x3FAE] =	sst s0  }
0x9: {  	[smem:$0x3FAF] =	sst s1  }
0xa: {  	[smem:$0x3FB0] =	sst s2  }
0xb: {  	[smem:$0x3FB1] =	sst s3  }
0xc: {  	[smem:$0x3FB2] =	sst s4  }
0xd: {  	[smem:$0x3FB3] =	sst s5  }
0xe: {  	[smem:$0x3FB4] =	sst s6  }
0xf: {  	[smem:$0x3FB5] =	sst s7  }
0x10: {  	[smem:$0x3FB6] =	sst s8  }
0x11: {  	[smem:$0x3FB7] =	sst s9;
	s0 =	simm.s32 @!p0 $0x0  }
0x12: {  	s1 =	sld [smem:$0x3F9D];
	s0 =	simm.s32 @p0 $0x1  }
0x13: {  	[smem:$0x3FB8] =	sst s0;
	s0 =	simm.s32 @!p1 $0x0  }
0x14: {  	s2 =	sld [smem:$0x3F9C];
	s0 =	simm.s32 @p1 $0x1  }
0x15: {  	[smem:$0x3FB9] =	sst s0;
	s0 =	simm.s32 @!p2 $0x0  }
0x16: {  	s3 =	sld [smem:$0x3FDB];
	s0 =	simm.s32 @p2 $0x1  }
0x17: {  	s4 =	simm.s32 $0x1BF5;
	[smem:$0x3FBB] =	sst s0  }
0x18: {  	s0 =	sld [smem:$0x3F9E];
	_ =	swait.ge [sflag:s4], $0x0  }
0x19: {  	s7 =	sld [smem:$0x3F9F]  }
0x1a: {  	s8 =	sadd.s32 $0xFFFFE003, lr  }
0x1b: {  	s9 =	sadd.s32 $0xFFFFFEF7, lr;
	s5 =	simm.s32 $0xFFFFFFFF;
	p2 =	slt.u32 s8, $0xFFFFF086  }
0x1c: {  	p1 =	slt.u32 s9, $0xF7A;
	s5 =	simm.s32 @!p2 $0x0  }
0x1d: {  	s5 =	simm.s32 @p1 $0x1;
	p0 =	seq.s32 s7, s2  }
0x1e: {  	s7 =	smul.u32 @!p0 $0xF7A, s2;
	p2 =	seq.s32 @!p0 s5, $0x0  }
0x1f: {  	s9 =	smul.u32 $0xF7A, s1;
	s8 =	simm.s32 @!p0 $0x1BF5;
	p2 =	por !p2, p0  }
0x20: {  	[sflag:s8] =	ssyncset.s32 @!p0 $0xFFFFF086;
	s6 =	sadd.s32 @!p0 s3, s7;
	s7 =	simm.s32 @!p0 $0x108  }
0x21: {  	s3 =	sadd.s32 s3, s9;
	s6 =	sadd.s32 @!p0 $0x88, s6;
	s7 =	simm.s32 @p2 $0x1082  }
0x22: {  	[simem:s7], [sflag:s8] =	dma.local @!p0 [hbm:s6], $0xF7A  }
0x23: {  	s9 =	sor.u32 $0xD0000000, s2;
	s6 =	simm.s32 $0x108;
	_ =	swait.ge @!p0 [sflag:s8], $0x0  }
0x24: {  	s3 =	sadd.s32 $0x88, s3;
	s6 =	simm.s32 @!p1 $0x1082;
	[sflag:s4] =	ssyncset.s32 $0xFFFFF086  }
0x25: {  	[simem:s6], [sflag:s4] =	dma.local [hbm:s3], $0xF7A  }
0x26: {  	[smem:$0x3F9F] =	sst s1;
	(tag) =	ssettag s2;
	_ =	strace s9  }
0x27: {  	s1 =	sld [smem:$0x3FAF]  }
0x28: {  	s2 =	sld [smem:$0x3FB0]  }
0x29: {  	s4 =	sld [smem:$0x3FB2]  }
0x2a: {  	p0 =	seq.s32 s5, $0x0;
	s5 =	sld [smem:$0x3FB3]  }
0x2b: {  	s6 =	sld [smem:$0x3FB4]  }
0x2c: {  	s7 =	sld [smem:$0x3FB5]  }
0x2d: {  	s3 =	simm.s32 $0x108;
	s8 =	sld [smem:$0x3FB6]  }
0x2e: {  	s3 =	simm.s32 @!p0 $0x1082;
	s9 =	sld [smem:$0x3FB7]  }
0x2f: {  	lr =	sadd.s32 s0, s3;
	s0 =	sld [smem:$0x3FAE]  }
0x30: {  	s3 =	sld [smem:$0x3FB1]  }
0x31: {  	[smem:$0x3FBA] =	sst s10  }
0x32: {  	s10 =	sld [smem:$0x3FB8];
	_ =	sdelay $0x3  }
0x33: {  	p0 =	seq.s32 s10, $0x1;
	s10 =	sld [smem:$0x3FBA];
	_ =	sdelay $0x3  }
0x34: {  	[smem:$0x3FBA] =	sst s10  }
0x35: {  	s10 =	sld [smem:$0x3FB9];
	_ =	sdelay $0x3  }
0x36: {  	p1 =	seq.s32 s10, $0x1;
	s10 =	sld [smem:$0x3FBA];
	_ =	sdelay $0x3  }
0x37: {  	[smem:$0x3FBA] =	sst s10  }
0x38: {  	s10 =	sld [smem:$0x3FBB]  }
0x39: {  	_ = 	snop;
	(pc) =	sbr.ind lr, $3  }
0x3a: {  	_ = 	snop  }
0x3b: {  	_ = 	snop  }
0x3c: {  	p2 =	seq.s32 s10, $0x1;
	s10 =	sld [smem:$0x3FBA]  }
0x3d: {  	_ =	shalt  }
0x3e: {  	_ =	shalt  }
0x3f: {  	_ =	shalt  }
0x40: {  	_ =	shalt  }
0x41: {  	_ =	shalt  }
0x42: {  	_ =	shalt  }
0x43: {  	_ =	shalt  }
0x44: {  	_ =	shalt  }
0x45: {  	_ =	shalt  }
0x46: {  	_ =	shalt  }
0x47: {  	_ =	shalt  }
0x48: {  	_ =	shalt  }
0x49: {  	_ =	shalt  }
0x4a: {  	_ =	shalt  }
0x4b: {  	_ =	shalt  }
0x4c: {  	_ =	shalt  }
0x4d: {  	_ =	shalt  }
0x4e: {  	_ =	shalt  }
0x4f: {  	_ =	shalt  }
0x50: {  	_ =	shalt  }
0x51: {  	_ =	shalt  }
0x52: {  	_ =	shalt  }
0x53: {  	_ =	shalt  }
0x54: {  	_ =	shalt  }
0x55: {  	_ =	shalt  }
0x56: {  	_ =	shalt  }
0x57: {  	_ =	shalt  }
0x58: {  	_ =	shalt  }
0x59: {  	_ =	shalt  }
0x5a: {  	_ =	shalt  }
0x5b: {  	_ =	shalt  }
0x5c: {  	_ =	shalt  }
0x5d: {  	_ =	shalt  }
0x5e: {  	_ =	shalt  }
0x5f: {  	_ =	shalt  }
0x60: {  	_ =	shalt  }
0x61: {  	_ =	shalt  }
0x62: {  	_ =	shalt  }
0x63: {  	_ =	shalt  }
0x64: {  	_ =	shalt  }
0x65: {  	_ =	shalt  }
0x66: {  	_ =	shalt  }
0x67: {  	_ =	shalt  }
0x68: {  	_ =	shalt  }
0x69: {  	_ =	shalt  }
0x6a: {  	_ =	shalt  }
0x6b: {  	_ =	shalt  }
0x6c: {  	_ =	shalt  }
0x6d: {  	_ =	shalt  }
0x6e: {  	_ =	shalt  }
0x6f: {  	_ =	shalt  }
0x70: {  	_ =	shalt  }
0x71: {  	_ =	shalt  }
0x72: {  	_ =	shalt  }
0x73: {  	_ =	shalt  }
0x74: {  	_ =	shalt  }
0x75: {  	_ =	shalt  }
0x76: {  	_ =	shalt  }
0x77: {  	_ =	shalt  }
0x78: {  	_ =	shalt  }
0x79: {  	_ =	shalt  }
0x7a: {  	_ =	shalt  }
0x7b: {  	_ =	shalt  }
0x7c: {  	_ =	shalt  }
0x7d: {  	_ =	shalt  }
0x7e: {  	_ =	shalt  }
0x7f: {  	_ =	shalt  }
0x80: {  	_ =	shalt  }
0x81: {  	_ =	shalt  }
0x82: {  	_ =	shalt  }
0x83: {  	_ =	shalt  }
0x84: {  	_ =	shalt  }
0x85: {  	_ =	shalt  }
0x86: {  	_ =	shalt  }
0x87: {  	_ =	shalt  }
.Lfunc_end0:
.L_simem_size_0:
called_computation.1_lowered:
.L_overlay_start_0:
0x88: {  	s2 =	sld [smem:$0x3FD9]  }
0x89: {  	s3 =	sld [smem:$0x3FFE];
	_ =	sdelay $0x1  }
0x8a: {  	s1 =	srdreg.scid  }
0x8b: {  	s0 =	sand.u32 $0x1, s1  }
0x8c: {  	s17 =	sshll.u32 s0, $0xA;
	s2 =	sadd.s32 s3, s2  }
0x8d: {  	s2 =	sadd.s32 s2, s17  }
0x8e: {  	[smem:$0x3FC6] =	sst s2  }
0x8f: {  	_ = 	snop  }
0x90: {  	s2 =	sld [smem:$0x3FD0];
	(tm) =	ssettm $0x1  }
0x91: {  	s18 =	sld [smem:$0x3FFB];
	_ =	sdelay $0x3  }
0x92: {  	_ =	strace s18  }
0x93: {  	s3 =	sld [smem:$0x3FFC];
	_ =	sdelay $0x3  }
0x94: {  	_ =	strace s3  }
0x95: {  	s3 =	sld [smem:$0x3FFD];
	_ =	sdelay $0x3  }
0x96: {  	_ =	strace s3  }
0x97: {  	_ =	strace $0x8FFFFFFF  }
0x98: {  	s19 =	sld [smem:$0x3FDB];
	_ =	sdelay $0x1  }
0x99: {  	s4 =	simm.s32 $_scs_section_size  }
0x9a: {  	s5 =	simm.s32 $_size__tile_overlayer_lowered;
	s6 =	simm.s32 $_tile_overlayer_lowered  }
0x9b: {  	s22 =	simm.s32 $0x1BFF;
	s21 =	sshll.u32 s6, $0x1;
	s3 =	sadd.s32 s4, s19  }
0x9c: {  	s7 =	simm.s32 $0x0;
	s20 =	sshll.u32 s5, $0x1;
	s5 =	sadd.s32 s21, s3  }
0x9d: {  	[timem:s7], [sflag:s22] =	dma.local [hbm:s5], s20  }
0x9e: {  	_ =	swait.ge [sflag:s22], s20  }
0x9f: {  	s4 =	ssub.s32 $0x0, s20;
	[sflag:s22] =	ssyncset.done $0x0  }
0xa0: {  	[sflag:s22] =	ssyncadd.s32 s4;
	_ =	sdelay $0x1  }
0xa1: {  	s23 =	simm.s32 $0x1B8B  }
0xa2: {  	_ =	swait.ge [sflag:s23], $0x1  }
0xa3: {  	[sflag:s23] =	ssyncset.done $0x0  }
0xa4: {  	s25 =	simm.s32 $0x1B8E;
	s24 =	sld [smem:$0x3FFE];
	[sflag:s23] =	ssyncadd.s32 $0xFFFFFFFF  }
0xa5: {  	s26 =	simm.s32 $execute0_lowered;
	[smem:$0x3FD2] =	sst s25  }
0xa6: {  	s5 =	sshll.u32 s26, $0x1;
	_ =	strace $0x80000049;
	[dreg:$0x1] =	wrdreg $0xFFFFFFFF  }
0xa7: {  	s28 =	simm.s32 $_size_execute0_lowered;
	s3 =	sadd.s32 s3, s5;
	[dreg:$0x0] =	wrdreg $0x0  }
0xa8: {  	s5 =	sshll.u32 s28, $0x1;
	[dreg:$0x2] =	wrdreg s3  }
0xa9: {  	[dreg:$0x3] =	wrdreg s5  }
0xaa: {  	[dreg:$0x4] =	wrdreg $0xC0  }
0xab: {  	_ =	task [dreg:s7], $0x5FFFF  }
0xac: {  	[dreg:$0x1] =	wrdreg $0xFFFFFFFF  }
0xad: {  	[dreg:$0x0] =	wrdreg $0x60  }
0xae: {  	[dreg:$0x2] =	wrdreg s24  }
0xaf: {  	[dreg:$0x3] =	wrdreg s2  }
0xb0: {  	[dreg:$0x4] =	wrdreg $0x9  }
0xb1: {  	_ =	task.clear_ibuf [dreg:s7], $0x5FFFF;
	_ =	strace $0x90000049  }
0xb2: {  	s29 =	simm.s32 $0x9;
	_ =	strace $0x8000004B  }
0xb3: {  	_ =	swait.ge [sflag:s29], $0x1  }
0xb4: {  	[sflag:s29] =	ssyncadd.s32 $0xFFFFFFFF  }
0xb5: {  	_ =	strace $0x9000004B  }
0xb6: {  	_ =	sfence  }
0xb7: {  	s30 =	sld [smem:$0x0];
	_ =	sdelay $0x2  }
0xb8: {  	s31 =	sshll.u32 s1, $0xD;
	s1 =	sshrl.u32 s1, $0x2  }
0xb9: {  	s3 =	sand.u32 $0x4000, s31;
	s1 =	sadd.s32 s1, s30  }
0xba: {  	s0 =	sor.u32 s3, s0;
	s1 =	sshll.u32 s1, $0x11  }
0xbb: {  	s0 =	sor.u32 s1, s0  }
0xbc: {  	s0 =	sadd.s32 $0x8F2B, s0  }
0xbd: {  	[sflag:s0] =	ssyncadd.remote.s32 $0x1  }
0xbe: {  	_ =	sfence.sel $0xFFFF  }
0xbf: {  	[dreg:$0x0] =	wrdreg $0xFFFFFFFF;
	(pc) =	sbr.abs _section_cstart, $3  }
0xc0: {  	[dreg:$0x1] =	wrdreg $0xFFFFFFFF  }
0xc1: {  	_ =	task.clear_ibuf [dreg:s7], $0x2FFFF;
	_ =	strace $0x9FFFFFFF  }
0xc2: {  	(tm) =	ssettm $0x7FFFFFFF  }
0xc3: {  	_ =	shalt  }
tec
execute0_lowered:
.L_overlay_start_1:
0x0: {  	(tag) =	ssettag $0x1  }
0x1: {  	s1 =	srdreg.scid;
	s5 =	rddreg [dreg:$0x0]  }
0x2: {  	s0 =	stileid.u32;
	s2 =	rddreg [dreg:$0x1]  }
0x3: {  	s3 =	simm.s32 $0x0;
	s10 =	simm.s32 $0x3400;
	s11 =	simm.s32 $0x80  }
0x4: {  	s12 =	simm.s32 $0x6800;
	s13 =	simm.s32 $0x1;
	s14 =	simm.s32 $0x400  }
0x5: {  	v0 =	vlaneseq.u32;
	s15 =	simm.s32 $0x20000;
	s4 =	sand.u32 $0x1, s1;
	s31 =	sshll.u32 s0, $0x1  }
0x6: {  	s16 =	simm.s32 $0x2;
	s17 =	simm.s32 $0x0;
	v1 =	vmul.u32 $0x80, v0;
	s1 =	sor.u32 s4, s31  }
0x7: {  	[smem:$0x7FF] =	sst s3;
	v3 =	vor.u32 $0x10, v0;
	v5 =	vor.u32 $0x20, v0;
	v7 =	vor.u32 $0x30, v0;
	s8 =	ssub.s32 $0x2, s4;
	s7 =	smul.u32 $0x3400, s1  }
0x8: {  	v9 =	vor.u32 $0x40, v0;
	v11 =	vor.u32 $0x50, v0;
	v13 =	vor.u32 $0x60, v0;
	s4 =	sadd.s32 $0xC00, s5;
	s1 =	rddreg [dreg:$0x2];
	s9 =	sshrl.u32 s8, $0x1  }
0x9: {  	v15 =	vor.u32 $0x70, v0;
	_ =	strace $0x8000004A;
	v2 =	vor.u32 $0x800, v1;
	v4 =	vor.u32 $0x1000, v1;
	s8 =	ssub.s32 s8, s9;
	s6 =	sshrl.u32 s7, $0x3  }
0xa: {  	v6 =	vor.u32 $0x1800, v1;
	v8 =	vor.u32 $0x2000, v1;
	v10 =	vor.u32 $0x2800, v1;
	s9 =	simm.s32 $0x3;
	s7 =	sshrl.u32 s7, $0x7;
	s6 =	sadd.s32 s6, s5  }
0xb: {  	v12 =	vor.u32 $0x3000, v1;
	v14 =	vor.u32 $0x3800, v1;
	s8 =	smax.u32 s8, $0x1;
	s5 =	sadd.s32 $0x3DE600, s6;
	s6 =	sadd.s32 $0x3D1600, s6  }
.LBB2_1:
0xc: {  	[tilespmem:s3], [sflag:$0x3] =	stream.linear.gather [hbm4b:s5+s3], $0x3400, $0x38;
	[tilespmem:$0x10800] =	vst v63  }
0xd: {  	_ =	swait.ge [sflag:s9], $0x3400  }
0xe: {  	[sflag:s9] =	ssyncset.done $0x0  }
0xf: {  	[sflag:s9] =	ssyncadd.s32 $0xFFFFCC00  }
0x10: {  	[tilespmem:s10], [sflag:$0x3] =	stream.linear.gather [hbm4b:s6+s3], $0x3400, $0x38;
	[tilespmem:$0x10800] =	vst v63  }
0x11: {  	_ =	swait.ge [sflag:s9], $0x3400  }
0x12: {  	[sflag:s9] =	ssyncset.done $0x0  }
0x13: {  	s18 =	simm.s32 $0x0;
	[sflag:s9] =	ssyncadd.s32 $0xFFFFCC00  }
0x14: {  	[tilespmem:s12], [sflag:$0x1] =	stream.indirect.gather [hbm4b:s4+s11], $0x80, s3, s11, $0xb8;
	[tilespmem:$0x10800] =	vst v63  }
.LBB2_2:
0x15: {  	s21 =	smov.u32 s18  }
0x16: {  	s20 =	sand.u32 $0x1, s18;
	s18 =	sadd.s32 $0x1, s18;
	p0 =	seq.s32 s21, $0x67  }
0x17: {  	s19 =	sshll.u32 @!p0 s20, $0xE;
	s22 =	sshll.u32 @!p0 s18, $0x7  }
0x18: {  	s23 =	simm.s32 @!p0 $0x80;
	s19 =	ssub.s32 @!p0 $0xA800, s19;
	s22 =	sand.u32 @!p0 $0x3FFFFF80, s22  }
0x19: {  	[tilespmem:s19], [sflag:$0x1] =	stream.indirect.gather @!p0 [hbm4b:s4+s23], $0x80, s22, s23, $0xb8;
	[tilespmem:$0x10800] =	vst v63  }
0x1a: {  	_ =	swait.ge [sflag:s13], $0x4000  }
0x1b: {  	p0 =	slt.u32 s21, $0x2;
	[sflag:s13] =	ssyncset.done $0x0  }
0x1c: {  	s19 =	simm.s32 @!p0 $0x2;
	[sflag:s13] =	ssyncadd.s32 $0xFFFFC000  }
0x1d: {  	_ =	swait.ge @!p0 [sflag:s19], $0x1000  }
0x1e: {  	s28 =	sshll.u32 s21, $0x7;
	[sflag:s19] =	ssyncset.done @!p0 $0x0  }
0x1f: {  	s22 =	sand.u32 $0x3FFFFF80, s28;
	[sflag:s19] =	ssyncadd.s32 @!p0 $0xFFFFF000  }
0x20: {  	v23 =	vld [tilespmem:s22+$0x3400];
	_ =	sdelay $0x1  }
0x21: {  	s29 =	simm.s32 $0x0  }
0x22: {  	v24 =	vadd.s32 s29, v0  }
0x23: {  	v25 =	vand.u32 $0xF, v24  }
0x24: {  	v16 =	vadd.s32 v23, v25  }
0x25: {  	v22 =	vld [tilespmem:s22+$0x3410];
	v16 =	vadd.s32 v1, v16;
	_ =	sdelay $0x2  }
0x26: {  	s30 =	sshll.u32 s20, $0xE  }
0x27: {  	v26 =	vshll.u32 v25, $0x7;
	s19 =	sadd.s32 $0x6800, s30;
	v21 =	vld [tilespmem:s22+$0x3420]  }
0x28: {  	v28 =	vor.u32 v0, v26;
	v27 =	vld.idx.msk [tilespmem:v16+s19+$0x0], $0xffff;
	v16 =	vadd.s32 v22, v25  }
0x29: {  	v19 =	vld [tilespmem:s22+$0x3430];
	v29 =	vadd.s32 v2, v16  }
0x2a: {  	v20 =	vld [tilespmem:s22+$0x3440]  }
0x2b: {  	s20 =	sshll.u32 s20, $0xC;
	v18 =	vld [tilespmem:s22+$0x3450]  }
0x2c: {  	s20 =	sor.u32 $0xE800, s20;
	v17 =	vld [tilespmem:s22+$0x3460]  }
0x2d: {  	v16 =	vld [tilespmem:s22+$0x3470];
	[tilespmem:v28+s20+$0x0] =	vst.idx.msk $0xffff, v27  }
0x2e: {  	v46 =	vor.u32 v3, v26;
	v47 =	vadd.s32 v21, v25;
	v27 =	vld.idx.msk [tilespmem:v29+s19+$0x0], $0xffff  }
0x2f: {  	v29 =	vadd.s32 v4, v47;
	_ =	sdelay $0x3  }
0x30: {  	[tilespmem:v46+s20+$0x0] =	vst.idx.msk $0xffff, v27  }
0x31: {  	v48 =	vor.u32 v5, v26;
	v49 =	vadd.s32 v19, v25;
	v27 =	vld.idx.msk [tilespmem:v29+s19+$0x0], $0xffff  }
0x32: {  	v29 =	vadd.s32 v6, v49;
	_ =	sdelay $0x3  }
0x33: {  	[tilespmem:v48+s20+$0x0] =	vst.idx.msk $0xffff, v27  }
0x34: {  	v50 =	vor.u32 v7, v26;
	v51 =	vadd.s32 v20, v25;
	v27 =	vld.idx.msk [tilespmem:v29+s19+$0x0], $0xffff  }
0x35: {  	v29 =	vadd.s32 v8, v51;
	_ =	sdelay $0x3  }
0x36: {  	[tilespmem:v50+s20+$0x0] =	vst.idx.msk $0xffff, v27  }
0x37: {  	v52 =	vor.u32 v9, v26;
	v53 =	vadd.s32 v18, v25;
	v27 =	vld.idx.msk [tilespmem:v29+s19+$0x0], $0xffff  }
0x38: {  	v29 =	vadd.s32 v10, v53;
	_ =	sdelay $0x3  }
0x39: {  	[tilespmem:v52+s20+$0x0] =	vst.idx.msk $0xffff, v27  }
0x3a: {  	v54 =	vor.u32 v11, v26;
	v55 =	vadd.s32 v17, v25;
	v27 =	vld.idx.msk [tilespmem:v29+s19+$0x0], $0xffff  }
0x3b: {  	v29 =	vadd.s32 v12, v55;
	_ =	sdelay $0x3  }
0x3c: {  	[tilespmem:v54+s20+$0x0] =	vst.idx.msk $0xffff, v27  }
0x3d: {  	v56 =	vor.u32 v13, v26;
	v25 =	vadd.s32 v16, v25;
	v27 =	vld.idx.msk [tilespmem:v29+s19+$0x0], $0xffff  }
0x3e: {  	v25 =	vadd.s32 v14, v25;
	_ =	sdelay $0x3  }
0x3f: {  	v24 =	vor.u32 $0x10, v24;
	[tilespmem:v56+s20+$0x0] =	vst.idx.msk $0xffff, v27  }
0x40: {  	v26 =	vor.u32 v15, v26;
	v27 =	vadd.s32 v23, v24;
	v25 =	vld.idx.msk [tilespmem:v25+s19+$0x0], $0xffff  }
0x41: {  	v27 =	vadd.s32 v1, v27;
	_ =	sdelay $0x3  }
0x42: {  	[tilespmem:v26+s20+$0x0] =	vst.idx.msk $0xffff, v25;
	v25 =	vshll.u32 v24, $0x7  }
0x43: {  	v57 =	vadd.s32 v22, v24;
	v26 =	vld.idx.msk [tilespmem:v27+s19+$0x0], $0xffff;
	v27 =	vor.u32 v0, v25  }
0x44: {  	v28 =	vadd.s32 v2, v57;
	_ =	sdelay $0x3  }
0x45: {  	[tilespmem:v27+s20+$0x0] =	vst.idx.msk $0xffff, v26  }
0x46: {  	v58 =	vadd.s32 v21, v24;
	v27 =	vor.u32 v3, v25;
	v26 =	vld.idx.msk [tilespmem:v28+s19+$0x0], $0xffff  }
0x47: {  	v28 =	vadd.s32 v4, v58;
	_ =	sdelay $0x3  }
0x48: {  	[tilespmem:v27+s20+$0x0] =	vst.idx.msk $0xffff, v26  }
0x49: {  	v59 =	vadd.s32 v19, v24;
	v27 =	vor.u32 v5, v25;
	v26 =	vld.idx.msk [tilespmem:v28+s19+$0x0], $0xffff  }
0x4a: {  	v28 =	vadd.s32 v6, v59;
	_ =	sdelay $0x3  }
0x4b: {  	[tilespmem:v27+s20+$0x0] =	vst.idx.msk $0xffff, v26  }
0x4c: {  	v60 =	vadd.s32 v20, v24;
	v27 =	vor.u32 v7, v25;
	v26 =	vld.idx.msk [tilespmem:v28+s19+$0x0], $0xffff  }
0x4d: {  	v28 =	vadd.s32 v8, v60;
	_ =	sdelay $0x3  }
0x4e: {  	[tilespmem:v27+s20+$0x0] =	vst.idx.msk $0xffff, v26  }
0x4f: {  	v61 =	vadd.s32 v18, v24;
	v27 =	vor.u32 v9, v25;
	v26 =	vld.idx.msk [tilespmem:v28+s19+$0x0], $0xffff  }
0x50: {  	v28 =	vadd.s32 v10, v61;
	_ =	sdelay $0x3  }
0x51: {  	[tilespmem:v27+s20+$0x0] =	vst.idx.msk $0xffff, v26  }
0x52: {  	v62 =	vadd.s32 v17, v24;
	v27 =	vor.u32 v11, v25;
	v26 =	vld.idx.msk [tilespmem:v28+s19+$0x0], $0xffff  }
0x53: {  	v28 =	vadd.s32 v12, v62;
	_ =	sdelay $0x3  }
0x54: {  	[tilespmem:v27+s20+$0x0] =	vst.idx.msk $0xffff, v26  }
0x55: {  	v24 =	vadd.s32 v16, v24;
	v63 =	vor.u32 v13, v25;
	v27 =	vld.idx.msk [tilespmem:v28+s19+$0x0], $0xffff  }
0x56: {  	v26 =	vadd.s32 v14, v24;
	_ =	sdelay $0x2  }
0x57: {  	s31 =	simm.s32 $0x1  }
0x58: {  	s21 =	sadd.s32 s7, s21;
	s22 =	simm.s32 $0x2;
	v24 =	vadd.s32 s31, v0;
	[tilespmem:v63+s20+$0x0] =	vst.idx.msk $0xffff, v27  }
.LBB2_3:
0x59: {  	p0 =	sne.s32 s22, $0xF;
	v27 =	vand.u32 $0xF, v24;
	v26 =	vld.idx.msk [tilespmem:v26+s19+$0x0], $0xffff  }
0x5a: {  	v25 =	vor.u32 v15, v25;
	v28 =	vadd.s32 v23, v27  }
0x5b: {  	v28 =	vadd.s32 v1, v28;
	_ =	sdelay $0x3  }
0x5c: {  	[tilespmem:v25+s20+$0x0] =	vst.idx.msk $0xffff, v26  }
0x5d: {  	v26 =	vshll.u32 v27, $0x7;
	v25 =	vld.idx.msk [tilespmem:v28+s19+$0x0], $0xffff  }
0x5e: {  	v29 =	vadd.s32 v22, v27;
	v28 =	vor.u32 v0, v26  }
0x5f: {  	v29 =	vadd.s32 v2, v29;
	_ =	sdelay $0x3  }
0x60: {  	[tilespmem:v28+s20+$0x0] =	vst.idx.msk $0xffff, v25  }
0x61: {  	v25 =	vld.idx.msk [tilespmem:v29+s19+$0x0], $0xffff  }
0x62: {  	v28 =	vor.u32 v3, v26;
	v29 =	vadd.s32 v21, v27  }
0x63: {  	v29 =	vadd.s32 v4, v29;
	_ =	sdelay $0x3  }
0x64: {  	[tilespmem:v28+s20+$0x0] =	vst.idx.msk $0xffff, v25  }
0x65: {  	v25 =	vld.idx.msk [tilespmem:v29+s19+$0x0], $0xffff  }
0x66: {  	v28 =	vor.u32 v5, v26;
	v29 =	vadd.s32 v19, v27  }
0x67: {  	v29 =	vadd.s32 v6, v29;
	_ =	sdelay $0x3  }
0x68: {  	[tilespmem:v28+s20+$0x0] =	vst.idx.msk $0xffff, v25  }
0x69: {  	v25 =	vld.idx.msk [tilespmem:v29+s19+$0x0], $0xffff  }
0x6a: {  	v28 =	vor.u32 v7, v26;
	v29 =	vadd.s32 v20, v27  }
0x6b: {  	v29 =	vadd.s32 v8, v29;
	_ =	sdelay $0x3  }
0x6c: {  	[tilespmem:v28+s20+$0x0] =	vst.idx.msk $0xffff, v25  }
0x6d: {  	v25 =	vld.idx.msk [tilespmem:v29+s19+$0x0], $0xffff  }
0x6e: {  	v28 =	vor.u32 v9, v26;
	v29 =	vadd.s32 v18, v27  }
0x6f: {  	v29 =	vadd.s32 v10, v29;
	_ =	sdelay $0x3  }
0x70: {  	[tilespmem:v28+s20+$0x0] =	vst.idx.msk $0xffff, v25  }
0x71: {  	v25 =	vld.idx.msk [tilespmem:v29+s19+$0x0], $0xffff  }
0x72: {  	v28 =	vor.u32 v11, v26;
	v29 =	vadd.s32 v17, v27  }
0x73: {  	v29 =	vadd.s32 v12, v29;
	_ =	sdelay $0x3  }
0x74: {  	[tilespmem:v28+s20+$0x0] =	vst.idx.msk $0xffff, v25  }
0x75: {  	v25 =	vld.idx.msk [tilespmem:v29+s19+$0x0], $0xffff  }
0x76: {  	v27 =	vadd.s32 v16, v27;
	v28 =	vor.u32 v13, v26  }
0x77: {  	v27 =	vadd.s32 v14, v27;
	_ =	sdelay $0x3  }
0x78: {  	[tilespmem:v28+s20+$0x0] =	vst.idx.msk $0xffff, v25  }
0x79: {  	v24 =	vor.u32 $0x10, v24;
	v25 =	vld.idx.msk [tilespmem:v27+s19+$0x0], $0xffff  }
0x7a: {  	v26 =	vor.u32 v15, v26;
	v27 =	vadd.s32 v23, v24  }
0x7b: {  	v27 =	vadd.s32 v1, v27;
	_ =	sdelay $0x3  }
0x7c: {  	[tilespmem:v26+s20+$0x0] =	vst.idx.msk $0xffff, v25  }
0x7d: {  	v25 =	vshll.u32 v24, $0x7;
	v26 =	vld.idx.msk [tilespmem:v27+s19+$0x0], $0xffff  }
0x7e: {  	v28 =	vadd.s32 v22, v24;
	v27 =	vor.u32 v0, v25  }
0x7f: {  	v28 =	vadd.s32 v2, v28;
	_ =	sdelay $0x3  }
0x80: {  	[tilespmem:v27+s20+$0x0] =	vst.idx.msk $0xffff, v26  }
0x81: {  	v26 =	vld.idx.msk [tilespmem:v28+s19+$0x0], $0xffff  }
0x82: {  	v27 =	vor.u32 v3, v25;
	v28 =	vadd.s32 v21, v24  }
0x83: {  	v28 =	vadd.s32 v4, v28;
	_ =	sdelay $0x3  }
0x84: {  	[tilespmem:v27+s20+$0x0] =	vst.idx.msk $0xffff, v26  }
0x85: {  	v26 =	vld.idx.msk [tilespmem:v28+s19+$0x0], $0xffff  }
0x86: {  	v27 =	vor.u32 v5, v25;
	v28 =	vadd.s32 v19, v24  }
0x87: {  	v28 =	vadd.s32 v6, v28;
	_ =	sdelay $0x3  }
0x88: {  	[tilespmem:v27+s20+$0x0] =	vst.idx.msk $0xffff, v26  }
0x89: {  	v26 =	vld.idx.msk [tilespmem:v28+s19+$0x0], $0xffff  }
0x8a: {  	v27 =	vor.u32 v7, v25;
	v28 =	vadd.s32 v20, v24  }
0x8b: {  	v28 =	vadd.s32 v8, v28;
	_ =	sdelay $0x3  }
0x8c: {  	[tilespmem:v27+s20+$0x0] =	vst.idx.msk $0xffff, v26  }
0x8d: {  	v26 =	vld.idx.msk [tilespmem:v28+s19+$0x0], $0xffff  }
0x8e: {  	v27 =	vor.u32 v9, v25;
	v28 =	vadd.s32 v18, v24  }
0x8f: {  	v28 =	vadd.s32 v10, v28;
	_ =	sdelay $0x3  }
0x90: {  	[tilespmem:v27+s20+$0x0] =	vst.idx.msk $0xffff, v26  }
0x91: {  	v26 =	vld.idx.msk [tilespmem:v28+s19+$0x0], $0xffff  }
0x92: {  	v27 =	vor.u32 v11, v25;
	v28 =	vadd.s32 v17, v24  }
0x93: {  	v28 =	vadd.s32 v12, v28;
	_ =	sdelay $0x3  }
0x94: {  	[tilespmem:v27+s20+$0x0] =	vst.idx.msk $0xffff, v26  }
0x95: {  	v27 =	vld.idx.msk [tilespmem:v28+s19+$0x0], $0xffff  }
0x96: {  	v24 =	vadd.s32 v16, v24;
	v28 =	vor.u32 v13, v25  }
.Ltmp0:
0x97: {  	v26 =	vadd.s32 v14, v24;
	(pc) =	sbr.rel @p0 .LBB2_3-.Ltmp0, $2  }
0x98: {  	_ =	sdelay $0x2  }
0x99: {  	v24 =	vadd.s32 s22, v0;
	s22 =	sadd.s32 $0x1, s22;
	[tilespmem:v28+s20+$0x0] =	vst.idx.msk $0xffff, v27  }
0x9a: {  	_ =	sdelay $0x2  }
0x9b: {  	v27 =	vand.u32 $0xF, v24  }
0x9c: {  	v26 =	vld.idx.msk [tilespmem:v26+s19+$0x0], $0xffff;
	v25 =	vor.u32 v15, v25;
	v28 =	vadd.s32 v23, v27  }
0x9d: {  	v28 =	vadd.s32 v1, v28;
	_ =	sdelay $0x3  }
0x9e: {  	v36 =	vshll.u32 v27, $0x7;
	[tilespmem:v25+s20+$0x0] =	vst.idx.msk $0xffff, v26  }
0x9f: {  	v29 =	vadd.s32 v22, v27;
	v37 =	vor.u32 v0, v36;
	v26 =	vld.idx.msk [tilespmem:v28+s19+$0x0], $0xffff  }
0xa0: {  	v29 =	vadd.s32 v2, v29;
	_ =	sdelay $0x3  }
0xa1: {  	[tilespmem:v37+s20+$0x0] =	vst.idx.msk $0xffff, v26  }
0xa2: {  	v39 =	vadd.s32 v21, v27;
	v38 =	vor.u32 v3, v36;
	v26 =	vld.idx.msk [tilespmem:v29+s19+$0x0], $0xffff  }
0xa3: {  	v29 =	vadd.s32 v4, v39;
	_ =	sdelay $0x3  }
0xa4: {  	[tilespmem:v38+s20+$0x0] =	vst.idx.msk $0xffff, v26  }
0xa5: {  	v41 =	vadd.s32 v19, v27;
	v40 =	vor.u32 v5, v36;
	v26 =	vld.idx.msk [tilespmem:v29+s19+$0x0], $0xffff  }
0xa6: {  	v29 =	vadd.s32 v6, v41;
	_ =	sdelay $0x3  }
0xa7: {  	[tilespmem:v40+s20+$0x0] =	vst.idx.msk $0xffff, v26  }
0xa8: {  	v43 =	vadd.s32 v20, v27;
	v42 =	vor.u32 v7, v36;
	v26 =	vld.idx.msk [tilespmem:v29+s19+$0x0], $0xffff  }
0xa9: {  	v29 =	vadd.s32 v8, v43;
	_ =	sdelay $0x3  }
0xaa: {  	[tilespmem:v42+s20+$0x0] =	vst.idx.msk $0xffff, v26  }
0xab: {  	v45 =	vadd.s32 v18, v27;
	v44 =	vor.u32 v9, v36;
	v26 =	vld.idx.msk [tilespmem:v29+s19+$0x0], $0xffff  }
0xac: {  	v29 =	vadd.s32 v10, v45;
	_ =	sdelay $0x3  }
0xad: {  	[tilespmem:v44+s20+$0x0] =	vst.idx.msk $0xffff, v26  }
0xae: {  	v47 =	vadd.s32 v17, v27;
	v46 =	vor.u32 v11, v36;
	v26 =	vld.idx.msk [tilespmem:v29+s19+$0x0], $0xffff  }
0xaf: {  	v29 =	vadd.s32 v12, v47;
	_ =	sdelay $0x3  }
0xb0: {  	[tilespmem:v46+s20+$0x0] =	vst.idx.msk $0xffff, v26  }
0xb1: {  	v27 =	vadd.s32 v16, v27;
	v48 =	vor.u32 v13, v36;
	v26 =	vld.idx.msk [tilespmem:v29+s19+$0x0], $0xffff  }
0xb2: {  	v27 =	vadd.s32 v14, v27;
	_ =	sdelay $0x3  }
0xb3: {  	v49 =	vor.u32 $0x10, v24;
	[tilespmem:v48+s20+$0x0] =	vst.idx.msk $0xffff, v26  }
0xb4: {  	v50 =	vadd.s32 v23, v49;
	v25 =	vor.u32 v15, v36;
	v26 =	vld.idx.msk [tilespmem:v27+s19+$0x0], $0xffff  }
0xb5: {  	v23 =	vadd.s32 v1, v50;
	_ =	sdelay $0x3  }
0xb6: {  	v51 =	vshll.u32 v49, $0x7;
	[tilespmem:v25+s20+$0x0] =	vst.idx.msk $0xffff, v26  }
0xb7: {  	v53 =	vadd.s32 v22, v49;
	v52 =	vor.u32 v0, v51;
	v23 =	vld.idx.msk [tilespmem:v23+s19+$0x0], $0xffff  }
0xb8: {  	v22 =	vadd.s32 v2, v53;
	_ =	sdelay $0x3  }
0xb9: {  	[tilespmem:v52+s20+$0x0] =	vst.idx.msk $0xffff, v23  }
0xba: {  	v55 =	vadd.s32 v21, v49;
	v54 =	vor.u32 v3, v51;
	v22 =	vld.idx.msk [tilespmem:v22+s19+$0x0], $0xffff  }
0xbb: {  	v21 =	vadd.s32 v4, v55;
	_ =	sdelay $0x3  }
0xbc: {  	[tilespmem:v54+s20+$0x0] =	vst.idx.msk $0xffff, v22  }
0xbd: {  	v57 =	vadd.s32 v19, v49;
	v56 =	vor.u32 v5, v51;
	v21 =	vld.idx.msk [tilespmem:v21+s19+$0x0], $0xffff  }
0xbe: {  	v19 =	vadd.s32 v6, v57;
	_ =	sdelay $0x3  }
0xbf: {  	[tilespmem:v56+s20+$0x0] =	vst.idx.msk $0xffff, v21  }
0xc0: {  	v59 =	vadd.s32 v20, v49;
	v58 =	vor.u32 v7, v51;
	v19 =	vld.idx.msk [tilespmem:v19+s19+$0x0], $0xffff  }
0xc1: {  	v20 =	vadd.s32 v8, v59;
	_ =	sdelay $0x3  }
0xc2: {  	[tilespmem:v58+s20+$0x0] =	vst.idx.msk $0xffff, v19  }
0xc3: {  	v61 =	vadd.s32 v18, v49;
	v60 =	vor.u32 v9, v51;
	v19 =	vld.idx.msk [tilespmem:v20+s19+$0x0], $0xffff  }
0xc4: {  	v18 =	vadd.s32 v10, v61;
	_ =	sdelay $0x3  }
0xc5: {  	[tilespmem:v60+s20+$0x0] =	vst.idx.msk $0xffff, v19  }
0xc6: {  	v17 =	vadd.s32 v17, v49;
	v62 =	vor.u32 v11, v51;
	v18 =	vld.idx.msk [tilespmem:v18+s19+$0x0], $0xffff  }
0xc7: {  	v17 =	vadd.s32 v12, v17;
	_ =	sdelay $0x3  }
0xc8: {  	[tilespmem:v62+s20+$0x0] =	vst.idx.msk $0xffff, v18  }
0xc9: {  	v16 =	vadd.s32 v16, v49;
	v63 =	vor.u32 v13, v51;
	v17 =	vld.idx.msk [tilespmem:v17+s19+$0x0], $0xffff  }
0xca: {  	v16 =	vadd.s32 v14, v16;
	_ =	sdelay $0x3  }
0xcb: {  	[tilespmem:v63+s20+$0x0] =	vst.idx.msk $0xffff, v17  }
0xcc: {  	v17 =	vor.u32 v15, v51;
	v16 =	vld.idx.msk [tilespmem:v16+s19+$0x0], $0xffff  }
0xcd: {  	p0 =	sne.s32 s18, $0x68  }
.Ltmp1:
0xce: {  	s30 =	sshll.u32 s21, $0x7;
	(pc) =	sbr.rel @p0 .LBB2_2-.Ltmp1, $4  }
0xcf: {  	s31 =	sshll.u32 s21, $0x9;
	s19 =	sand.u32 $0x3F80, s30  }
0xd0: {  	s21 =	sand.u32 $0xFFF0000, s31;
	s19 =	sadd.s32 s2, s19  }
0xd1: {  	s19 =	sadd.s32 s21, s19;
	[tilespmem:v17+s20+$0x0] =	vst.idx.msk $0xffff, v16  }
0xd2: {  	[hbm4b:s19+s14] =	stream.strided.scatter [tilespmem:s20], [sflag:$0x2], $0x1000, s15, s14, $0x38;
	[tilespmem:$0x10800] =	vst v63  }
0xd3: {  	s17 =	sadd.s32 $0x1, s17  }
0xd4: {  	_ =	swait.ge [sflag:s16], $0x1000;
	p0 =	sne.s32 s17, s8  }
.Ltmp2:
0xd5: {  	[sflag:s16] =	ssyncset.done $0x0;
	(pc) =	sbr.rel @p0 .LBB2_1-.Ltmp2, $4  }
0xd6: {  	[sflag:s16] =	ssyncadd.s32 $0xFFFFF000  }
0xd7: {  	_ =	swait.ge [sflag:s16], $0x1000  }
0xd8: {  	[sflag:s16] =	ssyncset.done $0x0  }
0xd9: {  	[sflag:s16] =	ssyncadd.s32 $0xFFFFF000  }
0xda: {  	_ =	sfence.sel $0x180000  }
0xdb: {  	[bflag:$0x0] =	sbarrier.arrive $0xFFFF  }
0xdc: {  	p0 =	sne.s32 s0, $0x0;
	_ =	strace $0x9000004A  }
0xdd: {  	s0 =	sadd.s32 @!p0 $0x100000, s1;
	[bflag:$0x2] =	sbarrier.arrive $0xFFFF  }
0xde: {  	[sflag:s0] =	ssyncadd.tile.s32 @!p0 $0x1;
	_ =	shalt  }
.Lfunc_end2:
_tile_overlayer_lowered:
.L_overlay_start_2:
0xdf: {  	(tag) =	ssettag $0x2  }
0xe0: {  	s0 =	rddreg [dreg:$0x0];
	s2 =	stileid.u32  }
0xe1: {  	s1 =	rddreg [dreg:$0x1];
	p0 =	sne.s32 s2, $0x0  }
0xe2: {  	s3 =	rddreg [dreg:$0x2];
	[bflag:$0x3] =	sbarrier.arrive $0xFFFF;
	s2 =	simm.s32 @!p0 $0x1C03  }
0xe3: {  	[timem:s3], [sflag:s2] =	dma.local @!p0 [hbm:s0], s1  }
0xe4: {  	s0 =	simm.s32 @!p0 $0x3  }
0xe5: {  	_ =	swait.ge @!p0 [sflag:s0], s1  }
0xe6: {  	s1 =	ssub.s32 @!p0 $0x0, s1;
	[sflag:s0] =	ssyncset.done @!p0 $0x0  }
0xe7: {  	[sflag:s0] =	ssyncadd.s32 @!p0 s1  }
0xe8: {  	[bflag:$0x3] =	sbarrier.arrive $0xFFFF  }
0xe9: {  	_ =	shalt  }

</sc_bundles>
